<compile_context>
chip_gen: v7x
topology: tpu7x:2x2x1
jax: 0.10.2.dev20260603
libtpu: 0.0.44.dev20260713+nightly
codegen_flags: <defaults>
</compile_context>

<pallas_src>
import functools

import jax
import jax.numpy as jnp
from jax import lax
from jax.experimental import pallas as pl
from jax.experimental.pallas import tpu as pltpu
from jax.experimental.pallas import tpu_sc as plsc

_NC = 2
_NS = 16
_NW = _NC * _NS

_C = 80
_NBUF = 5



def _build_gather(E, N, D):
    EPW = E // _NW
    NCH = EPW // _C
    assert EPW * _NW == E and NCH * _C == EPW and NCH % _NBUF == 0
    mesh = plsc.VectorSubcoreMesh(core_axis_name="c", subcore_axis_name="s")

    @functools.partial(
        pl.kernel,
        out_type=(jax.ShapeDtypeStruct((E, D), jnp.float32),
                  jax.ShapeDtypeStruct((E, D), jnp.float32)),
        mesh=mesh,
        scratch_types=(
            [pltpu.VMEM((EPW,), jnp.int32),
             pltpu.VMEM((EPW,), jnp.int32),
             pltpu.VMEM((_NBUF, _C, D), jnp.float32),
             pltpu.VMEM((_NBUF, _C, D), jnp.float32)]
            + [pltpu.SemaphoreType.DMA] * (2 * _NBUF)
        ),
        compiler_params=pltpu.CompilerParams(needs_layout_passes=False),
    )
    def gather_k(src_h, dst_h, x_h, xs_out, xd_out, sidx, didx, bufs, bufd,
                 *sems):
        gsem = sems[:_NBUF]
        wsem = sems[_NBUF:]
        cid = lax.axis_index("c")
        sid = lax.axis_index("s")
        wid = sid * _NC + cid
        base = wid * EPW
        pltpu.sync_copy(src_h.at[pl.ds(base, EPW)], sidx)
        pltpu.sync_copy(dst_h.at[pl.ds(base, EPW)], didx)

        def issue_gather(j, b):
            pltpu.async_copy(x_h.at[sidx.at[pl.ds(j * _C, _C)]],
                             bufs.at[b], gsem[b])
            pltpu.async_copy(x_h.at[didx.at[pl.ds(j * _C, _C)]],
                             bufd.at[b], gsem[b])

        for b in range(_NBUF):
            issue_gather(b, b)

        @pl.loop(0, NCH, step=_NBUF)
        def _(j0):
            for b in range(_NBUF):
                j = j0 + b
                pltpu.make_async_copy(x_h.at[pl.ds(0, _C)], bufs.at[b],
                                      gsem[b]).wait()
                pltpu.make_async_copy(x_h.at[pl.ds(0, _C)], bufd.at[b],
                                      gsem[b]).wait()
                pltpu.async_copy(bufs.at[b], xs_out.at[pl.ds(base + j * _C, _C)],
                                 wsem[b])
                pltpu.async_copy(bufd.at[b], xd_out.at[pl.ds(base + j * _C, _C)],
                                 wsem[b])

                @pl.when(j + _NBUF < NCH)
                def _():
                    pltpu.make_async_copy(bufs.at[b],
                                          xs_out.at[pl.ds(base, _C)],
                                          wsem[b]).wait()
                    pltpu.make_async_copy(bufd.at[b],
                                          xd_out.at[pl.ds(base, _C)],
                                          wsem[b]).wait()
                    issue_gather(j + _NBUF, b)

        for b in range(_NBUF):
            pltpu.make_async_copy(bufs.at[b], xs_out.at[pl.ds(base, _C)],
                                  wsem[b]).wait()
            pltpu.make_async_copy(bufd.at[b], xd_out.at[pl.ds(base, _C)],
                                  wsem[b]).wait()

    return gather_k



def _build_scatter(E, N, D):
    NH = N // 2
    NHA = NH + 8
    SPAN = 320
    EPT = E // _NS
    NCH = EPT // _C
    NB2 = 5
    WSTRIDE = 312
    WSPAN = 320
    assert WSTRIDE * (_NS - 1) + WSPAN == NH and NHA % _NS == 0
    assert EPT * _NS == E and NCH * _C == EPT
    assert NCH % NB2 == 0 and _C % 16 == 0
    mesh = plsc.VectorSubcoreMesh(core_axis_name="c", subcore_axis_name="s")

    @functools.partial(
        pl.kernel,
        out_type=(jax.ShapeDtypeStruct((_NC, NH, D), jnp.float32),
                  jax.ShapeDtypeStruct((_NW * N,), jnp.float32)),
        mesh=mesh,
        scratch_types=(
            [pltpu.VMEM((EPT,), jnp.int32),
             pltpu.VMEM((1, _C), jnp.int32),
             pltpu.VMEM((NB2, _C), jnp.int32),
             pltpu.VMEM((NB2, _C, D), jnp.float32),
             pltpu.VMEM((_C,), jnp.float32),
             pltpu.VMEM((N,), jnp.float32),
             pltpu.VMEM_SHARED((NHA, D), jnp.float32)]
            + [pltpu.SemaphoreType.DMA] * NB2
        ),
        compiler_params=pltpu.CompilerParams(needs_layout_passes=False),
    )
    def scatter_k(dst_h, w_h, rel_h, zeros_h, agg_out, cnt_out,
                  didx1, jadj, ibuf, wbuf, relbuf, counts_v, agg_sp, *gsem):
        cid = lax.axis_index("c")
        sid = lax.axis_index("s")
        base = sid * EPT
        lo = cid * NH
        cnt_lo = cid * (NCH // 2)
        cnt_hi = cnt_lo + NCH // 2 + cid * (NCH % 2)

        pltpu.sync_copy(dst_h.at[pl.ds(base, EPT)], didx1)

        @pl.loop(0, N // 16)
        def _(i):
            counts_v[pl.ds(i * 16, 16)] = jnp.zeros((16,), jnp.float32)

        @pl.when(sid < _NS - 1)
        def _():
            pltpu.sync_copy(zeros_h.at[pl.ds(sid * SPAN, SPAN)],
                            agg_sp.at[pl.ds(sid * SPAN, SPAN)])

        @pl.when(sid == _NS - 1)
        def _():
            pltpu.sync_copy(zeros_h.at[pl.ds((_NS - 1) * SPAN, NHA - (_NS - 1) * SPAN)],
                            agg_sp.at[pl.ds((_NS - 1) * SPAN, NHA - (_NS - 1) * SPAN)])

        plsc.subcore_barrier()

        def issue(j, b):
            for k in range(_C // 16):
                ibuf[b, pl.ds(k * 16, 16)] = (
                    lax.iota(jnp.int32, 16) + (base + j * _C + k * 16))
            pltpu.async_copy(w_h.at[ibuf.at[b]], wbuf.at[b], gsem[b])

        for b in range(NB2):
            issue(b, b)

        @pl.loop(0, NCH, step=NB2)
        def _(j0):
            for b in range(NB2):
                j = j0 + b
                pltpu.make_async_copy(w_h.at[pl.ds(0, _C)], wbuf.at[b],
                                      gsem[b]).wait()

                @pl.when((j >= cnt_lo) & (j < cnt_hi))
                def _():
                    pltpu.sync_copy(rel_h.at[pl.ds(base + j * _C, _C)],
                                    relbuf)
                    for k in range(_C // 16):
                        iv = didx1[pl.ds(j * _C + k * 16, 16)]
                        v = relbuf[pl.ds(k * 16, 16)]
                        plsc.addupdate_scatter(counts_v, [iv], v)

                @pl.loop(0, _C // 16)
                def _(k):
                    iv = didx1[pl.ds(j * _C + k * 16, 16)]
                    shifted = iv - lo
                    ok = (shifted >= 0) & (shifted < NH)
                    jadj[0, pl.ds(k * 16, 16)] = jnp.where(ok, shifted, NH)

                pltpu.sync_copy(wbuf.at[b], agg_sp.at[jadj.at[0]], add=True)

                @pl.when(j + NB2 < NCH)
                def _():
                    issue(j + NB2, b)

        plsc.subcore_barrier()
        pltpu.sync_copy(agg_sp.at[pl.ds(sid * WSTRIDE, WSPAN)],
                        agg_out.at[cid, pl.ds(sid * WSTRIDE, WSPAN)])
        pltpu.sync_copy(counts_v,
                        cnt_out.at[pl.ds((sid * _NC + cid) * N, N)])

    return scatter_k



_BE = 256


def _edge_mlp_body(xs_ref, xd_ref, ea_ref, wsrc_ref, wdst_ref, wea_ref,
                   bcat_ref, rw2_ref, rb2_ref, mw2_ref, mb2_ref,
                   w_out_ref, rel_out_ref):
    h = (jnp.dot(xs_ref[...], wsrc_ref[...],
                 preferred_element_type=jnp.float32)
         + jnp.dot(xd_ref[...], wdst_ref[...],
                   preferred_element_type=jnp.float32)
         + jnp.dot(ea_ref[...], wea_ref[...],
                   preferred_element_type=jnp.float32)
         + bcat_ref[...])
    h = jnp.maximum(h, 0.0)
    d = mw2_ref.shape[0]
    rel_logit = jnp.dot(h[:, :d], rw2_ref[...],
                        preferred_element_type=jnp.float32) + rb2_ref[...]
    rel = jax.nn.sigmoid(rel_logit[:, 0])
    msg = jnp.dot(h[:, d:], mw2_ref[...],
                  preferred_element_type=jnp.float32) + mb2_ref[...]
    w_out_ref[...] = msg * (0.25 * rel)[:, None]
    rel_out_ref[...] = rel


def _edge_mlp(xs, xd, ea, wsrc, wdst, wea, bcat, rw2, rb2, mw2, mb2):
    E, D = xs.shape
    ED = ea.shape[1]
    H2 = wsrc.shape[1]
    grid = (E // _BE,)
    fixed = lambda *s: pl.BlockSpec(s, lambda i: (0,) * len(s))
    return pl.pallas_call(
        _edge_mlp_body,
        grid=grid,
        in_specs=[
            pl.BlockSpec((_BE, D), lambda i: (i, 0)),
            pl.BlockSpec((_BE, D), lambda i: (i, 0)),
            pl.BlockSpec((_BE, ED), lambda i: (i, 0)),
            fixed(D, H2), fixed(D, H2), fixed(ED, H2), fixed(1, H2),
            fixed(D, 1), fixed(1, 1), fixed(D, D), fixed(1, D),
        ],
        out_specs=[
            pl.BlockSpec((_BE, D), lambda i: (i, 0)),
            pl.BlockSpec((_BE,), lambda i: (i,)),
        ],
        out_shape=(jax.ShapeDtypeStruct((E, D), jnp.float32),
                   jax.ShapeDtypeStruct((E,), jnp.float32)),
    )(xs, xd, ea, wsrc, wdst, wea, bcat, rw2, rb2, mw2, mb2)



_BN = 1000


def _node_body(x_ref, agg_ref, aggb_ref, cnt_ref, sw1_ref, sb1_ref, sw2_ref,
               sb2_ref, uw1a_ref, uw1b_ref, ub1_ref, uw2_ref, ub2_ref,
               g_ref, b_ref, out_ref):
    x = x_ref[...]
    agg = agg_ref[...] + aggb_ref[...]
    counts = jnp.sum(cnt_ref[...], axis=1)
    sh = jnp.maximum(jnp.dot(x, sw1_ref[...],
                             preferred_element_type=jnp.float32)
                     + sb1_ref[...], 0.0)
    self_info = jnp.dot(sh, sw2_ref[...],
                        preferred_element_type=jnp.float32) + sb2_ref[...]
    uh = jnp.maximum(jnp.dot(x, uw1a_ref[...],
                             preferred_element_type=jnp.float32)
                     + jnp.dot(agg, uw1b_ref[...],
                               preferred_element_type=jnp.float32)
                     + ub1_ref[...], 0.0)
    update = jnp.dot(uh, uw2_ref[...],
                     preferred_element_type=jnp.float32) + ub2_ref[...]
    iso = jnp.exp(-counts)[:, None]
    y = x + (1.0 - iso) * update + iso * self_info
    mu = jnp.mean(y, axis=-1, keepdims=True)
    var = jnp.mean((y - mu) * (y - mu), axis=-1, keepdims=True)
    out_ref[...] = (y - mu) / jnp.sqrt(var + 1e-5) * g_ref[...] + b_ref[...]


def _node_stage(x, agg2, agg2b, cnt, sw1, sb1, sw2, sb2, uw1a, uw1b, ub1,
                uw2, ub2, ln_g, ln_b):
    N, D = x.shape
    HID = sw1.shape[1]
    CW = cnt.shape[1]
    grid = (N // _BN,)
    fixed = lambda *s: pl.BlockSpec(s, lambda i: (0,) * len(s))
    return pl.pallas_call(
        _node_body,
        grid=grid,
        in_specs=[
            pl.BlockSpec((_BN, D), lambda i: (i, 0)),
            pl.BlockSpec((_BN, D), lambda i: (i, 0)),
            pl.BlockSpec((_BN, D), lambda i: (i, 0)),
            pl.BlockSpec((_BN, CW), lambda i: (i, 0)),
            fixed(D, HID), fixed(1, HID), fixed(HID, D), fixed(1, D),
            fixed(D, HID), fixed(D, HID), fixed(1, HID),
            fixed(HID, D), fixed(1, D),
            fixed(1, D), fixed(1, D),
        ],
        out_specs=pl.BlockSpec((_BN, D), lambda i: (i, 0)),
        out_shape=jax.ShapeDtypeStruct((N, D), jnp.float32),
    )(x, agg2, agg2b, cnt, sw1, sb1, sw2, sb2, uw1a, uw1b, ub1, uw2, ub2,
      ln_g, ln_b)



def kernel(x, edge_index, edge_attr,
           rel_w1, rel_b1, rel_w2, rel_b2,
           msg_w1, msg_b1, msg_w2, msg_b2,
           att_w1, att_b1, att_w2, att_b2,
           upd_w1, upd_b1, upd_w2, upd_b2,
           slf_w1, slf_b1, slf_w2, slf_b2,
           ln_g, ln_b):
    N, D = x.shape
    E = edge_index.shape[1]
    EPW = E // _NW
    NCH = EPW // _C

    src = edge_index[0]
    dst = edge_index[1]

    xs, xd = _build_gather(E, N, D)(src, dst, x)

    wsrc = jnp.concatenate([rel_w1[:D], msg_w1[D:2 * D]], axis=1)
    wdst = jnp.concatenate([rel_w1[D:2 * D], msg_w1[:D]], axis=1)
    wea = jnp.concatenate([rel_w1[2 * D:], msg_w1[2 * D:]], axis=1)
    bcat = jnp.concatenate([rel_b1, msg_b1])[None, :]

    EH = E // 2
    zeros = jnp.zeros((N // 2 + 8, D), jnp.float32)
    scatter = _build_scatter(EH, N, D)

    w_a, rel_a = _edge_mlp(
        xs[:EH], xd[:EH], edge_attr[:EH], wsrc, wdst, wea, bcat,
        rel_w2, rel_b2[None, :], msg_w2, msg_b2[None, :])
    agg_a, cnt_a = scatter(dst[:EH], w_a, rel_a, zeros)

    w_b, rel_b = _edge_mlp(
        xs[EH:], xd[EH:], edge_attr[EH:], wsrc, wdst, wea, bcat,
        rel_w2, rel_b2[None, :], msg_w2, msg_b2[None, :])
    agg_b, cnt_b = scatter(dst[EH:], w_b, rel_b, zeros)

    cnt = jnp.concatenate(
        [cnt_a.reshape(_NW, N).T, cnt_b.reshape(_NW, N).T], axis=1)

    out = _node_stage(
        x, agg_a.reshape(N, D), agg_b.reshape(N, D), cnt,
        slf_w1, slf_b1[None, :], slf_w2, slf_b2[None, :],
        upd_w1[:D], upd_w1[D:], upd_b1[None, :], upd_w2, upd_b2[None, :],
        ln_g[None, :], ln_b[None, :])

    return (out, jnp.concatenate([rel_a, rel_b]))

# --- scband reference (transcript-rebuilt; emitter-appended) ---
"""Pipeline reference for scband-resilient-swarm-gnn-7876970020998 (READ-ONLY COPY).

The authoritative reference and input builder live on the scoring server;
editing this copy changes nothing except your own understanding.
"""

import jax, jax.numpy as jnp
import numpy as np

N = 10000
E = 320000
D = 128
ED = 16
HID = 128
HEADS = 4

def _lin(key, fan_in, fan_out):
    kw, kb = jax.random.split(key)
    bound = 1.0 / np.sqrt(fan_in)
    w = jax.random.uniform(kw, (fan_in, fan_out), jnp.float32, -bound, bound)
    b = jax.random.uniform(kb, (fan_out,), jnp.float32, -bound, bound)
    return w, b

def setup_inputs(seed: int = 0) -> dict:
    key = jax.random.key(seed)
    ks = jax.random.split(key, 16)
    x = jax.random.normal(ks[0], (N, D), jnp.float32)
    edge_index = jax.random.randint(ks[1], (2, E), 0, N, dtype=jnp.int32)
    edge_attr = jax.random.normal(ks[2], (E, ED), jnp.float32)
    rel_w1, rel_b1 = _lin(ks[3], D * 2 + ED, HID)
    rel_w2, rel_b2 = _lin(ks[4], HID, 1)
    msg_w1, msg_b1 = _lin(ks[5], D * 2 + ED, HID)
    msg_w2, msg_b2 = _lin(ks[6], HID, D)
    att_w1, att_b1 = _lin(ks[7], D * 2 + ED, HID)
    att_w2, att_b2 = _lin(ks[8], HID, HEADS)
    upd_w1, upd_b1 = _lin(ks[9], D * 2, HID)
    upd_w2, upd_b2 = _lin(ks[10], HID, D)
    slf_w1, slf_b1 = _lin(ks[11], D, HID)
    slf_w2, slf_b2 = _lin(ks[12], HID, D)
    ln_g = jnp.ones((D,), jnp.float32)
    ln_b = jnp.zeros((D,), jnp.float32)
    return dict(x=x, edge_index=edge_index, edge_attr=edge_attr,
                rel_w1=rel_w1, rel_b1=rel_b1, rel_w2=rel_w2, rel_b2=rel_b2,
                msg_w1=msg_w1, msg_b1=msg_b1, msg_w2=msg_w2, msg_b2=msg_b2,
                att_w1=att_w1, att_b1=att_b1, att_w2=att_w2, att_b2=att_b2,
                upd_w1=upd_w1, upd_b1=upd_b1, upd_w2=upd_w2, upd_b2=upd_b2,
                slf_w1=slf_w1, slf_b1=slf_b1, slf_w2=slf_w2, slf_b2=slf_b2,
                ln_g=ln_g, ln_b=ln_b)

def reference(x, edge_index, edge_attr,
              rel_w1, rel_b1, rel_w2, rel_b2,
              msg_w1, msg_b1, msg_w2, msg_b2,
              att_w1, att_b1, att_w2, att_b2,
              upd_w1, upd_b1, upd_w2, upd_b2,
              slf_w1, slf_b1, slf_w2, slf_b2,
              ln_g, ln_b):
    # Eval-mode ResilientMessageLayer.forward (no dropout, comm_state=None,
    # edge_reliability computed internally by reliability_predictor).
    src = edge_index[0]
    dst = edge_index[1]
    x_src = jnp.take(x, src, axis=0)
    x_dst = jnp.take(x, dst, axis=0)
    # _compute_reliability: cat([x_src, x_dst, edge_attr])
    rel_in = jnp.concatenate([x_src, x_dst, edge_attr], axis=-1)
    rh = jax.nn.relu(rel_in @ rel_w1 + rel_b1)
    reliability = jax.nn.sigmoid(rh @ rel_w2 + rel_b2)[:, 0]
    # messages / attention: cat([x_dst, x_src, edge_attr]) (note swapped order)
    concat = jnp.concatenate([x_dst, x_src, edge_attr], axis=-1)
    mh = jax.nn.relu(concat @ msg_w1 + msg_b1)
    messages = mh @ msg_w2 + msg_b2
    ah = jax.nn.relu(concat @ att_w1 + att_b1)
    att_logits = ah @ att_w2 + att_b2
    attention = jnp.mean(jax.nn.softmax(att_logits, axis=-1), axis=-1, keepdims=True)
    weighted = messages * attention * reliability[:, None]
    aggregated = jnp.zeros((x.shape[0], D), jnp.float32).at[dst].add(weighted)
    sh = jax.nn.relu(x @ slf_w1 + slf_b1)
    self_info = sh @ slf_w2 + slf_b2
    neighbor_counts = jnp.zeros((x.shape[0],), jnp.float32).at[dst].add(reliability)
    isolation = jnp.exp(-neighbor_counts)[:, None]
    uh = jax.nn.relu(jnp.concatenate([x, aggregated], axis=-1) @ upd_w1 + upd_b1)
    update = uh @ upd_w2 + upd_b2
    blended = (1.0 - isolation) * update + isolation * self_info
    y = x + blended
    mu = jnp.mean(y, axis=-1, keepdims=True)
    var = jnp.var(y, axis=-1, keepdims=True)
    out = (y - mu) / jnp.sqrt(var + 1e-5) * ln_g + ln_b
    return (out, reliability)

if __name__ == "__main__":
    import jax
    _d = setup_inputs()
    print(jax.jit(kernel)(*tuple(_d.values())))

</pallas_src>

<mosaic_0001>
#map = affine_map<(d0, d1) -> (0)>
#map1 = affine_map<(d0, d1) -> (0, 0)>
#map2 = affine_map<(d0, d1) -> (0, 0, 0)>
module attributes {stable_mosaic.version = 14 : i64} {
  func.func @scatter_k(%arg0: i32, %arg1: i32, %arg2: memref<160000xi32, #tpu.memory_space<hbm>>, %arg3: memref<160000x128xf32, #tpu.memory_space<hbm>>, %arg4: memref<160000xf32, #tpu.memory_space<hbm>>, %arg5: memref<5008x128xf32, #tpu.memory_space<hbm>>, %arg6: memref<2x5000x128xf32, #tpu.memory_space<hbm>>, %arg7: memref<320000xf32, #tpu.memory_space<hbm>>, %arg8: memref<10000xi32, #tpu.memory_space<vmem>>, %arg9: memref<1x80xi32, #tpu.memory_space<vmem>>, %arg10: memref<5x80xi32, #tpu.memory_space<vmem>>, %arg11: memref<5x80x128xf32, #tpu.memory_space<vmem>>, %arg12: memref<80xf32, #tpu.memory_space<vmem>>, %arg13: memref<10000xf32, #tpu.memory_space<vmem>>, %arg14: memref<5008x128xf32, #tpu.memory_space<vmem_shared>>, %arg15: memref<!tpu.dma_semaphore, #tpu.memory_space<semaphore_mem>>, %arg16: memref<!tpu.dma_semaphore, #tpu.memory_space<semaphore_mem>>, %arg17: memref<!tpu.dma_semaphore, #tpu.memory_space<semaphore_mem>>, %arg18: memref<!tpu.dma_semaphore, #tpu.memory_space<semaphore_mem>>, %arg19: memref<!tpu.dma_semaphore, #tpu.memory_space<semaphore_mem>>) attributes {dimension_semantics = [#tpu.dimension_semantics<core_parallel>, #tpu.dimension_semantics<subcore_parallel>], iteration_bounds = array<i64: 2, 16>, scalar_prefetch = 0 : i64, scratch_operands = 12 : i64, tpu.core_type = #tpu.core_type<sc_vector_subcore>, window_params = [{transform_indices = #map}, {transform_indices = #map1}, {transform_indices = #map}, {transform_indices = #map1}, {transform_indices = #map2}, {transform_indices = #map}]} {
    %mul3A = arith.constant 10000 : i32
    %mul3A_0 = arith.muli %arg1, %mul3A : i32
    %mul3A_1 = arith.constant 5000 : i32
    %mul3A_2 = arith.muli %arg0, %mul3A_1 : i32
    %mul3A_3 = arith.constant 62 : i32
    %mul3A_4 = arith.muli %arg0, %mul3A_3 : i32
    %add3A = arith.constant 62 : i32
    %add3A_5 = arith.addi %mul3A_4, %add3A : i32
    %mul3A_6 = arith.constant 1 : i32
    %mul3A_7 = arith.muli %arg0, %mul3A_6 : i32
    %add3A_8 = arith.addi %add3A_5, %mul3A_7 : i32
    "tpu.region"() ({
      %run_scoped3A = tpu.sem_alloc : memref<!tpu.dma_semaphore, #tpu.memory_space<semaphore_mem>>
      %dma_start3A_366 = tpu.memref_slice %arg2[%mul3A_0] : memref<160000xi32, #tpu.memory_space<hbm>> -> memref<10000xi32, #tpu.memory_space<hbm>>
      %dma_start3A_367 = tpu.memref_slice %arg2[%mul3A_0] : memref<160000xi32, #tpu.memory_space<hbm>> -> memref<10000xi32, #tpu.memory_space<hbm>>
      tpu.enqueue_dma source(%dma_start3A_367 : memref<10000xi32, #tpu.memory_space<hbm>>) target(%arg8 : memref<10000xi32, #tpu.memory_space<vmem>>) target_semaphore(%run_scoped3A : memref<!tpu.dma_semaphore, #tpu.memory_space<semaphore_mem>>)
      %dma_wait3A = tpu.memref_slice %arg2[%mul3A_0] : memref<160000xi32, #tpu.memory_space<hbm>> -> memref<10000xi32, #tpu.memory_space<hbm>>
      %dma_wait3A_368 = tpu.memref_slice %arg2[%mul3A_0] : memref<160000xi32, #tpu.memory_space<hbm>> -> memref<10000xi32, #tpu.memory_space<hbm>>
      tpu.wait_dma2 semaphore(%run_scoped3A : memref<!tpu.dma_semaphore, #tpu.memory_space<semaphore_mem>>) src(%dma_wait3A_368 : memref<10000xi32, #tpu.memory_space<hbm>>) dst(%arg8 : memref<10000xi32, #tpu.memory_space<vmem>>)
      tpu.yield
    }) : () -> ()
    %scan3A = arith.constant 0 : i32
    %scan3A_9 = arith.constant 625 : i32
    %scan3A_10 = arith.addi %scan3A, %scan3A_9 : i32
    %scan3A_11 = arith.constant 1 : i32
    scf.for %scan3A_366 = %scan3A to %scan3A_10 step %scan3A_11  : i32 {
      %mul3A_367 = arith.constant 1 : i32
      %mul3A_368 = arith.muli %scan3A_366, %mul3A_367 : i32
      %add3A_369 = arith.constant 0 : i32
      %add3A_370 = arith.addi %add3A_369, %mul3A_368 : i32
      %broadcast_in_dim3A = arith.constant 0.000000e+00 : f32
      %broadcast_in_dim3A_371 = vector.broadcast %broadcast_in_dim3A : f32 to vector<16xf32>
      %mul3A_372 = arith.constant 16 : i32
      %mul3A_373 = arith.muli %add3A_370, %mul3A_372 : i32
      %swap3A_374 = arith.index_cast %mul3A_373 : i32 to index
      %swap3A_375 = tpu.vector_load %arg13[%swap3A_374] {strides = array<i32>} : memref<10000xf32, #tpu.memory_space<vmem>>, vector<16xf32>,
      tpu.vector_store %arg13[%swap3A_374], %broadcast_in_dim3A_371 {strides = array<i32>} : memref<10000xf32, #tpu.memory_space<vmem>>, vector<16xf32>,
    }
    %scan3A_12 = arith.constant 625 : i32
    %lt3A = arith.constant 15 : i32
    %lt3A_13 = arith.cmpi slt, %arg1, %lt3A : i32
    %convert_element_type3A = arith.extui %lt3A_13 : i1 to i32
    %cond3A = arith.constant 0 : i32
    %cond3A_14 = arith.cmpi ne, %convert_element_type3A, %cond3A : i32
    scf.if %cond3A_14 {
      %mul3A_366 = arith.constant 320 : i32
      %mul3A_367 = arith.muli %arg1, %mul3A_366 : i32
      %mul3A_368 = arith.constant 320 : i32
      %mul3A_369 = arith.muli %arg1, %mul3A_368 : i32
      "tpu.region"() ({
        %run_scoped3A = tpu.sem_alloc : memref<!tpu.dma_semaphore, #tpu.memory_space<semaphore_mem>>
        %dma_start3A_370 = arith.constant 0 : i32
        %dma_start3A_371 = tpu.memref_slice %arg14[%mul3A_369, %dma_start3A_370] : memref<5008x128xf32, #tpu.memory_space<vmem_shared>> -> memref<320x128xf32, #tpu.memory_space<vmem_shared>>
        %dma_start3A_372 = arith.constant 0 : i32
        %dma_start3A_373 = tpu.memref_slice %arg5[%mul3A_367, %dma_start3A_372] : memref<5008x128xf32, #tpu.memory_space<hbm>> -> memref<320x128xf32, #tpu.memory_space<hbm>>
        tpu.enqueue_dma source(%dma_start3A_373 : memref<320x128xf32, #tpu.memory_space<hbm>>) target(%dma_start3A_371 : memref<320x128xf32, #tpu.memory_space<vmem_shared>>) target_semaphore(%run_scoped3A : memref<!tpu.dma_semaphore, #tpu.memory_space<semaphore_mem>>)
        %dma_wait3A = arith.constant 0 : i32
        %dma_wait3A_374 = tpu.memref_slice %arg14[%mul3A_369, %dma_wait3A] : memref<5008x128xf32, #tpu.memory_space<vmem_shared>> -> memref<320x128xf32, #tpu.memory_space<vmem_shared>>
        %dma_wait3A_375 = arith.constant 0 : i32
        %dma_wait3A_376 = tpu.memref_slice %arg5[%mul3A_367, %dma_wait3A_375] : memref<5008x128xf32, #tpu.memory_space<hbm>> -> memref<320x128xf32, #tpu.memory_space<hbm>>
        tpu.wait_dma2 semaphore(%run_scoped3A : memref<!tpu.dma_semaphore, #tpu.memory_space<semaphore_mem>>) src(%dma_wait3A_376 : memref<320x128xf32, #tpu.memory_space<hbm>>) dst(%dma_wait3A_374 : memref<320x128xf32, #tpu.memory_space<vmem_shared>>)
        tpu.yield
      }) : () -> ()
    } else {
    }
    %eq3A = arith.constant 15 : i32
    %eq3A_15 = arith.cmpi eq, %arg1, %eq3A : i32
    %convert_element_type3A_16 = arith.extui %eq3A_15 : i1 to i32
    %cond3A_17 = arith.constant 0 : i32
    %cond3A_18 = arith.cmpi ne, %convert_element_type3A_16, %cond3A_17 : i32
    scf.if %cond3A_18 {
      "tpu.region"() ({
        %run_scoped3A = tpu.sem_alloc : memref<!tpu.dma_semaphore, #tpu.memory_space<semaphore_mem>>
        %dma_start3A_366 = arith.constant 4800 : i32
        %dma_start3A_367 = arith.constant 0 : i32
        %dma_start3A_368 = tpu.memref_slice %arg14[%dma_start3A_366, %dma_start3A_367] : memref<5008x128xf32, #tpu.memory_space<vmem_shared>> -> memref<208x128xf32, #tpu.memory_space<vmem_shared>>
        %dma_start3A_369 = arith.constant 4800 : i32
        %dma_start3A_370 = arith.constant 0 : i32
        %dma_start3A_371 = tpu.memref_slice %arg5[%dma_start3A_369, %dma_start3A_370] : memref<5008x128xf32, #tpu.memory_space<hbm>> -> memref<208x128xf32, #tpu.memory_space<hbm>>
        tpu.enqueue_dma source(%dma_start3A_371 : memref<208x128xf32, #tpu.memory_space<hbm>>) target(%dma_start3A_368 : memref<208x128xf32, #tpu.memory_space<vmem_shared>>) target_semaphore(%run_scoped3A : memref<!tpu.dma_semaphore, #tpu.memory_space<semaphore_mem>>)
        %dma_wait3A = arith.constant 4800 : i32
        %dma_wait3A_372 = arith.constant 0 : i32
        %dma_wait3A_373 = tpu.memref_slice %arg14[%dma_wait3A, %dma_wait3A_372] : memref<5008x128xf32, #tpu.memory_space<vmem_shared>> -> memref<208x128xf32, #tpu.memory_space<vmem_shared>>
        %dma_wait3A_374 = arith.constant 4800 : i32
        %dma_wait3A_375 = arith.constant 0 : i32
        %dma_wait3A_376 = tpu.memref_slice %arg5[%dma_wait3A_374, %dma_wait3A_375] : memref<5008x128xf32, #tpu.memory_space<hbm>> -> memref<208x128xf32, #tpu.memory_space<hbm>>
        tpu.wait_dma2 semaphore(%run_scoped3A : memref<!tpu.dma_semaphore, #tpu.memory_space<semaphore_mem>>) src(%dma_wait3A_376 : memref<208x128xf32, #tpu.memory_space<hbm>>) dst(%dma_wait3A_373 : memref<208x128xf32, #tpu.memory_space<vmem_shared>>)
        tpu.yield
      }) : () -> ()
    } else {
    }
    %barrier3A = arith.constant 0 : index
    tpu.barrier barrier_id(%barrier3A)
    %iota3A = tpu.iota {dimensions = array<i32: 0>} : vector<16xi32>
    %add3A_19 = arith.constant 0 : i32
    %add3A_20 = arith.addi %mul3A_0, %add3A_19 : i32
    %add3A_21 = arith.constant 0 : i32
    %add3A_22 = arith.addi %add3A_20, %add3A_21 : i32
    %add3A_23 = vector.broadcast %add3A_22 : i32 to vector<16xi32>
    %add3A_24 = arith.addi %iota3A, %add3A_23 : vector<16xi32>
    %swap3A = arith.constant 0 : i32
    %swap3A_25 = arith.index_cast %swap3A : i32 to index
    %swap3A_26 = arith.constant 0 : index
    %swap3A_27 = tpu.vector_load %arg10[%swap3A_25, %swap3A_26] {strides = array<i32>} : memref<5x80xi32, #tpu.memory_space<vmem>>, vector<16xi32>,
    tpu.vector_store %arg10[%swap3A_25, %swap3A_26], %add3A_24 {strides = array<i32>} : memref<5x80xi32, #tpu.memory_space<vmem>>, vector<16xi32>,
    %iota3A_28 = tpu.iota {dimensions = array<i32: 0>} : vector<16xi32>
    %add3A_29 = arith.constant 0 : i32
    %add3A_30 = arith.addi %mul3A_0, %add3A_29 : i32
    %add3A_31 = arith.constant 16 : i32
    %add3A_32 = arith.addi %add3A_30, %add3A_31 : i32
    %add3A_33 = vector.broadcast %add3A_32 : i32 to vector<16xi32>
    %add3A_34 = arith.addi %iota3A_28, %add3A_33 : vector<16xi32>
    %swap3A_35 = arith.constant 0 : i32
    %swap3A_36 = arith.index_cast %swap3A_35 : i32 to index
    %swap3A_37 = arith.constant 16 : index
    %swap3A_38 = tpu.vector_load %arg10[%swap3A_36, %swap3A_37] {strides = array<i32>} : memref<5x80xi32, #tpu.memory_space<vmem>>, vector<16xi32>,
    tpu.vector_store %arg10[%swap3A_36, %swap3A_37], %add3A_34 {strides = array<i32>} : memref<5x80xi32, #tpu.memory_space<vmem>>, vector<16xi32>,
    %iota3A_39 = tpu.iota {dimensions = array<i32: 0>} : vector<16xi32>
    %add3A_40 = arith.constant 0 : i32
    %add3A_41 = arith.addi %mul3A_0, %add3A_40 : i32
    %add3A_42 = arith.constant 32 : i32
    %add3A_43 = arith.addi %add3A_41, %add3A_42 : i32
    %add3A_44 = vector.broadcast %add3A_43 : i32 to vector<16xi32>
    %add3A_45 = arith.addi %iota3A_39, %add3A_44 : vector<16xi32>
    %swap3A_46 = arith.constant 0 : i32
    %swap3A_47 = arith.index_cast %swap3A_46 : i32 to index
    %swap3A_48 = arith.constant 32 : index
    %swap3A_49 = tpu.vector_load %arg10[%swap3A_47, %swap3A_48] {strides = array<i32>} : memref<5x80xi32, #tpu.memory_space<vmem>>, vector<16xi32>,
    tpu.vector_store %arg10[%swap3A_47, %swap3A_48], %add3A_45 {strides = array<i32>} : memref<5x80xi32, #tpu.memory_space<vmem>>, vector<16xi32>,
    %iota3A_50 = tpu.iota {dimensions = array<i32: 0>} : vector<16xi32>
    %add3A_51 = arith.constant 0 : i32
    %add3A_52 = arith.addi %mul3A_0, %add3A_51 : i32
    %add3A_53 = arith.constant 48 : i32
    %add3A_54 = arith.addi %add3A_52, %add3A_53 : i32
    %add3A_55 = vector.broadcast %add3A_54 : i32 to vector<16xi32>
    %add3A_56 = arith.addi %iota3A_50, %add3A_55 : vector<16xi32>
    %swap3A_57 = arith.constant 0 : i32
    %swap3A_58 = arith.index_cast %swap3A_57 : i32 to index
    %swap3A_59 = arith.constant 48 : index
    %swap3A_60 = tpu.vector_load %arg10[%swap3A_58, %swap3A_59] {strides = array<i32>} : memref<5x80xi32, #tpu.memory_space<vmem>>, vector<16xi32>,
    tpu.vector_store %arg10[%swap3A_58, %swap3A_59], %add3A_56 {strides = array<i32>} : memref<5x80xi32, #tpu.memory_space<vmem>>, vector<16xi32>,
    %iota3A_61 = tpu.iota {dimensions = array<i32: 0>} : vector<16xi32>
    %add3A_62 = arith.constant 0 : i32
    %add3A_63 = arith.addi %mul3A_0, %add3A_62 : i32
    %add3A_64 = arith.constant 64 : i32
    %add3A_65 = arith.addi %add3A_63, %add3A_64 : i32
    %add3A_66 = vector.broadcast %add3A_65 : i32 to vector<16xi32>
    %add3A_67 = arith.addi %iota3A_61, %add3A_66 : vector<16xi32>
    %swap3A_68 = arith.constant 0 : i32
    %swap3A_69 = arith.index_cast %swap3A_68 : i32 to index
    %swap3A_70 = arith.constant 64 : index
    %swap3A_71 = tpu.vector_load %arg10[%swap3A_69, %swap3A_70] {strides = array<i32>} : memref<5x80xi32, #tpu.memory_space<vmem>>, vector<16xi32>,
    tpu.vector_store %arg10[%swap3A_69, %swap3A_70], %add3A_67 {strides = array<i32>} : memref<5x80xi32, #tpu.memory_space<vmem>>, vector<16xi32>,
    %dma_start3A = arith.constant 0 : i32
    %dma_start3A_72 = arith.constant 0 : i32
    %dma_start3A_73 = arith.constant 0 : i32
    %dma_start3A_74 = arith.constant 0 : i32
    %dma_start3A_75 = tpu.memref_slice %arg11[%dma_start3A_72, %dma_start3A_73, %dma_start3A_74] : memref<5x80x128xf32, #tpu.memory_space<vmem>> -> memref<1x80x128xf32, #tpu.memory_space<vmem>>
    %dma_start3A_76 = tpu.memref_squeeze %dma_start3A_75 : memref<1x80x128xf32, #tpu.memory_space<vmem>> -> memref<80x128xf32, #tpu.memory_space<vmem>>
    %dma_start3A_77 = arith.constant 0 : i32
    %dma_start3A_78 = tpu.memref_slice %arg10[%dma_start3A, %dma_start3A_77] : memref<5x80xi32, #tpu.memory_space<vmem>> -> memref<1x80xi32, #tpu.memory_space<vmem>>
    %dma_start3A_79 = tpu.memref_squeeze %dma_start3A_78 : memref<1x80xi32, #tpu.memory_space<vmem>> -> memref<80xi32, #tpu.memory_space<vmem>>
    %dma_start3A_80 = arith.constant 0 : i32
    %dma_start3A_81 = arith.constant 0 : i32
    %dma_start3A_82 = tpu.memref_slice %arg3[%dma_start3A_80, %dma_start3A_81] : memref<160000x128xf32, #tpu.memory_space<hbm>> -> memref<160000x128xf32, #tpu.memory_space<hbm>>
    tpu.enqueue_indirect_dma source(%dma_start3A_82 : memref<160000x128xf32, #tpu.memory_space<hbm>>) target(%dma_start3A_76 : memref<80x128xf32, #tpu.memory_space<vmem>>) offsets(%dma_start3A_79 : memref<80xi32, #tpu.memory_space<vmem>>) semaphore(%arg15 : memref<!tpu.dma_semaphore, #tpu.memory_space<semaphore_mem>>)
    %iota3A_83 = tpu.iota {dimensions = array<i32: 0>} : vector<16xi32>
    %add3A_84 = arith.constant 80 : i32
    %add3A_85 = arith.addi %mul3A_0, %add3A_84 : i32
    %add3A_86 = arith.constant 0 : i32
    %add3A_87 = arith.addi %add3A_85, %add3A_86 : i32
    %add3A_88 = vector.broadcast %add3A_87 : i32 to vector<16xi32>
    %add3A_89 = arith.addi %iota3A_83, %add3A_88 : vector<16xi32>
    %swap3A_90 = arith.constant 1 : i32
    %swap3A_91 = arith.index_cast %swap3A_90 : i32 to index
    %swap3A_92 = arith.constant 0 : index
    %swap3A_93 = tpu.vector_load %arg10[%swap3A_91, %swap3A_92] {strides = array<i32>} : memref<5x80xi32, #tpu.memory_space<vmem>>, vector<16xi32>,
    tpu.vector_store %arg10[%swap3A_91, %swap3A_92], %add3A_89 {strides = array<i32>} : memref<5x80xi32, #tpu.memory_space<vmem>>, vector<16xi32>,
    %iota3A_94 = tpu.iota {dimensions = array<i32: 0>} : vector<16xi32>
    %add3A_95 = arith.constant 80 : i32
    %add3A_96 = arith.addi %mul3A_0, %add3A_95 : i32
    %add3A_97 = arith.constant 16 : i32
    %add3A_98 = arith.addi %add3A_96, %add3A_97 : i32
    %add3A_99 = vector.broadcast %add3A_98 : i32 to vector<16xi32>
    %add3A_100 = arith.addi %iota3A_94, %add3A_99 : vector<16xi32>
    %swap3A_101 = arith.constant 1 : i32
    %swap3A_102 = arith.index_cast %swap3A_101 : i32 to index
    %swap3A_103 = arith.constant 16 : index
    %swap3A_104 = tpu.vector_load %arg10[%swap3A_102, %swap3A_103] {strides = array<i32>} : memref<5x80xi32, #tpu.memory_space<vmem>>, vector<16xi32>,
    tpu.vector_store %arg10[%swap3A_102, %swap3A_103], %add3A_100 {strides = array<i32>} : memref<5x80xi32, #tpu.memory_space<vmem>>, vector<16xi32>,
    %iota3A_105 = tpu.iota {dimensions = array<i32: 0>} : vector<16xi32>
    %add3A_106 = arith.constant 80 : i32
    %add3A_107 = arith.addi %mul3A_0, %add3A_106 : i32
    %add3A_108 = arith.constant 32 : i32
    %add3A_109 = arith.addi %add3A_107, %add3A_108 : i32
    %add3A_110 = vector.broadcast %add3A_109 : i32 to vector<16xi32>
    %add3A_111 = arith.addi %iota3A_105, %add3A_110 : vector<16xi32>
    %swap3A_112 = arith.constant 1 : i32
    %swap3A_113 = arith.index_cast %swap3A_112 : i32 to index
    %swap3A_114 = arith.constant 32 : index
    %swap3A_115 = tpu.vector_load %arg10[%swap3A_113, %swap3A_114] {strides = array<i32>} : memref<5x80xi32, #tpu.memory_space<vmem>>, vector<16xi32>,
    tpu.vector_store %arg10[%swap3A_113, %swap3A_114], %add3A_111 {strides = array<i32>} : memref<5x80xi32, #tpu.memory_space<vmem>>, vector<16xi32>,
    %iota3A_116 = tpu.iota {dimensions = array<i32: 0>} : vector<16xi32>
    %add3A_117 = arith.constant 80 : i32
    %add3A_118 = arith.addi %mul3A_0, %add3A_117 : i32
    %add3A_119 = arith.constant 48 : i32
    %add3A_120 = arith.addi %add3A_118, %add3A_119 : i32
    %add3A_121 = vector.broadcast %add3A_120 : i32 to vector<16xi32>
    %add3A_122 = arith.addi %iota3A_116, %add3A_121 : vector<16xi32>
    %swap3A_123 = arith.constant 1 : i32
    %swap3A_124 = arith.index_cast %swap3A_123 : i32 to index
    %swap3A_125 = arith.constant 48 : index
    %swap3A_126 = tpu.vector_load %arg10[%swap3A_124, %swap3A_125] {strides = array<i32>} : memref<5x80xi32, #tpu.memory_space<vmem>>, vector<16xi32>,
    tpu.vector_store %arg10[%swap3A_124, %swap3A_125], %add3A_122 {strides = array<i32>} : memref<5x80xi32, #tpu.memory_space<vmem>>, vector<16xi32>,
    %iota3A_127 = tpu.iota {dimensions = array<i32: 0>} : vector<16xi32>
    %add3A_128 = arith.constant 80 : i32
    %add3A_129 = arith.addi %mul3A_0, %add3A_128 : i32
    %add3A_130 = arith.constant 64 : i32
    %add3A_131 = arith.addi %add3A_129, %add3A_130 : i32
    %add3A_132 = vector.broadcast %add3A_131 : i32 to vector<16xi32>
    %add3A_133 = arith.addi %iota3A_127, %add3A_132 : vector<16xi32>
    %swap3A_134 = arith.constant 1 : i32
    %swap3A_135 = arith.index_cast %swap3A_134 : i32 to index
    %swap3A_136 = arith.constant 64 : index
    %swap3A_137 = tpu.vector_load %arg10[%swap3A_135, %swap3A_136] {strides = array<i32>} : memref<5x80xi32, #tpu.memory_space<vmem>>, vector<16xi32>,
    tpu.vector_store %arg10[%swap3A_135, %swap3A_136], %add3A_133 {strides = array<i32>} : memref<5x80xi32, #tpu.memory_space<vmem>>, vector<16xi32>,
    %dma_start3A_138 = arith.constant 1 : i32
    %dma_start3A_139 = arith.constant 1 : i32
    %dma_start3A_140 = arith.constant 0 : i32
    %dma_start3A_141 = arith.constant 0 : i32
    %dma_start3A_142 = tpu.memref_slice %arg11[%dma_start3A_139, %dma_start3A_140, %dma_start3A_141] : memref<5x80x128xf32, #tpu.memory_space<vmem>> -> memref<1x80x128xf32, #tpu.memory_space<vmem>>
    %dma_start3A_143 = tpu.memref_squeeze %dma_start3A_142 : memref<1x80x128xf32, #tpu.memory_space<vmem>> -> memref<80x128xf32, #tpu.memory_space<vmem>>
    %dma_start3A_144 = arith.constant 0 : i32
    %dma_start3A_145 = tpu.memref_slice %arg10[%dma_start3A_138, %dma_start3A_144] : memref<5x80xi32, #tpu.memory_space<vmem>> -> memref<1x80xi32, #tpu.memory_space<vmem>>
    %dma_start3A_146 = tpu.memref_squeeze %dma_start3A_145 : memref<1x80xi32, #tpu.memory_space<vmem>> -> memref<80xi32, #tpu.memory_space<vmem>>
    %dma_start3A_147 = arith.constant 0 : i32
    %dma_start3A_148 = arith.constant 0 : i32
    %dma_start3A_149 = tpu.memref_slice %arg3[%dma_start3A_147, %dma_start3A_148] : memref<160000x128xf32, #tpu.memory_space<hbm>> -> memref<160000x128xf32, #tpu.memory_space<hbm>>
    tpu.enqueue_indirect_dma source(%dma_start3A_149 : memref<160000x128xf32, #tpu.memory_space<hbm>>) target(%dma_start3A_143 : memref<80x128xf32, #tpu.memory_space<vmem>>) offsets(%dma_start3A_146 : memref<80xi32, #tpu.memory_space<vmem>>) semaphore(%arg16 : memref<!tpu.dma_semaphore, #tpu.memory_space<semaphore_mem>>)
    %iota3A_150 = tpu.iota {dimensions = array<i32: 0>} : vector<16xi32>
    %add3A_151 = arith.constant 160 : i32
    %add3A_152 = arith.addi %mul3A_0, %add3A_151 : i32
    %add3A_153 = arith.constant 0 : i32
    %add3A_154 = arith.addi %add3A_152, %add3A_153 : i32
    %add3A_155 = vector.broadcast %add3A_154 : i32 to vector<16xi32>
    %add3A_156 = arith.addi %iota3A_150, %add3A_155 : vector<16xi32>
    %swap3A_157 = arith.constant 2 : i32
    %swap3A_158 = arith.index_cast %swap3A_157 : i32 to index
    %swap3A_159 = arith.constant 0 : index
    %swap3A_160 = tpu.vector_load %arg10[%swap3A_158, %swap3A_159] {strides = array<i32>} : memref<5x80xi32, #tpu.memory_space<vmem>>, vector<16xi32>,
    tpu.vector_store %arg10[%swap3A_158, %swap3A_159], %add3A_156 {strides = array<i32>} : memref<5x80xi32, #tpu.memory_space<vmem>>, vector<16xi32>,
    %iota3A_161 = tpu.iota {dimensions = array<i32: 0>} : vector<16xi32>
    %add3A_162 = arith.constant 160 : i32
    %add3A_163 = arith.addi %mul3A_0, %add3A_162 : i32
    %add3A_164 = arith.constant 16 : i32
    %add3A_165 = arith.addi %add3A_163, %add3A_164 : i32
    %add3A_166 = vector.broadcast %add3A_165 : i32 to vector<16xi32>
    %add3A_167 = arith.addi %iota3A_161, %add3A_166 : vector<16xi32>
    %swap3A_168 = arith.constant 2 : i32
    %swap3A_169 = arith.index_cast %swap3A_168 : i32 to index
    %swap3A_170 = arith.constant 16 : index
    %swap3A_171 = tpu.vector_load %arg10[%swap3A_169, %swap3A_170] {strides = array<i32>} : memref<5x80xi32, #tpu.memory_space<vmem>>, vector<16xi32>,
    tpu.vector_store %arg10[%swap3A_169, %swap3A_170], %add3A_167 {strides = array<i32>} : memref<5x80xi32, #tpu.memory_space<vmem>>, vector<16xi32>,
    %iota3A_172 = tpu.iota {dimensions = array<i32: 0>} : vector<16xi32>
    %add3A_173 = arith.constant 160 : i32
    %add3A_174 = arith.addi %mul3A_0, %add3A_173 : i32
    %add3A_175 = arith.constant 32 : i32
    %add3A_176 = arith.addi %add3A_174, %add3A_175 : i32
    %add3A_177 = vector.broadcast %add3A_176 : i32 to vector<16xi32>
    %add3A_178 = arith.addi %iota3A_172, %add3A_177 : vector<16xi32>
    %swap3A_179 = arith.constant 2 : i32
    %swap3A_180 = arith.index_cast %swap3A_179 : i32 to index
    %swap3A_181 = arith.constant 32 : index
    %swap3A_182 = tpu.vector_load %arg10[%swap3A_180, %swap3A_181] {strides = array<i32>} : memref<5x80xi32, #tpu.memory_space<vmem>>, vector<16xi32>,
    tpu.vector_store %arg10[%swap3A_180, %swap3A_181], %add3A_178 {strides = array<i32>} : memref<5x80xi32, #tpu.memory_space<vmem>>, vector<16xi32>,
    %iota3A_183 = tpu.iota {dimensions = array<i32: 0>} : vector<16xi32>
    %add3A_184 = arith.constant 160 : i32
    %add3A_185 = arith.addi %mul3A_0, %add3A_184 : i32
    %add3A_186 = arith.constant 48 : i32
    %add3A_187 = arith.addi %add3A_185, %add3A_186 : i32
    %add3A_188 = vector.broadcast %add3A_187 : i32 to vector<16xi32>
    %add3A_189 = arith.addi %iota3A_183, %add3A_188 : vector<16xi32>
    %swap3A_190 = arith.constant 2 : i32
    %swap3A_191 = arith.index_cast %swap3A_190 : i32 to index
    %swap3A_192 = arith.constant 48 : index
    %swap3A_193 = tpu.vector_load %arg10[%swap3A_191, %swap3A_192] {strides = array<i32>} : memref<5x80xi32, #tpu.memory_space<vmem>>, vector<16xi32>,
    tpu.vector_store %arg10[%swap3A_191, %swap3A_192], %add3A_189 {strides = array<i32>} : memref<5x80xi32, #tpu.memory_space<vmem>>, vector<16xi32>,
    %iota3A_194 = tpu.iota {dimensions = array<i32: 0>} : vector<16xi32>
    %add3A_195 = arith.constant 160 : i32
    %add3A_196 = arith.addi %mul3A_0, %add3A_195 : i32
    %add3A_197 = arith.constant 64 : i32
    %add3A_198 = arith.addi %add3A_196, %add3A_197 : i32
    %add3A_199 = vector.broadcast %add3A_198 : i32 to vector<16xi32>
    %add3A_200 = arith.addi %iota3A_194, %add3A_199 : vector<16xi32>
    %swap3A_201 = arith.constant 2 : i32
    %swap3A_202 = arith.index_cast %swap3A_201 : i32 to index
    %swap3A_203 = arith.constant 64 : index
    %swap3A_204 = tpu.vector_load %arg10[%swap3A_202, %swap3A_203] {strides = array<i32>} : memref<5x80xi32, #tpu.memory_space<vmem>>, vector<16xi32>,
    tpu.vector_store %arg10[%swap3A_202, %swap3A_203], %add3A_200 {strides = array<i32>} : memref<5x80xi32, #tpu.memory_space<vmem>>, vector<16xi32>,
    %dma_start3A_205 = arith.constant 2 : i32
    %dma_start3A_206 = arith.constant 2 : i32
    %dma_start3A_207 = arith.constant 0 : i32
    %dma_start3A_208 = arith.constant 0 : i32
    %dma_start3A_209 = tpu.memref_slice %arg11[%dma_start3A_206, %dma_start3A_207, %dma_start3A_208] : memref<5x80x128xf32, #tpu.memory_space<vmem>> -> memref<1x80x128xf32, #tpu.memory_space<vmem>>
    %dma_start3A_210 = tpu.memref_squeeze %dma_start3A_209 : memref<1x80x128xf32, #tpu.memory_space<vmem>> -> memref<80x128xf32, #tpu.memory_space<vmem>>
    %dma_start3A_211 = arith.constant 0 : i32
    %dma_start3A_212 = tpu.memref_slice %arg10[%dma_start3A_205, %dma_start3A_211] : memref<5x80xi32, #tpu.memory_space<vmem>> -> memref<1x80xi32, #tpu.memory_space<vmem>>
    %dma_start3A_213 = tpu.memref_squeeze %dma_start3A_212 : memref<1x80xi32, #tpu.memory_space<vmem>> -> memref<80xi32, #tpu.memory_space<vmem>>
    %dma_start3A_214 = arith.constant 0 : i32
    %dma_start3A_215 = arith.constant 0 : i32
    %dma_start3A_216 = tpu.memref_slice %arg3[%dma_start3A_214, %dma_start3A_215] : memref<160000x128xf32, #tpu.memory_space<hbm>> -> memref<160000x128xf32, #tpu.memory_space<hbm>>
    tpu.enqueue_indirect_dma source(%dma_start3A_216 : memref<160000x128xf32, #tpu.memory_space<hbm>>) target(%dma_start3A_210 : memref<80x128xf32, #tpu.memory_space<vmem>>) offsets(%dma_start3A_213 : memref<80xi32, #tpu.memory_space<vmem>>) semaphore(%arg17 : memref<!tpu.dma_semaphore, #tpu.memory_space<semaphore_mem>>)
    %iota3A_217 = tpu.iota {dimensions = array<i32: 0>} : vector<16xi32>
    %add3A_218 = arith.constant 240 : i32
    %add3A_219 = arith.addi %mul3A_0, %add3A_218 : i32
    %add3A_220 = arith.constant 0 : i32
    %add3A_221 = arith.addi %add3A_219, %add3A_220 : i32
    %add3A_222 = vector.broadcast %add3A_221 : i32 to vector<16xi32>
    %add3A_223 = arith.addi %iota3A_217, %add3A_222 : vector<16xi32>
    %swap3A_224 = arith.constant 3 : i32
    %swap3A_225 = arith.index_cast %swap3A_224 : i32 to index
    %swap3A_226 = arith.constant 0 : index
    %swap3A_227 = tpu.vector_load %arg10[%swap3A_225, %swap3A_226] {strides = array<i32>} : memref<5x80xi32, #tpu.memory_space<vmem>>, vector<16xi32>,
    tpu.vector_store %arg10[%swap3A_225, %swap3A_226], %add3A_223 {strides = array<i32>} : memref<5x80xi32, #tpu.memory_space<vmem>>, vector<16xi32>,
    %iota3A_228 = tpu.iota {dimensions = array<i32: 0>} : vector<16xi32>
    %add3A_229 = arith.constant 240 : i32
    %add3A_230 = arith.addi %mul3A_0, %add3A_229 : i32
    %add3A_231 = arith.constant 16 : i32
    %add3A_232 = arith.addi %add3A_230, %add3A_231 : i32
    %add3A_233 = vector.broadcast %add3A_232 : i32 to vector<16xi32>
    %add3A_234 = arith.addi %iota3A_228, %add3A_233 : vector<16xi32>
    %swap3A_235 = arith.constant 3 : i32
    %swap3A_236 = arith.index_cast %swap3A_235 : i32 to index
    %swap3A_237 = arith.constant 16 : index
    %swap3A_238 = tpu.vector_load %arg10[%swap3A_236, %swap3A_237] {strides = array<i32>} : memref<5x80xi32, #tpu.memory_space<vmem>>, vector<16xi32>,
    tpu.vector_store %arg10[%swap3A_236, %swap3A_237], %add3A_234 {strides = array<i32>} : memref<5x80xi32, #tpu.memory_space<vmem>>, vector<16xi32>,
    %iota3A_239 = tpu.iota {dimensions = array<i32: 0>} : vector<16xi32>
    %add3A_240 = arith.constant 240 : i32
    %add3A_241 = arith.addi %mul3A_0, %add3A_240 : i32
    %add3A_242 = arith.constant 32 : i32
    %add3A_243 = arith.addi %add3A_241, %add3A_242 : i32
    %add3A_244 = vector.broadcast %add3A_243 : i32 to vector<16xi32>
    %add3A_245 = arith.addi %iota3A_239, %add3A_244 : vector<16xi32>
    %swap3A_246 = arith.constant 3 : i32
    %swap3A_247 = arith.index_cast %swap3A_246 : i32 to index
    %swap3A_248 = arith.constant 32 : index
    %swap3A_249 = tpu.vector_load %arg10[%swap3A_247, %swap3A_248] {strides = array<i32>} : memref<5x80xi32, #tpu.memory_space<vmem>>, vector<16xi32>,
    tpu.vector_store %arg10[%swap3A_247, %swap3A_248], %add3A_245 {strides = array<i32>} : memref<5x80xi32, #tpu.memory_space<vmem>>, vector<16xi32>,
    %iota3A_250 = tpu.iota {dimensions = array<i32: 0>} : vector<16xi32>
    %add3A_251 = arith.constant 240 : i32
    %add3A_252 = arith.addi %mul3A_0, %add3A_251 : i32
    %add3A_253 = arith.constant 48 : i32
    %add3A_254 = arith.addi %add3A_252, %add3A_253 : i32
    %add3A_255 = vector.broadcast %add3A_254 : i32 to vector<16xi32>
    %add3A_256 = arith.addi %iota3A_250, %add3A_255 : vector<16xi32>
    %swap3A_257 = arith.constant 3 : i32
    %swap3A_258 = arith.index_cast %swap3A_257 : i32 to index
    %swap3A_259 = arith.constant 48 : index
    %swap3A_260 = tpu.vector_load %arg10[%swap3A_258, %swap3A_259] {strides = array<i32>} : memref<5x80xi32, #tpu.memory_space<vmem>>, vector<16xi32>,
    tpu.vector_store %arg10[%swap3A_258, %swap3A_259], %add3A_256 {strides = array<i32>} : memref<5x80xi32, #tpu.memory_space<vmem>>, vector<16xi32>,
    %iota3A_261 = tpu.iota {dimensions = array<i32: 0>} : vector<16xi32>
    %add3A_262 = arith.constant 240 : i32
    %add3A_263 = arith.addi %mul3A_0, %add3A_262 : i32
    %add3A_264 = arith.constant 64 : i32
    %add3A_265 = arith.addi %add3A_263, %add3A_264 : i32
    %add3A_266 = vector.broadcast %add3A_265 : i32 to vector<16xi32>
    %add3A_267 = arith.addi %iota3A_261, %add3A_266 : vector<16xi32>
    %swap3A_268 = arith.constant 3 : i32
    %swap3A_269 = arith.index_cast %swap3A_268 : i32 to index
    %swap3A_270 = arith.constant 64 : index
    %swap3A_271 = tpu.vector_load %arg10[%swap3A_269, %swap3A_270] {strides = array<i32>} : memref<5x80xi32, #tpu.memory_space<vmem>>, vector<16xi32>,
    tpu.vector_store %arg10[%swap3A_269, %swap3A_270], %add3A_267 {strides = array<i32>} : memref<5x80xi32, #tpu.memory_space<vmem>>, vector<16xi32>,
    %dma_start3A_272 = arith.constant 3 : i32
    %dma_start3A_273 = arith.constant 3 : i32
    %dma_start3A_274 = arith.constant 0 : i32
    %dma_start3A_275 = arith.constant 0 : i32
    %dma_start3A_276 = tpu.memref_slice %arg11[%dma_start3A_273, %dma_start3A_274, %dma_start3A_275] : memref<5x80x128xf32, #tpu.memory_space<vmem>> -> memref<1x80x128xf32, #tpu.memory_space<vmem>>
    %dma_start3A_277 = tpu.memref_squeeze %dma_start3A_276 : memref<1x80x128xf32, #tpu.memory_space<vmem>> -> memref<80x128xf32, #tpu.memory_space<vmem>>
    %dma_start3A_278 = arith.constant 0 : i32
    %dma_start3A_279 = tpu.memref_slice %arg10[%dma_start3A_272, %dma_start3A_278] : memref<5x80xi32, #tpu.memory_space<vmem>> -> memref<1x80xi32, #tpu.memory_space<vmem>>
    %dma_start3A_280 = tpu.memref_squeeze %dma_start3A_279 : memref<1x80xi32, #tpu.memory_space<vmem>> -> memref<80xi32, #tpu.memory_space<vmem>>
    %dma_start3A_281 = arith.constant 0 : i32
    %dma_start3A_282 = arith.constant 0 : i32
    %dma_start3A_283 = tpu.memref_slice %arg3[%dma_start3A_281, %dma_start3A_282] : memref<160000x128xf32, #tpu.memory_space<hbm>> -> memref<160000x128xf32, #tpu.memory_space<hbm>>
    tpu.enqueue_indirect_dma source(%dma_start3A_283 : memref<160000x128xf32, #tpu.memory_space<hbm>>) target(%dma_start3A_277 : memref<80x128xf32, #tpu.memory_space<vmem>>) offsets(%dma_start3A_280 : memref<80xi32, #tpu.memory_space<vmem>>) semaphore(%arg18 : memref<!tpu.dma_semaphore, #tpu.memory_space<semaphore_mem>>)
    %iota3A_284 = tpu.iota {dimensions = array<i32: 0>} : vector<16xi32>
    %add3A_285 = arith.constant 320 : i32
    %add3A_286 = arith.addi %mul3A_0, %add3A_285 : i32
    %add3A_287 = arith.constant 0 : i32
    %add3A_288 = arith.addi %add3A_286, %add3A_287 : i32
    %add3A_289 = vector.broadcast %add3A_288 : i32 to vector<16xi32>
    %add3A_290 = arith.addi %iota3A_284, %add3A_289 : vector<16xi32>
    %swap3A_291 = arith.constant 4 : i32
    %swap3A_292 = arith.index_cast %swap3A_291 : i32 to index
    %swap3A_293 = arith.constant 0 : index
    %swap3A_294 = tpu.vector_load %arg10[%swap3A_292, %swap3A_293] {strides = array<i32>} : memref<5x80xi32, #tpu.memory_space<vmem>>, vector<16xi32>,
    tpu.vector_store %arg10[%swap3A_292, %swap3A_293], %add3A_290 {strides = array<i32>} : memref<5x80xi32, #tpu.memory_space<vmem>>, vector<16xi32>,
    %iota3A_295 = tpu.iota {dimensions = array<i32: 0>} : vector<16xi32>
    %add3A_296 = arith.constant 320 : i32
    %add3A_297 = arith.addi %mul3A_0, %add3A_296 : i32
    %add3A_298 = arith.constant 16 : i32
    %add3A_299 = arith.addi %add3A_297, %add3A_298 : i32
    %add3A_300 = vector.broadcast %add3A_299 : i32 to vector<16xi32>
    %add3A_301 = arith.addi %iota3A_295, %add3A_300 : vector<16xi32>
    %swap3A_302 = arith.constant 4 : i32
    %swap3A_303 = arith.index_cast %swap3A_302 : i32 to index
    %swap3A_304 = arith.constant 16 : index
    %swap3A_305 = tpu.vector_load %arg10[%swap3A_303, %swap3A_304] {strides = array<i32>} : memref<5x80xi32, #tpu.memory_space<vmem>>, vector<16xi32>,
    tpu.vector_store %arg10[%swap3A_303, %swap3A_304], %add3A_301 {strides = array<i32>} : memref<5x80xi32, #tpu.memory_space<vmem>>, vector<16xi32>,
    %iota3A_306 = tpu.iota {dimensions = array<i32: 0>} : vector<16xi32>
    %add3A_307 = arith.constant 320 : i32
    %add3A_308 = arith.addi %mul3A_0, %add3A_307 : i32
    %add3A_309 = arith.constant 32 : i32
    %add3A_310 = arith.addi %add3A_308, %add3A_309 : i32
    %add3A_311 = vector.broadcast %add3A_310 : i32 to vector<16xi32>
    %add3A_312 = arith.addi %iota3A_306, %add3A_311 : vector<16xi32>
    %swap3A_313 = arith.constant 4 : i32
    %swap3A_314 = arith.index_cast %swap3A_313 : i32 to index
    %swap3A_315 = arith.constant 32 : index
    %swap3A_316 = tpu.vector_load %arg10[%swap3A_314, %swap3A_315] {strides = array<i32>} : memref<5x80xi32, #tpu.memory_space<vmem>>, vector<16xi32>,
    tpu.vector_store %arg10[%swap3A_314, %swap3A_315], %add3A_312 {strides = array<i32>} : memref<5x80xi32, #tpu.memory_space<vmem>>, vector<16xi32>,
    %iota3A_317 = tpu.iota {dimensions = array<i32: 0>} : vector<16xi32>
    %add3A_318 = arith.constant 320 : i32
    %add3A_319 = arith.addi %mul3A_0, %add3A_318 : i32
    %add3A_320 = arith.constant 48 : i32
    %add3A_321 = arith.addi %add3A_319, %add3A_320 : i32
    %add3A_322 = vector.broadcast %add3A_321 : i32 to vector<16xi32>
    %add3A_323 = arith.addi %iota3A_317, %add3A_322 : vector<16xi32>
    %swap3A_324 = arith.constant 4 : i32
    %swap3A_325 = arith.index_cast %swap3A_324 : i32 to index
    %swap3A_326 = arith.constant 48 : index
    %swap3A_327 = tpu.vector_load %arg10[%swap3A_325, %swap3A_326] {strides = array<i32>} : memref<5x80xi32, #tpu.memory_space<vmem>>, vector<16xi32>,
    tpu.vector_store %arg10[%swap3A_325, %swap3A_326], %add3A_323 {strides = array<i32>} : memref<5x80xi32, #tpu.memory_space<vmem>>, vector<16xi32>,
    %iota3A_328 = tpu.iota {dimensions = array<i32: 0>} : vector<16xi32>
    %add3A_329 = arith.constant 320 : i32
    %add3A_330 = arith.addi %mul3A_0, %add3A_329 : i32
    %add3A_331 = arith.constant 64 : i32
    %add3A_332 = arith.addi %add3A_330, %add3A_331 : i32
    %add3A_333 = vector.broadcast %add3A_332 : i32 to vector<16xi32>
    %add3A_334 = arith.addi %iota3A_328, %add3A_333 : vector<16xi32>
    %swap3A_335 = arith.constant 4 : i32
    %swap3A_336 = arith.index_cast %swap3A_335 : i32 to index
    %swap3A_337 = arith.constant 64 : index
    %swap3A_338 = tpu.vector_load %arg10[%swap3A_336, %swap3A_337] {strides = array<i32>} : memref<5x80xi32, #tpu.memory_space<vmem>>, vector<16xi32>,
    tpu.vector_store %arg10[%swap3A_336, %swap3A_337], %add3A_334 {strides = array<i32>} : memref<5x80xi32, #tpu.memory_space<vmem>>, vector<16xi32>,
    %dma_start3A_339 = arith.constant 4 : i32
    %dma_start3A_340 = arith.constant 4 : i32
    %dma_start3A_341 = arith.constant 0 : i32
    %dma_start3A_342 = arith.constant 0 : i32
    %dma_start3A_343 = tpu.memref_slice %arg11[%dma_start3A_340, %dma_start3A_341, %dma_start3A_342] : memref<5x80x128xf32, #tpu.memory_space<vmem>> -> memref<1x80x128xf32, #tpu.memory_space<vmem>>
    %dma_start3A_344 = tpu.memref_squeeze %dma_start3A_343 : memref<1x80x128xf32, #tpu.memory_space<vmem>> -> memref<80x128xf32, #tpu.memory_space<vmem>>
    %dma_start3A_345 = arith.constant 0 : i32
    %dma_start3A_346 = tpu.memref_slice %arg10[%dma_start3A_339, %dma_start3A_345] : memref<5x80xi32, #tpu.memory_space<vmem>> -> memref<1x80xi32, #tpu.memory_space<vmem>>
    %dma_start3A_347 = tpu.memref_squeeze %dma_start3A_346 : memref<1x80xi32, #tpu.memory_space<vmem>> -> memref<80xi32, #tpu.memory_space<vmem>>
    %dma_start3A_348 = arith.constant 0 : i32
    %dma_start3A_349 = arith.constant 0 : i32
    %dma_start3A_350 = tpu.memref_slice %arg3[%dma_start3A_348, %dma_start3A_349] : memref<160000x128xf32, #tpu.memory_space<hbm>> -> memref<160000x128xf32, #tpu.memory_space<hbm>>
    tpu.enqueue_indirect_dma source(%dma_start3A_350 : memref<160000x128xf32, #tpu.memory_space<hbm>>) target(%dma_start3A_344 : memref<80x128xf32, #tpu.memory_space<vmem>>) offsets(%dma_start3A_347 : memref<80xi32, #tpu.memory_space<vmem>>) semaphore(%arg19 : memref<!tpu.dma_semaphore, #tpu.memory_space<semaphore_mem>>)
    %scan3A_351 = arith.constant 0 : i32
    %scan3A_352 = arith.constant 25 : i32
    %scan3A_353 = arith.addi %scan3A_351, %scan3A_352 : i32
    %scan3A_354 = arith.constant 1 : i32
    scf.for %scan3A_366 = %scan3A_351 to %scan3A_353 step %scan3A_354  : i32 {
      %mul3A_367 = arith.constant 5 : i32
      %mul3A_368 = arith.muli %scan3A_366, %mul3A_367 : i32
      %add3A_369 = arith.constant 0 : i32
      %add3A_370 = arith.addi %add3A_369, %mul3A_368 : i32
      %add3A_371 = arith.constant 0 : i32
      %add3A_372 = arith.addi %add3A_370, %add3A_371 : i32
      %dma_wait3A = arith.constant 0 : i32
      %dma_wait3A_373 = arith.constant 0 : i32
      %dma_wait3A_374 = arith.constant 0 : i32
      %dma_wait3A_375 = tpu.memref_slice %arg11[%dma_wait3A, %dma_wait3A_373, %dma_wait3A_374] : memref<5x80x128xf32, #tpu.memory_space<vmem>> -> memref<1x80x128xf32, #tpu.memory_space<vmem>>
      %dma_wait3A_376 = tpu.memref_squeeze %dma_wait3A_375 : memref<1x80x128xf32, #tpu.memory_space<vmem>> -> memref<80x128xf32, #tpu.memory_space<vmem>>
      %dma_wait3A_377 = arith.constant 0 : i32
      %dma_wait3A_378 = arith.constant 0 : i32
      %dma_wait3A_379 = tpu.memref_slice %arg3[%dma_wait3A_377, %dma_wait3A_378] : memref<160000x128xf32, #tpu.memory_space<hbm>> -> memref<80x128xf32, #tpu.memory_space<hbm>>
      %dma_wait3A_380 = arith.constant 0 : i32
      %dma_wait3A_381 = arith.constant 0 : i32
      %dma_wait3A_382 = tpu.memref_slice %arg11[%dma_wait3A, %dma_wait3A_380, %dma_wait3A_381] : memref<5x80x128xf32, #tpu.memory_space<vmem>> -> memref<1x80x128xf32, #tpu.memory_space<vmem>>
      %dma_wait3A_383 = tpu.memref_squeeze %dma_wait3A_382 : memref<1x80x128xf32, #tpu.memory_space<vmem>> -> memref<80x128xf32, #tpu.memory_space<vmem>>
      %dma_wait3A_384 = arith.constant 0 : i32
      %dma_wait3A_385 = arith.constant 0 : i32
      %dma_wait3A_386 = tpu.memref_slice %arg3[%dma_wait3A_384, %dma_wait3A_385] : memref<160000x128xf32, #tpu.memory_space<hbm>> -> memref<80x128xf32, #tpu.memory_space<hbm>>
      tpu.wait_dma2 semaphore(%arg15 : memref<!tpu.dma_semaphore, #tpu.memory_space<semaphore_mem>>) src(%dma_wait3A_386 : memref<80x128xf32, #tpu.memory_space<hbm>>) dst(%dma_wait3A_383 : memref<80x128xf32, #tpu.memory_space<vmem>>)
      %ge3A = arith.cmpi sge, %add3A_372, %mul3A_4 : i32
      %lt3A_387 = arith.cmpi slt, %add3A_372, %add3A_8 : i32
      %and3A = arith.andi %ge3A, %lt3A_387 : i1
      %convert_element_type3A_388 = arith.extui %and3A : i1 to i32
      %cond3A_389 = arith.constant 0 : i32
      %cond3A_390 = arith.cmpi ne, %convert_element_type3A_388, %cond3A_389 : i32
      scf.if %cond3A_390 {
        %mul3A_552 = arith.constant 80 : i32
        %mul3A_553 = arith.muli %add3A_372, %mul3A_552 : i32
        %add3A_554 = arith.addi %mul3A_0, %mul3A_553 : i32
        "tpu.region"() ({
          %run_scoped3A_594 = tpu.sem_alloc : memref<!tpu.dma_semaphore, #tpu.memory_space<semaphore_mem>>
          %dma_start3A_595 = tpu.memref_slice %arg4[%add3A_554] : memref<160000xf32, #tpu.memory_space<hbm>> -> memref<80xf32, #tpu.memory_space<hbm>>
          %dma_start3A_596 = tpu.memref_slice %arg4[%add3A_554] : memref<160000xf32, #tpu.memory_space<hbm>> -> memref<80xf32, #tpu.memory_space<hbm>>
          tpu.enqueue_dma source(%dma_start3A_596 : memref<80xf32, #tpu.memory_space<hbm>>) target(%arg12 : memref<80xf32, #tpu.memory_space<vmem>>) target_semaphore(%run_scoped3A_594 : memref<!tpu.dma_semaphore, #tpu.memory_space<semaphore_mem>>)
          %dma_wait3A_597 = tpu.memref_slice %arg4[%add3A_554] : memref<160000xf32, #tpu.memory_space<hbm>> -> memref<80xf32, #tpu.memory_space<hbm>>
          %dma_wait3A_598 = tpu.memref_slice %arg4[%add3A_554] : memref<160000xf32, #tpu.memory_space<hbm>> -> memref<80xf32, #tpu.memory_space<hbm>>
          tpu.wait_dma2 semaphore(%run_scoped3A_594 : memref<!tpu.dma_semaphore, #tpu.memory_space<semaphore_mem>>) src(%dma_wait3A_598 : memref<80xf32, #tpu.memory_space<hbm>>) dst(%arg12 : memref<80xf32, #tpu.memory_space<vmem>>)
          tpu.yield
        }) : () -> ()
        %mul3A_555 = arith.constant 80 : i32
        %mul3A_556 = arith.muli %add3A_372, %mul3A_555 : i32
        %add3A_557 = arith.constant 0 : i32
        %add3A_558 = arith.addi %mul3A_556, %add3A_557 : i32
        %get3A = arith.index_cast %add3A_558 : i32 to index
        %get3A_559 = tpu.vector_load %arg8[%get3A] {strides = array<i32>} : memref<10000xi32, #tpu.memory_space<vmem>>, vector<16xi32>,
        %get3A_560 = arith.constant 0 : index
        %get3A_561 = tpu.vector_load %arg12[%get3A_560] {strides = array<i32>} : memref<80xf32, #tpu.memory_space<vmem>>, vector<16xf32>,
        tpu.vector_store_idx %arg13[%get3A_559], %get3A_561 {add = true} : memref<10000xf32, #tpu.memory_space<vmem>>[vector<16xi32>], vector<16xf32>,
        %mul3A_562 = arith.constant 80 : i32
        %mul3A_563 = arith.muli %add3A_372, %mul3A_562 : i32
        %add3A_564 = arith.constant 16 : i32
        %add3A_565 = arith.addi %mul3A_563, %add3A_564 : i32
        %get3A_566 = arith.index_cast %add3A_565 : i32 to index
        %get3A_567 = tpu.vector_load %arg8[%get3A_566] {strides = array<i32>} : memref<10000xi32, #tpu.memory_space<vmem>>, vector<16xi32>,
        %get3A_568 = arith.constant 16 : index
        %get3A_569 = tpu.vector_load %arg12[%get3A_568] {strides = array<i32>} : memref<80xf32, #tpu.memory_space<vmem>>, vector<16xf32>,
        tpu.vector_store_idx %arg13[%get3A_567], %get3A_569 {add = true} : memref<10000xf32, #tpu.memory_space<vmem>>[vector<16xi32>], vector<16xf32>,
        %mul3A_570 = arith.constant 80 : i32
        %mul3A_571 = arith.muli %add3A_372, %mul3A_570 : i32
        %add3A_572 = arith.constant 32 : i32
        %add3A_573 = arith.addi %mul3A_571, %add3A_572 : i32
        %get3A_574 = arith.index_cast %add3A_573 : i32 to index
        %get3A_575 = tpu.vector_load %arg8[%get3A_574] {strides = array<i32>} : memref<10000xi32, #tpu.memory_space<vmem>>, vector<16xi32>,
        %get3A_576 = arith.constant 32 : index
        %get3A_577 = tpu.vector_load %arg12[%get3A_576] {strides = array<i32>} : memref<80xf32, #tpu.memory_space<vmem>>, vector<16xf32>,
        tpu.vector_store_idx %arg13[%get3A_575], %get3A_577 {add = true} : memref<10000xf32, #tpu.memory_space<vmem>>[vector<16xi32>], vector<16xf32>,
        %mul3A_578 = arith.constant 80 : i32
        %mul3A_579 = arith.muli %add3A_372, %mul3A_578 : i32
        %add3A_580 = arith.constant 48 : i32
        %add3A_581 = arith.addi %mul3A_579, %add3A_580 : i32
        %get3A_582 = arith.index_cast %add3A_581 : i32 to index
        %get3A_583 = tpu.vector_load %arg8[%get3A_582] {strides = array<i32>} : memref<10000xi32, #tpu.memory_space<vmem>>, vector<16xi32>,
        %get3A_584 = arith.constant 48 : index
        %get3A_585 = tpu.vector_load %arg12[%get3A_584] {strides = array<i32>} : memref<80xf32, #tpu.memory_space<vmem>>, vector<16xf32>,
        tpu.vector_store_idx %arg13[%get3A_583], %get3A_585 {add = true} : memref<10000xf32, #tpu.memory_space<vmem>>[vector<16xi32>], vector<16xf32>,
        %mul3A_586 = arith.constant 80 : i32
        %mul3A_587 = arith.muli %add3A_372, %mul3A_586 : i32
        %add3A_588 = arith.constant 64 : i32
        %add3A_589 = arith.addi %mul3A_587, %add3A_588 : i32
        %get3A_590 = arith.index_cast %add3A_589 : i32 to index
        %get3A_591 = tpu.vector_load %arg8[%get3A_590] {strides = array<i32>} : memref<10000xi32, #tpu.memory_space<vmem>>, vector<16xi32>,
        %get3A_592 = arith.constant 64 : index
        %get3A_593 = tpu.vector_load %arg12[%get3A_592] {strides = array<i32>} : memref<80xf32, #tpu.memory_space<vmem>>, vector<16xf32>,
        tpu.vector_store_idx %arg13[%get3A_591], %get3A_593 {add = true} : memref<10000xf32, #tpu.memory_space<vmem>>[vector<16xi32>], vector<16xf32>,
      } else {
      }
      %scan3A_391 = arith.constant 0 : i32
      %scan3A_392 = arith.constant 5 : i32
      %scan3A_393 = arith.addi %scan3A_391, %scan3A_392 : i32
      %scan3A_394 = arith.constant 1 : i32
      scf.for %scan3A_552 = %scan3A_391 to %scan3A_393 step %scan3A_394  : i32 {
        %mul3A_553 = arith.constant 1 : i32
        %mul3A_554 = arith.muli %scan3A_552, %mul3A_553 : i32
        %add3A_555 = arith.constant 0 : i32
        %add3A_556 = arith.addi %add3A_555, %mul3A_554 : i32
        %mul3A_557 = arith.constant 80 : i32
        %mul3A_558 = arith.muli %add3A_372, %mul3A_557 : i32
        %mul3A_559 = arith.constant 16 : i32
        %mul3A_560 = arith.muli %add3A_556, %mul3A_559 : i32
        %add3A_561 = arith.addi %mul3A_558, %mul3A_560 : i32
        %get3A = arith.index_cast %add3A_561 : i32 to index
        %get3A_562 = tpu.vector_load %arg8[%get3A] {strides = array<i32>} : memref<10000xi32, #tpu.memory_space<vmem>>, vector<16xi32>,
        %sub3A = vector.broadcast %mul3A_2 : i32 to vector<16xi32>
        %sub3A_563 = arith.subi %get3A_562, %sub3A : vector<16xi32>
        %ge3A_564 = arith.constant 0 : i32
        %ge3A_565 = vector.broadcast %ge3A_564 : i32 to vector<16xi32>
        %ge3A_566 = arith.cmpi sge, %sub3A_563, %ge3A_565 : vector<16xi32>
        %lt3A_567 = arith.constant 5000 : i32
        %lt3A_568 = vector.broadcast %lt3A_567 : i32 to vector<16xi32>
        %lt3A_569 = arith.cmpi slt, %sub3A_563, %lt3A_568 : vector<16xi32>
        %and3A_570 = arith.andi %ge3A_566, %lt3A_569 : vector<16xi1>
        %jit3A = arith.constant 5000 : i32
        %broadcast_in_dim3A = vector.broadcast %jit3A : i32 to vector<16xi32>
        %select_n3A = arith.select %and3A_570, %sub3A_563, %broadcast_in_dim3A : vector<16xi1>, vector<16xi32>
        %mul3A_571 = arith.constant 16 : i32
        %mul3A_572 = arith.muli %add3A_556, %mul3A_571 : i32
        %swap3A_573 = arith.constant 0 : i32
        %swap3A_574 = arith.index_cast %swap3A_573 : i32 to index
        %swap3A_575 = arith.index_cast %mul3A_572 : i32 to index
        %swap3A_576 = tpu.vector_load %arg9[%swap3A_574, %swap3A_575] {strides = array<i32>} : memref<1x80xi32, #tpu.memory_space<vmem>>, vector<16xi32>,
        tpu.vector_store %arg9[%swap3A_574, %swap3A_575], %select_n3A {strides = array<i32>} : memref<1x80xi32, #tpu.memory_space<vmem>>, vector<16xi32>,
      }
      %scan3A_395 = arith.constant 5 : i32
      %run_scoped3A = arith.constant 0 : i32
      %run_scoped3A_396 = arith.constant 0 : i32
      "tpu.region"() ({
        %run_scoped3A_552 = tpu.sem_alloc : memref<!tpu.dma_semaphore, #tpu.memory_space<semaphore_mem>>
        %dma_start3A_553 = arith.constant 0 : i32
        %dma_start3A_554 = arith.constant 0 : i32
        %dma_start3A_555 = tpu.memref_slice %arg11[%run_scoped3A, %dma_start3A_553, %dma_start3A_554] : memref<5x80x128xf32, #tpu.memory_space<vmem>> -> memref<1x80x128xf32, #tpu.memory_space<vmem>>
        %dma_start3A_556 = tpu.memref_squeeze %dma_start3A_555 : memref<1x80x128xf32, #tpu.memory_space<vmem>> -> memref<80x128xf32, #tpu.memory_space<vmem>>
        %dma_start3A_557 = arith.constant 0 : i32
        %dma_start3A_558 = tpu.memref_slice %arg9[%run_scoped3A_396, %dma_start3A_557] : memref<1x80xi32, #tpu.memory_space<vmem>> -> memref<1x80xi32, #tpu.memory_space<vmem>>
        %dma_start3A_559 = tpu.memref_squeeze %dma_start3A_558 : memref<1x80xi32, #tpu.memory_space<vmem>> -> memref<80xi32, #tpu.memory_space<vmem>>
        %dma_start3A_560 = arith.constant 0 : i32
        %dma_start3A_561 = arith.constant 0 : i32
        %dma_start3A_562 = tpu.memref_slice %arg14[%dma_start3A_560, %dma_start3A_561] : memref<5008x128xf32, #tpu.memory_space<vmem_shared>> -> memref<5008x128xf32, #tpu.memory_space<vmem_shared>>
        tpu.enqueue_indirect_dma source(%dma_start3A_556 : memref<80x128xf32, #tpu.memory_space<vmem>>) target(%dma_start3A_562 : memref<5008x128xf32, #tpu.memory_space<vmem_shared>>) offsets(%dma_start3A_559 : memref<80xi32, #tpu.memory_space<vmem>>) semaphore(%run_scoped3A_552 : memref<!tpu.dma_semaphore, #tpu.memory_space<semaphore_mem>>) {add = true}
        %dma_wait3A_563 = arith.constant 0 : i32
        %dma_wait3A_564 = arith.constant 0 : i32
        %dma_wait3A_565 = tpu.memref_slice %arg11[%run_scoped3A, %dma_wait3A_563, %dma_wait3A_564] : memref<5x80x128xf32, #tpu.memory_space<vmem>> -> memref<1x80x128xf32, #tpu.memory_space<vmem>>
        %dma_wait3A_566 = tpu.memref_squeeze %dma_wait3A_565 : memref<1x80x128xf32, #tpu.memory_space<vmem>> -> memref<80x128xf32, #tpu.memory_space<vmem>>
        %dma_wait3A_567 = arith.constant 0 : i32
        %dma_wait3A_568 = tpu.memref_slice %arg9[%run_scoped3A_396, %dma_wait3A_567] : memref<1x80xi32, #tpu.memory_space<vmem>> -> memref<1x80xi32, #tpu.memory_space<vmem>>
        %dma_wait3A_569 = tpu.memref_squeeze %dma_wait3A_568 : memref<1x80xi32, #tpu.memory_space<vmem>> -> memref<80xi32, #tpu.memory_space<vmem>>
        %dma_wait3A_570 = arith.constant 0 : i32
        %dma_wait3A_571 = arith.constant 0 : i32
        %dma_wait3A_572 = tpu.memref_slice %arg14[%dma_wait3A_570, %dma_wait3A_571] : memref<5008x128xf32, #tpu.memory_space<vmem_shared>> -> memref<5008x128xf32, #tpu.memory_space<vmem_shared>>
        tpu.wait_indirect_dma semaphore(%run_scoped3A_552 : memref<!tpu.dma_semaphore, #tpu.memory_space<semaphore_mem>>) src(%dma_wait3A_566 : memref<80x128xf32, #tpu.memory_space<vmem>>) dst(%dma_wait3A_572 : memref<5008x128xf32, #tpu.memory_space<vmem_shared>>)
        tpu.yield
      }) : () -> ()
      %add3A_397 = arith.constant 5 : i32
      %add3A_398 = arith.addi %add3A_372, %add3A_397 : i32
      %lt3A_399 = arith.constant 125 : i32
      %lt3A_400 = arith.cmpi slt, %add3A_398, %lt3A_399 : i32
      %convert_element_type3A_401 = arith.extui %lt3A_400 : i1 to i32
      %cond3A_402 = arith.constant 0 : i32
      %cond3A_403 = arith.cmpi ne, %convert_element_type3A_401, %cond3A_402 : i32
      scf.if %cond3A_403 {
        %add3A_552 = arith.constant 5 : i32
        %add3A_553 = arith.addi %add3A_372, %add3A_552 : i32
        %iota3A_554 = tpu.iota {dimensions = array<i32: 0>} : vector<16xi32>
        %mul3A_555 = arith.constant 80 : i32
        %mul3A_556 = arith.muli %add3A_553, %mul3A_555 : i32
        %add3A_557 = arith.addi %mul3A_0, %mul3A_556 : i32
        %add3A_558 = arith.constant 0 : i32
        %add3A_559 = arith.addi %add3A_557, %add3A_558 : i32
        %add3A_560 = vector.broadcast %add3A_559 : i32 to vector<16xi32>
        %add3A_561 = arith.addi %iota3A_554, %add3A_560 : vector<16xi32>
        %swap3A_562 = arith.constant 0 : i32
        %swap3A_563 = arith.index_cast %swap3A_562 : i32 to index
        %swap3A_564 = arith.constant 0 : index
        %swap3A_565 = tpu.vector_load %arg10[%swap3A_563, %swap3A_564] {strides = array<i32>} : memref<5x80xi32, #tpu.memory_space<vmem>>, vector<16xi32>,
        tpu.vector_store %arg10[%swap3A_563, %swap3A_564], %add3A_561 {strides = array<i32>} : memref<5x80xi32, #tpu.memory_space<vmem>>, vector<16xi32>,
        %iota3A_566 = tpu.iota {dimensions = array<i32: 0>} : vector<16xi32>
        %mul3A_567 = arith.constant 80 : i32
        %mul3A_568 = arith.muli %add3A_553, %mul3A_567 : i32
        %add3A_569 = arith.addi %mul3A_0, %mul3A_568 : i32
        %add3A_570 = arith.constant 16 : i32
        %add3A_571 = arith.addi %add3A_569, %add3A_570 : i32
        %add3A_572 = vector.broadcast %add3A_571 : i32 to vector<16xi32>
        %add3A_573 = arith.addi %iota3A_566, %add3A_572 : vector<16xi32>
        %swap3A_574 = arith.constant 0 : i32
        %swap3A_575 = arith.index_cast %swap3A_574 : i32 to index
        %swap3A_576 = arith.constant 16 : index
        %swap3A_577 = tpu.vector_load %arg10[%swap3A_575, %swap3A_576] {strides = array<i32>} : memref<5x80xi32, #tpu.memory_space<vmem>>, vector<16xi32>,
        tpu.vector_store %arg10[%swap3A_575, %swap3A_576], %add3A_573 {strides = array<i32>} : memref<5x80xi32, #tpu.memory_space<vmem>>, vector<16xi32>,
        %iota3A_578 = tpu.iota {dimensions = array<i32: 0>} : vector<16xi32>
        %mul3A_579 = arith.constant 80 : i32
        %mul3A_580 = arith.muli %add3A_553, %mul3A_579 : i32
        %add3A_581 = arith.addi %mul3A_0, %mul3A_580 : i32
        %add3A_582 = arith.constant 32 : i32
        %add3A_583 = arith.addi %add3A_581, %add3A_582 : i32
        %add3A_584 = vector.broadcast %add3A_583 : i32 to vector<16xi32>
        %add3A_585 = arith.addi %iota3A_578, %add3A_584 : vector<16xi32>
        %swap3A_586 = arith.constant 0 : i32
        %swap3A_587 = arith.index_cast %swap3A_586 : i32 to index
        %swap3A_588 = arith.constant 32 : index
        %swap3A_589 = tpu.vector_load %arg10[%swap3A_587, %swap3A_588] {strides = array<i32>} : memref<5x80xi32, #tpu.memory_space<vmem>>, vector<16xi32>,
        tpu.vector_store %arg10[%swap3A_587, %swap3A_588], %add3A_585 {strides = array<i32>} : memref<5x80xi32, #tpu.memory_space<vmem>>, vector<16xi32>,
        %iota3A_590 = tpu.iota {dimensions = array<i32: 0>} : vector<16xi32>
        %mul3A_591 = arith.constant 80 : i32
        %mul3A_592 = arith.muli %add3A_553, %mul3A_591 : i32
        %add3A_593 = arith.addi %mul3A_0, %mul3A_592 : i32
        %add3A_594 = arith.constant 48 : i32
        %add3A_595 = arith.addi %add3A_593, %add3A_594 : i32
        %add3A_596 = vector.broadcast %add3A_595 : i32 to vector<16xi32>
        %add3A_597 = arith.addi %iota3A_590, %add3A_596 : vector<16xi32>
        %swap3A_598 = arith.constant 0 : i32
        %swap3A_599 = arith.index_cast %swap3A_598 : i32 to index
        %swap3A_600 = arith.constant 48 : index
        %swap3A_601 = tpu.vector_load %arg10[%swap3A_599, %swap3A_600] {strides = array<i32>} : memref<5x80xi32, #tpu.memory_space<vmem>>, vector<16xi32>,
        tpu.vector_store %arg10[%swap3A_599, %swap3A_600], %add3A_597 {strides = array<i32>} : memref<5x80xi32, #tpu.memory_space<vmem>>, vector<16xi32>,
        %iota3A_602 = tpu.iota {dimensions = array<i32: 0>} : vector<16xi32>
        %mul3A_603 = arith.constant 80 : i32
        %mul3A_604 = arith.muli %add3A_553, %mul3A_603 : i32
        %add3A_605 = arith.addi %mul3A_0, %mul3A_604 : i32
        %add3A_606 = arith.constant 64 : i32
        %add3A_607 = arith.addi %add3A_605, %add3A_606 : i32
        %add3A_608 = vector.broadcast %add3A_607 : i32 to vector<16xi32>
        %add3A_609 = arith.addi %iota3A_602, %add3A_608 : vector<16xi32>
        %swap3A_610 = arith.constant 0 : i32
        %swap3A_611 = arith.index_cast %swap3A_610 : i32 to index
        %swap3A_612 = arith.constant 64 : index
        %swap3A_613 = tpu.vector_load %arg10[%swap3A_611, %swap3A_612] {strides = array<i32>} : memref<5x80xi32, #tpu.memory_space<vmem>>, vector<16xi32>,
        tpu.vector_store %arg10[%swap3A_611, %swap3A_612], %add3A_609 {strides = array<i32>} : memref<5x80xi32, #tpu.memory_space<vmem>>, vector<16xi32>,
        %dma_start3A_614 = arith.constant 0 : i32
        %dma_start3A_615 = arith.constant 0 : i32
        %dma_start3A_616 = arith.constant 0 : i32
        %dma_start3A_617 = arith.constant 0 : i32
        %dma_start3A_618 = tpu.memref_slice %arg11[%dma_start3A_615, %dma_start3A_616, %dma_start3A_617] : memref<5x80x128xf32, #tpu.memory_space<vmem>> -> memref<1x80x128xf32, #tpu.memory_space<vmem>>
        %dma_start3A_619 = tpu.memref_squeeze %dma_start3A_618 : memref<1x80x128xf32, #tpu.memory_space<vmem>> -> memref<80x128xf32, #tpu.memory_space<vmem>>
        %dma_start3A_620 = arith.constant 0 : i32
        %dma_start3A_621 = tpu.memref_slice %arg10[%dma_start3A_614, %dma_start3A_620] : memref<5x80xi32, #tpu.memory_space<vmem>> -> memref<1x80xi32, #tpu.memory_space<vmem>>
        %dma_start3A_622 = tpu.memref_squeeze %dma_start3A_621 : memref<1x80xi32, #tpu.memory_space<vmem>> -> memref<80xi32, #tpu.memory_space<vmem>>
        %dma_start3A_623 = arith.constant 0 : i32
        %dma_start3A_624 = arith.constant 0 : i32
        %dma_start3A_625 = tpu.memref_slice %arg3[%dma_start3A_623, %dma_start3A_624] : memref<160000x128xf32, #tpu.memory_space<hbm>> -> memref<160000x128xf32, #tpu.memory_space<hbm>>
        tpu.enqueue_indirect_dma source(%dma_start3A_625 : memref<160000x128xf32, #tpu.memory_space<hbm>>) target(%dma_start3A_619 : memref<80x128xf32, #tpu.memory_space<vmem>>) offsets(%dma_start3A_622 : memref<80xi32, #tpu.memory_space<vmem>>) semaphore(%arg15 : memref<!tpu.dma_semaphore, #tpu.memory_space<semaphore_mem>>)
      } else {
      }
      %add3A_404 = arith.constant 1 : i32
      %add3A_405 = arith.addi %add3A_370, %add3A_404 : i32
      %dma_wait3A_406 = arith.constant 1 : i32
      %dma_wait3A_407 = arith.constant 0 : i32
      %dma_wait3A_408 = arith.constant 0 : i32
      %dma_wait3A_409 = tpu.memref_slice %arg11[%dma_wait3A_406, %dma_wait3A_407, %dma_wait3A_408] : memref<5x80x128xf32, #tpu.memory_space<vmem>> -> memref<1x80x128xf32, #tpu.memory_space<vmem>>
      %dma_wait3A_410 = tpu.memref_squeeze %dma_wait3A_409 : memref<1x80x128xf32, #tpu.memory_space<vmem>> -> memref<80x128xf32, #tpu.memory_space<vmem>>
      %dma_wait3A_411 = arith.constant 0 : i32
      %dma_wait3A_412 = arith.constant 0 : i32
      %dma_wait3A_413 = tpu.memref_slice %arg3[%dma_wait3A_411, %dma_wait3A_412] : memref<160000x128xf32, #tpu.memory_space<hbm>> -> memref<80x128xf32, #tpu.memory_space<hbm>>
      %dma_wait3A_414 = arith.constant 0 : i32
      %dma_wait3A_415 = arith.constant 0 : i32
      %dma_wait3A_416 = tpu.memref_slice %arg11[%dma_wait3A_406, %dma_wait3A_414, %dma_wait3A_415] : memref<5x80x128xf32, #tpu.memory_space<vmem>> -> memref<1x80x128xf32, #tpu.memory_space<vmem>>
      %dma_wait3A_417 = tpu.memref_squeeze %dma_wait3A_416 : memref<1x80x128xf32, #tpu.memory_space<vmem>> -> memref<80x128xf32, #tpu.memory_space<vmem>>
      %dma_wait3A_418 = arith.constant 0 : i32
      %dma_wait3A_419 = arith.constant 0 : i32
      %dma_wait3A_420 = tpu.memref_slice %arg3[%dma_wait3A_418, %dma_wait3A_419] : memref<160000x128xf32, #tpu.memory_space<hbm>> -> memref<80x128xf32, #tpu.memory_space<hbm>>
      tpu.wait_dma2 semaphore(%arg16 : memref<!tpu.dma_semaphore, #tpu.memory_space<semaphore_mem>>) src(%dma_wait3A_420 : memref<80x128xf32, #tpu.memory_space<hbm>>) dst(%dma_wait3A_417 : memref<80x128xf32, #tpu.memory_space<vmem>>)
      %ge3A_421 = arith.cmpi sge, %add3A_405, %mul3A_4 : i32
      %lt3A_422 = arith.cmpi slt, %add3A_405, %add3A_8 : i32
      %and3A_423 = arith.andi %ge3A_421, %lt3A_422 : i1
      %convert_element_type3A_424 = arith.extui %and3A_423 : i1 to i32
      %cond3A_425 = arith.constant 0 : i32
      %cond3A_426 = arith.cmpi ne, %convert_element_type3A_424, %cond3A_425 : i32
      scf.if %cond3A_426 {
        %mul3A_552 = arith.constant 80 : i32
        %mul3A_553 = arith.muli %add3A_405, %mul3A_552 : i32
        %add3A_554 = arith.addi %mul3A_0, %mul3A_553 : i32
        "tpu.region"() ({
          %run_scoped3A_594 = tpu.sem_alloc : memref<!tpu.dma_semaphore, #tpu.memory_space<semaphore_mem>>
          %dma_start3A_595 = tpu.memref_slice %arg4[%add3A_554] : memref<160000xf32, #tpu.memory_space<hbm>> -> memref<80xf32, #tpu.memory_space<hbm>>
          %dma_start3A_596 = tpu.memref_slice %arg4[%add3A_554] : memref<160000xf32, #tpu.memory_space<hbm>> -> memref<80xf32, #tpu.memory_space<hbm>>
          tpu.enqueue_dma source(%dma_start3A_596 : memref<80xf32, #tpu.memory_space<hbm>>) target(%arg12 : memref<80xf32, #tpu.memory_space<vmem>>) target_semaphore(%run_scoped3A_594 : memref<!tpu.dma_semaphore, #tpu.memory_space<semaphore_mem>>)
          %dma_wait3A_597 = tpu.memref_slice %arg4[%add3A_554] : memref<160000xf32, #tpu.memory_space<hbm>> -> memref<80xf32, #tpu.memory_space<hbm>>
          %dma_wait3A_598 = tpu.memref_slice %arg4[%add3A_554] : memref<160000xf32, #tpu.memory_space<hbm>> -> memref<80xf32, #tpu.memory_space<hbm>>
          tpu.wait_dma2 semaphore(%run_scoped3A_594 : memref<!tpu.dma_semaphore, #tpu.memory_space<semaphore_mem>>) src(%dma_wait3A_598 : memref<80xf32, #tpu.memory_space<hbm>>) dst(%arg12 : memref<80xf32, #tpu.memory_space<vmem>>)
          tpu.yield
        }) : () -> ()
        %mul3A_555 = arith.constant 80 : i32
        %mul3A_556 = arith.muli %add3A_405, %mul3A_555 : i32
        %add3A_557 = arith.constant 0 : i32
        %add3A_558 = arith.addi %mul3A_556, %add3A_557 : i32
        %get3A = arith.index_cast %add3A_558 : i32 to index
        %get3A_559 = tpu.vector_load %arg8[%get3A] {strides = array<i32>} : memref<10000xi32, #tpu.memory_space<vmem>>, vector<16xi32>,
        %get3A_560 = arith.constant 0 : index
        %get3A_561 = tpu.vector_load %arg12[%get3A_560] {strides = array<i32>} : memref<80xf32, #tpu.memory_space<vmem>>, vector<16xf32>,
        tpu.vector_store_idx %arg13[%get3A_559], %get3A_561 {add = true} : memref<10000xf32, #tpu.memory_space<vmem>>[vector<16xi32>], vector<16xf32>,
        %mul3A_562 = arith.constant 80 : i32
        %mul3A_563 = arith.muli %add3A_405, %mul3A_562 : i32
        %add3A_564 = arith.constant 16 : i32
        %add3A_565 = arith.addi %mul3A_563, %add3A_564 : i32
        %get3A_566 = arith.index_cast %add3A_565 : i32 to index
        %get3A_567 = tpu.vector_load %arg8[%get3A_566] {strides = array<i32>} : memref<10000xi32, #tpu.memory_space<vmem>>, vector<16xi32>,
        %get3A_568 = arith.constant 16 : index
        %get3A_569 = tpu.vector_load %arg12[%get3A_568] {strides = array<i32>} : memref<80xf32, #tpu.memory_space<vmem>>, vector<16xf32>,
        tpu.vector_store_idx %arg13[%get3A_567], %get3A_569 {add = true} : memref<10000xf32, #tpu.memory_space<vmem>>[vector<16xi32>], vector<16xf32>,
        %mul3A_570 = arith.constant 80 : i32
        %mul3A_571 = arith.muli %add3A_405, %mul3A_570 : i32
        %add3A_572 = arith.constant 32 : i32
        %add3A_573 = arith.addi %mul3A_571, %add3A_572 : i32
        %get3A_574 = arith.index_cast %add3A_573 : i32 to index
        %get3A_575 = tpu.vector_load %arg8[%get3A_574] {strides = array<i32>} : memref<10000xi32, #tpu.memory_space<vmem>>, vector<16xi32>,
        %get3A_576 = arith.constant 32 : index
        %get3A_577 = tpu.vector_load %arg12[%get3A_576] {strides = array<i32>} : memref<80xf32, #tpu.memory_space<vmem>>, vector<16xf32>,
        tpu.vector_store_idx %arg13[%get3A_575], %get3A_577 {add = true} : memref<10000xf32, #tpu.memory_space<vmem>>[vector<16xi32>], vector<16xf32>,
        %mul3A_578 = arith.constant 80 : i32
        %mul3A_579 = arith.muli %add3A_405, %mul3A_578 : i32
        %add3A_580 = arith.constant 48 : i32
        %add3A_581 = arith.addi %mul3A_579, %add3A_580 : i32
        %get3A_582 = arith.index_cast %add3A_581 : i32 to index
        %get3A_583 = tpu.vector_load %arg8[%get3A_582] {strides = array<i32>} : memref<10000xi32, #tpu.memory_space<vmem>>, vector<16xi32>,
        %get3A_584 = arith.constant 48 : index
        %get3A_585 = tpu.vector_load %arg12[%get3A_584] {strides = array<i32>} : memref<80xf32, #tpu.memory_space<vmem>>, vector<16xf32>,
        tpu.vector_store_idx %arg13[%get3A_583], %get3A_585 {add = true} : memref<10000xf32, #tpu.memory_space<vmem>>[vector<16xi32>], vector<16xf32>,
        %mul3A_586 = arith.constant 80 : i32
        %mul3A_587 = arith.muli %add3A_405, %mul3A_586 : i32
        %add3A_588 = arith.constant 64 : i32
        %add3A_589 = arith.addi %mul3A_587, %add3A_588 : i32
        %get3A_590 = arith.index_cast %add3A_589 : i32 to index
        %get3A_591 = tpu.vector_load %arg8[%get3A_590] {strides = array<i32>} : memref<10000xi32, #tpu.memory_space<vmem>>, vector<16xi32>,
        %get3A_592 = arith.constant 64 : index
        %get3A_593 = tpu.vector_load %arg12[%get3A_592] {strides = array<i32>} : memref<80xf32, #tpu.memory_space<vmem>>, vector<16xf32>,
        tpu.vector_store_idx %arg13[%get3A_591], %get3A_593 {add = true} : memref<10000xf32, #tpu.memory_space<vmem>>[vector<16xi32>], vector<16xf32>,
      } else {
      }
      %scan3A_427 = arith.constant 0 : i32
      %scan3A_428 = arith.constant 5 : i32
      %scan3A_429 = arith.addi %scan3A_427, %scan3A_428 : i32
      %scan3A_430 = arith.constant 1 : i32
      scf.for %scan3A_552 = %scan3A_427 to %scan3A_429 step %scan3A_430  : i32 {
        %mul3A_553 = arith.constant 1 : i32
        %mul3A_554 = arith.muli %scan3A_552, %mul3A_553 : i32
        %add3A_555 = arith.constant 0 : i32
        %add3A_556 = arith.addi %add3A_555, %mul3A_554 : i32
        %mul3A_557 = arith.constant 80 : i32
        %mul3A_558 = arith.muli %add3A_405, %mul3A_557 : i32
        %mul3A_559 = arith.constant 16 : i32
        %mul3A_560 = arith.muli %add3A_556, %mul3A_559 : i32
        %add3A_561 = arith.addi %mul3A_558, %mul3A_560 : i32
        %get3A = arith.index_cast %add3A_561 : i32 to index
        %get3A_562 = tpu.vector_load %arg8[%get3A] {strides = array<i32>} : memref<10000xi32, #tpu.memory_space<vmem>>, vector<16xi32>,
        %sub3A = vector.broadcast %mul3A_2 : i32 to vector<16xi32>
        %sub3A_563 = arith.subi %get3A_562, %sub3A : vector<16xi32>
        %ge3A_564 = arith.constant 0 : i32
        %ge3A_565 = vector.broadcast %ge3A_564 : i32 to vector<16xi32>
        %ge3A_566 = arith.cmpi sge, %sub3A_563, %ge3A_565 : vector<16xi32>
        %lt3A_567 = arith.constant 5000 : i32
        %lt3A_568 = vector.broadcast %lt3A_567 : i32 to vector<16xi32>
        %lt3A_569 = arith.cmpi slt, %sub3A_563, %lt3A_568 : vector<16xi32>
        %and3A_570 = arith.andi %ge3A_566, %lt3A_569 : vector<16xi1>
        %jit3A = arith.constant 5000 : i32
        %broadcast_in_dim3A = vector.broadcast %jit3A : i32 to vector<16xi32>
        %select_n3A = arith.select %and3A_570, %sub3A_563, %broadcast_in_dim3A : vector<16xi1>, vector<16xi32>
        %mul3A_571 = arith.constant 16 : i32
        %mul3A_572 = arith.muli %add3A_556, %mul3A_571 : i32
        %swap3A_573 = arith.constant 0 : i32
        %swap3A_574 = arith.index_cast %swap3A_573 : i32 to index
        %swap3A_575 = arith.index_cast %mul3A_572 : i32 to index
        %swap3A_576 = tpu.vector_load %arg9[%swap3A_574, %swap3A_575] {strides = array<i32>} : memref<1x80xi32, #tpu.memory_space<vmem>>, vector<16xi32>,
        tpu.vector_store %arg9[%swap3A_574, %swap3A_575], %select_n3A {strides = array<i32>} : memref<1x80xi32, #tpu.memory_space<vmem>>, vector<16xi32>,
      }
      %scan3A_431 = arith.constant 5 : i32
      %run_scoped3A_432 = arith.constant 1 : i32
      %run_scoped3A_433 = arith.constant 0 : i32
      "tpu.region"() ({
        %run_scoped3A_552 = tpu.sem_alloc : memref<!tpu.dma_semaphore, #tpu.memory_space<semaphore_mem>>
        %dma_start3A_553 = arith.constant 0 : i32
        %dma_start3A_554 = arith.constant 0 : i32
        %dma_start3A_555 = tpu.memref_slice %arg11[%run_scoped3A_432, %dma_start3A_553, %dma_start3A_554] : memref<5x80x128xf32, #tpu.memory_space<vmem>> -> memref<1x80x128xf32, #tpu.memory_space<vmem>>
        %dma_start3A_556 = tpu.memref_squeeze %dma_start3A_555 : memref<1x80x128xf32, #tpu.memory_space<vmem>> -> memref<80x128xf32, #tpu.memory_space<vmem>>
        %dma_start3A_557 = arith.constant 0 : i32
        %dma_start3A_558 = tpu.memref_slice %arg9[%run_scoped3A_433, %dma_start3A_557] : memref<1x80xi32, #tpu.memory_space<vmem>> -> memref<1x80xi32, #tpu.memory_space<vmem>>
        %dma_start3A_559 = tpu.memref_squeeze %dma_start3A_558 : memref<1x80xi32, #tpu.memory_space<vmem>> -> memref<80xi32, #tpu.memory_space<vmem>>
        %dma_start3A_560 = arith.constant 0 : i32
        %dma_start3A_561 = arith.constant 0 : i32
        %dma_start3A_562 = tpu.memref_slice %arg14[%dma_start3A_560, %dma_start3A_561] : memref<5008x128xf32, #tpu.memory_space<vmem_shared>> -> memref<5008x128xf32, #tpu.memory_space<vmem_shared>>
        tpu.enqueue_indirect_dma source(%dma_start3A_556 : memref<80x128xf32, #tpu.memory_space<vmem>>) target(%dma_start3A_562 : memref<5008x128xf32, #tpu.memory_space<vmem_shared>>) offsets(%dma_start3A_559 : memref<80xi32, #tpu.memory_space<vmem>>) semaphore(%run_scoped3A_552 : memref<!tpu.dma_semaphore, #tpu.memory_space<semaphore_mem>>) {add = true}
        %dma_wait3A_563 = arith.constant 0 : i32
        %dma_wait3A_564 = arith.constant 0 : i32
        %dma_wait3A_565 = tpu.memref_slice %arg11[%run_scoped3A_432, %dma_wait3A_563, %dma_wait3A_564] : memref<5x80x128xf32, #tpu.memory_space<vmem>> -> memref<1x80x128xf32, #tpu.memory_space<vmem>>
        %dma_wait3A_566 = tpu.memref_squeeze %dma_wait3A_565 : memref<1x80x128xf32, #tpu.memory_space<vmem>> -> memref<80x128xf32, #tpu.memory_space<vmem>>
        %dma_wait3A_567 = arith.constant 0 : i32
        %dma_wait3A_568 = tpu.memref_slice %arg9[%run_scoped3A_433, %dma_wait3A_567] : memref<1x80xi32, #tpu.memory_space<vmem>> -> memref<1x80xi32, #tpu.memory_space<vmem>>
        %dma_wait3A_569 = tpu.memref_squeeze %dma_wait3A_568 : memref<1x80xi32, #tpu.memory_space<vmem>> -> memref<80xi32, #tpu.memory_space<vmem>>
        %dma_wait3A_570 = arith.constant 0 : i32
        %dma_wait3A_571 = arith.constant 0 : i32
        %dma_wait3A_572 = tpu.memref_slice %arg14[%dma_wait3A_570, %dma_wait3A_571] : memref<5008x128xf32, #tpu.memory_space<vmem_shared>> -> memref<5008x128xf32, #tpu.memory_space<vmem_shared>>
        tpu.wait_indirect_dma semaphore(%run_scoped3A_552 : memref<!tpu.dma_semaphore, #tpu.memory_space<semaphore_mem>>) src(%dma_wait3A_566 : memref<80x128xf32, #tpu.memory_space<vmem>>) dst(%dma_wait3A_572 : memref<5008x128xf32, #tpu.memory_space<vmem_shared>>)
        tpu.yield
      }) : () -> ()
      %add3A_434 = arith.constant 5 : i32
      %add3A_435 = arith.addi %add3A_405, %add3A_434 : i32
      %lt3A_436 = arith.constant 125 : i32
      %lt3A_437 = arith.cmpi slt, %add3A_435, %lt3A_436 : i32
      %convert_element_type3A_438 = arith.extui %lt3A_437 : i1 to i32
      %cond3A_439 = arith.constant 0 : i32
      %cond3A_440 = arith.cmpi ne, %convert_element_type3A_438, %cond3A_439 : i32
      scf.if %cond3A_440 {
        %add3A_552 = arith.constant 5 : i32
        %add3A_553 = arith.addi %add3A_405, %add3A_552 : i32
        %iota3A_554 = tpu.iota {dimensions = array<i32: 0>} : vector<16xi32>
        %mul3A_555 = arith.constant 80 : i32
        %mul3A_556 = arith.muli %add3A_553, %mul3A_555 : i32
        %add3A_557 = arith.addi %mul3A_0, %mul3A_556 : i32
        %add3A_558 = arith.constant 0 : i32
        %add3A_559 = arith.addi %add3A_557, %add3A_558 : i32
        %add3A_560 = vector.broadcast %add3A_559 : i32 to vector<16xi32>
        %add3A_561 = arith.addi %iota3A_554, %add3A_560 : vector<16xi32>
        %swap3A_562 = arith.constant 1 : i32
        %swap3A_563 = arith.index_cast %swap3A_562 : i32 to index
        %swap3A_564 = arith.constant 0 : index
        %swap3A_565 = tpu.vector_load %arg10[%swap3A_563, %swap3A_564] {strides = array<i32>} : memref<5x80xi32, #tpu.memory_space<vmem>>, vector<16xi32>,
        tpu.vector_store %arg10[%swap3A_563, %swap3A_564], %add3A_561 {strides = array<i32>} : memref<5x80xi32, #tpu.memory_space<vmem>>, vector<16xi32>,
        %iota3A_566 = tpu.iota {dimensions = array<i32: 0>} : vector<16xi32>
        %mul3A_567 = arith.constant 80 : i32
        %mul3A_568 = arith.muli %add3A_553, %mul3A_567 : i32
        %add3A_569 = arith.addi %mul3A_0, %mul3A_568 : i32
        %add3A_570 = arith.constant 16 : i32
        %add3A_571 = arith.addi %add3A_569, %add3A_570 : i32
        %add3A_572 = vector.broadcast %add3A_571 : i32 to vector<16xi32>
        %add3A_573 = arith.addi %iota3A_566, %add3A_572 : vector<16xi32>
        %swap3A_574 = arith.constant 1 : i32
        %swap3A_575 = arith.index_cast %swap3A_574 : i32 to index
        %swap3A_576 = arith.constant 16 : index
        %swap3A_577 = tpu.vector_load %arg10[%swap3A_575, %swap3A_576] {strides = array<i32>} : memref<5x80xi32, #tpu.memory_space<vmem>>, vector<16xi32>,
        tpu.vector_store %arg10[%swap3A_575, %swap3A_576], %add3A_573 {strides = array<i32>} : memref<5x80xi32, #tpu.memory_space<vmem>>, vector<16xi32>,
        %iota3A_578 = tpu.iota {dimensions = array<i32: 0>} : vector<16xi32>
        %mul3A_579 = arith.constant 80 : i32
        %mul3A_580 = arith.muli %add3A_553, %mul3A_579 : i32
        %add3A_581 = arith.addi %mul3A_0, %mul3A_580 : i32
        %add3A_582 = arith.constant 32 : i32
        %add3A_583 = arith.addi %add3A_581, %add3A_582 : i32
        %add3A_584 = vector.broadcast %add3A_583 : i32 to vector<16xi32>
        %add3A_585 = arith.addi %iota3A_578, %add3A_584 : vector<16xi32>
        %swap3A_586 = arith.constant 1 : i32
        %swap3A_587 = arith.index_cast %swap3A_586 : i32 to index
        %swap3A_588 = arith.constant 32 : index
        %swap3A_589 = tpu.vector_load %arg10[%swap3A_587, %swap3A_588] {strides = array<i32>} : memref<5x80xi32, #tpu.memory_space<vmem>>, vector<16xi32>,
        tpu.vector_store %arg10[%swap3A_587, %swap3A_588], %add3A_585 {strides = array<i32>} : memref<5x80xi32, #tpu.memory_space<vmem>>, vector<16xi32>,
        %iota3A_590 = tpu.iota {dimensions = array<i32: 0>} : vector<16xi32>
        %mul3A_591 = arith.constant 80 : i32
        %mul3A_592 = arith.muli %add3A_553, %mul3A_591 : i32
        %add3A_593 = arith.addi %mul3A_0, %mul3A_592 : i32
        %add3A_594 = arith.constant 48 : i32
        %add3A_595 = arith.addi %add3A_593, %add3A_594 : i32
        %add3A_596 = vector.broadcast %add3A_595 : i32 to vector<16xi32>
        %add3A_597 = arith.addi %iota3A_590, %add3A_596 : vector<16xi32>
        %swap3A_598 = arith.constant 1 : i32
        %swap3A_599 = arith.index_cast %swap3A_598 : i32 to index
        %swap3A_600 = arith.constant 48 : index
        %swap3A_601 = tpu.vector_load %arg10[%swap3A_599, %swap3A_600] {strides = array<i32>} : memref<5x80xi32, #tpu.memory_space<vmem>>, vector<16xi32>,
        tpu.vector_store %arg10[%swap3A_599, %swap3A_600], %add3A_597 {strides = array<i32>} : memref<5x80xi32, #tpu.memory_space<vmem>>, vector<16xi32>,
        %iota3A_602 = tpu.iota {dimensions = array<i32: 0>} : vector<16xi32>
        %mul3A_603 = arith.constant 80 : i32
        %mul3A_604 = arith.muli %add3A_553, %mul3A_603 : i32
        %add3A_605 = arith.addi %mul3A_0, %mul3A_604 : i32
        %add3A_606 = arith.constant 64 : i32
        %add3A_607 = arith.addi %add3A_605, %add3A_606 : i32
        %add3A_608 = vector.broadcast %add3A_607 : i32 to vector<16xi32>
        %add3A_609 = arith.addi %iota3A_602, %add3A_608 : vector<16xi32>
        %swap3A_610 = arith.constant 1 : i32
        %swap3A_611 = arith.index_cast %swap3A_610 : i32 to index
        %swap3A_612 = arith.constant 64 : index
        %swap3A_613 = tpu.vector_load %arg10[%swap3A_611, %swap3A_612] {strides = array<i32>} : memref<5x80xi32, #tpu.memory_space<vmem>>, vector<16xi32>,
        tpu.vector_store %arg10[%swap3A_611, %swap3A_612], %add3A_609 {strides = array<i32>} : memref<5x80xi32, #tpu.memory_space<vmem>>, vector<16xi32>,
        %dma_start3A_614 = arith.constant 1 : i32
        %dma_start3A_615 = arith.constant 1 : i32
        %dma_start3A_616 = arith.constant 0 : i32
        %dma_start3A_617 = arith.constant 0 : i32
        %dma_start3A_618 = tpu.memref_slice %arg11[%dma_start3A_615, %dma_start3A_616, %dma_start3A_617] : memref<5x80x128xf32, #tpu.memory_space<vmem>> -> memref<1x80x128xf32, #tpu.memory_space<vmem>>
        %dma_start3A_619 = tpu.memref_squeeze %dma_start3A_618 : memref<1x80x128xf32, #tpu.memory_space<vmem>> -> memref<80x128xf32, #tpu.memory_space<vmem>>
        %dma_start3A_620 = arith.constant 0 : i32
        %dma_start3A_621 = tpu.memref_slice %arg10[%dma_start3A_614, %dma_start3A_620] : memref<5x80xi32, #tpu.memory_space<vmem>> -> memref<1x80xi32, #tpu.memory_space<vmem>>
        %dma_start3A_622 = tpu.memref_squeeze %dma_start3A_621 : memref<1x80xi32, #tpu.memory_space<vmem>> -> memref<80xi32, #tpu.memory_space<vmem>>
        %dma_start3A_623 = arith.constant 0 : i32
        %dma_start3A_624 = arith.constant 0 : i32
        %dma_start3A_625 = tpu.memref_slice %arg3[%dma_start3A_623, %dma_start3A_624] : memref<160000x128xf32, #tpu.memory_space<hbm>> -> memref<160000x128xf32, #tpu.memory_space<hbm>>
        tpu.enqueue_indirect_dma source(%dma_start3A_625 : memref<160000x128xf32, #tpu.memory_space<hbm>>) target(%dma_start3A_619 : memref<80x128xf32, #tpu.memory_space<vmem>>) offsets(%dma_start3A_622 : memref<80xi32, #tpu.memory_space<vmem>>) semaphore(%arg16 : memref<!tpu.dma_semaphore, #tpu.memory_space<semaphore_mem>>)
      } else {
      }
      %add3A_441 = arith.constant 2 : i32
      %add3A_442 = arith.addi %add3A_370, %add3A_441 : i32
      %dma_wait3A_443 = arith.constant 2 : i32
      %dma_wait3A_444 = arith.constant 0 : i32
      %dma_wait3A_445 = arith.constant 0 : i32
      %dma_wait3A_446 = tpu.memref_slice %arg11[%dma_wait3A_443, %dma_wait3A_444, %dma_wait3A_445] : memref<5x80x128xf32, #tpu.memory_space<vmem>> -> memref<1x80x128xf32, #tpu.memory_space<vmem>>
      %dma_wait3A_447 = tpu.memref_squeeze %dma_wait3A_446 : memref<1x80x128xf32, #tpu.memory_space<vmem>> -> memref<80x128xf32, #tpu.memory_space<vmem>>
      %dma_wait3A_448 = arith.constant 0 : i32
      %dma_wait3A_449 = arith.constant 0 : i32
      %dma_wait3A_450 = tpu.memref_slice %arg3[%dma_wait3A_448, %dma_wait3A_449] : memref<160000x128xf32, #tpu.memory_space<hbm>> -> memref<80x128xf32, #tpu.memory_space<hbm>>
      %dma_wait3A_451 = arith.constant 0 : i32
      %dma_wait3A_452 = arith.constant 0 : i32
      %dma_wait3A_453 = tpu.memref_slice %arg11[%dma_wait3A_443, %dma_wait3A_451, %dma_wait3A_452] : memref<5x80x128xf32, #tpu.memory_space<vmem>> -> memref<1x80x128xf32, #tpu.memory_space<vmem>>
      %dma_wait3A_454 = tpu.memref_squeeze %dma_wait3A_453 : memref<1x80x128xf32, #tpu.memory_space<vmem>> -> memref<80x128xf32, #tpu.memory_space<vmem>>
      %dma_wait3A_455 = arith.constant 0 : i32
      %dma_wait3A_456 = arith.constant 0 : i32
      %dma_wait3A_457 = tpu.memref_slice %arg3[%dma_wait3A_455, %dma_wait3A_456] : memref<160000x128xf32, #tpu.memory_space<hbm>> -> memref<80x128xf32, #tpu.memory_space<hbm>>
      tpu.wait_dma2 semaphore(%arg17 : memref<!tpu.dma_semaphore, #tpu.memory_space<semaphore_mem>>) src(%dma_wait3A_457 : memref<80x128xf32, #tpu.memory_space<hbm>>) dst(%dma_wait3A_454 : memref<80x128xf32, #tpu.memory_space<vmem>>)
      %ge3A_458 = arith.cmpi sge, %add3A_442, %mul3A_4 : i32
      %lt3A_459 = arith.cmpi slt, %add3A_442, %add3A_8 : i32
      %and3A_460 = arith.andi %ge3A_458, %lt3A_459 : i1
      %convert_element_type3A_461 = arith.extui %and3A_460 : i1 to i32
      %cond3A_462 = arith.constant 0 : i32
      %cond3A_463 = arith.cmpi ne, %convert_element_type3A_461, %cond3A_462 : i32
      scf.if %cond3A_463 {
        %mul3A_552 = arith.constant 80 : i32
        %mul3A_553 = arith.muli %add3A_442, %mul3A_552 : i32
        %add3A_554 = arith.addi %mul3A_0, %mul3A_553 : i32
        "tpu.region"() ({
          %run_scoped3A_594 = tpu.sem_alloc : memref<!tpu.dma_semaphore, #tpu.memory_space<semaphore_mem>>
          %dma_start3A_595 = tpu.memref_slice %arg4[%add3A_554] : memref<160000xf32, #tpu.memory_space<hbm>> -> memref<80xf32, #tpu.memory_space<hbm>>
          %dma_start3A_596 = tpu.memref_slice %arg4[%add3A_554] : memref<160000xf32, #tpu.memory_space<hbm>> -> memref<80xf32, #tpu.memory_space<hbm>>
          tpu.enqueue_dma source(%dma_start3A_596 : memref<80xf32, #tpu.memory_space<hbm>>) target(%arg12 : memref<80xf32, #tpu.memory_space<vmem>>) target_semaphore(%run_scoped3A_594 : memref<!tpu.dma_semaphore, #tpu.memory_space<semaphore_mem>>)
          %dma_wait3A_597 = tpu.memref_slice %arg4[%add3A_554] : memref<160000xf32, #tpu.memory_space<hbm>> -> memref<80xf32, #tpu.memory_space<hbm>>
          %dma_wait3A_598 = tpu.memref_slice %arg4[%add3A_554] : memref<160000xf32, #tpu.memory_space<hbm>> -> memref<80xf32, #tpu.memory_space<hbm>>
          tpu.wait_dma2 semaphore(%run_scoped3A_594 : memref<!tpu.dma_semaphore, #tpu.memory_space<semaphore_mem>>) src(%dma_wait3A_598 : memref<80xf32, #tpu.memory_space<hbm>>) dst(%arg12 : memref<80xf32, #tpu.memory_space<vmem>>)
          tpu.yield
        }) : () -> ()
        %mul3A_555 = arith.constant 80 : i32
        %mul3A_556 = arith.muli %add3A_442, %mul3A_555 : i32
        %add3A_557 = arith.constant 0 : i32
        %add3A_558 = arith.addi %mul3A_556, %add3A_557 : i32
        %get3A = arith.index_cast %add3A_558 : i32 to index
        %get3A_559 = tpu.vector_load %arg8[%get3A] {strides = array<i32>} : memref<10000xi32, #tpu.memory_space<vmem>>, vector<16xi32>,
        %get3A_560 = arith.constant 0 : index
        %get3A_561 = tpu.vector_load %arg12[%get3A_560] {strides = array<i32>} : memref<80xf32, #tpu.memory_space<vmem>>, vector<16xf32>,
        tpu.vector_store_idx %arg13[%get3A_559], %get3A_561 {add = true} : memref<10000xf32, #tpu.memory_space<vmem>>[vector<16xi32>], vector<16xf32>,
        %mul3A_562 = arith.constant 80 : i32
        %mul3A_563 = arith.muli %add3A_442, %mul3A_562 : i32
        %add3A_564 = arith.constant 16 : i32
        %add3A_565 = arith.addi %mul3A_563, %add3A_564 : i32
        %get3A_566 = arith.index_cast %add3A_565 : i32 to index
        %get3A_567 = tpu.vector_load %arg8[%get3A_566] {strides = array<i32>} : memref<10000xi32, #tpu.memory_space<vmem>>, vector<16xi32>,
        %get3A_568 = arith.constant 16 : index
        %get3A_569 = tpu.vector_load %arg12[%get3A_568] {strides = array<i32>} : memref<80xf32, #tpu.memory_space<vmem>>, vector<16xf32>,
        tpu.vector_store_idx %arg13[%get3A_567], %get3A_569 {add = true} : memref<10000xf32, #tpu.memory_space<vmem>>[vector<16xi32>], vector<16xf32>,
        %mul3A_570 = arith.constant 80 : i32
        %mul3A_571 = arith.muli %add3A_442, %mul3A_570 : i32
        %add3A_572 = arith.constant 32 : i32
        %add3A_573 = arith.addi %mul3A_571, %add3A_572 : i32
        %get3A_574 = arith.index_cast %add3A_573 : i32 to index
        %get3A_575 = tpu.vector_load %arg8[%get3A_574] {strides = array<i32>} : memref<10000xi32, #tpu.memory_space<vmem>>, vector<16xi32>,
        %get3A_576 = arith.constant 32 : index
        %get3A_577 = tpu.vector_load %arg12[%get3A_576] {strides = array<i32>} : memref<80xf32, #tpu.memory_space<vmem>>, vector<16xf32>,
        tpu.vector_store_idx %arg13[%get3A_575], %get3A_577 {add = true} : memref<10000xf32, #tpu.memory_space<vmem>>[vector<16xi32>], vector<16xf32>,
        %mul3A_578 = arith.constant 80 : i32
        %mul3A_579 = arith.muli %add3A_442, %mul3A_578 : i32
        %add3A_580 = arith.constant 48 : i32
        %add3A_581 = arith.addi %mul3A_579, %add3A_580 : i32
        %get3A_582 = arith.index_cast %add3A_581 : i32 to index
        %get3A_583 = tpu.vector_load %arg8[%get3A_582] {strides = array<i32>} : memref<10000xi32, #tpu.memory_space<vmem>>, vector<16xi32>,
        %get3A_584 = arith.constant 48 : index
        %get3A_585 = tpu.vector_load %arg12[%get3A_584] {strides = array<i32>} : memref<80xf32, #tpu.memory_space<vmem>>, vector<16xf32>,
        tpu.vector_store_idx %arg13[%get3A_583], %get3A_585 {add = true} : memref<10000xf32, #tpu.memory_space<vmem>>[vector<16xi32>], vector<16xf32>,
        %mul3A_586 = arith.constant 80 : i32
        %mul3A_587 = arith.muli %add3A_442, %mul3A_586 : i32
        %add3A_588 = arith.constant 64 : i32
        %add3A_589 = arith.addi %mul3A_587, %add3A_588 : i32
        %get3A_590 = arith.index_cast %add3A_589 : i32 to index
        %get3A_591 = tpu.vector_load %arg8[%get3A_590] {strides = array<i32>} : memref<10000xi32, #tpu.memory_space<vmem>>, vector<16xi32>,
        %get3A_592 = arith.constant 64 : index
        %get3A_593 = tpu.vector_load %arg12[%get3A_592] {strides = array<i32>} : memref<80xf32, #tpu.memory_space<vmem>>, vector<16xf32>,
        tpu.vector_store_idx %arg13[%get3A_591], %get3A_593 {add = true} : memref<10000xf32, #tpu.memory_space<vmem>>[vector<16xi32>], vector<16xf32>,
      } else {
      }
      %scan3A_464 = arith.constant 0 : i32
      %scan3A_465 = arith.constant 5 : i32
      %scan3A_466 = arith.addi %scan3A_464, %scan3A_465 : i32
      %scan3A_467 = arith.constant 1 : i32
      scf.for %scan3A_552 = %scan3A_464 to %scan3A_466 step %scan3A_467  : i32 {
        %mul3A_553 = arith.constant 1 : i32
        %mul3A_554 = arith.muli %scan3A_552, %mul3A_553 : i32
        %add3A_555 = arith.constant 0 : i32
        %add3A_556 = arith.addi %add3A_555, %mul3A_554 : i32
        %mul3A_557 = arith.constant 80 : i32
        %mul3A_558 = arith.muli %add3A_442, %mul3A_557 : i32
        %mul3A_559 = arith.constant 16 : i32
        %mul3A_560 = arith.muli %add3A_556, %mul3A_559 : i32
        %add3A_561 = arith.addi %mul3A_558, %mul3A_560 : i32
        %get3A = arith.index_cast %add3A_561 : i32 to index
        %get3A_562 = tpu.vector_load %arg8[%get3A] {strides = array<i32>} : memref<10000xi32, #tpu.memory_space<vmem>>, vector<16xi32>,
        %sub3A = vector.broadcast %mul3A_2 : i32 to vector<16xi32>
        %sub3A_563 = arith.subi %get3A_562, %sub3A : vector<16xi32>
        %ge3A_564 = arith.constant 0 : i32
        %ge3A_565 = vector.broadcast %ge3A_564 : i32 to vector<16xi32>
        %ge3A_566 = arith.cmpi sge, %sub3A_563, %ge3A_565 : vector<16xi32>
        %lt3A_567 = arith.constant 5000 : i32
        %lt3A_568 = vector.broadcast %lt3A_567 : i32 to vector<16xi32>
        %lt3A_569 = arith.cmpi slt, %sub3A_563, %lt3A_568 : vector<16xi32>
        %and3A_570 = arith.andi %ge3A_566, %lt3A_569 : vector<16xi1>
        %jit3A = arith.constant 5000 : i32
        %broadcast_in_dim3A = vector.broadcast %jit3A : i32 to vector<16xi32>
        %select_n3A = arith.select %and3A_570, %sub3A_563, %broadcast_in_dim3A : vector<16xi1>, vector<16xi32>
        %mul3A_571 = arith.constant 16 : i32
        %mul3A_572 = arith.muli %add3A_556, %mul3A_571 : i32
        %swap3A_573 = arith.constant 0 : i32
        %swap3A_574 = arith.index_cast %swap3A_573 : i32 to index
        %swap3A_575 = arith.index_cast %mul3A_572 : i32 to index
        %swap3A_576 = tpu.vector_load %arg9[%swap3A_574, %swap3A_575] {strides = array<i32>} : memref<1x80xi32, #tpu.memory_space<vmem>>, vector<16xi32>,
        tpu.vector_store %arg9[%swap3A_574, %swap3A_575], %select_n3A {strides = array<i32>} : memref<1x80xi32, #tpu.memory_space<vmem>>, vector<16xi32>,
      }
      %scan3A_468 = arith.constant 5 : i32
      %run_scoped3A_469 = arith.constant 2 : i32
      %run_scoped3A_470 = arith.constant 0 : i32
      "tpu.region"() ({
        %run_scoped3A_552 = tpu.sem_alloc : memref<!tpu.dma_semaphore, #tpu.memory_space<semaphore_mem>>
        %dma_start3A_553 = arith.constant 0 : i32
        %dma_start3A_554 = arith.constant 0 : i32
        %dma_start3A_555 = tpu.memref_slice %arg11[%run_scoped3A_469, %dma_start3A_553, %dma_start3A_554] : memref<5x80x128xf32, #tpu.memory_space<vmem>> -> memref<1x80x128xf32, #tpu.memory_space<vmem>>
        %dma_start3A_556 = tpu.memref_squeeze %dma_start3A_555 : memref<1x80x128xf32, #tpu.memory_space<vmem>> -> memref<80x128xf32, #tpu.memory_space<vmem>>
        %dma_start3A_557 = arith.constant 0 : i32
        %dma_start3A_558 = tpu.memref_slice %arg9[%run_scoped3A_470, %dma_start3A_557] : memref<1x80xi32, #tpu.memory_space<vmem>> -> memref<1x80xi32, #tpu.memory_space<vmem>>
        %dma_start3A_559 = tpu.memref_squeeze %dma_start3A_558 : memref<1x80xi32, #tpu.memory_space<vmem>> -> memref<80xi32, #tpu.memory_space<vmem>>
        %dma_start3A_560 = arith.constant 0 : i32
        %dma_start3A_561 = arith.constant 0 : i32
        %dma_start3A_562 = tpu.memref_slice %arg14[%dma_start3A_560, %dma_start3A_561] : memref<5008x128xf32, #tpu.memory_space<vmem_shared>> -> memref<5008x128xf32, #tpu.memory_space<vmem_shared>>
        tpu.enqueue_indirect_dma source(%dma_start3A_556 : memref<80x128xf32, #tpu.memory_space<vmem>>) target(%dma_start3A_562 : memref<5008x128xf32, #tpu.memory_space<vmem_shared>>) offsets(%dma_start3A_559 : memref<80xi32, #tpu.memory_space<vmem>>) semaphore(%run_scoped3A_552 : memref<!tpu.dma_semaphore, #tpu.memory_space<semaphore_mem>>) {add = true}
        %dma_wait3A_563 = arith.constant 0 : i32
        %dma_wait3A_564 = arith.constant 0 : i32
        %dma_wait3A_565 = tpu.memref_slice %arg11[%run_scoped3A_469, %dma_wait3A_563, %dma_wait3A_564] : memref<5x80x128xf32, #tpu.memory_space<vmem>> -> memref<1x80x128xf32, #tpu.memory_space<vmem>>
        %dma_wait3A_566 = tpu.memref_squeeze %dma_wait3A_565 : memref<1x80x128xf32, #tpu.memory_space<vmem>> -> memref<80x128xf32, #tpu.memory_space<vmem>>
        %dma_wait3A_567 = arith.constant 0 : i32
        %dma_wait3A_568 = tpu.memref_slice %arg9[%run_scoped3A_470, %dma_wait3A_567] : memref<1x80xi32, #tpu.memory_space<vmem>> -> memref<1x80xi32, #tpu.memory_space<vmem>>
        %dma_wait3A_569 = tpu.memref_squeeze %dma_wait3A_568 : memref<1x80xi32, #tpu.memory_space<vmem>> -> memref<80xi32, #tpu.memory_space<vmem>>
        %dma_wait3A_570 = arith.constant 0 : i32
        %dma_wait3A_571 = arith.constant 0 : i32
        %dma_wait3A_572 = tpu.memref_slice %arg14[%dma_wait3A_570, %dma_wait3A_571] : memref<5008x128xf32, #tpu.memory_space<vmem_shared>> -> memref<5008x128xf32, #tpu.memory_space<vmem_shared>>
        tpu.wait_indirect_dma semaphore(%run_scoped3A_552 : memref<!tpu.dma_semaphore, #tpu.memory_space<semaphore_mem>>) src(%dma_wait3A_566 : memref<80x128xf32, #tpu.memory_space<vmem>>) dst(%dma_wait3A_572 : memref<5008x128xf32, #tpu.memory_space<vmem_shared>>)
        tpu.yield
      }) : () -> ()
      %add3A_471 = arith.constant 5 : i32
      %add3A_472 = arith.addi %add3A_442, %add3A_471 : i32
      %lt3A_473 = arith.constant 125 : i32
      %lt3A_474 = arith.cmpi slt, %add3A_472, %lt3A_473 : i32
      %convert_element_type3A_475 = arith.extui %lt3A_474 : i1 to i32
      %cond3A_476 = arith.constant 0 : i32
      %cond3A_477 = arith.cmpi ne, %convert_element_type3A_475, %cond3A_476 : i32
      scf.if %cond3A_477 {
        %add3A_552 = arith.constant 5 : i32
        %add3A_553 = arith.addi %add3A_442, %add3A_552 : i32
        %iota3A_554 = tpu.iota {dimensions = array<i32: 0>} : vector<16xi32>
        %mul3A_555 = arith.constant 80 : i32
        %mul3A_556 = arith.muli %add3A_553, %mul3A_555 : i32
        %add3A_557 = arith.addi %mul3A_0, %mul3A_556 : i32
        %add3A_558 = arith.constant 0 : i32
        %add3A_559 = arith.addi %add3A_557, %add3A_558 : i32
        %add3A_560 = vector.broadcast %add3A_559 : i32 to vector<16xi32>
        %add3A_561 = arith.addi %iota3A_554, %add3A_560 : vector<16xi32>
        %swap3A_562 = arith.constant 2 : i32
        %swap3A_563 = arith.index_cast %swap3A_562 : i32 to index
        %swap3A_564 = arith.constant 0 : index
        %swap3A_565 = tpu.vector_load %arg10[%swap3A_563, %swap3A_564] {strides = array<i32>} : memref<5x80xi32, #tpu.memory_space<vmem>>, vector<16xi32>,
        tpu.vector_store %arg10[%swap3A_563, %swap3A_564], %add3A_561 {strides = array<i32>} : memref<5x80xi32, #tpu.memory_space<vmem>>, vector<16xi32>,
        %iota3A_566 = tpu.iota {dimensions = array<i32: 0>} : vector<16xi32>
        %mul3A_567 = arith.constant 80 : i32
        %mul3A_568 = arith.muli %add3A_553, %mul3A_567 : i32
        %add3A_569 = arith.addi %mul3A_0, %mul3A_568 : i32
        %add3A_570 = arith.constant 16 : i32
        %add3A_571 = arith.addi %add3A_569, %add3A_570 : i32
        %add3A_572 = vector.broadcast %add3A_571 : i32 to vector<16xi32>
        %add3A_573 = arith.addi %iota3A_566, %add3A_572 : vector<16xi32>
        %swap3A_574 = arith.constant 2 : i32
        %swap3A_575 = arith.index_cast %swap3A_574 : i32 to index
        %swap3A_576 = arith.constant 16 : index
        %swap3A_577 = tpu.vector_load %arg10[%swap3A_575, %swap3A_576] {strides = array<i32>} : memref<5x80xi32, #tpu.memory_space<vmem>>, vector<16xi32>,
        tpu.vector_store %arg10[%swap3A_575, %swap3A_576], %add3A_573 {strides = array<i32>} : memref<5x80xi32, #tpu.memory_space<vmem>>, vector<16xi32>,
        %iota3A_578 = tpu.iota {dimensions = array<i32: 0>} : vector<16xi32>
        %mul3A_579 = arith.constant 80 : i32
        %mul3A_580 = arith.muli %add3A_553, %mul3A_579 : i32
        %add3A_581 = arith.addi %mul3A_0, %mul3A_580 : i32
        %add3A_582 = arith.constant 32 : i32
        %add3A_583 = arith.addi %add3A_581, %add3A_582 : i32
        %add3A_584 = vector.broadcast %add3A_583 : i32 to vector<16xi32>
        %add3A_585 = arith.addi %iota3A_578, %add3A_584 : vector<16xi32>
        %swap3A_586 = arith.constant 2 : i32
        %swap3A_587 = arith.index_cast %swap3A_586 : i32 to index
        %swap3A_588 = arith.constant 32 : index
        %swap3A_589 = tpu.vector_load %arg10[%swap3A_587, %swap3A_588] {strides = array<i32>} : memref<5x80xi32, #tpu.memory_space<vmem>>, vector<16xi32>,
        tpu.vector_store %arg10[%swap3A_587, %swap3A_588], %add3A_585 {strides = array<i32>} : memref<5x80xi32, #tpu.memory_space<vmem>>, vector<16xi32>,
        %iota3A_590 = tpu.iota {dimensions = array<i32: 0>} : vector<16xi32>
        %mul3A_591 = arith.constant 80 : i32
        %mul3A_592 = arith.muli %add3A_553, %mul3A_591 : i32
        %add3A_593 = arith.addi %mul3A_0, %mul3A_592 : i32
        %add3A_594 = arith.constant 48 : i32
        %add3A_595 = arith.addi %add3A_593, %add3A_594 : i32
        %add3A_596 = vector.broadcast %add3A_595 : i32 to vector<16xi32>
        %add3A_597 = arith.addi %iota3A_590, %add3A_596 : vector<16xi32>
        %swap3A_598 = arith.constant 2 : i32
        %swap3A_599 = arith.index_cast %swap3A_598 : i32 to index
        %swap3A_600 = arith.constant 48 : index
        %swap3A_601 = tpu.vector_load %arg10[%swap3A_599, %swap3A_600] {strides = array<i32>} : memref<5x80xi32, #tpu.memory_space<vmem>>, vector<16xi32>,
        tpu.vector_store %arg10[%swap3A_599, %swap3A_600], %add3A_597 {strides = array<i32>} : memref<5x80xi32, #tpu.memory_space<vmem>>, vector<16xi32>,
        %iota3A_602 = tpu.iota {dimensions = array<i32: 0>} : vector<16xi32>
        %mul3A_603 = arith.constant 80 : i32
        %mul3A_604 = arith.muli %add3A_553, %mul3A_603 : i32
        %add3A_605 = arith.addi %mul3A_0, %mul3A_604 : i32
        %add3A_606 = arith.constant 64 : i32
        %add3A_607 = arith.addi %add3A_605, %add3A_606 : i32
        %add3A_608 = vector.broadcast %add3A_607 : i32 to vector<16xi32>
        %add3A_609 = arith.addi %iota3A_602, %add3A_608 : vector<16xi32>
        %swap3A_610 = arith.constant 2 : i32
        %swap3A_611 = arith.index_cast %swap3A_610 : i32 to index
        %swap3A_612 = arith.constant 64 : index
        %swap3A_613 = tpu.vector_load %arg10[%swap3A_611, %swap3A_612] {strides = array<i32>} : memref<5x80xi32, #tpu.memory_space<vmem>>, vector<16xi32>,
        tpu.vector_store %arg10[%swap3A_611, %swap3A_612], %add3A_609 {strides = array<i32>} : memref<5x80xi32, #tpu.memory_space<vmem>>, vector<16xi32>,
        %dma_start3A_614 = arith.constant 2 : i32
        %dma_start3A_615 = arith.constant 2 : i32
        %dma_start3A_616 = arith.constant 0 : i32
        %dma_start3A_617 = arith.constant 0 : i32
        %dma_start3A_618 = tpu.memref_slice %arg11[%dma_start3A_615, %dma_start3A_616, %dma_start3A_617] : memref<5x80x128xf32, #tpu.memory_space<vmem>> -> memref<1x80x128xf32, #tpu.memory_space<vmem>>
        %dma_start3A_619 = tpu.memref_squeeze %dma_start3A_618 : memref<1x80x128xf32, #tpu.memory_space<vmem>> -> memref<80x128xf32, #tpu.memory_space<vmem>>
        %dma_start3A_620 = arith.constant 0 : i32
        %dma_start3A_621 = tpu.memref_slice %arg10[%dma_start3A_614, %dma_start3A_620] : memref<5x80xi32, #tpu.memory_space<vmem>> -> memref<1x80xi32, #tpu.memory_space<vmem>>
        %dma_start3A_622 = tpu.memref_squeeze %dma_start3A_621 : memref<1x80xi32, #tpu.memory_space<vmem>> -> memref<80xi32, #tpu.memory_space<vmem>>
        %dma_start3A_623 = arith.constant 0 : i32
        %dma_start3A_624 = arith.constant 0 : i32
        %dma_start3A_625 = tpu.memref_slice %arg3[%dma_start3A_623, %dma_start3A_624] : memref<160000x128xf32, #tpu.memory_space<hbm>> -> memref<160000x128xf32, #tpu.memory_space<hbm>>
        tpu.enqueue_indirect_dma source(%dma_start3A_625 : memref<160000x128xf32, #tpu.memory_space<hbm>>) target(%dma_start3A_619 : memref<80x128xf32, #tpu.memory_space<vmem>>) offsets(%dma_start3A_622 : memref<80xi32, #tpu.memory_space<vmem>>) semaphore(%arg17 : memref<!tpu.dma_semaphore, #tpu.memory_space<semaphore_mem>>)
      } else {
      }
      %add3A_478 = arith.constant 3 : i32
      %add3A_479 = arith.addi %add3A_370, %add3A_478 : i32
      %dma_wait3A_480 = arith.constant 3 : i32
      %dma_wait3A_481 = arith.constant 0 : i32
      %dma_wait3A_482 = arith.constant 0 : i32
      %dma_wait3A_483 = tpu.memref_slice %arg11[%dma_wait3A_480, %dma_wait3A_481, %dma_wait3A_482] : memref<5x80x128xf32, #tpu.memory_space<vmem>> -> memref<1x80x128xf32, #tpu.memory_space<vmem>>
      %dma_wait3A_484 = tpu.memref_squeeze %dma_wait3A_483 : memref<1x80x128xf32, #tpu.memory_space<vmem>> -> memref<80x128xf32, #tpu.memory_space<vmem>>
      %dma_wait3A_485 = arith.constant 0 : i32
      %dma_wait3A_486 = arith.constant 0 : i32
      %dma_wait3A_487 = tpu.memref_slice %arg3[%dma_wait3A_485, %dma_wait3A_486] : memref<160000x128xf32, #tpu.memory_space<hbm>> -> memref<80x128xf32, #tpu.memory_space<hbm>>
      %dma_wait3A_488 = arith.constant 0 : i32
      %dma_wait3A_489 = arith.constant 0 : i32
      %dma_wait3A_490 = tpu.memref_slice %arg11[%dma_wait3A_480, %dma_wait3A_488, %dma_wait3A_489] : memref<5x80x128xf32, #tpu.memory_space<vmem>> -> memref<1x80x128xf32, #tpu.memory_space<vmem>>
      %dma_wait3A_491 = tpu.memref_squeeze %dma_wait3A_490 : memref<1x80x128xf32, #tpu.memory_space<vmem>> -> memref<80x128xf32, #tpu.memory_space<vmem>>
      %dma_wait3A_492 = arith.constant 0 : i32
      %dma_wait3A_493 = arith.constant 0 : i32
      %dma_wait3A_494 = tpu.memref_slice %arg3[%dma_wait3A_492, %dma_wait3A_493] : memref<160000x128xf32, #tpu.memory_space<hbm>> -> memref<80x128xf32, #tpu.memory_space<hbm>>
      tpu.wait_dma2 semaphore(%arg18 : memref<!tpu.dma_semaphore, #tpu.memory_space<semaphore_mem>>) src(%dma_wait3A_494 : memref<80x128xf32, #tpu.memory_space<hbm>>) dst(%dma_wait3A_491 : memref<80x128xf32, #tpu.memory_space<vmem>>)
      %ge3A_495 = arith.cmpi sge, %add3A_479, %mul3A_4 : i32
      %lt3A_496 = arith.cmpi slt, %add3A_479, %add3A_8 : i32
      %and3A_497 = arith.andi %ge3A_495, %lt3A_496 : i1
      %convert_element_type3A_498 = arith.extui %and3A_497 : i1 to i32
      %cond3A_499 = arith.constant 0 : i32
      %cond3A_500 = arith.cmpi ne, %convert_element_type3A_498, %cond3A_499 : i32
      scf.if %cond3A_500 {
        %mul3A_552 = arith.constant 80 : i32
        %mul3A_553 = arith.muli %add3A_479, %mul3A_552 : i32
        %add3A_554 = arith.addi %mul3A_0, %mul3A_553 : i32
        "tpu.region"() ({
          %run_scoped3A_594 = tpu.sem_alloc : memref<!tpu.dma_semaphore, #tpu.memory_space<semaphore_mem>>
          %dma_start3A_595 = tpu.memref_slice %arg4[%add3A_554] : memref<160000xf32, #tpu.memory_space<hbm>> -> memref<80xf32, #tpu.memory_space<hbm>>
          %dma_start3A_596 = tpu.memref_slice %arg4[%add3A_554] : memref<160000xf32, #tpu.memory_space<hbm>> -> memref<80xf32, #tpu.memory_space<hbm>>
          tpu.enqueue_dma source(%dma_start3A_596 : memref<80xf32, #tpu.memory_space<hbm>>) target(%arg12 : memref<80xf32, #tpu.memory_space<vmem>>) target_semaphore(%run_scoped3A_594 : memref<!tpu.dma_semaphore, #tpu.memory_space<semaphore_mem>>)
          %dma_wait3A_597 = tpu.memref_slice %arg4[%add3A_554] : memref<160000xf32, #tpu.memory_space<hbm>> -> memref<80xf32, #tpu.memory_space<hbm>>
          %dma_wait3A_598 = tpu.memref_slice %arg4[%add3A_554] : memref<160000xf32, #tpu.memory_space<hbm>> -> memref<80xf32, #tpu.memory_space<hbm>>
          tpu.wait_dma2 semaphore(%run_scoped3A_594 : memref<!tpu.dma_semaphore, #tpu.memory_space<semaphore_mem>>) src(%dma_wait3A_598 : memref<80xf32, #tpu.memory_space<hbm>>) dst(%arg12 : memref<80xf32, #tpu.memory_space<vmem>>)
          tpu.yield
        }) : () -> ()
        %mul3A_555 = arith.constant 80 : i32
        %mul3A_556 = arith.muli %add3A_479, %mul3A_555 : i32
        %add3A_557 = arith.constant 0 : i32
        %add3A_558 = arith.addi %mul3A_556, %add3A_557 : i32
        %get3A = arith.index_cast %add3A_558 : i32 to index
        %get3A_559 = tpu.vector_load %arg8[%get3A] {strides = array<i32>} : memref<10000xi32, #tpu.memory_space<vmem>>, vector<16xi32>,
        %get3A_560 = arith.constant 0 : index
        %get3A_561 = tpu.vector_load %arg12[%get3A_560] {strides = array<i32>} : memref<80xf32, #tpu.memory_space<vmem>>, vector<16xf32>,
        tpu.vector_store_idx %arg13[%get3A_559], %get3A_561 {add = true} : memref<10000xf32, #tpu.memory_space<vmem>>[vector<16xi32>], vector<16xf32>,
        %mul3A_562 = arith.constant 80 : i32
        %mul3A_563 = arith.muli %add3A_479, %mul3A_562 : i32
        %add3A_564 = arith.constant 16 : i32
        %add3A_565 = arith.addi %mul3A_563, %add3A_564 : i32
        %get3A_566 = arith.index_cast %add3A_565 : i32 to index
        %get3A_567 = tpu.vector_load %arg8[%get3A_566] {strides = array<i32>} : memref<10000xi32, #tpu.memory_space<vmem>>, vector<16xi32>,
        %get3A_568 = arith.constant 16 : index
        %get3A_569 = tpu.vector_load %arg12[%get3A_568] {strides = array<i32>} : memref<80xf32, #tpu.memory_space<vmem>>, vector<16xf32>,
        tpu.vector_store_idx %arg13[%get3A_567], %get3A_569 {add = true} : memref<10000xf32, #tpu.memory_space<vmem>>[vector<16xi32>], vector<16xf32>,
        %mul3A_570 = arith.constant 80 : i32
        %mul3A_571 = arith.muli %add3A_479, %mul3A_570 : i32
        %add3A_572 = arith.constant 32 : i32
        %add3A_573 = arith.addi %mul3A_571, %add3A_572 : i32
        %get3A_574 = arith.index_cast %add3A_573 : i32 to index
        %get3A_575 = tpu.vector_load %arg8[%get3A_574] {strides = array<i32>} : memref<10000xi32, #tpu.memory_space<vmem>>, vector<16xi32>,
        %get3A_576 = arith.constant 32 : index
        %get3A_577 = tpu.vector_load %arg12[%get3A_576] {strides = array<i32>} : memref<80xf32, #tpu.memory_space<vmem>>, vector<16xf32>,
        tpu.vector_store_idx %arg13[%get3A_575], %get3A_577 {add = true} : memref<10000xf32, #tpu.memory_space<vmem>>[vector<16xi32>], vector<16xf32>,
        %mul3A_578 = arith.constant 80 : i32
        %mul3A_579 = arith.muli %add3A_479, %mul3A_578 : i32
        %add3A_580 = arith.constant 48 : i32
        %add3A_581 = arith.addi %mul3A_579, %add3A_580 : i32
        %get3A_582 = arith.index_cast %add3A_581 : i32 to index
        %get3A_583 = tpu.vector_load %arg8[%get3A_582] {strides = array<i32>} : memref<10000xi32, #tpu.memory_space<vmem>>, vector<16xi32>,
        %get3A_584 = arith.constant 48 : index
        %get3A_585 = tpu.vector_load %arg12[%get3A_584] {strides = array<i32>} : memref<80xf32, #tpu.memory_space<vmem>>, vector<16xf32>,
        tpu.vector_store_idx %arg13[%get3A_583], %get3A_585 {add = true} : memref<10000xf32, #tpu.memory_space<vmem>>[vector<16xi32>], vector<16xf32>,
        %mul3A_586 = arith.constant 80 : i32
        %mul3A_587 = arith.muli %add3A_479, %mul3A_586 : i32
        %add3A_588 = arith.constant 64 : i32
        %add3A_589 = arith.addi %mul3A_587, %add3A_588 : i32
        %get3A_590 = arith.index_cast %add3A_589 : i32 to index
        %get3A_591 = tpu.vector_load %arg8[%get3A_590] {strides = array<i32>} : memref<10000xi32, #tpu.memory_space<vmem>>, vector<16xi32>,
        %get3A_592 = arith.constant 64 : index
        %get3A_593 = tpu.vector_load %arg12[%get3A_592] {strides = array<i32>} : memref<80xf32, #tpu.memory_space<vmem>>, vector<16xf32>,
        tpu.vector_store_idx %arg13[%get3A_591], %get3A_593 {add = true} : memref<10000xf32, #tpu.memory_space<vmem>>[vector<16xi32>], vector<16xf32>,
      } else {
      }
      %scan3A_501 = arith.constant 0 : i32
      %scan3A_502 = arith.constant 5 : i32
      %scan3A_503 = arith.addi %scan3A_501, %scan3A_502 : i32
      %scan3A_504 = arith.constant 1 : i32
      scf.for %scan3A_552 = %scan3A_501 to %scan3A_503 step %scan3A_504  : i32 {
        %mul3A_553 = arith.constant 1 : i32
        %mul3A_554 = arith.muli %scan3A_552, %mul3A_553 : i32
        %add3A_555 = arith.constant 0 : i32
        %add3A_556 = arith.addi %add3A_555, %mul3A_554 : i32
        %mul3A_557 = arith.constant 80 : i32
        %mul3A_558 = arith.muli %add3A_479, %mul3A_557 : i32
        %mul3A_559 = arith.constant 16 : i32
        %mul3A_560 = arith.muli %add3A_556, %mul3A_559 : i32
        %add3A_561 = arith.addi %mul3A_558, %mul3A_560 : i32
        %get3A = arith.index_cast %add3A_561 : i32 to index
        %get3A_562 = tpu.vector_load %arg8[%get3A] {strides = array<i32>} : memref<10000xi32, #tpu.memory_space<vmem>>, vector<16xi32>,
        %sub3A = vector.broadcast %mul3A_2 : i32 to vector<16xi32>
        %sub3A_563 = arith.subi %get3A_562, %sub3A : vector<16xi32>
        %ge3A_564 = arith.constant 0 : i32
        %ge3A_565 = vector.broadcast %ge3A_564 : i32 to vector<16xi32>
        %ge3A_566 = arith.cmpi sge, %sub3A_563, %ge3A_565 : vector<16xi32>
        %lt3A_567 = arith.constant 5000 : i32
        %lt3A_568 = vector.broadcast %lt3A_567 : i32 to vector<16xi32>
        %lt3A_569 = arith.cmpi slt, %sub3A_563, %lt3A_568 : vector<16xi32>
        %and3A_570 = arith.andi %ge3A_566, %lt3A_569 : vector<16xi1>
        %jit3A = arith.constant 5000 : i32
        %broadcast_in_dim3A = vector.broadcast %jit3A : i32 to vector<16xi32>
        %select_n3A = arith.select %and3A_570, %sub3A_563, %broadcast_in_dim3A : vector<16xi1>, vector<16xi32>
        %mul3A_571 = arith.constant 16 : i32
        %mul3A_572 = arith.muli %add3A_556, %mul3A_571 : i32
        %swap3A_573 = arith.constant 0 : i32
        %swap3A_574 = arith.index_cast %swap3A_573 : i32 to index
        %swap3A_575 = arith.index_cast %mul3A_572 : i32 to index
        %swap3A_576 = tpu.vector_load %arg9[%swap3A_574, %swap3A_575] {strides = array<i32>} : memref<1x80xi32, #tpu.memory_space<vmem>>, vector<16xi32>,
        tpu.vector_store %arg9[%swap3A_574, %swap3A_575], %select_n3A {strides = array<i32>} : memref<1x80xi32, #tpu.memory_space<vmem>>, vector<16xi32>,
      }
      %scan3A_505 = arith.constant 5 : i32
      %run_scoped3A_506 = arith.constant 3 : i32
      %run_scoped3A_507 = arith.constant 0 : i32
      "tpu.region"() ({
        %run_scoped3A_552 = tpu.sem_alloc : memref<!tpu.dma_semaphore, #tpu.memory_space<semaphore_mem>>
        %dma_start3A_553 = arith.constant 0 : i32
        %dma_start3A_554 = arith.constant 0 : i32
        %dma_start3A_555 = tpu.memref_slice %arg11[%run_scoped3A_506, %dma_start3A_553, %dma_start3A_554] : memref<5x80x128xf32, #tpu.memory_space<vmem>> -> memref<1x80x128xf32, #tpu.memory_space<vmem>>
        %dma_start3A_556 = tpu.memref_squeeze %dma_start3A_555 : memref<1x80x128xf32, #tpu.memory_space<vmem>> -> memref<80x128xf32, #tpu.memory_space<vmem>>
        %dma_start3A_557 = arith.constant 0 : i32
        %dma_start3A_558 = tpu.memref_slice %arg9[%run_scoped3A_507, %dma_start3A_557] : memref<1x80xi32, #tpu.memory_space<vmem>> -> memref<1x80xi32, #tpu.memory_space<vmem>>
        %dma_start3A_559 = tpu.memref_squeeze %dma_start3A_558 : memref<1x80xi32, #tpu.memory_space<vmem>> -> memref<80xi32, #tpu.memory_space<vmem>>
        %dma_start3A_560 = arith.constant 0 : i32
        %dma_start3A_561 = arith.constant 0 : i32
        %dma_start3A_562 = tpu.memref_slice %arg14[%dma_start3A_560, %dma_start3A_561] : memref<5008x128xf32, #tpu.memory_space<vmem_shared>> -> memref<5008x128xf32, #tpu.memory_space<vmem_shared>>
        tpu.enqueue_indirect_dma source(%dma_start3A_556 : memref<80x128xf32, #tpu.memory_space<vmem>>) target(%dma_start3A_562 : memref<5008x128xf32, #tpu.memory_space<vmem_shared>>) offsets(%dma_start3A_559 : memref<80xi32, #tpu.memory_space<vmem>>) semaphore(%run_scoped3A_552 : memref<!tpu.dma_semaphore, #tpu.memory_space<semaphore_mem>>) {add = true}
        %dma_wait3A_563 = arith.constant 0 : i32
        %dma_wait3A_564 = arith.constant 0 : i32
        %dma_wait3A_565 = tpu.memref_slice %arg11[%run_scoped3A_506, %dma_wait3A_563, %dma_wait3A_564] : memref<5x80x128xf32, #tpu.memory_space<vmem>> -> memref<1x80x128xf32, #tpu.memory_space<vmem>>
        %dma_wait3A_566 = tpu.memref_squeeze %dma_wait3A_565 : memref<1x80x128xf32, #tpu.memory_space<vmem>> -> memref<80x128xf32, #tpu.memory_space<vmem>>
        %dma_wait3A_567 = arith.constant 0 : i32
        %dma_wait3A_568 = tpu.memref_slice %arg9[%run_scoped3A_507, %dma_wait3A_567] : memref<1x80xi32, #tpu.memory_space<vmem>> -> memref<1x80xi32, #tpu.memory_space<vmem>>
        %dma_wait3A_569 = tpu.memref_squeeze %dma_wait3A_568 : memref<1x80xi32, #tpu.memory_space<vmem>> -> memref<80xi32, #tpu.memory_space<vmem>>
        %dma_wait3A_570 = arith.constant 0 : i32
        %dma_wait3A_571 = arith.constant 0 : i32
        %dma_wait3A_572 = tpu.memref_slice %arg14[%dma_wait3A_570, %dma_wait3A_571] : memref<5008x128xf32, #tpu.memory_space<vmem_shared>> -> memref<5008x128xf32, #tpu.memory_space<vmem_shared>>
        tpu.wait_indirect_dma semaphore(%run_scoped3A_552 : memref<!tpu.dma_semaphore, #tpu.memory_space<semaphore_mem>>) src(%dma_wait3A_566 : memref<80x128xf32, #tpu.memory_space<vmem>>) dst(%dma_wait3A_572 : memref<5008x128xf32, #tpu.memory_space<vmem_shared>>)
        tpu.yield
      }) : () -> ()
      %add3A_508 = arith.constant 5 : i32
      %add3A_509 = arith.addi %add3A_479, %add3A_508 : i32
      %lt3A_510 = arith.constant 125 : i32
      %lt3A_511 = arith.cmpi slt, %add3A_509, %lt3A_510 : i32
      %convert_element_type3A_512 = arith.extui %lt3A_511 : i1 to i32
      %cond3A_513 = arith.constant 0 : i32
      %cond3A_514 = arith.cmpi ne, %convert_element_type3A_512, %cond3A_513 : i32
      scf.if %cond3A_514 {
        %add3A_552 = arith.constant 5 : i32
        %add3A_553 = arith.addi %add3A_479, %add3A_552 : i32
        %iota3A_554 = tpu.iota {dimensions = array<i32: 0>} : vector<16xi32>
        %mul3A_555 = arith.constant 80 : i32
        %mul3A_556 = arith.muli %add3A_553, %mul3A_555 : i32
        %add3A_557 = arith.addi %mul3A_0, %mul3A_556 : i32
        %add3A_558 = arith.constant 0 : i32
        %add3A_559 = arith.addi %add3A_557, %add3A_558 : i32
        %add3A_560 = vector.broadcast %add3A_559 : i32 to vector<16xi32>
        %add3A_561 = arith.addi %iota3A_554, %add3A_560 : vector<16xi32>
        %swap3A_562 = arith.constant 3 : i32
        %swap3A_563 = arith.index_cast %swap3A_562 : i32 to index
        %swap3A_564 = arith.constant 0 : index
        %swap3A_565 = tpu.vector_load %arg10[%swap3A_563, %swap3A_564] {strides = array<i32>} : memref<5x80xi32, #tpu.memory_space<vmem>>, vector<16xi32>,
        tpu.vector_store %arg10[%swap3A_563, %swap3A_564], %add3A_561 {strides = array<i32>} : memref<5x80xi32, #tpu.memory_space<vmem>>, vector<16xi32>,
        %iota3A_566 = tpu.iota {dimensions = array<i32: 0>} : vector<16xi32>
        %mul3A_567 = arith.constant 80 : i32
        %mul3A_568 = arith.muli %add3A_553, %mul3A_567 : i32
        %add3A_569 = arith.addi %mul3A_0, %mul3A_568 : i32
        %add3A_570 = arith.constant 16 : i32
        %add3A_571 = arith.addi %add3A_569, %add3A_570 : i32
        %add3A_572 = vector.broadcast %add3A_571 : i32 to vector<16xi32>
        %add3A_573 = arith.addi %iota3A_566, %add3A_572 : vector<16xi32>
        %swap3A_574 = arith.constant 3 : i32
        %swap3A_575 = arith.index_cast %swap3A_574 : i32 to index
        %swap3A_576 = arith.constant 16 : index
        %swap3A_577 = tpu.vector_load %arg10[%swap3A_575, %swap3A_576] {strides = array<i32>} : memref<5x80xi32, #tpu.memory_space<vmem>>, vector<16xi32>,
        tpu.vector_store %arg10[%swap3A_575, %swap3A_576], %add3A_573 {strides = array<i32>} : memref<5x80xi32, #tpu.memory_space<vmem>>, vector<16xi32>,
        %iota3A_578 = tpu.iota {dimensions = array<i32: 0>} : vector<16xi32>
        %mul3A_579 = arith.constant 80 : i32
        %mul3A_580 = arith.muli %add3A_553, %mul3A_579 : i32
        %add3A_581 = arith.addi %mul3A_0, %mul3A_580 : i32
        %add3A_582 = arith.constant 32 : i32
        %add3A_583 = arith.addi %add3A_581, %add3A_582 : i32
        %add3A_584 = vector.broadcast %add3A_583 : i32 to vector<16xi32>
        %add3A_585 = arith.addi %iota3A_578, %add3A_584 : vector<16xi32>
        %swap3A_586 = arith.constant 3 : i32
        %swap3A_587 = arith.index_cast %swap3A_586 : i32 to index
        %swap3A_588 = arith.constant 32 : index
        %swap3A_589 = tpu.vector_load %arg10[%swap3A_587, %swap3A_588] {strides = array<i32>} : memref<5x80xi32, #tpu.memory_space<vmem>>, vector<16xi32>,
        tpu.vector_store %arg10[%swap3A_587, %swap3A_588], %add3A_585 {strides = array<i32>} : memref<5x80xi32, #tpu.memory_space<vmem>>, vector<16xi32>,
        %iota3A_590 = tpu.iota {dimensions = array<i32: 0>} : vector<16xi32>
        %mul3A_591 = arith.constant 80 : i32
        %mul3A_592 = arith.muli %add3A_553, %mul3A_591 : i32
        %add3A_593 = arith.addi %mul3A_0, %mul3A_592 : i32
        %add3A_594 = arith.constant 48 : i32
        %add3A_595 = arith.addi %add3A_593, %add3A_594 : i32
        %add3A_596 = vector.broadcast %add3A_595 : i32 to vector<16xi32>
        %add3A_597 = arith.addi %iota3A_590, %add3A_596 : vector<16xi32>
        %swap3A_598 = arith.constant 3 : i32
        %swap3A_599 = arith.index_cast %swap3A_598 : i32 to index
        %swap3A_600 = arith.constant 48 : index
        %swap3A_601 = tpu.vector_load %arg10[%swap3A_599, %swap3A_600] {strides = array<i32>} : memref<5x80xi32, #tpu.memory_space<vmem>>, vector<16xi32>,
        tpu.vector_store %arg10[%swap3A_599, %swap3A_600], %add3A_597 {strides = array<i32>} : memref<5x80xi32, #tpu.memory_space<vmem>>, vector<16xi32>,
        %iota3A_602 = tpu.iota {dimensions = array<i32: 0>} : vector<16xi32>
        %mul3A_603 = arith.constant 80 : i32
        %mul3A_604 = arith.muli %add3A_553, %mul3A_603 : i32
        %add3A_605 = arith.addi %mul3A_0, %mul3A_604 : i32
        %add3A_606 = arith.constant 64 : i32
        %add3A_607 = arith.addi %add3A_605, %add3A_606 : i32
        %add3A_608 = vector.broadcast %add3A_607 : i32 to vector<16xi32>
        %add3A_609 = arith.addi %iota3A_602, %add3A_608 : vector<16xi32>
        %swap3A_610 = arith.constant 3 : i32
        %swap3A_611 = arith.index_cast %swap3A_610 : i32 to index
        %swap3A_612 = arith.constant 64 : index
        %swap3A_613 = tpu.vector_load %arg10[%swap3A_611, %swap3A_612] {strides = array<i32>} : memref<5x80xi32, #tpu.memory_space<vmem>>, vector<16xi32>,
        tpu.vector_store %arg10[%swap3A_611, %swap3A_612], %add3A_609 {strides = array<i32>} : memref<5x80xi32, #tpu.memory_space<vmem>>, vector<16xi32>,
        %dma_start3A_614 = arith.constant 3 : i32
        %dma_start3A_615 = arith.constant 3 : i32
        %dma_start3A_616 = arith.constant 0 : i32
        %dma_start3A_617 = arith.constant 0 : i32
        %dma_start3A_618 = tpu.memref_slice %arg11[%dma_start3A_615, %dma_start3A_616, %dma_start3A_617] : memref<5x80x128xf32, #tpu.memory_space<vmem>> -> memref<1x80x128xf32, #tpu.memory_space<vmem>>
        %dma_start3A_619 = tpu.memref_squeeze %dma_start3A_618 : memref<1x80x128xf32, #tpu.memory_space<vmem>> -> memref<80x128xf32, #tpu.memory_space<vmem>>
        %dma_start3A_620 = arith.constant 0 : i32
        %dma_start3A_621 = tpu.memref_slice %arg10[%dma_start3A_614, %dma_start3A_620] : memref<5x80xi32, #tpu.memory_space<vmem>> -> memref<1x80xi32, #tpu.memory_space<vmem>>
        %dma_start3A_622 = tpu.memref_squeeze %dma_start3A_621 : memref<1x80xi32, #tpu.memory_space<vmem>> -> memref<80xi32, #tpu.memory_space<vmem>>
        %dma_start3A_623 = arith.constant 0 : i32
        %dma_start3A_624 = arith.constant 0 : i32
        %dma_start3A_625 = tpu.memref_slice %arg3[%dma_start3A_623, %dma_start3A_624] : memref<160000x128xf32, #tpu.memory_space<hbm>> -> memref<160000x128xf32, #tpu.memory_space<hbm>>
        tpu.enqueue_indirect_dma source(%dma_start3A_625 : memref<160000x128xf32, #tpu.memory_space<hbm>>) target(%dma_start3A_619 : memref<80x128xf32, #tpu.memory_space<vmem>>) offsets(%dma_start3A_622 : memref<80xi32, #tpu.memory_space<vmem>>) semaphore(%arg18 : memref<!tpu.dma_semaphore, #tpu.memory_space<semaphore_mem>>)
      } else {
      }
      %add3A_515 = arith.constant 4 : i32
      %add3A_516 = arith.addi %add3A_370, %add3A_515 : i32
      %dma_wait3A_517 = arith.constant 4 : i32
      %dma_wait3A_518 = arith.constant 0 : i32
      %dma_wait3A_519 = arith.constant 0 : i32
      %dma_wait3A_520 = tpu.memref_slice %arg11[%dma_wait3A_517, %dma_wait3A_518, %dma_wait3A_519] : memref<5x80x128xf32, #tpu.memory_space<vmem>> -> memref<1x80x128xf32, #tpu.memory_space<vmem>>
      %dma_wait3A_521 = tpu.memref_squeeze %dma_wait3A_520 : memref<1x80x128xf32, #tpu.memory_space<vmem>> -> memref<80x128xf32, #tpu.memory_space<vmem>>
      %dma_wait3A_522 = arith.constant 0 : i32
      %dma_wait3A_523 = arith.constant 0 : i32
      %dma_wait3A_524 = tpu.memref_slice %arg3[%dma_wait3A_522, %dma_wait3A_523] : memref<160000x128xf32, #tpu.memory_space<hbm>> -> memref<80x128xf32, #tpu.memory_space<hbm>>
      %dma_wait3A_525 = arith.constant 0 : i32
      %dma_wait3A_526 = arith.constant 0 : i32
      %dma_wait3A_527 = tpu.memref_slice %arg11[%dma_wait3A_517, %dma_wait3A_525, %dma_wait3A_526] : memref<5x80x128xf32, #tpu.memory_space<vmem>> -> memref<1x80x128xf32, #tpu.memory_space<vmem>>
      %dma_wait3A_528 = tpu.memref_squeeze %dma_wait3A_527 : memref<1x80x128xf32, #tpu.memory_space<vmem>> -> memref<80x128xf32, #tpu.memory_space<vmem>>
      %dma_wait3A_529 = arith.constant 0 : i32
      %dma_wait3A_530 = arith.constant 0 : i32
      %dma_wait3A_531 = tpu.memref_slice %arg3[%dma_wait3A_529, %dma_wait3A_530] : memref<160000x128xf32, #tpu.memory_space<hbm>> -> memref<80x128xf32, #tpu.memory_space<hbm>>
      tpu.wait_dma2 semaphore(%arg19 : memref<!tpu.dma_semaphore, #tpu.memory_space<semaphore_mem>>) src(%dma_wait3A_531 : memref<80x128xf32, #tpu.memory_space<hbm>>) dst(%dma_wait3A_528 : memref<80x128xf32, #tpu.memory_space<vmem>>)
      %ge3A_532 = arith.cmpi sge, %add3A_516, %mul3A_4 : i32
      %lt3A_533 = arith.cmpi slt, %add3A_516, %add3A_8 : i32
      %and3A_534 = arith.andi %ge3A_532, %lt3A_533 : i1
      %convert_element_type3A_535 = arith.extui %and3A_534 : i1 to i32
      %cond3A_536 = arith.constant 0 : i32
      %cond3A_537 = arith.cmpi ne, %convert_element_type3A_535, %cond3A_536 : i32
      scf.if %cond3A_537 {
        %mul3A_552 = arith.constant 80 : i32
        %mul3A_553 = arith.muli %add3A_516, %mul3A_552 : i32
        %add3A_554 = arith.addi %mul3A_0, %mul3A_553 : i32
        "tpu.region"() ({
          %run_scoped3A_594 = tpu.sem_alloc : memref<!tpu.dma_semaphore, #tpu.memory_space<semaphore_mem>>
          %dma_start3A_595 = tpu.memref_slice %arg4[%add3A_554] : memref<160000xf32, #tpu.memory_space<hbm>> -> memref<80xf32, #tpu.memory_space<hbm>>
          %dma_start3A_596 = tpu.memref_slice %arg4[%add3A_554] : memref<160000xf32, #tpu.memory_space<hbm>> -> memref<80xf32, #tpu.memory_space<hbm>>
          tpu.enqueue_dma source(%dma_start3A_596 : memref<80xf32, #tpu.memory_space<hbm>>) target(%arg12 : memref<80xf32, #tpu.memory_space<vmem>>) target_semaphore(%run_scoped3A_594 : memref<!tpu.dma_semaphore, #tpu.memory_space<semaphore_mem>>)
          %dma_wait3A_597 = tpu.memref_slice %arg4[%add3A_554] : memref<160000xf32, #tpu.memory_space<hbm>> -> memref<80xf32, #tpu.memory_space<hbm>>
          %dma_wait3A_598 = tpu.memref_slice %arg4[%add3A_554] : memref<160000xf32, #tpu.memory_space<hbm>> -> memref<80xf32, #tpu.memory_space<hbm>>
          tpu.wait_dma2 semaphore(%run_scoped3A_594 : memref<!tpu.dma_semaphore, #tpu.memory_space<semaphore_mem>>) src(%dma_wait3A_598 : memref<80xf32, #tpu.memory_space<hbm>>) dst(%arg12 : memref<80xf32, #tpu.memory_space<vmem>>)
          tpu.yield
        }) : () -> ()
        %mul3A_555 = arith.constant 80 : i32
        %mul3A_556 = arith.muli %add3A_516, %mul3A_555 : i32
        %add3A_557 = arith.constant 0 : i32
        %add3A_558 = arith.addi %mul3A_556, %add3A_557 : i32
        %get3A = arith.index_cast %add3A_558 : i32 to index
        %get3A_559 = tpu.vector_load %arg8[%get3A] {strides = array<i32>} : memref<10000xi32, #tpu.memory_space<vmem>>, vector<16xi32>,
        %get3A_560 = arith.constant 0 : index
        %get3A_561 = tpu.vector_load %arg12[%get3A_560] {strides = array<i32>} : memref<80xf32, #tpu.memory_space<vmem>>, vector<16xf32>,
        tpu.vector_store_idx %arg13[%get3A_559], %get3A_561 {add = true} : memref<10000xf32, #tpu.memory_space<vmem>>[vector<16xi32>], vector<16xf32>,
        %mul3A_562 = arith.constant 80 : i32
        %mul3A_563 = arith.muli %add3A_516, %mul3A_562 : i32
        %add3A_564 = arith.constant 16 : i32
        %add3A_565 = arith.addi %mul3A_563, %add3A_564 : i32
        %get3A_566 = arith.index_cast %add3A_565 : i32 to index
        %get3A_567 = tpu.vector_load %arg8[%get3A_566] {strides = array<i32>} : memref<10000xi32, #tpu.memory_space<vmem>>, vector<16xi32>,
        %get3A_568 = arith.constant 16 : index
        %get3A_569 = tpu.vector_load %arg12[%get3A_568] {strides = array<i32>} : memref<80xf32, #tpu.memory_space<vmem>>, vector<16xf32>,
        tpu.vector_store_idx %arg13[%get3A_567], %get3A_569 {add = true} : memref<10000xf32, #tpu.memory_space<vmem>>[vector<16xi32>], vector<16xf32>,
        %mul3A_570 = arith.constant 80 : i32
        %mul3A_571 = arith.muli %add3A_516, %mul3A_570 : i32
        %add3A_572 = arith.constant 32 : i32
        %add3A_573 = arith.addi %mul3A_571, %add3A_572 : i32
        %get3A_574 = arith.index_cast %add3A_573 : i32 to index
        %get3A_575 = tpu.vector_load %arg8[%get3A_574] {strides = array<i32>} : memref<10000xi32, #tpu.memory_space<vmem>>, vector<16xi32>,
        %get3A_576 = arith.constant 32 : index
        %get3A_577 = tpu.vector_load %arg12[%get3A_576] {strides = array<i32>} : memref<80xf32, #tpu.memory_space<vmem>>, vector<16xf32>,
        tpu.vector_store_idx %arg13[%get3A_575], %get3A_577 {add = true} : memref<10000xf32, #tpu.memory_space<vmem>>[vector<16xi32>], vector<16xf32>,
        %mul3A_578 = arith.constant 80 : i32
        %mul3A_579 = arith.muli %add3A_516, %mul3A_578 : i32
        %add3A_580 = arith.constant 48 : i32
        %add3A_581 = arith.addi %mul3A_579, %add3A_580 : i32
        %get3A_582 = arith.index_cast %add3A_581 : i32 to index
        %get3A_583 = tpu.vector_load %arg8[%get3A_582] {strides = array<i32>} : memref<10000xi32, #tpu.memory_space<vmem>>, vector<16xi32>,
        %get3A_584 = arith.constant 48 : index
        %get3A_585 = tpu.vector_load %arg12[%get3A_584] {strides = array<i32>} : memref<80xf32, #tpu.memory_space<vmem>>, vector<16xf32>,
        tpu.vector_store_idx %arg13[%get3A_583], %get3A_585 {add = true} : memref<10000xf32, #tpu.memory_space<vmem>>[vector<16xi32>], vector<16xf32>,
        %mul3A_586 = arith.constant 80 : i32
        %mul3A_587 = arith.muli %add3A_516, %mul3A_586 : i32
        %add3A_588 = arith.constant 64 : i32
        %add3A_589 = arith.addi %mul3A_587, %add3A_588 : i32
        %get3A_590 = arith.index_cast %add3A_589 : i32 to index
        %get3A_591 = tpu.vector_load %arg8[%get3A_590] {strides = array<i32>} : memref<10000xi32, #tpu.memory_space<vmem>>, vector<16xi32>,
        %get3A_592 = arith.constant 64 : index
        %get3A_593 = tpu.vector_load %arg12[%get3A_592] {strides = array<i32>} : memref<80xf32, #tpu.memory_space<vmem>>, vector<16xf32>,
        tpu.vector_store_idx %arg13[%get3A_591], %get3A_593 {add = true} : memref<10000xf32, #tpu.memory_space<vmem>>[vector<16xi32>], vector<16xf32>,
      } else {
      }
      %scan3A_538 = arith.constant 0 : i32
      %scan3A_539 = arith.constant 5 : i32
      %scan3A_540 = arith.addi %scan3A_538, %scan3A_539 : i32
      %scan3A_541 = arith.constant 1 : i32
      scf.for %scan3A_552 = %scan3A_538 to %scan3A_540 step %scan3A_541  : i32 {
        %mul3A_553 = arith.constant 1 : i32
        %mul3A_554 = arith.muli %scan3A_552, %mul3A_553 : i32
        %add3A_555 = arith.constant 0 : i32
        %add3A_556 = arith.addi %add3A_555, %mul3A_554 : i32
        %mul3A_557 = arith.constant 80 : i32
        %mul3A_558 = arith.muli %add3A_516, %mul3A_557 : i32
        %mul3A_559 = arith.constant 16 : i32
        %mul3A_560 = arith.muli %add3A_556, %mul3A_559 : i32
        %add3A_561 = arith.addi %mul3A_558, %mul3A_560 : i32
        %get3A = arith.index_cast %add3A_561 : i32 to index
        %get3A_562 = tpu.vector_load %arg8[%get3A] {strides = array<i32>} : memref<10000xi32, #tpu.memory_space<vmem>>, vector<16xi32>,
        %sub3A = vector.broadcast %mul3A_2 : i32 to vector<16xi32>
        %sub3A_563 = arith.subi %get3A_562, %sub3A : vector<16xi32>
        %ge3A_564 = arith.constant 0 : i32
        %ge3A_565 = vector.broadcast %ge3A_564 : i32 to vector<16xi32>
        %ge3A_566 = arith.cmpi sge, %sub3A_563, %ge3A_565 : vector<16xi32>
        %lt3A_567 = arith.constant 5000 : i32
        %lt3A_568 = vector.broadcast %lt3A_567 : i32 to vector<16xi32>
        %lt3A_569 = arith.cmpi slt, %sub3A_563, %lt3A_568 : vector<16xi32>
        %and3A_570 = arith.andi %ge3A_566, %lt3A_569 : vector<16xi1>
        %jit3A = arith.constant 5000 : i32
        %broadcast_in_dim3A = vector.broadcast %jit3A : i32 to vector<16xi32>
        %select_n3A = arith.select %and3A_570, %sub3A_563, %broadcast_in_dim3A : vector<16xi1>, vector<16xi32>
        %mul3A_571 = arith.constant 16 : i32
        %mul3A_572 = arith.muli %add3A_556, %mul3A_571 : i32
        %swap3A_573 = arith.constant 0 : i32
        %swap3A_574 = arith.index_cast %swap3A_573 : i32 to index
        %swap3A_575 = arith.index_cast %mul3A_572 : i32 to index
        %swap3A_576 = tpu.vector_load %arg9[%swap3A_574, %swap3A_575] {strides = array<i32>} : memref<1x80xi32, #tpu.memory_space<vmem>>, vector<16xi32>,
        tpu.vector_store %arg9[%swap3A_574, %swap3A_575], %select_n3A {strides = array<i32>} : memref<1x80xi32, #tpu.memory_space<vmem>>, vector<16xi32>,
      }
      %scan3A_542 = arith.constant 5 : i32
      %run_scoped3A_543 = arith.constant 4 : i32
      %run_scoped3A_544 = arith.constant 0 : i32
      "tpu.region"() ({
        %run_scoped3A_552 = tpu.sem_alloc : memref<!tpu.dma_semaphore, #tpu.memory_space<semaphore_mem>>
        %dma_start3A_553 = arith.constant 0 : i32
        %dma_start3A_554 = arith.constant 0 : i32
        %dma_start3A_555 = tpu.memref_slice %arg11[%run_scoped3A_543, %dma_start3A_553, %dma_start3A_554] : memref<5x80x128xf32, #tpu.memory_space<vmem>> -> memref<1x80x128xf32, #tpu.memory_space<vmem>>
        %dma_start3A_556 = tpu.memref_squeeze %dma_start3A_555 : memref<1x80x128xf32, #tpu.memory_space<vmem>> -> memref<80x128xf32, #tpu.memory_space<vmem>>
        %dma_start3A_557 = arith.constant 0 : i32
        %dma_start3A_558 = tpu.memref_slice %arg9[%run_scoped3A_544, %dma_start3A_557] : memref<1x80xi32, #tpu.memory_space<vmem>> -> memref<1x80xi32, #tpu.memory_space<vmem>>
        %dma_start3A_559 = tpu.memref_squeeze %dma_start3A_558 : memref<1x80xi32, #tpu.memory_space<vmem>> -> memref<80xi32, #tpu.memory_space<vmem>>
        %dma_start3A_560 = arith.constant 0 : i32
        %dma_start3A_561 = arith.constant 0 : i32
        %dma_start3A_562 = tpu.memref_slice %arg14[%dma_start3A_560, %dma_start3A_561] : memref<5008x128xf32, #tpu.memory_space<vmem_shared>> -> memref<5008x128xf32, #tpu.memory_space<vmem_shared>>
        tpu.enqueue_indirect_dma source(%dma_start3A_556 : memref<80x128xf32, #tpu.memory_space<vmem>>) target(%dma_start3A_562 : memref<5008x128xf32, #tpu.memory_space<vmem_shared>>) offsets(%dma_start3A_559 : memref<80xi32, #tpu.memory_space<vmem>>) semaphore(%run_scoped3A_552 : memref<!tpu.dma_semaphore, #tpu.memory_space<semaphore_mem>>) {add = true}
        %dma_wait3A_563 = arith.constant 0 : i32
        %dma_wait3A_564 = arith.constant 0 : i32
        %dma_wait3A_565 = tpu.memref_slice %arg11[%run_scoped3A_543, %dma_wait3A_563, %dma_wait3A_564] : memref<5x80x128xf32, #tpu.memory_space<vmem>> -> memref<1x80x128xf32, #tpu.memory_space<vmem>>
        %dma_wait3A_566 = tpu.memref_squeeze %dma_wait3A_565 : memref<1x80x128xf32, #tpu.memory_space<vmem>> -> memref<80x128xf32, #tpu.memory_space<vmem>>
        %dma_wait3A_567 = arith.constant 0 : i32
        %dma_wait3A_568 = tpu.memref_slice %arg9[%run_scoped3A_544, %dma_wait3A_567] : memref<1x80xi32, #tpu.memory_space<vmem>> -> memref<1x80xi32, #tpu.memory_space<vmem>>
        %dma_wait3A_569 = tpu.memref_squeeze %dma_wait3A_568 : memref<1x80xi32, #tpu.memory_space<vmem>> -> memref<80xi32, #tpu.memory_space<vmem>>
        %dma_wait3A_570 = arith.constant 0 : i32
        %dma_wait3A_571 = arith.constant 0 : i32
        %dma_wait3A_572 = tpu.memref_slice %arg14[%dma_wait3A_570, %dma_wait3A_571] : memref<5008x128xf32, #tpu.memory_space<vmem_shared>> -> memref<5008x128xf32, #tpu.memory_space<vmem_shared>>
        tpu.wait_indirect_dma semaphore(%run_scoped3A_552 : memref<!tpu.dma_semaphore, #tpu.memory_space<semaphore_mem>>) src(%dma_wait3A_566 : memref<80x128xf32, #tpu.memory_space<vmem>>) dst(%dma_wait3A_572 : memref<5008x128xf32, #tpu.memory_space<vmem_shared>>)
        tpu.yield
      }) : () -> ()
      %add3A_545 = arith.constant 5 : i32
      %add3A_546 = arith.addi %add3A_516, %add3A_545 : i32
      %lt3A_547 = arith.constant 125 : i32
      %lt3A_548 = arith.cmpi slt, %add3A_546, %lt3A_547 : i32
      %convert_element_type3A_549 = arith.extui %lt3A_548 : i1 to i32
      %cond3A_550 = arith.constant 0 : i32
      %cond3A_551 = arith.cmpi ne, %convert_element_type3A_549, %cond3A_550 : i32
      scf.if %cond3A_551 {
        %add3A_552 = arith.constant 5 : i32
        %add3A_553 = arith.addi %add3A_516, %add3A_552 : i32
        %iota3A_554 = tpu.iota {dimensions = array<i32: 0>} : vector<16xi32>
        %mul3A_555 = arith.constant 80 : i32
        %mul3A_556 = arith.muli %add3A_553, %mul3A_555 : i32
        %add3A_557 = arith.addi %mul3A_0, %mul3A_556 : i32
        %add3A_558 = arith.constant 0 : i32
        %add3A_559 = arith.addi %add3A_557, %add3A_558 : i32
        %add3A_560 = vector.broadcast %add3A_559 : i32 to vector<16xi32>
        %add3A_561 = arith.addi %iota3A_554, %add3A_560 : vector<16xi32>
        %swap3A_562 = arith.constant 4 : i32
        %swap3A_563 = arith.index_cast %swap3A_562 : i32 to index
        %swap3A_564 = arith.constant 0 : index
        %swap3A_565 = tpu.vector_load %arg10[%swap3A_563, %swap3A_564] {strides = array<i32>} : memref<5x80xi32, #tpu.memory_space<vmem>>, vector<16xi32>,
        tpu.vector_store %arg10[%swap3A_563, %swap3A_564], %add3A_561 {strides = array<i32>} : memref<5x80xi32, #tpu.memory_space<vmem>>, vector<16xi32>,
        %iota3A_566 = tpu.iota {dimensions = array<i32: 0>} : vector<16xi32>
        %mul3A_567 = arith.constant 80 : i32
        %mul3A_568 = arith.muli %add3A_553, %mul3A_567 : i32
        %add3A_569 = arith.addi %mul3A_0, %mul3A_568 : i32
        %add3A_570 = arith.constant 16 : i32
        %add3A_571 = arith.addi %add3A_569, %add3A_570 : i32
        %add3A_572 = vector.broadcast %add3A_571 : i32 to vector<16xi32>
        %add3A_573 = arith.addi %iota3A_566, %add3A_572 : vector<16xi32>
        %swap3A_574 = arith.constant 4 : i32
        %swap3A_575 = arith.index_cast %swap3A_574 : i32 to index
        %swap3A_576 = arith.constant 16 : index
        %swap3A_577 = tpu.vector_load %arg10[%swap3A_575, %swap3A_576] {strides = array<i32>} : memref<5x80xi32, #tpu.memory_space<vmem>>, vector<16xi32>,
        tpu.vector_store %arg10[%swap3A_575, %swap3A_576], %add3A_573 {strides = array<i32>} : memref<5x80xi32, #tpu.memory_space<vmem>>, vector<16xi32>,
        %iota3A_578 = tpu.iota {dimensions = array<i32: 0>} : vector<16xi32>
        %mul3A_579 = arith.constant 80 : i32
        %mul3A_580 = arith.muli %add3A_553, %mul3A_579 : i32
        %add3A_581 = arith.addi %mul3A_0, %mul3A_580 : i32
        %add3A_582 = arith.constant 32 : i32
        %add3A_583 = arith.addi %add3A_581, %add3A_582 : i32
        %add3A_584 = vector.broadcast %add3A_583 : i32 to vector<16xi32>
        %add3A_585 = arith.addi %iota3A_578, %add3A_584 : vector<16xi32>
        %swap3A_586 = arith.constant 4 : i32
        %swap3A_587 = arith.index_cast %swap3A_586 : i32 to index
        %swap3A_588 = arith.constant 32 : index
        %swap3A_589 = tpu.vector_load %arg10[%swap3A_587, %swap3A_588] {strides = array<i32>} : memref<5x80xi32, #tpu.memory_space<vmem>>, vector<16xi32>,
        tpu.vector_store %arg10[%swap3A_587, %swap3A_588], %add3A_585 {strides = array<i32>} : memref<5x80xi32, #tpu.memory_space<vmem>>, vector<16xi32>,
        %iota3A_590 = tpu.iota {dimensions = array<i32: 0>} : vector<16xi32>
        %mul3A_591 = arith.constant 80 : i32
        %mul3A_592 = arith.muli %add3A_553, %mul3A_591 : i32
        %add3A_593 = arith.addi %mul3A_0, %mul3A_592 : i32
        %add3A_594 = arith.constant 48 : i32
        %add3A_595 = arith.addi %add3A_593, %add3A_594 : i32
        %add3A_596 = vector.broadcast %add3A_595 : i32 to vector<16xi32>
        %add3A_597 = arith.addi %iota3A_590, %add3A_596 : vector<16xi32>
        %swap3A_598 = arith.constant 4 : i32
        %swap3A_599 = arith.index_cast %swap3A_598 : i32 to index
        %swap3A_600 = arith.constant 48 : index
        %swap3A_601 = tpu.vector_load %arg10[%swap3A_599, %swap3A_600] {strides = array<i32>} : memref<5x80xi32, #tpu.memory_space<vmem>>, vector<16xi32>,
        tpu.vector_store %arg10[%swap3A_599, %swap3A_600], %add3A_597 {strides = array<i32>} : memref<5x80xi32, #tpu.memory_space<vmem>>, vector<16xi32>,
        %iota3A_602 = tpu.iota {dimensions = array<i32: 0>} : vector<16xi32>
        %mul3A_603 = arith.constant 80 : i32
        %mul3A_604 = arith.muli %add3A_553, %mul3A_603 : i32
        %add3A_605 = arith.addi %mul3A_0, %mul3A_604 : i32
        %add3A_606 = arith.constant 64 : i32
        %add3A_607 = arith.addi %add3A_605, %add3A_606 : i32
        %add3A_608 = vector.broadcast %add3A_607 : i32 to vector<16xi32>
        %add3A_609 = arith.addi %iota3A_602, %add3A_608 : vector<16xi32>
        %swap3A_610 = arith.constant 4 : i32
        %swap3A_611 = arith.index_cast %swap3A_610 : i32 to index
        %swap3A_612 = arith.constant 64 : index
        %swap3A_613 = tpu.vector_load %arg10[%swap3A_611, %swap3A_612] {strides = array<i32>} : memref<5x80xi32, #tpu.memory_space<vmem>>, vector<16xi32>,
        tpu.vector_store %arg10[%swap3A_611, %swap3A_612], %add3A_609 {strides = array<i32>} : memref<5x80xi32, #tpu.memory_space<vmem>>, vector<16xi32>,
        %dma_start3A_614 = arith.constant 4 : i32
        %dma_start3A_615 = arith.constant 4 : i32
        %dma_start3A_616 = arith.constant 0 : i32
        %dma_start3A_617 = arith.constant 0 : i32
        %dma_start3A_618 = tpu.memref_slice %arg11[%dma_start3A_615, %dma_start3A_616, %dma_start3A_617] : memref<5x80x128xf32, #tpu.memory_space<vmem>> -> memref<1x80x128xf32, #tpu.memory_space<vmem>>
        %dma_start3A_619 = tpu.memref_squeeze %dma_start3A_618 : memref<1x80x128xf32, #tpu.memory_space<vmem>> -> memref<80x128xf32, #tpu.memory_space<vmem>>
        %dma_start3A_620 = arith.constant 0 : i32
        %dma_start3A_621 = tpu.memref_slice %arg10[%dma_start3A_614, %dma_start3A_620] : memref<5x80xi32, #tpu.memory_space<vmem>> -> memref<1x80xi32, #tpu.memory_space<vmem>>
        %dma_start3A_622 = tpu.memref_squeeze %dma_start3A_621 : memref<1x80xi32, #tpu.memory_space<vmem>> -> memref<80xi32, #tpu.memory_space<vmem>>
        %dma_start3A_623 = arith.constant 0 : i32
        %dma_start3A_624 = arith.constant 0 : i32
        %dma_start3A_625 = tpu.memref_slice %arg3[%dma_start3A_623, %dma_start3A_624] : memref<160000x128xf32, #tpu.memory_space<hbm>> -> memref<160000x128xf32, #tpu.memory_space<hbm>>
        tpu.enqueue_indirect_dma source(%dma_start3A_625 : memref<160000x128xf32, #tpu.memory_space<hbm>>) target(%dma_start3A_619 : memref<80x128xf32, #tpu.memory_space<vmem>>) offsets(%dma_start3A_622 : memref<80xi32, #tpu.memory_space<vmem>>) semaphore(%arg19 : memref<!tpu.dma_semaphore, #tpu.memory_space<semaphore_mem>>)
      } else {
      }
    }
    %scan3A_355 = arith.constant 25 : i32
    %barrier3A_356 = arith.constant 0 : index
    tpu.barrier barrier_id(%barrier3A_356)
    %mul3A_357 = arith.constant 312 : i32
    %mul3A_358 = arith.muli %arg1, %mul3A_357 : i32
    %mul3A_359 = arith.constant 312 : i32
    %mul3A_360 = arith.muli %arg1, %mul3A_359 : i32
    "tpu.region"() ({
      %run_scoped3A = tpu.sem_alloc : memref<!tpu.dma_semaphore, #tpu.memory_space<semaphore_mem>>
      %dma_start3A_366 = arith.constant 0 : i32
      %dma_start3A_367 = tpu.memref_slice %arg6[%arg0, %mul3A_360, %dma_start3A_366] : memref<2x5000x128xf32, #tpu.memory_space<hbm>> -> memref<1x320x128xf32, #tpu.memory_space<hbm>>
      %dma_start3A_368 = tpu.memref_squeeze %dma_start3A_367 : memref<1x320x128xf32, #tpu.memory_space<hbm>> -> memref<320x128xf32, #tpu.memory_space<hbm>>
      %dma_start3A_369 = arith.constant 0 : i32
      %dma_start3A_370 = tpu.memref_slice %arg14[%mul3A_358, %dma_start3A_369] : memref<5008x128xf32, #tpu.memory_space<vmem_shared>> -> memref<320x128xf32, #tpu.memory_space<vmem_shared>>
      tpu.enqueue_dma source(%dma_start3A_370 : memref<320x128xf32, #tpu.memory_space<vmem_shared>>) target(%dma_start3A_368 : memref<320x128xf32, #tpu.memory_space<hbm>>) target_semaphore(%run_scoped3A : memref<!tpu.dma_semaphore, #tpu.memory_space<semaphore_mem>>)
      %dma_wait3A = arith.constant 0 : i32
      %dma_wait3A_371 = tpu.memref_slice %arg6[%arg0, %mul3A_360, %dma_wait3A] : memref<2x5000x128xf32, #tpu.memory_space<hbm>> -> memref<1x320x128xf32, #tpu.memory_space<hbm>>
      %dma_wait3A_372 = tpu.memref_squeeze %dma_wait3A_371 : memref<1x320x128xf32, #tpu.memory_space<hbm>> -> memref<320x128xf32, #tpu.memory_space<hbm>>
      %dma_wait3A_373 = arith.constant 0 : i32
      %dma_wait3A_374 = tpu.memref_slice %arg14[%mul3A_358, %dma_wait3A_373] : memref<5008x128xf32, #tpu.memory_space<vmem_shared>> -> memref<320x128xf32, #tpu.memory_space<vmem_shared>>
      tpu.wait_dma2 semaphore(%run_scoped3A : memref<!tpu.dma_semaphore, #tpu.memory_space<semaphore_mem>>) src(%dma_wait3A_374 : memref<320x128xf32, #tpu.memory_space<vmem_shared>>) dst(%dma_wait3A_372 : memref<320x128xf32, #tpu.memory_space<hbm>>)
      tpu.yield
    }) : () -> ()
    %mul3A_361 = arith.constant 2 : i32
    %mul3A_362 = arith.muli %arg1, %mul3A_361 : i32
    %add3A_363 = arith.addi %mul3A_362, %arg0 : i32
    %mul3A_364 = arith.constant 10000 : i32
    %mul3A_365 = arith.muli %add3A_363, %mul3A_364 : i32
    "tpu.region"() ({
      %run_scoped3A = tpu.sem_alloc : memref<!tpu.dma_semaphore, #tpu.memory_space<semaphore_mem>>
      %dma_start3A_366 = tpu.memref_slice %arg7[%mul3A_365] : memref<320000xf32, #tpu.memory_space<hbm>> -> memref<10000xf32, #tpu.memory_space<hbm>>
      %dma_start3A_367 = tpu.memref_slice %arg7[%mul3A_365] : memref<320000xf32, #tpu.memory_space<hbm>> -> memref<10000xf32, #tpu.memory_space<hbm>>
      tpu.enqueue_dma source(%arg13 : memref<10000xf32, #tpu.memory_space<vmem>>) target(%dma_start3A_367 : memref<10000xf32, #tpu.memory_space<hbm>>) target_semaphore(%run_scoped3A : memref<!tpu.dma_semaphore, #tpu.memory_space<semaphore_mem>>)
      %dma_wait3A = tpu.memref_slice %arg7[%mul3A_365] : memref<320000xf32, #tpu.memory_space<hbm>> -> memref<10000xf32, #tpu.memory_space<hbm>>
      %dma_wait3A_368 = tpu.memref_slice %arg7[%mul3A_365] : memref<320000xf32, #tpu.memory_space<hbm>> -> memref<10000xf32, #tpu.memory_space<hbm>>
      tpu.wait_dma2 semaphore(%run_scoped3A : memref<!tpu.dma_semaphore, #tpu.memory_space<semaphore_mem>>) src(%arg13 : memref<10000xf32, #tpu.memory_space<vmem>>) dst(%dma_wait3A_368 : memref<10000xf32, #tpu.memory_space<hbm>>)
      tpu.yield
    }) : () -> ()
    return
  }
}

#map = affine_map<(d0, d1) -> (0)>
#map1 = affine_map<(d0, d1) -> (0, 0)>
#map2 = affine_map<(d0, d1) -> (0, 0, 0)>
module attributes {stable_mosaic.version = 14 : i64} {
  func.func @scatter_k(%arg0: i32, %arg1: i32, %arg2: memref<160000xi32, #tpu.memory_space<hbm>>, %arg3: memref<160000x128xf32, #tpu.memory_space<hbm>>, %arg4: memref<160000xf32, #tpu.memory_space<hbm>>, %arg5: memref<5008x128xf32, #tpu.memory_space<hbm>>, %arg6: memref<2x5000x128xf32, #tpu.memory_space<hbm>>, %arg7: memref<320000xf32, #tpu.memory_space<hbm>>, %arg8: memref<10000xi32, #tpu.memory_space<vmem>>, %arg9: memref<1x80xi32, #tpu.memory_space<vmem>>, %arg10: memref<5x80xi32, #tpu.memory_space<vmem>>, %arg11: memref<5x80x128xf32, #tpu.memory_space<vmem>>, %arg12: memref<80xf32, #tpu.memory_space<vmem>>, %arg13: memref<10000xf32, #tpu.memory_space<vmem>>, %arg14: memref<5008x128xf32, #tpu.memory_space<vmem_shared>>, %arg15: memref<!tpu.dma_semaphore, #tpu.memory_space<semaphore_mem>>, %arg16: memref<!tpu.dma_semaphore, #tpu.memory_space<semaphore_mem>>, %arg17: memref<!tpu.dma_semaphore, #tpu.memory_space<semaphore_mem>>, %arg18: memref<!tpu.dma_semaphore, #tpu.memory_space<semaphore_mem>>, %arg19: memref<!tpu.dma_semaphore, #tpu.memory_space<semaphore_mem>>) attributes {dimension_semantics = [#tpu.dimension_semantics<core_parallel>, #tpu.dimension_semantics<subcore_parallel>], iteration_bounds = array<i64: 2, 16>, scalar_prefetch = 0 : i64, scratch_operands = 12 : i64, tpu.core_type = #tpu.core_type<sc_vector_subcore>, window_params = [{transform_indices = #map}, {transform_indices = #map1}, {transform_indices = #map}, {transform_indices = #map1}, {transform_indices = #map2}, {transform_indices = #map}]} {
    %mul3A = arith.constant 10000 : i32
    %mul3A_0 = arith.muli %arg1, %mul3A : i32
    %mul3A_1 = arith.constant 5000 : i32
    %mul3A_2 = arith.muli %arg0, %mul3A_1 : i32
    %mul3A_3 = arith.constant 62 : i32
    %mul3A_4 = arith.muli %arg0, %mul3A_3 : i32
    %add3A = arith.constant 62 : i32
    %add3A_5 = arith.addi %mul3A_4, %add3A : i32
    %mul3A_6 = arith.constant 1 : i32
    %mul3A_7 = arith.muli %arg0, %mul3A_6 : i32
    %add3A_8 = arith.addi %add3A_5, %mul3A_7 : i32
    "tpu.region"() ({
      %run_scoped3A = tpu.sem_alloc : memref<!tpu.dma_semaphore, #tpu.memory_space<semaphore_mem>>
      %dma_start3A_366 = tpu.memref_slice %arg2[%mul3A_0] : memref<160000xi32, #tpu.memory_space<hbm>> -> memref<10000xi32, #tpu.memory_space<hbm>>
      %dma_start3A_367 = tpu.memref_slice %arg2[%mul3A_0] : memref<160000xi32, #tpu.memory_space<hbm>> -> memref<10000xi32, #tpu.memory_space<hbm>>
      tpu.enqueue_dma source(%dma_start3A_367 : memref<10000xi32, #tpu.memory_space<hbm>>) target(%arg8 : memref<10000xi32, #tpu.memory_space<vmem>>) target_semaphore(%run_scoped3A : memref<!tpu.dma_semaphore, #tpu.memory_space<semaphore_mem>>)
      %dma_wait3A = tpu.memref_slice %arg2[%mul3A_0] : memref<160000xi32, #tpu.memory_space<hbm>> -> memref<10000xi32, #tpu.memory_space<hbm>>
      %dma_wait3A_368 = tpu.memref_slice %arg2[%mul3A_0] : memref<160000xi32, #tpu.memory_space<hbm>> -> memref<10000xi32, #tpu.memory_space<hbm>>
      tpu.wait_dma2 semaphore(%run_scoped3A : memref<!tpu.dma_semaphore, #tpu.memory_space<semaphore_mem>>) src(%dma_wait3A_368 : memref<10000xi32, #tpu.memory_space<hbm>>) dst(%arg8 : memref<10000xi32, #tpu.memory_space<vmem>>)
      tpu.yield
    }) : () -> ()
    %scan3A = arith.constant 0 : i32
    %scan3A_9 = arith.constant 625 : i32
    %scan3A_10 = arith.addi %scan3A, %scan3A_9 : i32
    %scan3A_11 = arith.constant 1 : i32
    scf.for %scan3A_366 = %scan3A to %scan3A_10 step %scan3A_11  : i32 {
      %mul3A_367 = arith.constant 1 : i32
      %mul3A_368 = arith.muli %scan3A_366, %mul3A_367 : i32
      %add3A_369 = arith.constant 0 : i32
      %add3A_370 = arith.addi %add3A_369, %mul3A_368 : i32
      %broadcast_in_dim3A = arith.constant 0.000000e+00 : f32
      %broadcast_in_dim3A_371 = vector.broadcast %broadcast_in_dim3A : f32 to vector<16xf32>
      %mul3A_372 = arith.constant 16 : i32
      %mul3A_373 = arith.muli %add3A_370, %mul3A_372 : i32
      %swap3A_374 = arith.index_cast %mul3A_373 : i32 to index
      %swap3A_375 = tpu.vector_load %arg13[%swap3A_374] {strides = array<i32>} : memref<10000xf32, #tpu.memory_space<vmem>>, vector<16xf32>,
      tpu.vector_store %arg13[%swap3A_374], %broadcast_in_dim3A_371 {strides = array<i32>} : memref<10000xf32, #tpu.memory_space<vmem>>, vector<16xf32>,
    }
    %scan3A_12 = arith.constant 625 : i32
    %lt3A = arith.constant 15 : i32
    %lt3A_13 = arith.cmpi slt, %arg1, %lt3A : i32
    %convert_element_type3A = arith.extui %lt3A_13 : i1 to i32
    %cond3A = arith.constant 0 : i32
    %cond3A_14 = arith.cmpi ne, %convert_element_type3A, %cond3A : i32
    scf.if %cond3A_14 {
      %mul3A_366 = arith.constant 320 : i32
      %mul3A_367 = arith.muli %arg1, %mul3A_366 : i32
      %mul3A_368 = arith.constant 320 : i32
      %mul3A_369 = arith.muli %arg1, %mul3A_368 : i32
      "tpu.region"() ({
        %run_scoped3A = tpu.sem_alloc : memref<!tpu.dma_semaphore, #tpu.memory_space<semaphore_mem>>
        %dma_start3A_370 = arith.constant 0 : i32
        %dma_start3A_371 = tpu.memref_slice %arg14[%mul3A_369, %dma_start3A_370] : memref<5008x128xf32, #tpu.memory_space<vmem_shared>> -> memref<320x128xf32, #tpu.memory_space<vmem_shared>>
        %dma_start3A_372 = arith.constant 0 : i32
        %dma_start3A_373 = tpu.memref_slice %arg5[%mul3A_367, %dma_start3A_372] : memref<5008x128xf32, #tpu.memory_space<hbm>> -> memref<320x128xf32, #tpu.memory_space<hbm>>
        tpu.enqueue_dma source(%dma_start3A_373 : memref<320x128xf32, #tpu.memory_space<hbm>>) target(%dma_start3A_371 : memref<320x128xf32, #tpu.memory_space<vmem_shared>>) target_semaphore(%run_scoped3A : memref<!tpu.dma_semaphore, #tpu.memory_space<semaphore_mem>>)
        %dma_wait3A = arith.constant 0 : i32
        %dma_wait3A_374 = tpu.memref_slice %arg14[%mul3A_369, %dma_wait3A] : memref<5008x128xf32, #tpu.memory_space<vmem_shared>> -> memref<320x128xf32, #tpu.memory_space<vmem_shared>>
        %dma_wait3A_375 = arith.constant 0 : i32
        %dma_wait3A_376 = tpu.memref_slice %arg5[%mul3A_367, %dma_wait3A_375] : memref<5008x128xf32, #tpu.memory_space<hbm>> -> memref<320x128xf32, #tpu.memory_space<hbm>>
        tpu.wait_dma2 semaphore(%run_scoped3A : memref<!tpu.dma_semaphore, #tpu.memory_space<semaphore_mem>>) src(%dma_wait3A_376 : memref<320x128xf32, #tpu.memory_space<hbm>>) dst(%dma_wait3A_374 : memref<320x128xf32, #tpu.memory_space<vmem_shared>>)
        tpu.yield
      }) : () -> ()
    } else {
    }
    %eq3A = arith.constant 15 : i32
    %eq3A_15 = arith.cmpi eq, %arg1, %eq3A : i32
    %convert_element_type3A_16 = arith.extui %eq3A_15 : i1 to i32
    %cond3A_17 = arith.constant 0 : i32
    %cond3A_18 = arith.cmpi ne, %convert_element_type3A_16, %cond3A_17 : i32
    scf.if %cond3A_18 {
      "tpu.region"() ({
        %run_scoped3A = tpu.sem_alloc : memref<!tpu.dma_semaphore, #tpu.memory_space<semaphore_mem>>
        %dma_start3A_366 = arith.constant 4800 : i32
        %dma_start3A_367 = arith.constant 0 : i32
        %dma_start3A_368 = tpu.memref_slice %arg14[%dma_start3A_366, %dma_start3A_367] : memref<5008x128xf32, #tpu.memory_space<vmem_shared>> -> memref<208x128xf32, #tpu.memory_space<vmem_shared>>
        %dma_start3A_369 = arith.constant 4800 : i32
        %dma_start3A_370 = arith.constant 0 : i32
        %dma_start3A_371 = tpu.memref_slice %arg5[%dma_start3A_369, %dma_start3A_370] : memref<5008x128xf32, #tpu.memory_space<hbm>> -> memref<208x128xf32, #tpu.memory_space<hbm>>
        tpu.enqueue_dma source(%dma_start3A_371 : memref<208x128xf32, #tpu.memory_space<hbm>>) target(%dma_start3A_368 : memref<208x128xf32, #tpu.memory_space<vmem_shared>>) target_semaphore(%run_scoped3A : memref<!tpu.dma_semaphore, #tpu.memory_space<semaphore_mem>>)
        %dma_wait3A = arith.constant 4800 : i32
        %dma_wait3A_372 = arith.constant 0 : i32
        %dma_wait3A_373 = tpu.memref_slice %arg14[%dma_wait3A, %dma_wait3A_372] : memref<5008x128xf32, #tpu.memory_space<vmem_shared>> -> memref<208x128xf32, #tpu.memory_space<vmem_shared>>
        %dma_wait3A_374 = arith.constant 4800 : i32
        %dma_wait3A_375 = arith.constant 0 : i32
        %dma_wait3A_376 = tpu.memref_slice %arg5[%dma_wait3A_374, %dma_wait3A_375] : memref<5008x128xf32, #tpu.memory_space<hbm>> -> memref<208x128xf32, #tpu.memory_space<hbm>>
        tpu.wait_dma2 semaphore(%run_scoped3A : memref<!tpu.dma_semaphore, #tpu.memory_space<semaphore_mem>>) src(%dma_wait3A_376 : memref<208x128xf32, #tpu.memory_space<hbm>>) dst(%dma_wait3A_373 : memref<208x128xf32, #tpu.memory_space<vmem_shared>>)
        tpu.yield
      }) : () -> ()
    } else {
    }
    %barrier3A = arith.constant 0 : index
    tpu.barrier barrier_id(%barrier3A)
    %iota3A = tpu.iota {dimensions = array<i32: 0>} : vector<16xi32>
    %add3A_19 = arith.constant 0 : i32
    %add3A_20 = arith.addi %mul3A_0, %add3A_19 : i32
    %add3A_21 = arith.constant 0 : i32
    %add3A_22 = arith.addi %add3A_20, %add3A_21 : i32
    %add3A_23 = vector.broadcast %add3A_22 : i32 to vector<16xi32>
    %add3A_24 = arith.addi %iota3A, %add3A_23 : vector<16xi32>
    %swap3A = arith.constant 0 : i32
    %swap3A_25 = arith.index_cast %swap3A : i32 to index
    %swap3A_26 = arith.constant 0 : index
    %swap3A_27 = tpu.vector_load %arg10[%swap3A_25, %swap3A_26] {strides = array<i32>} : memref<5x80xi32, #tpu.memory_space<vmem>>, vector<16xi32>,
    tpu.vector_store %arg10[%swap3A_25, %swap3A_26], %add3A_24 {strides = array<i32>} : memref<5x80xi32, #tpu.memory_space<vmem>>, vector<16xi32>,
    %iota3A_28 = tpu.iota {dimensions = array<i32: 0>} : vector<16xi32>
    %add3A_29 = arith.constant 0 : i32
    %add3A_30 = arith.addi %mul3A_0, %add3A_29 : i32
    %add3A_31 = arith.constant 16 : i32
    %add3A_32 = arith.addi %add3A_30, %add3A_31 : i32
    %add3A_33 = vector.broadcast %add3A_32 : i32 to vector<16xi32>
    %add3A_34 = arith.addi %iota3A_28, %add3A_33 : vector<16xi32>
    %swap3A_35 = arith.constant 0 : i32
    %swap3A_36 = arith.index_cast %swap3A_35 : i32 to index
    %swap3A_37 = arith.constant 16 : index
    %swap3A_38 = tpu.vector_load %arg10[%swap3A_36, %swap3A_37] {strides = array<i32>} : memref<5x80xi32, #tpu.memory_space<vmem>>, vector<16xi32>,
    tpu.vector_store %arg10[%swap3A_36, %swap3A_37], %add3A_34 {strides = array<i32>} : memref<5x80xi32, #tpu.memory_space<vmem>>, vector<16xi32>,
    %iota3A_39 = tpu.iota {dimensions = array<i32: 0>} : vector<16xi32>
    %add3A_40 = arith.constant 0 : i32
    %add3A_41 = arith.addi %mul3A_0, %add3A_40 : i32
    %add3A_42 = arith.constant 32 : i32
    %add3A_43 = arith.addi %add3A_41, %add3A_42 : i32
    %add3A_44 = vector.broadcast %add3A_43 : i32 to vector<16xi32>
    %add3A_45 = arith.addi %iota3A_39, %add3A_44 : vector<16xi32>
    %swap3A_46 = arith.constant 0 : i32
    %swap3A_47 = arith.index_cast %swap3A_46 : i32 to index
    %swap3A_48 = arith.constant 32 : index
    %swap3A_49 = tpu.vector_load %arg10[%swap3A_47, %swap3A_48] {strides = array<i32>} : memref<5x80xi32, #tpu.memory_space<vmem>>, vector<16xi32>,
    tpu.vector_store %arg10[%swap3A_47, %swap3A_48], %add3A_45 {strides = array<i32>} : memref<5x80xi32, #tpu.memory_space<vmem>>, vector<16xi32>,
    %iota3A_50 = tpu.iota {dimensions = array<i32: 0>} : vector<16xi32>
    %add3A_51 = arith.constant 0 : i32
    %add3A_52 = arith.addi %mul3A_0, %add3A_51 : i32
    %add3A_53 = arith.constant 48 : i32
    %add3A_54 = arith.addi %add3A_52, %add3A_53 : i32
    %add3A_55 = vector.broadcast %add3A_54 : i32 to vector<16xi32>
    %add3A_56 = arith.addi %iota3A_50, %add3A_55 : vector<16xi32>
    %swap3A_57 = arith.constant 0 : i32
    %swap3A_58 = arith.index_cast %swap3A_57 : i32 to index
    %swap3A_59 = arith.constant 48 : index
    %swap3A_60 = tpu.vector_load %arg10[%swap3A_58, %swap3A_59] {strides = array<i32>} : memref<5x80xi32, #tpu.memory_space<vmem>>, vector<16xi32>,
    tpu.vector_store %arg10[%swap3A_58, %swap3A_59], %add3A_56 {strides = array<i32>} : memref<5x80xi32, #tpu.memory_space<vmem>>, vector<16xi32>,
    %iota3A_61 = tpu.iota {dimensions = array<i32: 0>} : vector<16xi32>
    %add3A_62 = arith.constant 0 : i32
    %add3A_63 = arith.addi %mul3A_0, %add3A_62 : i32
    %add3A_64 = arith.constant 64 : i32
    %add3A_65 = arith.addi %add3A_63, %add3A_64 : i32
    %add3A_66 = vector.broadcast %add3A_65 : i32 to vector<16xi32>
    %add3A_67 = arith.addi %iota3A_61, %add3A_66 : vector<16xi32>
    %swap3A_68 = arith.constant 0 : i32
    %swap3A_69 = arith.index_cast %swap3A_68 : i32 to index
    %swap3A_70 = arith.constant 64 : index
    %swap3A_71 = tpu.vector_load %arg10[%swap3A_69, %swap3A_70] {strides = array<i32>} : memref<5x80xi32, #tpu.memory_space<vmem>>, vector<16xi32>,
    tpu.vector_store %arg10[%swap3A_69, %swap3A_70], %add3A_67 {strides = array<i32>} : memref<5x80xi32, #tpu.memory_space<vmem>>, vector<16xi32>,
    %dma_start3A = arith.constant 0 : i32
    %dma_start3A_72 = arith.constant 0 : i32
    %dma_start3A_73 = arith.constant 0 : i32
    %dma_start3A_74 = arith.constant 0 : i32
    %dma_start3A_75 = tpu.memref_slice %arg11[%dma_start3A_72, %dma_start3A_73, %dma_start3A_74] : memref<5x80x128xf32, #tpu.memory_space<vmem>> -> memref<1x80x128xf32, #tpu.memory_space<vmem>>
    %dma_start3A_76 = tpu.memref_squeeze %dma_start3A_75 : memref<1x80x128xf32, #tpu.memory_space<vmem>> -> memref<80x128xf32, #tpu.memory_space<vmem>>
    %dma_start3A_77 = arith.constant 0 : i32
    %dma_start3A_78 = tpu.memref_slice %arg10[%dma_start3A, %dma_start3A_77] : memref<5x80xi32, #tpu.memory_space<vmem>> -> memref<1x80xi32, #tpu.memory_space<vmem>>
    %dma_start3A_79 = tpu.memref_squeeze %dma_start3A_78 : memref<1x80xi32, #tpu.memory_space<vmem>> -> memref<80xi32, #tpu.memory_space<vmem>>
    %dma_start3A_80 = arith.constant 0 : i32
    %dma_start3A_81 = arith.constant 0 : i32
    %dma_start3A_82 = tpu.memref_slice %arg3[%dma_start3A_80, %dma_start3A_81] : memref<160000x128xf32, #tpu.memory_space<hbm>> -> memref<160000x128xf32, #tpu.memory_space<hbm>>
    tpu.enqueue_indirect_dma source(%dma_start3A_82 : memref<160000x128xf32, #tpu.memory_space<hbm>>) target(%dma_start3A_76 : memref<80x128xf32, #tpu.memory_space<vmem>>) offsets(%dma_start3A_79 : memref<80xi32, #tpu.memory_space<vmem>>) semaphore(%arg15 : memref<!tpu.dma_semaphore, #tpu.memory_space<semaphore_mem>>)
    %iota3A_83 = tpu.iota {dimensions = array<i32: 0>} : vector<16xi32>
    %add3A_84 = arith.constant 80 : i32
    %add3A_85 = arith.addi %mul3A_0, %add3A_84 : i32
    %add3A_86 = arith.constant 0 : i32
    %add3A_87 = arith.addi %add3A_85, %add3A_86 : i32
    %add3A_88 = vector.broadcast %add3A_87 : i32 to vector<16xi32>
    %add3A_89 = arith.addi %iota3A_83, %add3A_88 : vector<16xi32>
    %swap3A_90 = arith.constant 1 : i32
    %swap3A_91 = arith.index_cast %swap3A_90 : i32 to index
    %swap3A_92 = arith.constant 0 : index
    %swap3A_93 = tpu.vector_load %arg10[%swap3A_91, %swap3A_92] {strides = array<i32>} : memref<5x80xi32, #tpu.memory_space<vmem>>, vector<16xi32>,
    tpu.vector_store %arg10[%swap3A_91, %swap3A_92], %add3A_89 {strides = array<i32>} : memref<5x80xi32, #tpu.memory_space<vmem>>, vector<16xi32>,
    %iota3A_94 = tpu.iota {dimensions = array<i32: 0>} : vector<16xi32>
    %add3A_95 = arith.constant 80 : i32
    %add3A_96 = arith.addi %mul3A_0, %add3A_95 : i32
    %add3A_97 = arith.constant 16 : i32
    %add3A_98 = arith.addi %add3A_96, %add3A_97 : i32
    %add3A_99 = vector.broadcast %add3A_98 : i32 to vector<16xi32>
    %add3A_100 = arith.addi %iota3A_94, %add3A_99 : vector<16xi32>
    %swap3A_101 = arith.constant 1 : i32
    %swap3A_102 = arith.index_cast %swap3A_101 : i32 to index
    %swap3A_103 = arith.constant 16 : index
    %swap3A_104 = tpu.vector_load %arg10[%swap3A_102, %swap3A_103] {strides = array<i32>} : memref<5x80xi32, #tpu.memory_space<vmem>>, vector<16xi32>,
    tpu.vector_store %arg10[%swap3A_102, %swap3A_103], %add3A_100 {strides = array<i32>} : memref<5x80xi32, #tpu.memory_space<vmem>>, vector<16xi32>,
    %iota3A_105 = tpu.iota {dimensions = array<i32: 0>} : vector<16xi32>
    %add3A_106 = arith.constant 80 : i32
    %add3A_107 = arith.addi %mul3A_0, %add3A_106 : i32
    %add3A_108 = arith.constant 32 : i32
    %add3A_109 = arith.addi %add3A_107, %add3A_108 : i32
    %add3A_110 = vector.broadcast %add3A_109 : i32 to vector<16xi32>
    %add3A_111 = arith.addi %iota3A_105, %add3A_110 : vector<16xi32>
    %swap3A_112 = arith.constant 1 : i32
    %swap3A_113 = arith.index_cast %swap3A_112 : i32 to index
    %swap3A_114 = arith.constant 32 : index
    %swap3A_115 = tpu.vector_load %arg10[%swap3A_113, %swap3A_114] {strides = array<i32>} : memref<5x80xi32, #tpu.memory_space<vmem>>, vector<16xi32>,
    tpu.vector_store %arg10[%swap3A_113, %swap3A_114], %add3A_111 {strides = array<i32>} : memref<5x80xi32, #tpu.memory_space<vmem>>, vector<16xi32>,
    %iota3A_116 = tpu.iota {dimensions = array<i32: 0>} : vector<16xi32>
    %add3A_117 = arith.constant 80 : i32
    %add3A_118 = arith.addi %mul3A_0, %add3A_117 : i32
    %add3A_119 = arith.constant 48 : i32
    %add3A_120 = arith.addi %add3A_118, %add3A_119 : i32
    %add3A_121 = vector.broadcast %add3A_120 : i32 to vector<16xi32>
    %add3A_122 = arith.addi %iota3A_116, %add3A_121 : vector<16xi32>
    %swap3A_123 = arith.constant 1 : i32
    %swap3A_124 = arith.index_cast %swap3A_123 : i32 to index
    %swap3A_125 = arith.constant 48 : index
    %swap3A_126 = tpu.vector_load %arg10[%swap3A_124, %swap3A_125] {strides = array<i32>} : memref<5x80xi32, #tpu.memory_space<vmem>>, vector<16xi32>,
    tpu.vector_store %arg10[%swap3A_124, %swap3A_125], %add3A_122 {strides = array<i32>} : memref<5x80xi32, #tpu.memory_space<vmem>>, vector<16xi32>,
    %iota3A_127 = tpu.iota {dimensions = array<i32: 0>} : vector<16xi32>
    %add3A_128 = arith.constant 80 : i32
    %add3A_129 = arith.addi %mul3A_0, %add3A_128 : i32
    %add3A_130 = arith.constant 64 : i32
    %add3A_131 = arith.addi %add3A_129, %add3A_130 : i32
    %add3A_132 = vector.broadcast %add3A_131 : i32 to vector<16xi32>
    %add3A_133 = arith.addi %iota3A_127, %add3A_132 : vector<16xi32>
    %swap3A_134 = arith.constant 1 : i32
    %swap3A_135 = arith.index_cast %swap3A_134 : i32 to index
    %swap3A_136 = arith.constant 64 : index
    %swap3A_137 = tpu.vector_load %arg10[%swap3A_135, %swap3A_136] {strides = array<i32>} : memref<5x80xi32, #tpu.memory_space<vmem>>, vector<16xi32>,
    tpu.vector_store %arg10[%swap3A_135, %swap3A_136], %add3A_133 {strides = array<i32>} : memref<5x80xi32, #tpu.memory_space<vmem>>, vector<16xi32>,
    %dma_start3A_138 = arith.constant 1 : i32
    %dma_start3A_139 = arith.constant 1 : i32
    %dma_start3A_140 = arith.constant 0 : i32
    %dma_start3A_141 = arith.constant 0 : i32
    %dma_start3A_142 = tpu.memref_slice %arg11[%dma_start3A_139, %dma_start3A_140, %dma_start3A_141] : memref<5x80x128xf32, #tpu.memory_space<vmem>> -> memref<1x80x128xf32, #tpu.memory_space<vmem>>
    %dma_start3A_143 = tpu.memref_squeeze %dma_start3A_142 : memref<1x80x128xf32, #tpu.memory_space<vmem>> -> memref<80x128xf32, #tpu.memory_space<vmem>>
    %dma_start3A_144 = arith.constant 0 : i32
    %dma_start3A_145 = tpu.memref_slice %arg10[%dma_start3A_138, %dma_start3A_144] : memref<5x80xi32, #tpu.memory_space<vmem>> -> memref<1x80xi32, #tpu.memory_space<vmem>>
    %dma_start3A_146 = tpu.memref_squeeze %dma_start3A_145 : memref<1x80xi32, #tpu.memory_space<vmem>> -> memref<80xi32, #tpu.memory_space<vmem>>
    %dma_start3A_147 = arith.constant 0 : i32
    %dma_start3A_148 = arith.constant 0 : i32
    %dma_start3A_149 = tpu.memref_slice %arg3[%dma_start3A_147, %dma_start3A_148] : memref<160000x128xf32, #tpu.memory_space<hbm>> -> memref<160000x128xf32, #tpu.memory_space<hbm>>
    tpu.enqueue_indirect_dma source(%dma_start3A_149 : memref<160000x128xf32, #tpu.memory_space<hbm>>) target(%dma_start3A_143 : memref<80x128xf32, #tpu.memory_space<vmem>>) offsets(%dma_start3A_146 : memref<80xi32, #tpu.memory_space<vmem>>) semaphore(%arg16 : memref<!tpu.dma_semaphore, #tpu.memory_space<semaphore_mem>>)
    %iota3A_150 = tpu.iota {dimensions = array<i32: 0>} : vector<16xi32>
    %add3A_151 = arith.constant 160 : i32
    %add3A_152 = arith.addi %mul3A_0, %add3A_151 : i32
    %add3A_153 = arith.constant 0 : i32
    %add3A_154 = arith.addi %add3A_152, %add3A_153 : i32
    %add3A_155 = vector.broadcast %add3A_154 : i32 to vector<16xi32>
    %add3A_156 = arith.addi %iota3A_150, %add3A_155 : vector<16xi32>
    %swap3A_157 = arith.constant 2 : i32
    %swap3A_158 = arith.index_cast %swap3A_157 : i32 to index
    %swap3A_159 = arith.constant 0 : index
    %swap3A_160 = tpu.vector_load %arg10[%swap3A_158, %swap3A_159] {strides = array<i32>} : memref<5x80xi32, #tpu.memory_space<vmem>>, vector<16xi32>,
    tpu.vector_store %arg10[%swap3A_158, %swap3A_159], %add3A_156 {strides = array<i32>} : memref<5x80xi32, #tpu.memory_space<vmem>>, vector<16xi32>,
    %iota3A_161 = tpu.iota {dimensions = array<i32: 0>} : vector<16xi32>
    %add3A_162 = arith.constant 160 : i32
    %add3A_163 = arith.addi %mul3A_0, %add3A_162 : i32
    %add3A_164 = arith.constant 16 : i32
    %add3A_165 = arith.addi %add3A_163, %add3A_164 : i32
    %add3A_166 = vector.broadcast %add3A_165 : i32 to vector<16xi32>
    %add3A_167 = arith.addi %iota3A_161, %add3A_166 : vector<16xi32>
    %swap3A_168 = arith.constant 2 : i32
    %swap3A_169 = arith.index_cast %swap3A_168 : i32 to index
    %swap3A_170 = arith.constant 16 : index
    %swap3A_171 = tpu.vector_load %arg10[%swap3A_169, %swap3A_170] {strides = array<i32>} : memref<5x80xi32, #tpu.memory_space<vmem>>, vector<16xi32>,
    tpu.vector_store %arg10[%swap3A_169, %swap3A_170], %add3A_167 {strides = array<i32>} : memref<5x80xi32, #tpu.memory_space<vmem>>, vector<16xi32>,
    %iota3A_172 = tpu.iota {dimensions = array<i32: 0>} : vector<16xi32>
    %add3A_173 = arith.constant 160 : i32
    %add3A_174 = arith.addi %mul3A_0, %add3A_173 : i32
    %add3A_175 = arith.constant 32 : i32
    %add3A_176 = arith.addi %add3A_174, %add3A_175 : i32
    %add3A_177 = vector.broadcast %add3A_176 : i32 to vector<16xi32>
    %add3A_178 = arith.addi %iota3A_172, %add3A_177 : vector<16xi32>
    %swap3A_179 = arith.constant 2 : i32
    %swap3A_180 = arith.index_cast %swap3A_179 : i32 to index
    %swap3A_181 = arith.constant 32 : index
    %swap3A_182 = tpu.vector_load %arg10[%swap3A_180, %swap3A_181] {strides = array<i32>} : memref<5x80xi32, #tpu.memory_space<vmem>>, vector<16xi32>,
    tpu.vector_store %arg10[%swap3A_180, %swap3A_181], %add3A_178 {strides = array<i32>} : memref<5x80xi32, #tpu.memory_space<vmem>>, vector<16xi32>,
    %iota3A_183 = tpu.iota {dimensions = array<i32: 0>} : vector<16xi32>
    %add3A_184 = arith.constant 160 : i32
    %add3A_185 = arith.addi %mul3A_0, %add3A_184 : i32
    %add3A_186 = arith.constant 48 : i32
    %add3A_187 = arith.addi %add3A_185, %add3A_186 : i32
    %add3A_188 = vector.broadcast %add3A_187 : i32 to vector<16xi32>
    %add3A_189 = arith.addi %iota3A_183, %add3A_188 : vector<16xi32>
    %swap3A_190 = arith.constant 2 : i32
    %swap3A_191 = arith.index_cast %swap3A_190 : i32 to index
    %swap3A_192 = arith.constant 48 : index
    %swap3A_193 = tpu.vector_load %arg10[%swap3A_191, %swap3A_192] {strides = array<i32>} : memref<5x80xi32, #tpu.memory_space<vmem>>, vector<16xi32>,
    tpu.vector_store %arg10[%swap3A_191, %swap3A_192], %add3A_189 {strides = array<i32>} : memref<5x80xi32, #tpu.memory_space<vmem>>, vector<16xi32>,
    %iota3A_194 = tpu.iota {dimensions = array<i32: 0>} : vector<16xi32>
    %add3A_195 = arith.constant 160 : i32
    %add3A_196 = arith.addi %mul3A_0, %add3A_195 : i32
    %add3A_197 = arith.constant 64 : i32
    %add3A_198 = arith.addi %add3A_196, %add3A_197 : i32
    %add3A_199 = vector.broadcast %add3A_198 : i32 to vector<16xi32>
    %add3A_200 = arith.addi %iota3A_194, %add3A_199 : vector<16xi32>
    %swap3A_201 = arith.constant 2 : i32
    %swap3A_202 = arith.index_cast %swap3A_201 : i32 to index
    %swap3A_203 = arith.constant 64 : index
    %swap3A_204 = tpu.vector_load %arg10[%swap3A_202, %swap3A_203] {strides = array<i32>} : memref<5x80xi32, #tpu.memory_space<vmem>>, vector<16xi32>,
    tpu.vector_store %arg10[%swap3A_202, %swap3A_203], %add3A_200 {strides = array<i32>} : memref<5x80xi32, #tpu.memory_space<vmem>>, vector<16xi32>,
    %dma_start3A_205 = arith.constant 2 : i32
    %dma_start3A_206 = arith.constant 2 : i32
    %dma_start3A_207 = arith.constant 0 : i32
    %dma_start3A_208 = arith.constant 0 : i32
    %dma_start3A_209 = tpu.memref_slice %arg11[%dma_start3A_206, %dma_start3A_207, %dma_start3A_208] : memref<5x80x128xf32, #tpu.memory_space<vmem>> -> memref<1x80x128xf32, #tpu.memory_space<vmem>>
    %dma_start3A_210 = tpu.memref_squeeze %dma_start3A_209 : memref<1x80x128xf32, #tpu.memory_space<vmem>> -> memref<80x128xf32, #tpu.memory_space<vmem>>
    %dma_start3A_211 = arith.constant 0 : i32
    %dma_start3A_212 = tpu.memref_slice %arg10[%dma_start3A_205, %dma_start3A_211] : memref<5x80xi32, #tpu.memory_space<vmem>> -> memref<1x80xi32, #tpu.memory_space<vmem>>
    %dma_start3A_213 = tpu.memref_squeeze %dma_start3A_212 : memref<1x80xi32, #tpu.memory_space<vmem>> -> memref<80xi32, #tpu.memory_space<vmem>>
    %dma_start3A_214 = arith.constant 0 : i32
    %dma_start3A_215 = arith.constant 0 : i32
    %dma_start3A_216 = tpu.memref_slice %arg3[%dma_start3A_214, %dma_start3A_215] : memref<160000x128xf32, #tpu.memory_space<hbm>> -> memref<160000x128xf32, #tpu.memory_space<hbm>>
    tpu.enqueue_indirect_dma source(%dma_start3A_216 : memref<160000x128xf32, #tpu.memory_space<hbm>>) target(%dma_start3A_210 : memref<80x128xf32, #tpu.memory_space<vmem>>) offsets(%dma_start3A_213 : memref<80xi32, #tpu.memory_space<vmem>>) semaphore(%arg17 : memref<!tpu.dma_semaphore, #tpu.memory_space<semaphore_mem>>)
    %iota3A_217 = tpu.iota {dimensions = array<i32: 0>} : vector<16xi32>
    %add3A_218 = arith.constant 240 : i32
    %add3A_219 = arith.addi %mul3A_0, %add3A_218 : i32
    %add3A_220 = arith.constant 0 : i32
    %add3A_221 = arith.addi %add3A_219, %add3A_220 : i32
    %add3A_222 = vector.broadcast %add3A_221 : i32 to vector<16xi32>
    %add3A_223 = arith.addi %iota3A_217, %add3A_222 : vector<16xi32>
    %swap3A_224 = arith.constant 3 : i32
    %swap3A_225 = arith.index_cast %swap3A_224 : i32 to index
    %swap3A_226 = arith.constant 0 : index
    %swap3A_227 = tpu.vector_load %arg10[%swap3A_225, %swap3A_226] {strides = array<i32>} : memref<5x80xi32, #tpu.memory_space<vmem>>, vector<16xi32>,
    tpu.vector_store %arg10[%swap3A_225, %swap3A_226], %add3A_223 {strides = array<i32>} : memref<5x80xi32, #tpu.memory_space<vmem>>, vector<16xi32>,
    %iota3A_228 = tpu.iota {dimensions = array<i32: 0>} : vector<16xi32>
    %add3A_229 = arith.constant 240 : i32
    %add3A_230 = arith.addi %mul3A_0, %add3A_229 : i32
    %add3A_231 = arith.constant 16 : i32
    %add3A_232 = arith.addi %add3A_230, %add3A_231 : i32
    %add3A_233 = vector.broadcast %add3A_232 : i32 to vector<16xi32>
    %add3A_234 = arith.addi %iota3A_228, %add3A_233 : vector<16xi32>
    %swap3A_235 = arith.constant 3 : i32
    %swap3A_236 = arith.index_cast %swap3A_235 : i32 to index
    %swap3A_237 = arith.constant 16 : index
    %swap3A_238 = tpu.vector_load %arg10[%swap3A_236, %swap3A_237] {strides = array<i32>} : memref<5x80xi32, #tpu.memory_space<vmem>>, vector<16xi32>,
    tpu.vector_store %arg10[%swap3A_236, %swap3A_237], %add3A_234 {strides = array<i32>} : memref<5x80xi32, #tpu.memory_space<vmem>>, vector<16xi32>,
    %iota3A_239 = tpu.iota {dimensions = array<i32: 0>} : vector<16xi32>
    %add3A_240 = arith.constant 240 : i32
    %add3A_241 = arith.addi %mul3A_0, %add3A_240 : i32
    %add3A_242 = arith.constant 32 : i32
    %add3A_243 = arith.addi %add3A_241, %add3A_242 : i32
    %add3A_244 = vector.broadcast %add3A_243 : i32 to vector<16xi32>
    %add3A_245 = arith.addi %iota3A_239, %add3A_244 : vector<16xi32>
    %swap3A_246 = arith.constant 3 : i32
    %swap3A_247 = arith.index_cast %swap3A_246 : i32 to index
    %swap3A_248 = arith.constant 32 : index
    %swap3A_249 = tpu.vector_load %arg10[%swap3A_247, %swap3A_248] {strides = array<i32>} : memref<5x80xi32, #tpu.memory_space<vmem>>, vector<16xi32>,
    tpu.vector_store %arg10[%swap3A_247, %swap3A_248], %add3A_245 {strides = array<i32>} : memref<5x80xi32, #tpu.memory_space<vmem>>, vector<16xi32>,
    %iota3A_250 = tpu.iota {dimensions = array<i32: 0>} : vector<16xi32>
    %add3A_251 = arith.constant 240 : i32
    %add3A_252 = arith.addi %mul3A_0, %add3A_251 : i32
    %add3A_253 = arith.constant 48 : i32
    %add3A_254 = arith.addi %add3A_252, %add3A_253 : i32
    %add3A_255 = vector.broadcast %add3A_254 : i32 to vector<16xi32>
    %add3A_256 = arith.addi %iota3A_250, %add3A_255 : vector<16xi32>
    %swap3A_257 = arith.constant 3 : i32
    %swap3A_258 = arith.index_cast %swap3A_257 : i32 to index
    %swap3A_259 = arith.constant 48 : index
    %swap3A_260 = tpu.vector_load %arg10[%swap3A_258, %swap3A_259] {strides = array<i32>} : memref<5x80xi32, #tpu.memory_space<vmem>>, vector<16xi32>,
    tpu.vector_store %arg10[%swap3A_258, %swap3A_259], %add3A_256 {strides = array<i32>} : memref<5x80xi32, #tpu.memory_space<vmem>>, vector<16xi32>,
    %iota3A_261 = tpu.iota {dimensions = array<i32: 0>} : vector<16xi32>
    %add3A_262 = arith.constant 240 : i32
    %add3A_263 = arith.addi %mul3A_0, %add3A_262 : i32
    %add3A_264 = arith.constant 64 : i32
    %add3A_265 = arith.addi %add3A_263, %add3A_264 : i32
    %add3A_266 = vector.broadcast %add3A_265 : i32 to vector<16xi32>
    %add3A_267 = arith.addi %iota3A_261, %add3A_266 : vector<16xi32>
    %swap3A_268 = arith.constant 3 : i32
    %swap3A_269 = arith.index_cast %swap3A_268 : i32 to index
    %swap3A_270 = arith.constant 64 : index
    %swap3A_271 = tpu.vector_load %arg10[%swap3A_269, %swap3A_270] {strides = array<i32>} : memref<5x80xi32, #tpu.memory_space<vmem>>, vector<16xi32>,
    tpu.vector_store %arg10[%swap3A_269, %swap3A_270], %add3A_267 {strides = array<i32>} : memref<5x80xi32, #tpu.memory_space<vmem>>, vector<16xi32>,
    %dma_start3A_272 = arith.constant 3 : i32
    %dma_start3A_273 = arith.constant 3 : i32
    %dma_start3A_274 = arith.constant 0 : i32
    %dma_start3A_275 = arith.constant 0 : i32
    %dma_start3A_276 = tpu.memref_slice %arg11[%dma_start3A_273, %dma_start3A_274, %dma_start3A_275] : memref<5x80x128xf32, #tpu.memory_space<vmem>> -> memref<1x80x128xf32, #tpu.memory_space<vmem>>
    %dma_start3A_277 = tpu.memref_squeeze %dma_start3A_276 : memref<1x80x128xf32, #tpu.memory_space<vmem>> -> memref<80x128xf32, #tpu.memory_space<vmem>>
    %dma_start3A_278 = arith.constant 0 : i32
    %dma_start3A_279 = tpu.memref_slice %arg10[%dma_start3A_272, %dma_start3A_278] : memref<5x80xi32, #tpu.memory_space<vmem>> -> memref<1x80xi32, #tpu.memory_space<vmem>>
    %dma_start3A_280 = tpu.memref_squeeze %dma_start3A_279 : memref<1x80xi32, #tpu.memory_space<vmem>> -> memref<80xi32, #tpu.memory_space<vmem>>
    %dma_start3A_281 = arith.constant 0 : i32
    %dma_start3A_282 = arith.constant 0 : i32
    %dma_start3A_283 = tpu.memref_slice %arg3[%dma_start3A_281, %dma_start3A_282] : memref<160000x128xf32, #tpu.memory_space<hbm>> -> memref<160000x128xf32, #tpu.memory_space<hbm>>
    tpu.enqueue_indirect_dma source(%dma_start3A_283 : memref<160000x128xf32, #tpu.memory_space<hbm>>) target(%dma_start3A_277 : memref<80x128xf32, #tpu.memory_space<vmem>>) offsets(%dma_start3A_280 : memref<80xi32, #tpu.memory_space<vmem>>) semaphore(%arg18 : memref<!tpu.dma_semaphore, #tpu.memory_space<semaphore_mem>>)
    %iota3A_284 = tpu.iota {dimensions = array<i32: 0>} : vector<16xi32>
    %add3A_285 = arith.constant 320 : i32
    %add3A_286 = arith.addi %mul3A_0, %add3A_285 : i32
    %add3A_287 = arith.constant 0 : i32
    %add3A_288 = arith.addi %add3A_286, %add3A_287 : i32
    %add3A_289 = vector.broadcast %add3A_288 : i32 to vector<16xi32>
    %add3A_290 = arith.addi %iota3A_284, %add3A_289 : vector<16xi32>
    %swap3A_291 = arith.constant 4 : i32
    %swap3A_292 = arith.index_cast %swap3A_291 : i32 to index
    %swap3A_293 = arith.constant 0 : index
    %swap3A_294 = tpu.vector_load %arg10[%swap3A_292, %swap3A_293] {strides = array<i32>} : memref<5x80xi32, #tpu.memory_space<vmem>>, vector<16xi32>,
    tpu.vector_store %arg10[%swap3A_292, %swap3A_293], %add3A_290 {strides = array<i32>} : memref<5x80xi32, #tpu.memory_space<vmem>>, vector<16xi32>,
    %iota3A_295 = tpu.iota {dimensions = array<i32: 0>} : vector<16xi32>
    %add3A_296 = arith.constant 320 : i32
    %add3A_297 = arith.addi %mul3A_0, %add3A_296 : i32
    %add3A_298 = arith.constant 16 : i32
    %add3A_299 = arith.addi %add3A_297, %add3A_298 : i32
    %add3A_300 = vector.broadcast %add3A_299 : i32 to vector<16xi32>
    %add3A_301 = arith.addi %iota3A_295, %add3A_300 : vector<16xi32>
    %swap3A_302 = arith.constant 4 : i32
    %swap3A_303 = arith.index_cast %swap3A_302 : i32 to index
    %swap3A_304 = arith.constant 16 : index
    %swap3A_305 = tpu.vector_load %arg10[%swap3A_303, %swap3A_304] {strides = array<i32>} : memref<5x80xi32, #tpu.memory_space<vmem>>, vector<16xi32>,
    tpu.vector_store %arg10[%swap3A_303, %swap3A_304], %add3A_301 {strides = array<i32>} : memref<5x80xi32, #tpu.memory_space<vmem>>, vector<16xi32>,
    %iota3A_306 = tpu.iota {dimensions = array<i32: 0>} : vector<16xi32>
    %add3A_307 = arith.constant 320 : i32
    %add3A_308 = arith.addi %mul3A_0, %add3A_307 : i32
    %add3A_309 = arith.constant 32 : i32
    %add3A_310 = arith.addi %add3A_308, %add3A_309 : i32
    %add3A_311 = vector.broadcast %add3A_310 : i32 to vector<16xi32>
    %add3A_312 = arith.addi %iota3A_306, %add3A_311 : vector<16xi32>
    %swap3A_313 = arith.constant 4 : i32
    %swap3A_314 = arith.index_cast %swap3A_313 : i32 to index
    %swap3A_315 = arith.constant 32 : index
    %swap3A_316 = tpu.vector_load %arg10[%swap3A_314, %swap3A_315] {strides = array<i32>} : memref<5x80xi32, #tpu.memory_space<vmem>>, vector<16xi32>,
    tpu.vector_store %arg10[%swap3A_314, %swap3A_315], %add3A_312 {strides = array<i32>} : memref<5x80xi32, #tpu.memory_space<vmem>>, vector<16xi32>,
    %iota3A_317 = tpu.iota {dimensions = array<i32: 0>} : vector<16xi32>
    %add3A_318 = arith.constant 320 : i32
    %add3A_319 = arith.addi %mul3A_0, %add3A_318 : i32
    %add3A_320 = arith.constant 48 : i32
    %add3A_321 = arith.addi %add3A_319, %add3A_320 : i32
    %add3A_322 = vector.broadcast %add3A_321 : i32 to vector<16xi32>
    %add3A_323 = arith.addi %iota3A_317, %add3A_322 : vector<16xi32>
    %swap3A_324 = arith.constant 4 : i32
    %swap3A_325 = arith.index_cast %swap3A_324 : i32 to index
    %swap3A_326 = arith.constant 48 : index
    %swap3A_327 = tpu.vector_load %arg10[%swap3A_325, %swap3A_326] {strides = array<i32>} : memref<5x80xi32, #tpu.memory_space<vmem>>, vector<16xi32>,
    tpu.vector_store %arg10[%swap3A_325, %swap3A_326], %add3A_323 {strides = array<i32>} : memref<5x80xi32, #tpu.memory_space<vmem>>, vector<16xi32>,
    %iota3A_328 = tpu.iota {dimensions = array<i32: 0>} : vector<16xi32>
    %add3A_329 = arith.constant 320 : i32
    %add3A_330 = arith.addi %mul3A_0, %add3A_329 : i32
    %add3A_331 = arith.constant 64 : i32
    %add3A_332 = arith.addi %add3A_330, %add3A_331 : i32
    %add3A_333 = vector.broadcast %add3A_332 : i32 to vector<16xi32>
    %add3A_334 = arith.addi %iota3A_328, %add3A_333 : vector<16xi32>
    %swap3A_335 = arith.constant 4 : i32
    %swap3A_336 = arith.index_cast %swap3A_335 : i32 to index
    %swap3A_337 = arith.constant 64 : index
    %swap3A_338 = tpu.vector_load %arg10[%swap3A_336, %swap3A_337] {strides = array<i32>} : memref<5x80xi32, #tpu.memory_space<vmem>>, vector<16xi32>,
    tpu.vector_store %arg10[%swap3A_336, %swap3A_337], %add3A_334 {strides = array<i32>} : memref<5x80xi32, #tpu.memory_space<vmem>>, vector<16xi32>,
    %dma_start3A_339 = arith.constant 4 : i32
    %dma_start3A_340 = arith.constant 4 : i32
    %dma_start3A_341 = arith.constant 0 : i32
    %dma_start3A_342 = arith.constant 0 : i32
    %dma_start3A_343 = tpu.memref_slice %arg11[%dma_start3A_340, %dma_start3A_341, %dma_start3A_342] : memref<5x80x128xf32, #tpu.memory_space<vmem>> -> memref<1x80x128xf32, #tpu.memory_space<vmem>>
    %dma_start3A_344 = tpu.memref_squeeze %dma_start3A_343 : memref<1x80x128xf32, #tpu.memory_space<vmem>> -> memref<80x128xf32, #tpu.memory_space<vmem>>
    %dma_start3A_345 = arith.constant 0 : i32
    %dma_start3A_346 = tpu.memref_slice %arg10[%dma_start3A_339, %dma_start3A_345] : memref<5x80xi32, #tpu.memory_space<vmem>> -> memref<1x80xi32, #tpu.memory_space<vmem>>
    %dma_start3A_347 = tpu.memref_squeeze %dma_start3A_346 : memref<1x80xi32, #tpu.memory_space<vmem>> -> memref<80xi32, #tpu.memory_space<vmem>>
    %dma_start3A_348 = arith.constant 0 : i32
    %dma_start3A_349 = arith.constant 0 : i32
    %dma_start3A_350 = tpu.memref_slice %arg3[%dma_start3A_348, %dma_start3A_349] : memref<160000x128xf32, #tpu.memory_space<hbm>> -> memref<160000x128xf32, #tpu.memory_space<hbm>>
    tpu.enqueue_indirect_dma source(%dma_start3A_350 : memref<160000x128xf32, #tpu.memory_space<hbm>>) target(%dma_start3A_344 : memref<80x128xf32, #tpu.memory_space<vmem>>) offsets(%dma_start3A_347 : memref<80xi32, #tpu.memory_space<vmem>>) semaphore(%arg19 : memref<!tpu.dma_semaphore, #tpu.memory_space<semaphore_mem>>)
    %scan3A_351 = arith.constant 0 : i32
    %scan3A_352 = arith.constant 25 : i32
    %scan3A_353 = arith.addi %scan3A_351, %scan3A_352 : i32
    %scan3A_354 = arith.constant 1 : i32
    scf.for %scan3A_366 = %scan3A_351 to %scan3A_353 step %scan3A_354  : i32 {
      %mul3A_367 = arith.constant 5 : i32
      %mul3A_368 = arith.muli %scan3A_366, %mul3A_367 : i32
      %add3A_369 = arith.constant 0 : i32
      %add3A_370 = arith.addi %add3A_369, %mul3A_368 : i32
      %add3A_371 = arith.constant 0 : i32
      %add3A_372 = arith.addi %add3A_370, %add3A_371 : i32
      %dma_wait3A = arith.constant 0 : i32
      %dma_wait3A_373 = arith.constant 0 : i32
      %dma_wait3A_374 = arith.constant 0 : i32
      %dma_wait3A_375 = tpu.memref_slice %arg11[%dma_wait3A, %dma_wait3A_373, %dma_wait3A_374] : memref<5x80x128xf32, #tpu.memory_space<vmem>> -> memref<1x80x128xf32, #tpu.memory_space<vmem>>
      %dma_wait3A_376 = tpu.memref_squeeze %dma_wait3A_375 : memref<1x80x128xf32, #tpu.memory_space<vmem>> -> memref<80x128xf32, #tpu.memory_space<vmem>>
      %dma_wait3A_377 = arith.constant 0 : i32
      %dma_wait3A_378 = arith.constant 0 : i32
      %dma_wait3A_379 = tpu.memref_slice %arg3[%dma_wait3A_377, %dma_wait3A_378] : memref<160000x128xf32, #tpu.memory_space<hbm>> -> memref<80x128xf32, #tpu.memory_space<hbm>>
      %dma_wait3A_380 = arith.constant 0 : i32
      %dma_wait3A_381 = arith.constant 0 : i32
      %dma_wait3A_382 = tpu.memref_slice %arg11[%dma_wait3A, %dma_wait3A_380, %dma_wait3A_381] : memref<5x80x128xf32, #tpu.memory_space<vmem>> -> memref<1x80x128xf32, #tpu.memory_space<vmem>>
      %dma_wait3A_383 = tpu.memref_squeeze %dma_wait3A_382 : memref<1x80x128xf32, #tpu.memory_space<vmem>> -> memref<80x128xf32, #tpu.memory_space<vmem>>
      %dma_wait3A_384 = arith.constant 0 : i32
      %dma_wait3A_385 = arith.constant 0 : i32
      %dma_wait3A_386 = tpu.memref_slice %arg3[%dma_wait3A_384, %dma_wait3A_385] : memref<160000x128xf32, #tpu.memory_space<hbm>> -> memref<80x128xf32, #tpu.memory_space<hbm>>
      tpu.wait_dma2 semaphore(%arg15 : memref<!tpu.dma_semaphore, #tpu.memory_space<semaphore_mem>>) src(%dma_wait3A_386 : memref<80x128xf32, #tpu.memory_space<hbm>>) dst(%dma_wait3A_383 : memref<80x128xf32, #tpu.memory_space<vmem>>)
      %ge3A = arith.cmpi sge, %add3A_372, %mul3A_4 : i32
      %lt3A_387 = arith.cmpi slt, %add3A_372, %add3A_8 : i32
      %and3A = arith.andi %ge3A, %lt3A_387 : i1
      %convert_element_type3A_388 = arith.extui %and3A : i1 to i32
      %cond3A_389 = arith.constant 0 : i32
      %cond3A_390 = arith.cmpi ne, %convert_element_type3A_388, %cond3A_389 : i32
      scf.if %cond3A_390 {
        %mul3A_552 = arith.constant 80 : i32
        %mul3A_553 = arith.muli %add3A_372, %mul3A_552 : i32
        %add3A_554 = arith.addi %mul3A_0, %mul3A_553 : i32
        "tpu.region"() ({
          %run_scoped3A_594 = tpu.sem_alloc : memref<!tpu.dma_semaphore, #tpu.memory_space<semaphore_mem>>
          %dma_start3A_595 = tpu.memref_slice %arg4[%add3A_554] : memref<160000xf32, #tpu.memory_space<hbm>> -> memref<80xf32, #tpu.memory_space<hbm>>
          %dma_start3A_596 = tpu.memref_slice %arg4[%add3A_554] : memref<160000xf32, #tpu.memory_space<hbm>> -> memref<80xf32, #tpu.memory_space<hbm>>
          tpu.enqueue_dma source(%dma_start3A_596 : memref<80xf32, #tpu.memory_space<hbm>>) target(%arg12 : memref<80xf32, #tpu.memory_space<vmem>>) target_semaphore(%run_scoped3A_594 : memref<!tpu.dma_semaphore, #tpu.memory_space<semaphore_mem>>)
          %dma_wait3A_597 = tpu.memref_slice %arg4[%add3A_554] : memref<160000xf32, #tpu.memory_space<hbm>> -> memref<80xf32, #tpu.memory_space<hbm>>
          %dma_wait3A_598 = tpu.memref_slice %arg4[%add3A_554] : memref<160000xf32, #tpu.memory_space<hbm>> -> memref<80xf32, #tpu.memory_space<hbm>>
          tpu.wait_dma2 semaphore(%run_scoped3A_594 : memref<!tpu.dma_semaphore, #tpu.memory_space<semaphore_mem>>) src(%dma_wait3A_598 : memref<80xf32, #tpu.memory_space<hbm>>) dst(%arg12 : memref<80xf32, #tpu.memory_space<vmem>>)
          tpu.yield
        }) : () -> ()
        %mul3A_555 = arith.constant 80 : i32
        %mul3A_556 = arith.muli %add3A_372, %mul3A_555 : i32
        %add3A_557 = arith.constant 0 : i32
        %add3A_558 = arith.addi %mul3A_556, %add3A_557 : i32
        %get3A = arith.index_cast %add3A_558 : i32 to index
        %get3A_559 = tpu.vector_load %arg8[%get3A] {strides = array<i32>} : memref<10000xi32, #tpu.memory_space<vmem>>, vector<16xi32>,
        %get3A_560 = arith.constant 0 : index
        %get3A_561 = tpu.vector_load %arg12[%get3A_560] {strides = array<i32>} : memref<80xf32, #tpu.memory_space<vmem>>, vector<16xf32>,
        tpu.vector_store_idx %arg13[%get3A_559], %get3A_561 {add = true} : memref<10000xf32, #tpu.memory_space<vmem>>[vector<16xi32>], vector<16xf32>,
        %mul3A_562 = arith.constant 80 : i32
        %mul3A_563 = arith.muli %add3A_372, %mul3A_562 : i32
        %add3A_564 = arith.constant 16 : i32
        %add3A_565 = arith.addi %mul3A_563, %add3A_564 : i32
        %get3A_566 = arith.index_cast %add3A_565 : i32 to index
        %get3A_567 = tpu.vector_load %arg8[%get3A_566] {strides = array<i32>} : memref<10000xi32, #tpu.memory_space<vmem>>, vector<16xi32>,
        %get3A_568 = arith.constant 16 : index
        %get3A_569 = tpu.vector_load %arg12[%get3A_568] {strides = array<i32>} : memref<80xf32, #tpu.memory_space<vmem>>, vector<16xf32>,
        tpu.vector_store_idx %arg13[%get3A_567], %get3A_569 {add = true} : memref<10000xf32, #tpu.memory_space<vmem>>[vector<16xi32>], vector<16xf32>,
        %mul3A_570 = arith.constant 80 : i32
        %mul3A_571 = arith.muli %add3A_372, %mul3A_570 : i32
        %add3A_572 = arith.constant 32 : i32
        %add3A_573 = arith.addi %mul3A_571, %add3A_572 : i32
        %get3A_574 = arith.index_cast %add3A_573 : i32 to index
        %get3A_575 = tpu.vector_load %arg8[%get3A_574] {strides = array<i32>} : memref<10000xi32, #tpu.memory_space<vmem>>, vector<16xi32>,
        %get3A_576 = arith.constant 32 : index
        %get3A_577 = tpu.vector_load %arg12[%get3A_576] {strides = array<i32>} : memref<80xf32, #tpu.memory_space<vmem>>, vector<16xf32>,
        tpu.vector_store_idx %arg13[%get3A_575], %get3A_577 {add = true} : memref<10000xf32, #tpu.memory_space<vmem>>[vector<16xi32>], vector<16xf32>,
        %mul3A_578 = arith.constant 80 : i32
        %mul3A_579 = arith.muli %add3A_372, %mul3A_578 : i32
        %add3A_580 = arith.constant 48 : i32
        %add3A_581 = arith.addi %mul3A_579, %add3A_580 : i32
        %get3A_582 = arith.index_cast %add3A_581 : i32 to index
        %get3A_583 = tpu.vector_load %arg8[%get3A_582] {strides = array<i32>} : memref<10000xi32, #tpu.memory_space<vmem>>, vector<16xi32>,
        %get3A_584 = arith.constant 48 : index
        %get3A_585 = tpu.vector_load %arg12[%get3A_584] {strides = array<i32>} : memref<80xf32, #tpu.memory_space<vmem>>, vector<16xf32>,
        tpu.vector_store_idx %arg13[%get3A_583], %get3A_585 {add = true} : memref<10000xf32, #tpu.memory_space<vmem>>[vector<16xi32>], vector<16xf32>,
        %mul3A_586 = arith.constant 80 : i32
        %mul3A_587 = arith.muli %add3A_372, %mul3A_586 : i32
        %add3A_588 = arith.constant 64 : i32
        %add3A_589 = arith.addi %mul3A_587, %add3A_588 : i32
        %get3A_590 = arith.index_cast %add3A_589 : i32 to index
        %get3A_591 = tpu.vector_load %arg8[%get3A_590] {strides = array<i32>} : memref<10000xi32, #tpu.memory_space<vmem>>, vector<16xi32>,
        %get3A_592 = arith.constant 64 : index
        %get3A_593 = tpu.vector_load %arg12[%get3A_592] {strides = array<i32>} : memref<80xf32, #tpu.memory_space<vmem>>, vector<16xf32>,
        tpu.vector_store_idx %arg13[%get3A_591], %get3A_593 {add = true} : memref<10000xf32, #tpu.memory_space<vmem>>[vector<16xi32>], vector<16xf32>,
      } else {
      }
      %scan3A_391 = arith.constant 0 : i32
      %scan3A_392 = arith.constant 5 : i32
      %scan3A_393 = arith.addi %scan3A_391, %scan3A_392 : i32
      %scan3A_394 = arith.constant 1 : i32
      scf.for %scan3A_552 = %scan3A_391 to %scan3A_393 step %scan3A_394  : i32 {
        %mul3A_553 = arith.constant 1 : i32
        %mul3A_554 = arith.muli %scan3A_552, %mul3A_553 : i32
        %add3A_555 = arith.constant 0 : i32
        %add3A_556 = arith.addi %add3A_555, %mul3A_554 : i32
        %mul3A_557 = arith.constant 80 : i32
        %mul3A_558 = arith.muli %add3A_372, %mul3A_557 : i32
        %mul3A_559 = arith.constant 16 : i32
        %mul3A_560 = arith.muli %add3A_556, %mul3A_559 : i32
        %add3A_561 = arith.addi %mul3A_558, %mul3A_560 : i32
        %get3A = arith.index_cast %add3A_561 : i32 to index
        %get3A_562 = tpu.vector_load %arg8[%get3A] {strides = array<i32>} : memref<10000xi32, #tpu.memory_space<vmem>>, vector<16xi32>,
        %sub3A = vector.broadcast %mul3A_2 : i32 to vector<16xi32>
        %sub3A_563 = arith.subi %get3A_562, %sub3A : vector<16xi32>
        %ge3A_564 = arith.constant 0 : i32
        %ge3A_565 = vector.broadcast %ge3A_564 : i32 to vector<16xi32>
        %ge3A_566 = arith.cmpi sge, %sub3A_563, %ge3A_565 : vector<16xi32>
        %lt3A_567 = arith.constant 5000 : i32
        %lt3A_568 = vector.broadcast %lt3A_567 : i32 to vector<16xi32>
        %lt3A_569 = arith.cmpi slt, %sub3A_563, %lt3A_568 : vector<16xi32>
        %and3A_570 = arith.andi %ge3A_566, %lt3A_569 : vector<16xi1>
        %jit3A = arith.constant 5000 : i32
        %broadcast_in_dim3A = vector.broadcast %jit3A : i32 to vector<16xi32>
        %select_n3A = arith.select %and3A_570, %sub3A_563, %broadcast_in_dim3A : vector<16xi1>, vector<16xi32>
        %mul3A_571 = arith.constant 16 : i32
        %mul3A_572 = arith.muli %add3A_556, %mul3A_571 : i32
        %swap3A_573 = arith.constant 0 : i32
        %swap3A_574 = arith.index_cast %swap3A_573 : i32 to index
        %swap3A_575 = arith.index_cast %mul3A_572 : i32 to index
        %swap3A_576 = tpu.vector_load %arg9[%swap3A_574, %swap3A_575] {strides = array<i32>} : memref<1x80xi32, #tpu.memory_space<vmem>>, vector<16xi32>,
        tpu.vector_store %arg9[%swap3A_574, %swap3A_575], %select_n3A {strides = array<i32>} : memref<1x80xi32, #tpu.memory_space<vmem>>, vector<16xi32>,
      }
      %scan3A_395 = arith.constant 5 : i32
      %run_scoped3A = arith.constant 0 : i32
      %run_scoped3A_396 = arith.constant 0 : i32
      "tpu.region"() ({
        %run_scoped3A_552 = tpu.sem_alloc : memref<!tpu.dma_semaphore, #tpu.memory_space<semaphore_mem>>
        %dma_start3A_553 = arith.constant 0 : i32
        %dma_start3A_554 = arith.constant 0 : i32
        %dma_start3A_555 = tpu.memref_slice %arg11[%run_scoped3A, %dma_start3A_553, %dma_start3A_554] : memref<5x80x128xf32, #tpu.memory_space<vmem>> -> memref<1x80x128xf32, #tpu.memory_space<vmem>>
        %dma_start3A_556 = tpu.memref_squeeze %dma_start3A_555 : memref<1x80x128xf32, #tpu.memory_space<vmem>> -> memref<80x128xf32, #tpu.memory_space<vmem>>
        %dma_start3A_557 = arith.constant 0 : i32
        %dma_start3A_558 = tpu.memref_slice %arg9[%run_scoped3A_396, %dma_start3A_557] : memref<1x80xi32, #tpu.memory_space<vmem>> -> memref<1x80xi32, #tpu.memory_space<vmem>>
        %dma_start3A_559 = tpu.memref_squeeze %dma_start3A_558 : memref<1x80xi32, #tpu.memory_space<vmem>> -> memref<80xi32, #tpu.memory_space<vmem>>
        %dma_start3A_560 = arith.constant 0 : i32
        %dma_start3A_561 = arith.constant 0 : i32
        %dma_start3A_562 = tpu.memref_slice %arg14[%dma_start3A_560, %dma_start3A_561] : memref<5008x128xf32, #tpu.memory_space<vmem_shared>> -> memref<5008x128xf32, #tpu.memory_space<vmem_shared>>
        tpu.enqueue_indirect_dma source(%dma_start3A_556 : memref<80x128xf32, #tpu.memory_space<vmem>>) target(%dma_start3A_562 : memref<5008x128xf32, #tpu.memory_space<vmem_shared>>) offsets(%dma_start3A_559 : memref<80xi32, #tpu.memory_space<vmem>>) semaphore(%run_scoped3A_552 : memref<!tpu.dma_semaphore, #tpu.memory_space<semaphore_mem>>) {add = true}
        %dma_wait3A_563 = arith.constant 0 : i32
        %dma_wait3A_564 = arith.constant 0 : i32
        %dma_wait3A_565 = tpu.memref_slice %arg11[%run_scoped3A, %dma_wait3A_563, %dma_wait3A_564] : memref<5x80x128xf32, #tpu.memory_space<vmem>> -> memref<1x80x128xf32, #tpu.memory_space<vmem>>
        %dma_wait3A_566 = tpu.memref_squeeze %dma_wait3A_565 : memref<1x80x128xf32, #tpu.memory_space<vmem>> -> memref<80x128xf32, #tpu.memory_space<vmem>>
        %dma_wait3A_567 = arith.constant 0 : i32
        %dma_wait3A_568 = tpu.memref_slice %arg9[%run_scoped3A_396, %dma_wait3A_567] : memref<1x80xi32, #tpu.memory_space<vmem>> -> memref<1x80xi32, #tpu.memory_space<vmem>>
        %dma_wait3A_569 = tpu.memref_squeeze %dma_wait3A_568 : memref<1x80xi32, #tpu.memory_space<vmem>> -> memref<80xi32, #tpu.memory_space<vmem>>
        %dma_wait3A_570 = arith.constant 0 : i32
        %dma_wait3A_571 = arith.constant 0 : i32
        %dma_wait3A_572 = tpu.memref_slice %arg14[%dma_wait3A_570, %dma_wait3A_571] : memref<5008x128xf32, #tpu.memory_space<vmem_shared>> -> memref<5008x128xf32, #tpu.memory_space<vmem_shared>>
        tpu.wait_indirect_dma semaphore(%run_scoped3A_552 : memref<!tpu.dma_semaphore, #tpu.memory_space<semaphore_mem>>) src(%dma_wait3A_566 : memref<80x128xf32, #tpu.memory_space<vmem>>) dst(%dma_wait3A_572 : memref<5008x128xf32, #tpu.memory_space<vmem_shared>>)
        tpu.yield
      }) : () -> ()
      %add3A_397 = arith.constant 5 : i32
      %add3A_398 = arith.addi %add3A_372, %add3A_397 : i32
      %lt3A_399 = arith.constant 125 : i32
      %lt3A_400 = arith.cmpi slt, %add3A_398, %lt3A_399 : i32
      %convert_element_type3A_401 = arith.extui %lt3A_400 : i1 to i32
      %cond3A_402 = arith.constant 0 : i32
      %cond3A_403 = arith.cmpi ne, %convert_element_type3A_401, %cond3A_402 : i32
      scf.if %cond3A_403 {
        %add3A_552 = arith.constant 5 : i32
        %add3A_553 = arith.addi %add3A_372, %add3A_552 : i32
        %iota3A_554 = tpu.iota {dimensions = array<i32: 0>} : vector<16xi32>
        %mul3A_555 = arith.constant 80 : i32
        %mul3A_556 = arith.muli %add3A_553, %mul3A_555 : i32
        %add3A_557 = arith.addi %mul3A_0, %mul3A_556 : i32
        %add3A_558 = arith.constant 0 : i32
        %add3A_559 = arith.addi %add3A_557, %add3A_558 : i32
        %add3A_560 = vector.broadcast %add3A_559 : i32 to vector<16xi32>
        %add3A_561 = arith.addi %iota3A_554, %add3A_560 : vector<16xi32>
        %swap3A_562 = arith.constant 0 : i32
        %swap3A_563 = arith.index_cast %swap3A_562 : i32 to index
        %swap3A_564 = arith.constant 0 : index
        %swap3A_565 = tpu.vector_load %arg10[%swap3A_563, %swap3A_564] {strides = array<i32>} : memref<5x80xi32, #tpu.memory_space<vmem>>, vector<16xi32>,
        tpu.vector_store %arg10[%swap3A_563, %swap3A_564], %add3A_561 {strides = array<i32>} : memref<5x80xi32, #tpu.memory_space<vmem>>, vector<16xi32>,
        %iota3A_566 = tpu.iota {dimensions = array<i32: 0>} : vector<16xi32>
        %mul3A_567 = arith.constant 80 : i32
        %mul3A_568 = arith.muli %add3A_553, %mul3A_567 : i32
        %add3A_569 = arith.addi %mul3A_0, %mul3A_568 : i32
        %add3A_570 = arith.constant 16 : i32
        %add3A_571 = arith.addi %add3A_569, %add3A_570 : i32
        %add3A_572 = vector.broadcast %add3A_571 : i32 to vector<16xi32>
        %add3A_573 = arith.addi %iota3A_566, %add3A_572 : vector<16xi32>
        %swap3A_574 = arith.constant 0 : i32
        %swap3A_575 = arith.index_cast %swap3A_574 : i32 to index
        %swap3A_576 = arith.constant 16 : index
        %swap3A_577 = tpu.vector_load %arg10[%swap3A_575, %swap3A_576] {strides = array<i32>} : memref<5x80xi32, #tpu.memory_space<vmem>>, vector<16xi32>,
        tpu.vector_store %arg10[%swap3A_575, %swap3A_576], %add3A_573 {strides = array<i32>} : memref<5x80xi32, #tpu.memory_space<vmem>>, vector<16xi32>,
        %iota3A_578 = tpu.iota {dimensions = array<i32: 0>} : vector<16xi32>
        %mul3A_579 = arith.constant 80 : i32
        %mul3A_580 = arith.muli %add3A_553, %mul3A_579 : i32
        %add3A_581 = arith.addi %mul3A_0, %mul3A_580 : i32
        %add3A_582 = arith.constant 32 : i32
        %add3A_583 = arith.addi %add3A_581, %add3A_582 : i32
        %add3A_584 = vector.broadcast %add3A_583 : i32 to vector<16xi32>
        %add3A_585 = arith.addi %iota3A_578, %add3A_584 : vector<16xi32>
        %swap3A_586 = arith.constant 0 : i32
        %swap3A_587 = arith.index_cast %swap3A_586 : i32 to index
        %swap3A_588 = arith.constant 32 : index
        %swap3A_589 = tpu.vector_load %arg10[%swap3A_587, %swap3A_588] {strides = array<i32>} : memref<5x80xi32, #tpu.memory_space<vmem>>, vector<16xi32>,
        tpu.vector_store %arg10[%swap3A_587, %swap3A_588], %add3A_585 {strides = array<i32>} : memref<5x80xi32, #tpu.memory_space<vmem>>, vector<16xi32>,
        %iota3A_590 = tpu.iota {dimensions = array<i32: 0>} : vector<16xi32>
        %mul3A_591 = arith.constant 80 : i32
        %mul3A_592 = arith.muli %add3A_553, %mul3A_591 : i32
        %add3A_593 = arith.addi %mul3A_0, %mul3A_592 : i32
        %add3A_594 = arith.constant 48 : i32
        %add3A_595 = arith.addi %add3A_593, %add3A_594 : i32
        %add3A_596 = vector.broadcast %add3A_595 : i32 to vector<16xi32>
        %add3A_597 = arith.addi %iota3A_590, %add3A_596 : vector<16xi32>
        %swap3A_598 = arith.constant 0 : i32
        %swap3A_599 = arith.index_cast %swap3A_598 : i32 to index
        %swap3A_600 = arith.constant 48 : index
        %swap3A_601 = tpu.vector_load %arg10[%swap3A_599, %swap3A_600] {strides = array<i32>} : memref<5x80xi32, #tpu.memory_space<vmem>>, vector<16xi32>,
        tpu.vector_store %arg10[%swap3A_599, %swap3A_600], %add3A_597 {strides = array<i32>} : memref<5x80xi32, #tpu.memory_space<vmem>>, vector<16xi32>,
        %iota3A_602 = tpu.iota {dimensions = array<i32: 0>} : vector<16xi32>
        %mul3A_603 = arith.constant 80 : i32
        %mul3A_604 = arith.muli %add3A_553, %mul3A_603 : i32
        %add3A_605 = arith.addi %mul3A_0, %mul3A_604 : i32
        %add3A_606 = arith.constant 64 : i32
        %add3A_607 = arith.addi %add3A_605, %add3A_606 : i32
        %add3A_608 = vector.broadcast %add3A_607 : i32 to vector<16xi32>
        %add3A_609 = arith.addi %iota3A_602, %add3A_608 : vector<16xi32>
        %swap3A_610 = arith.constant 0 : i32
        %swap3A_611 = arith.index_cast %swap3A_610 : i32 to index
        %swap3A_612 = arith.constant 64 : index
        %swap3A_613 = tpu.vector_load %arg10[%swap3A_611, %swap3A_612] {strides = array<i32>} : memref<5x80xi32, #tpu.memory_space<vmem>>, vector<16xi32>,
        tpu.vector_store %arg10[%swap3A_611, %swap3A_612], %add3A_609 {strides = array<i32>} : memref<5x80xi32, #tpu.memory_space<vmem>>, vector<16xi32>,
        %dma_start3A_614 = arith.constant 0 : i32
        %dma_start3A_615 = arith.constant 0 : i32
        %dma_start3A_616 = arith.constant 0 : i32
        %dma_start3A_617 = arith.constant 0 : i32
        %dma_start3A_618 = tpu.memref_slice %arg11[%dma_start3A_615, %dma_start3A_616, %dma_start3A_617] : memref<5x80x128xf32, #tpu.memory_space<vmem>> -> memref<1x80x128xf32, #tpu.memory_space<vmem>>
        %dma_start3A_619 = tpu.memref_squeeze %dma_start3A_618 : memref<1x80x128xf32, #tpu.memory_space<vmem>> -> memref<80x128xf32, #tpu.memory_space<vmem>>
        %dma_start3A_620 = arith.constant 0 : i32
        %dma_start3A_621 = tpu.memref_slice %arg10[%dma_start3A_614, %dma_start3A_620] : memref<5x80xi32, #tpu.memory_space<vmem>> -> memref<1x80xi32, #tpu.memory_space<vmem>>
        %dma_start3A_622 = tpu.memref_squeeze %dma_start3A_621 : memref<1x80xi32, #tpu.memory_space<vmem>> -> memref<80xi32, #tpu.memory_space<vmem>>
        %dma_start3A_623 = arith.constant 0 : i32
        %dma_start3A_624 = arith.constant 0 : i32
        %dma_start3A_625 = tpu.memref_slice %arg3[%dma_start3A_623, %dma_start3A_624] : memref<160000x128xf32, #tpu.memory_space<hbm>> -> memref<160000x128xf32, #tpu.memory_space<hbm>>
        tpu.enqueue_indirect_dma source(%dma_start3A_625 : memref<160000x128xf32, #tpu.memory_space<hbm>>) target(%dma_start3A_619 : memref<80x128xf32, #tpu.memory_space<vmem>>) offsets(%dma_start3A_622 : memref<80xi32, #tpu.memory_space<vmem>>) semaphore(%arg15 : memref<!tpu.dma_semaphore, #tpu.memory_space<semaphore_mem>>)
      } else {
      }
      %add3A_404 = arith.constant 1 : i32
      %add3A_405 = arith.addi %add3A_370, %add3A_404 : i32
      %dma_wait3A_406 = arith.constant 1 : i32
      %dma_wait3A_407 = arith.constant 0 : i32
      %dma_wait3A_408 = arith.constant 0 : i32
      %dma_wait3A_409 = tpu.memref_slice %arg11[%dma_wait3A_406, %dma_wait3A_407, %dma_wait3A_408] : memref<5x80x128xf32, #tpu.memory_space<vmem>> -> memref<1x80x128xf32, #tpu.memory_space<vmem>>
      %dma_wait3A_410 = tpu.memref_squeeze %dma_wait3A_409 : memref<1x80x128xf32, #tpu.memory_space<vmem>> -> memref<80x128xf32, #tpu.memory_space<vmem>>
      %dma_wait3A_411 = arith.constant 0 : i32
      %dma_wait3A_412 = arith.constant 0 : i32
      %dma_wait3A_413 = tpu.memref_slice %arg3[%dma_wait3A_411, %dma_wait3A_412] : memref<160000x128xf32, #tpu.memory_space<hbm>> -> memref<80x128xf32, #tpu.memory_space<hbm>>
      %dma_wait3A_414 = arith.constant 0 : i32
      %dma_wait3A_415 = arith.constant 0 : i32
      %dma_wait3A_416 = tpu.memref_slice %arg11[%dma_wait3A_406, %dma_wait3A_414, %dma_wait3A_415] : memref<5x80x128xf32, #tpu.memory_space<vmem>> -> memref<1x80x128xf32, #tpu.memory_space<vmem>>
      %dma_wait3A_417 = tpu.memref_squeeze %dma_wait3A_416 : memref<1x80x128xf32, #tpu.memory_space<vmem>> -> memref<80x128xf32, #tpu.memory_space<vmem>>
      %dma_wait3A_418 = arith.constant 0 : i32
      %dma_wait3A_419 = arith.constant 0 : i32
      %dma_wait3A_420 = tpu.memref_slice %arg3[%dma_wait3A_418, %dma_wait3A_419] : memref<160000x128xf32, #tpu.memory_space<hbm>> -> memref<80x128xf32, #tpu.memory_space<hbm>>
      tpu.wait_dma2 semaphore(%arg16 : memref<!tpu.dma_semaphore, #tpu.memory_space<semaphore_mem>>) src(%dma_wait3A_420 : memref<80x128xf32, #tpu.memory_space<hbm>>) dst(%dma_wait3A_417 : memref<80x128xf32, #tpu.memory_space<vmem>>)
      %ge3A_421 = arith.cmpi sge, %add3A_405, %mul3A_4 : i32
      %lt3A_422 = arith.cmpi slt, %add3A_405, %add3A_8 : i32
      %and3A_423 = arith.andi %ge3A_421, %lt3A_422 : i1
      %convert_element_type3A_424 = arith.extui %and3A_423 : i1 to i32
      %cond3A_425 = arith.constant 0 : i32
      %cond3A_426 = arith.cmpi ne, %convert_element_type3A_424, %cond3A_425 : i32
      scf.if %cond3A_426 {
        %mul3A_552 = arith.constant 80 : i32
        %mul3A_553 = arith.muli %add3A_405, %mul3A_552 : i32
        %add3A_554 = arith.addi %mul3A_0, %mul3A_553 : i32
        "tpu.region"() ({
          %run_scoped3A_594 = tpu.sem_alloc : memref<!tpu.dma_semaphore, #tpu.memory_space<semaphore_mem>>
          %dma_start3A_595 = tpu.memref_slice %arg4[%add3A_554] : memref<160000xf32, #tpu.memory_space<hbm>> -> memref<80xf32, #tpu.memory_space<hbm>>
          %dma_start3A_596 = tpu.memref_slice %arg4[%add3A_554] : memref<160000xf32, #tpu.memory_space<hbm>> -> memref<80xf32, #tpu.memory_space<hbm>>
          tpu.enqueue_dma source(%dma_start3A_596 : memref<80xf32, #tpu.memory_space<hbm>>) target(%arg12 : memref<80xf32, #tpu.memory_space<vmem>>) target_semaphore(%run_scoped3A_594 : memref<!tpu.dma_semaphore, #tpu.memory_space<semaphore_mem>>)
          %dma_wait3A_597 = tpu.memref_slice %arg4[%add3A_554] : memref<160000xf32, #tpu.memory_space<hbm>> -> memref<80xf32, #tpu.memory_space<hbm>>
          %dma_wait3A_598 = tpu.memref_slice %arg4[%add3A_554] : memref<160000xf32, #tpu.memory_space<hbm>> -> memref<80xf32, #tpu.memory_space<hbm>>
          tpu.wait_dma2 semaphore(%run_scoped3A_594 : memref<!tpu.dma_semaphore, #tpu.memory_space<semaphore_mem>>) src(%dma_wait3A_598 : memref<80xf32, #tpu.memory_space<hbm>>) dst(%arg12 : memref<80xf32, #tpu.memory_space<vmem>>)
          tpu.yield
        }) : () -> ()
        %mul3A_555 = arith.constant 80 : i32
        %mul3A_556 = arith.muli %add3A_405, %mul3A_555 : i32
        %add3A_557 = arith.constant 0 : i32
        %add3A_558 = arith.addi %mul3A_556, %add3A_557 : i32
        %get3A = arith.index_cast %add3A_558 : i32 to index
        %get3A_559 = tpu.vector_load %arg8[%get3A] {strides = array<i32>} : memref<10000xi32, #tpu.memory_space<vmem>>, vector<16xi32>,
        %get3A_560 = arith.constant 0 : index
        %get3A_561 = tpu.vector_load %arg12[%get3A_560] {strides = array<i32>} : memref<80xf32, #tpu.memory_space<vmem>>, vector<16xf32>,
        tpu.vector_store_idx %arg13[%get3A_559], %get3A_561 {add = true} : memref<10000xf32, #tpu.memory_space<vmem>>[vector<16xi32>], vector<16xf32>,
        %mul3A_562 = arith.constant 80 : i32
        %mul3A_563 = arith.muli %add3A_405, %mul3A_562 : i32
        %add3A_564 = arith.constant 16 : i32
        %add3A_565 = arith.addi %mul3A_563, %add3A_564 : i32
        %get3A_566 = arith.index_cast %add3A_565 : i32 to index
        %get3A_567 = tpu.vector_load %arg8[%get3A_566] {strides = array<i32>} : memref<10000xi32, #tpu.memory_space<vmem>>, vector<16xi32>,
        %get3A_568 = arith.constant 16 : index
        %get3A_569 = tpu.vector_load %arg12[%get3A_568] {strides = array<i32>} : memref<80xf32, #tpu.memory_space<vmem>>, vector<16xf32>,
        tpu.vector_store_idx %arg13[%get3A_567], %get3A_569 {add = true} : memref<10000xf32, #tpu.memory_space<vmem>>[vector<16xi32>], vector<16xf32>,
        %mul3A_570 = arith.constant 80 : i32
        %mul3A_571 = arith.muli %add3A_405, %mul3A_570 : i32
        %add3A_572 = arith.constant 32 : i32
        %add3A_573 = arith.addi %mul3A_571, %add3A_572 : i32
        %get3A_574 = arith.index_cast %add3A_573 : i32 to index
        %get3A_575 = tpu.vector_load %arg8[%get3A_574] {strides = array<i32>} : memref<10000xi32, #tpu.memory_space<vmem>>, vector<16xi32>,
        %get3A_576 = arith.constant 32 : index
        %get3A_577 = tpu.vector_load %arg12[%get3A_576] {strides = array<i32>} : memref<80xf32, #tpu.memory_space<vmem>>, vector<16xf32>,
        tpu.vector_store_idx %arg13[%get3A_575], %get3A_577 {add = true} : memref<10000xf32, #tpu.memory_space<vmem>>[vector<16xi32>], vector<16xf32>,
        %mul3A_578 = arith.constant 80 : i32
        %mul3A_579 = arith.muli %add3A_405, %mul3A_578 : i32
        %add3A_580 = arith.constant 48 : i32
        %add3A_581 = arith.addi %mul3A_579, %add3A_580 : i32
        %get3A_582 = arith.index_cast %add3A_581 : i32 to index
        %get3A_583 = tpu.vector_load %arg8[%get3A_582] {strides = array<i32>} : memref<10000xi32, #tpu.memory_space<vmem>>, vector<16xi32>,
        %get3A_584 = arith.constant 48 : index
        %get3A_585 = tpu.vector_load %arg12[%get3A_584] {strides = array<i32>} : memref<80xf32, #tpu.memory_space<vmem>>, vector<16xf32>,
        tpu.vector_store_idx %arg13[%get3A_583], %get3A_585 {add = true} : memref<10000xf32, #tpu.memory_space<vmem>>[vector<16xi32>], vector<16xf32>,
        %mul3A_586 = arith.constant 80 : i32
        %mul3A_587 = arith.muli %add3A_405, %mul3A_586 : i32
        %add3A_588 = arith.constant 64 : i32
        %add3A_589 = arith.addi %mul3A_587, %add3A_588 : i32
        %get3A_590 = arith.index_cast %add3A_589 : i32 to index
        %get3A_591 = tpu.vector_load %arg8[%get3A_590] {strides = array<i32>} : memref<10000xi32, #tpu.memory_space<vmem>>, vector<16xi32>,
        %get3A_592 = arith.constant 64 : index
        %get3A_593 = tpu.vector_load %arg12[%get3A_592] {strides = array<i32>} : memref<80xf32, #tpu.memory_space<vmem>>, vector<16xf32>,
        tpu.vector_store_idx %arg13[%get3A_591], %get3A_593 {add = true} : memref<10000xf32, #tpu.memory_space<vmem>>[vector<16xi32>], vector<16xf32>,
      } else {
      }
      %scan3A_427 = arith.constant 0 : i32
      %scan3A_428 = arith.constant 5 : i32
      %scan3A_429 = arith.addi %scan3A_427, %scan3A_428 : i32
      %scan3A_430 = arith.constant 1 : i32
      scf.for %scan3A_552 = %scan3A_427 to %scan3A_429 step %scan3A_430  : i32 {
        %mul3A_553 = arith.constant 1 : i32
        %mul3A_554 = arith.muli %scan3A_552, %mul3A_553 : i32
        %add3A_555 = arith.constant 0 : i32
        %add3A_556 = arith.addi %add3A_555, %mul3A_554 : i32
        %mul3A_557 = arith.constant 80 : i32
        %mul3A_558 = arith.muli %add3A_405, %mul3A_557 : i32
        %mul3A_559 = arith.constant 16 : i32
        %mul3A_560 = arith.muli %add3A_556, %mul3A_559 : i32
        %add3A_561 = arith.addi %mul3A_558, %mul3A_560 : i32
        %get3A = arith.index_cast %add3A_561 : i32 to index
        %get3A_562 = tpu.vector_load %arg8[%get3A] {strides = array<i32>} : memref<10000xi32, #tpu.memory_space<vmem>>, vector<16xi32>,
        %sub3A = vector.broadcast %mul3A_2 : i32 to vector<16xi32>
        %sub3A_563 = arith.subi %get3A_562, %sub3A : vector<16xi32>
        %ge3A_564 = arith.constant 0 : i32
        %ge3A_565 = vector.broadcast %ge3A_564 : i32 to vector<16xi32>
        %ge3A_566 = arith.cmpi sge, %sub3A_563, %ge3A_565 : vector<16xi32>
        %lt3A_567 = arith.constant 5000 : i32
        %lt3A_568 = vector.broadcast %lt3A_567 : i32 to vector<16xi32>
        %lt3A_569 = arith.cmpi slt, %sub3A_563, %lt3A_568 : vector<16xi32>
        %and3A_570 = arith.andi %ge3A_566, %lt3A_569 : vector<16xi1>
        %jit3A = arith.constant 5000 : i32
        %broadcast_in_dim3A = vector.broadcast %jit3A : i32 to vector<16xi32>
        %select_n3A = arith.select %and3A_570, %sub3A_563, %broadcast_in_dim3A : vector<16xi1>, vector<16xi32>
        %mul3A_571 = arith.constant 16 : i32
        %mul3A_572 = arith.muli %add3A_556, %mul3A_571 : i32
        %swap3A_573 = arith.constant 0 : i32
        %swap3A_574 = arith.index_cast %swap3A_573 : i32 to index
        %swap3A_575 = arith.index_cast %mul3A_572 : i32 to index
        %swap3A_576 = tpu.vector_load %arg9[%swap3A_574, %swap3A_575] {strides = array<i32>} : memref<1x80xi32, #tpu.memory_space<vmem>>, vector<16xi32>,
        tpu.vector_store %arg9[%swap3A_574, %swap3A_575], %select_n3A {strides = array<i32>} : memref<1x80xi32, #tpu.memory_space<vmem>>, vector<16xi32>,
      }
      %scan3A_431 = arith.constant 5 : i32
      %run_scoped3A_432 = arith.constant 1 : i32
      %run_scoped3A_433 = arith.constant 0 : i32
      "tpu.region"() ({
        %run_scoped3A_552 = tpu.sem_alloc : memref<!tpu.dma_semaphore, #tpu.memory_space<semaphore_mem>>
        %dma_start3A_553 = arith.constant 0 : i32
        %dma_start3A_554 = arith.constant 0 : i32
        %dma_start3A_555 = tpu.memref_slice %arg11[%run_scoped3A_432, %dma_start3A_553, %dma_start3A_554] : memref<5x80x128xf32, #tpu.memory_space<vmem>> -> memref<1x80x128xf32, #tpu.memory_space<vmem>>
        %dma_start3A_556 = tpu.memref_squeeze %dma_start3A_555 : memref<1x80x128xf32, #tpu.memory_space<vmem>> -> memref<80x128xf32, #tpu.memory_space<vmem>>
        %dma_start3A_557 = arith.constant 0 : i32
        %dma_start3A_558 = tpu.memref_slice %arg9[%run_scoped3A_433, %dma_start3A_557] : memref<1x80xi32, #tpu.memory_space<vmem>> -> memref<1x80xi32, #tpu.memory_space<vmem>>
        %dma_start3A_559 = tpu.memref_squeeze %dma_start3A_558 : memref<1x80xi32, #tpu.memory_space<vmem>> -> memref<80xi32, #tpu.memory_space<vmem>>
        %dma_start3A_560 = arith.constant 0 : i32
        %dma_start3A_561 = arith.constant 0 : i32
        %dma_start3A_562 = tpu.memref_slice %arg14[%dma_start3A_560, %dma_start3A_561] : memref<5008x128xf32, #tpu.memory_space<vmem_shared>> -> memref<5008x128xf32, #tpu.memory_space<vmem_shared>>
        tpu.enqueue_indirect_dma source(%dma_start3A_556 : memref<80x128xf32, #tpu.memory_space<vmem>>) target(%dma_start3A_562 : memref<5008x128xf32, #tpu.memory_space<vmem_shared>>) offsets(%dma_start3A_559 : memref<80xi32, #tpu.memory_space<vmem>>) semaphore(%run_scoped3A_552 : memref<!tpu.dma_semaphore, #tpu.memory_space<semaphore_mem>>) {add = true}
        %dma_wait3A_563 = arith.constant 0 : i32
        %dma_wait3A_564 = arith.constant 0 : i32
        %dma_wait3A_565 = tpu.memref_slice %arg11[%run_scoped3A_432, %dma_wait3A_563, %dma_wait3A_564] : memref<5x80x128xf32, #tpu.memory_space<vmem>> -> memref<1x80x128xf32, #tpu.memory_space<vmem>>
        %dma_wait3A_566 = tpu.memref_squeeze %dma_wait3A_565 : memref<1x80x128xf32, #tpu.memory_space<vmem>> -> memref<80x128xf32, #tpu.memory_space<vmem>>
        %dma_wait3A_567 = arith.constant 0 : i32
        %dma_wait3A_568 = tpu.memref_slice %arg9[%run_scoped3A_433, %dma_wait3A_567] : memref<1x80xi32, #tpu.memory_space<vmem>> -> memref<1x80xi32, #tpu.memory_space<vmem>>
        %dma_wait3A_569 = tpu.memref_squeeze %dma_wait3A_568 : memref<1x80xi32, #tpu.memory_space<vmem>> -> memref<80xi32, #tpu.memory_space<vmem>>
        %dma_wait3A_570 = arith.constant 0 : i32
        %dma_wait3A_571 = arith.constant 0 : i32
        %dma_wait3A_572 = tpu.memref_slice %arg14[%dma_wait3A_570, %dma_wait3A_571] : memref<5008x128xf32, #tpu.memory_space<vmem_shared>> -> memref<5008x128xf32, #tpu.memory_space<vmem_shared>>
        tpu.wait_indirect_dma semaphore(%run_scoped3A_552 : memref<!tpu.dma_semaphore, #tpu.memory_space<semaphore_mem>>) src(%dma_wait3A_566 : memref<80x128xf32, #tpu.memory_space<vmem>>) dst(%dma_wait3A_572 : memref<5008x128xf32, #tpu.memory_space<vmem_shared>>)
        tpu.yield
      }) : () -> ()
      %add3A_434 = arith.constant 5 : i32
      %add3A_435 = arith.addi %add3A_405, %add3A_434 : i32
      %lt3A_436 = arith.constant 125 : i32
      %lt3A_437 = arith.cmpi slt, %add3A_435, %lt3A_436 : i32
      %convert_element_type3A_438 = arith.extui %lt3A_437 : i1 to i32
      %cond3A_439 = arith.constant 0 : i32
      %cond3A_440 = arith.cmpi ne, %convert_element_type3A_438, %cond3A_439 : i32
      scf.if %cond3A_440 {
        %add3A_552 = arith.constant 5 : i32
        %add3A_553 = arith.addi %add3A_405, %add3A_552 : i32
        %iota3A_554 = tpu.iota {dimensions = array<i32: 0>} : vector<16xi32>
        %mul3A_555 = arith.constant 80 : i32
        %mul3A_556 = arith.muli %add3A_553, %mul3A_555 : i32
        %add3A_557 = arith.addi %mul3A_0, %mul3A_556 : i32
        %add3A_558 = arith.constant 0 : i32
        %add3A_559 = arith.addi %add3A_557, %add3A_558 : i32
        %add3A_560 = vector.broadcast %add3A_559 : i32 to vector<16xi32>
        %add3A_561 = arith.addi %iota3A_554, %add3A_560 : vector<16xi32>
        %swap3A_562 = arith.constant 1 : i32
        %swap3A_563 = arith.index_cast %swap3A_562 : i32 to index
        %swap3A_564 = arith.constant 0 : index
        %swap3A_565 = tpu.vector_load %arg10[%swap3A_563, %swap3A_564] {strides = array<i32>} : memref<5x80xi32, #tpu.memory_space<vmem>>, vector<16xi32>,
        tpu.vector_store %arg10[%swap3A_563, %swap3A_564], %add3A_561 {strides = array<i32>} : memref<5x80xi32, #tpu.memory_space<vmem>>, vector<16xi32>,
        %iota3A_566 = tpu.iota {dimensions = array<i32: 0>} : vector<16xi32>
        %mul3A_567 = arith.constant 80 : i32
        %mul3A_568 = arith.muli %add3A_553, %mul3A_567 : i32
        %add3A_569 = arith.addi %mul3A_0, %mul3A_568 : i32
        %add3A_570 = arith.constant 16 : i32
        %add3A_571 = arith.addi %add3A_569, %add3A_570 : i32
        %add3A_572 = vector.broadcast %add3A_571 : i32 to vector<16xi32>
        %add3A_573 = arith.addi %iota3A_566, %add3A_572 : vector<16xi32>
        %swap3A_574 = arith.constant 1 : i32
        %swap3A_575 = arith.index_cast %swap3A_574 : i32 to index
        %swap3A_576 = arith.constant 16 : index
        %swap3A_577 = tpu.vector_load %arg10[%swap3A_575, %swap3A_576] {strides = array<i32>} : memref<5x80xi32, #tpu.memory_space<vmem>>, vector<16xi32>,
        tpu.vector_store %arg10[%swap3A_575, %swap3A_576], %add3A_573 {strides = array<i32>} : memref<5x80xi32, #tpu.memory_space<vmem>>, vector<16xi32>,
        %iota3A_578 = tpu.iota {dimensions = array<i32: 0>} : vector<16xi32>
        %mul3A_579 = arith.constant 80 : i32
        %mul3A_580 = arith.muli %add3A_553, %mul3A_579 : i32
        %add3A_581 = arith.addi %mul3A_0, %mul3A_580 : i32
        %add3A_582 = arith.constant 32 : i32
        %add3A_583 = arith.addi %add3A_581, %add3A_582 : i32
        %add3A_584 = vector.broadcast %add3A_583 : i32 to vector<16xi32>
        %add3A_585 = arith.addi %iota3A_578, %add3A_584 : vector<16xi32>
        %swap3A_586 = arith.constant 1 : i32
        %swap3A_587 = arith.index_cast %swap3A_586 : i32 to index
        %swap3A_588 = arith.constant 32 : index
        %swap3A_589 = tpu.vector_load %arg10[%swap3A_587, %swap3A_588] {strides = array<i32>} : memref<5x80xi32, #tpu.memory_space<vmem>>, vector<16xi32>,
        tpu.vector_store %arg10[%swap3A_587, %swap3A_588], %add3A_585 {strides = array<i32>} : memref<5x80xi32, #tpu.memory_space<vmem>>, vector<16xi32>,
        %iota3A_590 = tpu.iota {dimensions = array<i32: 0>} : vector<16xi32>
        %mul3A_591 = arith.constant 80 : i32
        %mul3A_592 = arith.muli %add3A_553, %mul3A_591 : i32
        %add3A_593 = arith.addi %mul3A_0, %mul3A_592 : i32
        %add3A_594 = arith.constant 48 : i32
        %add3A_595 = arith.addi %add3A_593, %add3A_594 : i32
        %add3A_596 = vector.broadcast %add3A_595 : i32 to vector<16xi32>
        %add3A_597 = arith.addi %iota3A_590, %add3A_596 : vector<16xi32>
        %swap3A_598 = arith.constant 1 : i32
        %swap3A_599 = arith.index_cast %swap3A_598 : i32 to index
        %swap3A_600 = arith.constant 48 : index
        %swap3A_601 = tpu.vector_load %arg10[%swap3A_599, %swap3A_600] {strides = array<i32>} : memref<5x80xi32, #tpu.memory_space<vmem>>, vector<16xi32>,
        tpu.vector_store %arg10[%swap3A_599, %swap3A_600], %add3A_597 {strides = array<i32>} : memref<5x80xi32, #tpu.memory_space<vmem>>, vector<16xi32>,
        %iota3A_602 = tpu.iota {dimensions = array<i32: 0>} : vector<16xi32>
        %mul3A_603 = arith.constant 80 : i32
        %mul3A_604 = arith.muli %add3A_553, %mul3A_603 : i32
        %add3A_605 = arith.addi %mul3A_0, %mul3A_604 : i32
        %add3A_606 = arith.constant 64 : i32
        %add3A_607 = arith.addi %add3A_605, %add3A_606 : i32
        %add3A_608 = vector.broadcast %add3A_607 : i32 to vector<16xi32>
        %add3A_609 = arith.addi %iota3A_602, %add3A_608 : vector<16xi32>
        %swap3A_610 = arith.constant 1 : i32
        %swap3A_611 = arith.index_cast %swap3A_610 : i32 to index
        %swap3A_612 = arith.constant 64 : index
        %swap3A_613 = tpu.vector_load %arg10[%swap3A_611, %swap3A_612] {strides = array<i32>} : memref<5x80xi32, #tpu.memory_space<vmem>>, vector<16xi32>,
        tpu.vector_store %arg10[%swap3A_611, %swap3A_612], %add3A_609 {strides = array<i32>} : memref<5x80xi32, #tpu.memory_space<vmem>>, vector<16xi32>,
        %dma_start3A_614 = arith.constant 1 : i32
        %dma_start3A_615 = arith.constant 1 : i32
        %dma_start3A_616 = arith.constant 0 : i32
        %dma_start3A_617 = arith.constant 0 : i32
        %dma_start3A_618 = tpu.memref_slice %arg11[%dma_start3A_615, %dma_start3A_616, %dma_start3A_617] : memref<5x80x128xf32, #tpu.memory_space<vmem>> -> memref<1x80x128xf32, #tpu.memory_space<vmem>>
        %dma_start3A_619 = tpu.memref_squeeze %dma_start3A_618 : memref<1x80x128xf32, #tpu.memory_space<vmem>> -> memref<80x128xf32, #tpu.memory_space<vmem>>
        %dma_start3A_620 = arith.constant 0 : i32
        %dma_start3A_621 = tpu.memref_slice %arg10[%dma_start3A_614, %dma_start3A_620] : memref<5x80xi32, #tpu.memory_space<vmem>> -> memref<1x80xi32, #tpu.memory_space<vmem>>
        %dma_start3A_622 = tpu.memref_squeeze %dma_start3A_621 : memref<1x80xi32, #tpu.memory_space<vmem>> -> memref<80xi32, #tpu.memory_space<vmem>>
        %dma_start3A_623 = arith.constant 0 : i32
        %dma_start3A_624 = arith.constant 0 : i32
        %dma_start3A_625 = tpu.memref_slice %arg3[%dma_start3A_623, %dma_start3A_624] : memref<160000x128xf32, #tpu.memory_space<hbm>> -> memref<160000x128xf32, #tpu.memory_space<hbm>>
        tpu.enqueue_indirect_dma source(%dma_start3A_625 : memref<160000x128xf32, #tpu.memory_space<hbm>>) target(%dma_start3A_619 : memref<80x128xf32, #tpu.memory_space<vmem>>) offsets(%dma_start3A_622 : memref<80xi32, #tpu.memory_space<vmem>>) semaphore(%arg16 : memref<!tpu.dma_semaphore, #tpu.memory_space<semaphore_mem>>)
      } else {
      }
      %add3A_441 = arith.constant 2 : i32
      %add3A_442 = arith.addi %add3A_370, %add3A_441 : i32
      %dma_wait3A_443 = arith.constant 2 : i32
      %dma_wait3A_444 = arith.constant 0 : i32
      %dma_wait3A_445 = arith.constant 0 : i32
      %dma_wait3A_446 = tpu.memref_slice %arg11[%dma_wait3A_443, %dma_wait3A_444, %dma_wait3A_445] : memref<5x80x128xf32, #tpu.memory_space<vmem>> -> memref<1x80x128xf32, #tpu.memory_space<vmem>>
      %dma_wait3A_447 = tpu.memref_squeeze %dma_wait3A_446 : memref<1x80x128xf32, #tpu.memory_space<vmem>> -> memref<80x128xf32, #tpu.memory_space<vmem>>
      %dma_wait3A_448 = arith.constant 0 : i32
      %dma_wait3A_449 = arith.constant 0 : i32
      %dma_wait3A_450 = tpu.memref_slice %arg3[%dma_wait3A_448, %dma_wait3A_449] : memref<160000x128xf32, #tpu.memory_space<hbm>> -> memref<80x128xf32, #tpu.memory_space<hbm>>
      %dma_wait3A_451 = arith.constant 0 : i32
      %dma_wait3A_452 = arith.constant 0 : i32
      %dma_wait3A_453 = tpu.memref_slice %arg11[%dma_wait3A_443, %dma_wait3A_451, %dma_wait3A_452] : memref<5x80x128xf32, #tpu.memory_space<vmem>> -> memref<1x80x128xf32, #tpu.memory_space<vmem>>
      %dma_wait3A_454 = tpu.memref_squeeze %dma_wait3A_453 : memref<1x80x128xf32, #tpu.memory_space<vmem>> -> memref<80x128xf32, #tpu.memory_space<vmem>>
      %dma_wait3A_455 = arith.constant 0 : i32
      %dma_wait3A_456 = arith.constant 0 : i32
      %dma_wait3A_457 = tpu.memref_slice %arg3[%dma_wait3A_455, %dma_wait3A_456] : memref<160000x128xf32, #tpu.memory_space<hbm>> -> memref<80x128xf32, #tpu.memory_space<hbm>>
      tpu.wait_dma2 semaphore(%arg17 : memref<!tpu.dma_semaphore, #tpu.memory_space<semaphore_mem>>) src(%dma_wait3A_457 : memref<80x128xf32, #tpu.memory_space<hbm>>) dst(%dma_wait3A_454 : memref<80x128xf32, #tpu.memory_space<vmem>>)
      %ge3A_458 = arith.cmpi sge, %add3A_442, %mul3A_4 : i32
      %lt3A_459 = arith.cmpi slt, %add3A_442, %add3A_8 : i32
      %and3A_460 = arith.andi %ge3A_458, %lt3A_459 : i1
      %convert_element_type3A_461 = arith.extui %and3A_460 : i1 to i32
      %cond3A_462 = arith.constant 0 : i32
      %cond3A_463 = arith.cmpi ne, %convert_element_type3A_461, %cond3A_462 : i32
      scf.if %cond3A_463 {
        %mul3A_552 = arith.constant 80 : i32
        %mul3A_553 = arith.muli %add3A_442, %mul3A_552 : i32
        %add3A_554 = arith.addi %mul3A_0, %mul3A_553 : i32
        "tpu.region"() ({
          %run_scoped3A_594 = tpu.sem_alloc : memref<!tpu.dma_semaphore, #tpu.memory_space<semaphore_mem>>
          %dma_start3A_595 = tpu.memref_slice %arg4[%add3A_554] : memref<160000xf32, #tpu.memory_space<hbm>> -> memref<80xf32, #tpu.memory_space<hbm>>
          %dma_start3A_596 = tpu.memref_slice %arg4[%add3A_554] : memref<160000xf32, #tpu.memory_space<hbm>> -> memref<80xf32, #tpu.memory_space<hbm>>
          tpu.enqueue_dma source(%dma_start3A_596 : memref<80xf32, #tpu.memory_space<hbm>>) target(%arg12 : memref<80xf32, #tpu.memory_space<vmem>>) target_semaphore(%run_scoped3A_594 : memref<!tpu.dma_semaphore, #tpu.memory_space<semaphore_mem>>)
          %dma_wait3A_597 = tpu.memref_slice %arg4[%add3A_554] : memref<160000xf32, #tpu.memory_space<hbm>> -> memref<80xf32, #tpu.memory_space<hbm>>
          %dma_wait3A_598 = tpu.memref_slice %arg4[%add3A_554] : memref<160000xf32, #tpu.memory_space<hbm>> -> memref<80xf32, #tpu.memory_space<hbm>>
          tpu.wait_dma2 semaphore(%run_scoped3A_594 : memref<!tpu.dma_semaphore, #tpu.memory_space<semaphore_mem>>) src(%dma_wait3A_598 : memref<80xf32, #tpu.memory_space<hbm>>) dst(%arg12 : memref<80xf32, #tpu.memory_space<vmem>>)
          tpu.yield
        }) : () -> ()
        %mul3A_555 = arith.constant 80 : i32
        %mul3A_556 = arith.muli %add3A_442, %mul3A_555 : i32
        %add3A_557 = arith.constant 0 : i32
        %add3A_558 = arith.addi %mul3A_556, %add3A_557 : i32
        %get3A = arith.index_cast %add3A_558 : i32 to index
        %get3A_559 = tpu.vector_load %arg8[%get3A] {strides = array<i32>} : memref<10000xi32, #tpu.memory_space<vmem>>, vector<16xi32>,
        %get3A_560 = arith.constant 0 : index
        %get3A_561 = tpu.vector_load %arg12[%get3A_560] {strides = array<i32>} : memref<80xf32, #tpu.memory_space<vmem>>, vector<16xf32>,
        tpu.vector_store_idx %arg13[%get3A_559], %get3A_561 {add = true} : memref<10000xf32, #tpu.memory_space<vmem>>[vector<16xi32>], vector<16xf32>,
        %mul3A_562 = arith.constant 80 : i32
        %mul3A_563 = arith.muli %add3A_442, %mul3A_562 : i32
        %add3A_564 = arith.constant 16 : i32
        %add3A_565 = arith.addi %mul3A_563, %add3A_564 : i32
        %get3A_566 = arith.index_cast %add3A_565 : i32 to index
        %get3A_567 = tpu.vector_load %arg8[%get3A_566] {strides = array<i32>} : memref<10000xi32, #tpu.memory_space<vmem>>, vector<16xi32>,
        %get3A_568 = arith.constant 16 : index
        %get3A_569 = tpu.vector_load %arg12[%get3A_568] {strides = array<i32>} : memref<80xf32, #tpu.memory_space<vmem>>, vector<16xf32>,
        tpu.vector_store_idx %arg13[%get3A_567], %get3A_569 {add = true} : memref<10000xf32, #tpu.memory_space<vmem>>[vector<16xi32>], vector<16xf32>,
        %mul3A_570 = arith.constant 80 : i32
        %mul3A_571 = arith.muli %add3A_442, %mul3A_570 : i32
        %add3A_572 = arith.constant 32 : i32
        %add3A_573 = arith.addi %mul3A_571, %add3A_572 : i32
        %get3A_574 = arith.index_cast %add3A_573 : i32 to index
        %get3A_575 = tpu.vector_load %arg8[%get3A_574] {strides = array<i32>} : memref<10000xi32, #tpu.memory_space<vmem>>, vector<16xi32>,
        %get3A_576 = arith.constant 32 : index
        %get3A_577 = tpu.vector_load %arg12[%get3A_576] {strides = array<i32>} : memref<80xf32, #tpu.memory_space<vmem>>, vector<16xf32>,
        tpu.vector_store_idx %arg13[%get3A_575], %get3A_577 {add = true} : memref<10000xf32, #tpu.memory_space<vmem>>[vector<16xi32>], vector<16xf32>,
        %mul3A_578 = arith.constant 80 : i32
        %mul3A_579 = arith.muli %add3A_442, %mul3A_578 : i32
        %add3A_580 = arith.constant 48 : i32
        %add3A_581 = arith.addi %mul3A_579, %add3A_580 : i32
        %get3A_582 = arith.index_cast %add3A_581 : i32 to index
        %get3A_583 = tpu.vector_load %arg8[%get3A_582] {strides = array<i32>} : memref<10000xi32, #tpu.memory_space<vmem>>, vector<16xi32>,
        %get3A_584 = arith.constant 48 : index
        %get3A_585 = tpu.vector_load %arg12[%get3A_584] {strides = array<i32>} : memref<80xf32, #tpu.memory_space<vmem>>, vector<16xf32>,
        tpu.vector_store_idx %arg13[%get3A_583], %get3A_585 {add = true} : memref<10000xf32, #tpu.memory_space<vmem>>[vector<16xi32>], vector<16xf32>,
        %mul3A_586 = arith.constant 80 : i32
        %mul3A_587 = arith.muli %add3A_442, %mul3A_586 : i32
        %add3A_588 = arith.constant 64 : i32
        %add3A_589 = arith.addi %mul3A_587, %add3A_588 : i32
        %get3A_590 = arith.index_cast %add3A_589 : i32 to index
        %get3A_591 = tpu.vector_load %arg8[%get3A_590] {strides = array<i32>} : memref<10000xi32, #tpu.memory_space<vmem>>, vector<16xi32>,
        %get3A_592 = arith.constant 64 : index
        %get3A_593 = tpu.vector_load %arg12[%get3A_592] {strides = array<i32>} : memref<80xf32, #tpu.memory_space<vmem>>, vector<16xf32>,
        tpu.vector_store_idx %arg13[%get3A_591], %get3A_593 {add = true} : memref<10000xf32, #tpu.memory_space<vmem>>[vector<16xi32>], vector<16xf32>,
      } else {
      }
      %scan3A_464 = arith.constant 0 : i32
      %scan3A_465 = arith.constant 5 : i32
      %scan3A_466 = arith.addi %scan3A_464, %scan3A_465 : i32
      %scan3A_467 = arith.constant 1 : i32
      scf.for %scan3A_552 = %scan3A_464 to %scan3A_466 step %scan3A_467  : i32 {
        %mul3A_553 = arith.constant 1 : i32
        %mul3A_554 = arith.muli %scan3A_552, %mul3A_553 : i32
        %add3A_555 = arith.constant 0 : i32
        %add3A_556 = arith.addi %add3A_555, %mul3A_554 : i32
        %mul3A_557 = arith.constant 80 : i32
        %mul3A_558 = arith.muli %add3A_442, %mul3A_557 : i32
        %mul3A_559 = arith.constant 16 : i32
        %mul3A_560 = arith.muli %add3A_556, %mul3A_559 : i32
        %add3A_561 = arith.addi %mul3A_558, %mul3A_560 : i32
        %get3A = arith.index_cast %add3A_561 : i32 to index
        %get3A_562 = tpu.vector_load %arg8[%get3A] {strides = array<i32>} : memref<10000xi32, #tpu.memory_space<vmem>>, vector<16xi32>,
        %sub3A = vector.broadcast %mul3A_2 : i32 to vector<16xi32>
        %sub3A_563 = arith.subi %get3A_562, %sub3A : vector<16xi32>
        %ge3A_564 = arith.constant 0 : i32
        %ge3A_565 = vector.broadcast %ge3A_564 : i32 to vector<16xi32>
        %ge3A_566 = arith.cmpi sge, %sub3A_563, %ge3A_565 : vector<16xi32>
        %lt3A_567 = arith.constant 5000 : i32
        %lt3A_568 = vector.broadcast %lt3A_567 : i32 to vector<16xi32>
        %lt3A_569 = arith.cmpi slt, %sub3A_563, %lt3A_568 : vector<16xi32>
        %and3A_570 = arith.andi %ge3A_566, %lt3A_569 : vector<16xi1>
        %jit3A = arith.constant 5000 : i32
        %broadcast_in_dim3A = vector.broadcast %jit3A : i32 to vector<16xi32>
        %select_n3A = arith.select %and3A_570, %sub3A_563, %broadcast_in_dim3A : vector<16xi1>, vector<16xi32>
        %mul3A_571 = arith.constant 16 : i32
        %mul3A_572 = arith.muli %add3A_556, %mul3A_571 : i32
        %swap3A_573 = arith.constant 0 : i32
        %swap3A_574 = arith.index_cast %swap3A_573 : i32 to index
        %swap3A_575 = arith.index_cast %mul3A_572 : i32 to index
        %swap3A_576 = tpu.vector_load %arg9[%swap3A_574, %swap3A_575] {strides = array<i32>} : memref<1x80xi32, #tpu.memory_space<vmem>>, vector<16xi32>,
        tpu.vector_store %arg9[%swap3A_574, %swap3A_575], %select_n3A {strides = array<i32>} : memref<1x80xi32, #tpu.memory_space<vmem>>, vector<16xi32>,
      }
      %scan3A_468 = arith.constant 5 : i32
      %run_scoped3A_469 = arith.constant 2 : i32
      %run_scoped3A_470 = arith.constant 0 : i32
      "tpu.region"() ({
        %run_scoped3A_552 = tpu.sem_alloc : memref<!tpu.dma_semaphore, #tpu.memory_space<semaphore_mem>>
        %dma_start3A_553 = arith.constant 0 : i32
        %dma_start3A_554 = arith.constant 0 : i32
        %dma_start3A_555 = tpu.memref_slice %arg11[%run_scoped3A_469, %dma_start3A_553, %dma_start3A_554] : memref<5x80x128xf32, #tpu.memory_space<vmem>> -> memref<1x80x128xf32, #tpu.memory_space<vmem>>
        %dma_start3A_556 = tpu.memref_squeeze %dma_start3A_555 : memref<1x80x128xf32, #tpu.memory_space<vmem>> -> memref<80x128xf32, #tpu.memory_space<vmem>>
        %dma_start3A_557 = arith.constant 0 : i32
        %dma_start3A_558 = tpu.memref_slice %arg9[%run_scoped3A_470, %dma_start3A_557] : memref<1x80xi32, #tpu.memory_space<vmem>> -> memref<1x80xi32, #tpu.memory_space<vmem>>
        %dma_start3A_559 = tpu.memref_squeeze %dma_start3A_558 : memref<1x80xi32, #tpu.memory_space<vmem>> -> memref<80xi32, #tpu.memory_space<vmem>>
        %dma_start3A_560 = arith.constant 0 : i32
        %dma_start3A_561 = arith.constant 0 : i32
        %dma_start3A_562 = tpu.memref_slice %arg14[%dma_start3A_560, %dma_start3A_561] : memref<5008x128xf32, #tpu.memory_space<vmem_shared>> -> memref<5008x128xf32, #tpu.memory_space<vmem_shared>>
        tpu.enqueue_indirect_dma source(%dma_start3A_556 : memref<80x128xf32, #tpu.memory_space<vmem>>) target(%dma_start3A_562 : memref<5008x128xf32, #tpu.memory_space<vmem_shared>>) offsets(%dma_start3A_559 : memref<80xi32, #tpu.memory_space<vmem>>) semaphore(%run_scoped3A_552 : memref<!tpu.dma_semaphore, #tpu.memory_space<semaphore_mem>>) {add = true}
        %dma_wait3A_563 = arith.constant 0 : i32
        %dma_wait3A_564 = arith.constant 0 : i32
        %dma_wait3A_565 = tpu.memref_slice %arg11[%run_scoped3A_469, %dma_wait3A_563, %dma_wait3A_564] : memref<5x80x128xf32, #tpu.memory_space<vmem>> -> memref<1x80x128xf32, #tpu.memory_space<vmem>>
        %dma_wait3A_566 = tpu.memref_squeeze %dma_wait3A_565 : memref<1x80x128xf32, #tpu.memory_space<vmem>> -> memref<80x128xf32, #tpu.memory_space<vmem>>
        %dma_wait3A_567 = arith.constant 0 : i32
        %dma_wait3A_568 = tpu.memref_slice %arg9[%run_scoped3A_470, %dma_wait3A_567] : memref<1x80xi32, #tpu.memory_space<vmem>> -> memref<1x80xi32, #tpu.memory_space<vmem>>
        %dma_wait3A_569 = tpu.memref_squeeze %dma_wait3A_568 : memref<1x80xi32, #tpu.memory_space<vmem>> -> memref<80xi32, #tpu.memory_space<vmem>>
        %dma_wait3A_570 = arith.constant 0 : i32
        %dma_wait3A_571 = arith.constant 0 : i32
        %dma_wait3A_572 = tpu.memref_slice %arg14[%dma_wait3A_570, %dma_wait3A_571] : memref<5008x128xf32, #tpu.memory_space<vmem_shared>> -> memref<5008x128xf32, #tpu.memory_space<vmem_shared>>
        tpu.wait_indirect_dma semaphore(%run_scoped3A_552 : memref<!tpu.dma_semaphore, #tpu.memory_space<semaphore_mem>>) src(%dma_wait3A_566 : memref<80x128xf32, #tpu.memory_space<vmem>>) dst(%dma_wait3A_572 : memref<5008x128xf32, #tpu.memory_space<vmem_shared>>)
        tpu.yield
      }) : () -> ()
      %add3A_471 = arith.constant 5 : i32
      %add3A_472 = arith.addi %add3A_442, %add3A_471 : i32
      %lt3A_473 = arith.constant 125 : i32
      %lt3A_474 = arith.cmpi slt, %add3A_472, %lt3A_473 : i32
      %convert_element_type3A_475 = arith.extui %lt3A_474 : i1 to i32
      %cond3A_476 = arith.constant 0 : i32
      %cond3A_477 = arith.cmpi ne, %convert_element_type3A_475, %cond3A_476 : i32
      scf.if %cond3A_477 {
        %add3A_552 = arith.constant 5 : i32
        %add3A_553 = arith.addi %add3A_442, %add3A_552 : i32
        %iota3A_554 = tpu.iota {dimensions = array<i32: 0>} : vector<16xi32>
        %mul3A_555 = arith.constant 80 : i32
        %mul3A_556 = arith.muli %add3A_553, %mul3A_555 : i32
        %add3A_557 = arith.addi %mul3A_0, %mul3A_556 : i32
        %add3A_558 = arith.constant 0 : i32
        %add3A_559 = arith.addi %add3A_557, %add3A_558 : i32
        %add3A_560 = vector.broadcast %add3A_559 : i32 to vector<16xi32>
        %add3A_561 = arith.addi %iota3A_554, %add3A_560 : vector<16xi32>
        %swap3A_562 = arith.constant 2 : i32
        %swap3A_563 = arith.index_cast %swap3A_562 : i32 to index
        %swap3A_564 = arith.constant 0 : index
        %swap3A_565 = tpu.vector_load %arg10[%swap3A_563, %swap3A_564] {strides = array<i32>} : memref<5x80xi32, #tpu.memory_space<vmem>>, vector<16xi32>,
        tpu.vector_store %arg10[%swap3A_563, %swap3A_564], %add3A_561 {strides = array<i32>} : memref<5x80xi32, #tpu.memory_space<vmem>>, vector<16xi32>,
        %iota3A_566 = tpu.iota {dimensions = array<i32: 0>} : vector<16xi32>
        %mul3A_567 = arith.constant 80 : i32
        %mul3A_568 = arith.muli %add3A_553, %mul3A_567 : i32
        %add3A_569 = arith.addi %mul3A_0, %mul3A_568 : i32
        %add3A_570 = arith.constant 16 : i32
        %add3A_571 = arith.addi %add3A_569, %add3A_570 : i32
        %add3A_572 = vector.broadcast %add3A_571 : i32 to vector<16xi32>
        %add3A_573 = arith.addi %iota3A_566, %add3A_572 : vector<16xi32>
        %swap3A_574 = arith.constant 2 : i32
        %swap3A_575 = arith.index_cast %swap3A_574 : i32 to index
        %swap3A_576 = arith.constant 16 : index
        %swap3A_577 = tpu.vector_load %arg10[%swap3A_575, %swap3A_576] {strides = array<i32>} : memref<5x80xi32, #tpu.memory_space<vmem>>, vector<16xi32>,
        tpu.vector_store %arg10[%swap3A_575, %swap3A_576], %add3A_573 {strides = array<i32>} : memref<5x80xi32, #tpu.memory_space<vmem>>, vector<16xi32>,
        %iota3A_578 = tpu.iota {dimensions = array<i32: 0>} : vector<16xi32>
        %mul3A_579 = arith.constant 80 : i32
        %mul3A_580 = arith.muli %add3A_553, %mul3A_579 : i32
        %add3A_581 = arith.addi %mul3A_0, %mul3A_580 : i32
        %add3A_582 = arith.constant 32 : i32
        %add3A_583 = arith.addi %add3A_581, %add3A_582 : i32
        %add3A_584 = vector.broadcast %add3A_583 : i32 to vector<16xi32>
        %add3A_585 = arith.addi %iota3A_578, %add3A_584 : vector<16xi32>
        %swap3A_586 = arith.constant 2 : i32
        %swap3A_587 = arith.index_cast %swap3A_586 : i32 to index
        %swap3A_588 = arith.constant 32 : index
        %swap3A_589 = tpu.vector_load %arg10[%swap3A_587, %swap3A_588] {strides = array<i32>} : memref<5x80xi32, #tpu.memory_space<vmem>>, vector<16xi32>,
        tpu.vector_store %arg10[%swap3A_587, %swap3A_588], %add3A_585 {strides = array<i32>} : memref<5x80xi32, #tpu.memory_space<vmem>>, vector<16xi32>,
        %iota3A_590 = tpu.iota {dimensions = array<i32: 0>} : vector<16xi32>
        %mul3A_591 = arith.constant 80 : i32
        %mul3A_592 = arith.muli %add3A_553, %mul3A_591 : i32
        %add3A_593 = arith.addi %mul3A_0, %mul3A_592 : i32
        %add3A_594 = arith.constant 48 : i32
        %add3A_595 = arith.addi %add3A_593, %add3A_594 : i32
        %add3A_596 = vector.broadcast %add3A_595 : i32 to vector<16xi32>
        %add3A_597 = arith.addi %iota3A_590, %add3A_596 : vector<16xi32>
        %swap3A_598 = arith.constant 2 : i32
        %swap3A_599 = arith.index_cast %swap3A_598 : i32 to index
        %swap3A_600 = arith.constant 48 : index
        %swap3A_601 = tpu.vector_load %arg10[%swap3A_599, %swap3A_600] {strides = array<i32>} : memref<5x80xi32, #tpu.memory_space<vmem>>, vector<16xi32>,
        tpu.vector_store %arg10[%swap3A_599, %swap3A_600], %add3A_597 {strides = array<i32>} : memref<5x80xi32, #tpu.memory_space<vmem>>, vector<16xi32>,
        %iota3A_602 = tpu.iota {dimensions = array<i32: 0>} : vector<16xi32>
        %mul3A_603 = arith.constant 80 : i32
        %mul3A_604 = arith.muli %add3A_553, %mul3A_603 : i32
        %add3A_605 = arith.addi %mul3A_0, %mul3A_604 : i32
        %add3A_606 = arith.constant 64 : i32
        %add3A_607 = arith.addi %add3A_605, %add3A_606 : i32
        %add3A_608 = vector.broadcast %add3A_607 : i32 to vector<16xi32>
        %add3A_609 = arith.addi %iota3A_602, %add3A_608 : vector<16xi32>
        %swap3A_610 = arith.constant 2 : i32
        %swap3A_611 = arith.index_cast %swap3A_610 : i32 to index
        %swap3A_612 = arith.constant 64 : index
        %swap3A_613 = tpu.vector_load %arg10[%swap3A_611, %swap3A_612] {strides = array<i32>} : memref<5x80xi32, #tpu.memory_space<vmem>>, vector<16xi32>,
        tpu.vector_store %arg10[%swap3A_611, %swap3A_612], %add3A_609 {strides = array<i32>} : memref<5x80xi32, #tpu.memory_space<vmem>>, vector<16xi32>,
        %dma_start3A_614 = arith.constant 2 : i32
        %dma_start3A_615 = arith.constant 2 : i32
        %dma_start3A_616 = arith.constant 0 : i32
        %dma_start3A_617 = arith.constant 0 : i32
        %dma_start3A_618 = tpu.memref_slice %arg11[%dma_start3A_615, %dma_start3A_616, %dma_start3A_617] : memref<5x80x128xf32, #tpu.memory_space<vmem>> -> memref<1x80x128xf32, #tpu.memory_space<vmem>>
        %dma_start3A_619 = tpu.memref_squeeze %dma_start3A_618 : memref<1x80x128xf32, #tpu.memory_space<vmem>> -> memref<80x128xf32, #tpu.memory_space<vmem>>
        %dma_start3A_620 = arith.constant 0 : i32
        %dma_start3A_621 = tpu.memref_slice %arg10[%dma_start3A_614, %dma_start3A_620] : memref<5x80xi32, #tpu.memory_space<vmem>> -> memref<1x80xi32, #tpu.memory_space<vmem>>
        %dma_start3A_622 = tpu.memref_squeeze %dma_start3A_621 : memref<1x80xi32, #tpu.memory_space<vmem>> -> memref<80xi32, #tpu.memory_space<vmem>>
        %dma_start3A_623 = arith.constant 0 : i32
        %dma_start3A_624 = arith.constant 0 : i32
        %dma_start3A_625 = tpu.memref_slice %arg3[%dma_start3A_623, %dma_start3A_624] : memref<160000x128xf32, #tpu.memory_space<hbm>> -> memref<160000x128xf32, #tpu.memory_space<hbm>>
        tpu.enqueue_indirect_dma source(%dma_start3A_625 : memref<160000x128xf32, #tpu.memory_space<hbm>>) target(%dma_start3A_619 : memref<80x128xf32, #tpu.memory_space<vmem>>) offsets(%dma_start3A_622 : memref<80xi32, #tpu.memory_space<vmem>>) semaphore(%arg17 : memref<!tpu.dma_semaphore, #tpu.memory_space<semaphore_mem>>)
      } else {
      }
      %add3A_478 = arith.constant 3 : i32
      %add3A_479 = arith.addi %add3A_370, %add3A_478 : i32
      %dma_wait3A_480 = arith.constant 3 : i32
      %dma_wait3A_481 = arith.constant 0 : i32
      %dma_wait3A_482 = arith.constant 0 : i32
      %dma_wait3A_483 = tpu.memref_slice %arg11[%dma_wait3A_480, %dma_wait3A_481, %dma_wait3A_482] : memref<5x80x128xf32, #tpu.memory_space<vmem>> -> memref<1x80x128xf32, #tpu.memory_space<vmem>>
      %dma_wait3A_484 = tpu.memref_squeeze %dma_wait3A_483 : memref<1x80x128xf32, #tpu.memory_space<vmem>> -> memref<80x128xf32, #tpu.memory_space<vmem>>
      %dma_wait3A_485 = arith.constant 0 : i32
      %dma_wait3A_486 = arith.constant 0 : i32
      %dma_wait3A_487 = tpu.memref_slice %arg3[%dma_wait3A_485, %dma_wait3A_486] : memref<160000x128xf32, #tpu.memory_space<hbm>> -> memref<80x128xf32, #tpu.memory_space<hbm>>
      %dma_wait3A_488 = arith.constant 0 : i32
      %dma_wait3A_489 = arith.constant 0 : i32
      %dma_wait3A_490 = tpu.memref_slice %arg11[%dma_wait3A_480, %dma_wait3A_488, %dma_wait3A_489] : memref<5x80x128xf32, #tpu.memory_space<vmem>> -> memref<1x80x128xf32, #tpu.memory_space<vmem>>
      %dma_wait3A_491 = tpu.memref_squeeze %dma_wait3A_490 : memref<1x80x128xf32, #tpu.memory_space<vmem>> -> memref<80x128xf32, #tpu.memory_space<vmem>>
      %dma_wait3A_492 = arith.constant 0 : i32
      %dma_wait3A_493 = arith.constant 0 : i32
      %dma_wait3A_494 = tpu.memref_slice %arg3[%dma_wait3A_492, %dma_wait3A_493] : memref<160000x128xf32, #tpu.memory_space<hbm>> -> memref<80x128xf32, #tpu.memory_space<hbm>>
      tpu.wait_dma2 semaphore(%arg18 : memref<!tpu.dma_semaphore, #tpu.memory_space<semaphore_mem>>) src(%dma_wait3A_494 : memref<80x128xf32, #tpu.memory_space<hbm>>) dst(%dma_wait3A_491 : memref<80x128xf32, #tpu.memory_space<vmem>>)
      %ge3A_495 = arith.cmpi sge, %add3A_479, %mul3A_4 : i32
      %lt3A_496 = arith.cmpi slt, %add3A_479, %add3A_8 : i32
      %and3A_497 = arith.andi %ge3A_495, %lt3A_496 : i1
      %convert_element_type3A_498 = arith.extui %and3A_497 : i1 to i32
      %cond3A_499 = arith.constant 0 : i32
      %cond3A_500 = arith.cmpi ne, %convert_element_type3A_498, %cond3A_499 : i32
      scf.if %cond3A_500 {
        %mul3A_552 = arith.constant 80 : i32
        %mul3A_553 = arith.muli %add3A_479, %mul3A_552 : i32
        %add3A_554 = arith.addi %mul3A_0, %mul3A_553 : i32
        "tpu.region"() ({
          %run_scoped3A_594 = tpu.sem_alloc : memref<!tpu.dma_semaphore, #tpu.memory_space<semaphore_mem>>
          %dma_start3A_595 = tpu.memref_slice %arg4[%add3A_554] : memref<160000xf32, #tpu.memory_space<hbm>> -> memref<80xf32, #tpu.memory_space<hbm>>
          %dma_start3A_596 = tpu.memref_slice %arg4[%add3A_554] : memref<160000xf32, #tpu.memory_space<hbm>> -> memref<80xf32, #tpu.memory_space<hbm>>
          tpu.enqueue_dma source(%dma_start3A_596 : memref<80xf32, #tpu.memory_space<hbm>>) target(%arg12 : memref<80xf32, #tpu.memory_space<vmem>>) target_semaphore(%run_scoped3A_594 : memref<!tpu.dma_semaphore, #tpu.memory_space<semaphore_mem>>)
          %dma_wait3A_597 = tpu.memref_slice %arg4[%add3A_554] : memref<160000xf32, #tpu.memory_space<hbm>> -> memref<80xf32, #tpu.memory_space<hbm>>
          %dma_wait3A_598 = tpu.memref_slice %arg4[%add3A_554] : memref<160000xf32, #tpu.memory_space<hbm>> -> memref<80xf32, #tpu.memory_space<hbm>>
          tpu.wait_dma2 semaphore(%run_scoped3A_594 : memref<!tpu.dma_semaphore, #tpu.memory_space<semaphore_mem>>) src(%dma_wait3A_598 : memref<80xf32, #tpu.memory_space<hbm>>) dst(%arg12 : memref<80xf32, #tpu.memory_space<vmem>>)
          tpu.yield
        }) : () -> ()
        %mul3A_555 = arith.constant 80 : i32
        %mul3A_556 = arith.muli %add3A_479, %mul3A_555 : i32
        %add3A_557 = arith.constant 0 : i32
        %add3A_558 = arith.addi %mul3A_556, %add3A_557 : i32
        %get3A = arith.index_cast %add3A_558 : i32 to index
        %get3A_559 = tpu.vector_load %arg8[%get3A] {strides = array<i32>} : memref<10000xi32, #tpu.memory_space<vmem>>, vector<16xi32>,
        %get3A_560 = arith.constant 0 : index
        %get3A_561 = tpu.vector_load %arg12[%get3A_560] {strides = array<i32>} : memref<80xf32, #tpu.memory_space<vmem>>, vector<16xf32>,
        tpu.vector_store_idx %arg13[%get3A_559], %get3A_561 {add = true} : memref<10000xf32, #tpu.memory_space<vmem>>[vector<16xi32>], vector<16xf32>,
        %mul3A_562 = arith.constant 80 : i32
        %mul3A_563 = arith.muli %add3A_479, %mul3A_562 : i32
        %add3A_564 = arith.constant 16 : i32
        %add3A_565 = arith.addi %mul3A_563, %add3A_564 : i32
        %get3A_566 = arith.index_cast %add3A_565 : i32 to index
        %get3A_567 = tpu.vector_load %arg8[%get3A_566] {strides = array<i32>} : memref<10000xi32, #tpu.memory_space<vmem>>, vector<16xi32>,
        %get3A_568 = arith.constant 16 : index
        %get3A_569 = tpu.vector_load %arg12[%get3A_568] {strides = array<i32>} : memref<80xf32, #tpu.memory_space<vmem>>, vector<16xf32>,
        tpu.vector_store_idx %arg13[%get3A_567], %get3A_569 {add = true} : memref<10000xf32, #tpu.memory_space<vmem>>[vector<16xi32>], vector<16xf32>,
        %mul3A_570 = arith.constant 80 : i32
        %mul3A_571 = arith.muli %add3A_479, %mul3A_570 : i32
        %add3A_572 = arith.constant 32 : i32
        %add3A_573 = arith.addi %mul3A_571, %add3A_572 : i32
        %get3A_574 = arith.index_cast %add3A_573 : i32 to index
        %get3A_575 = tpu.vector_load %arg8[%get3A_574] {strides = array<i32>} : memref<10000xi32, #tpu.memory_space<vmem>>, vector<16xi32>,
        %get3A_576 = arith.constant 32 : index
        %get3A_577 = tpu.vector_load %arg12[%get3A_576] {strides = array<i32>} : memref<80xf32, #tpu.memory_space<vmem>>, vector<16xf32>,
        tpu.vector_store_idx %arg13[%get3A_575], %get3A_577 {add = true} : memref<10000xf32, #tpu.memory_space<vmem>>[vector<16xi32>], vector<16xf32>,
        %mul3A_578 = arith.constant 80 : i32
        %mul3A_579 = arith.muli %add3A_479, %mul3A_578 : i32
        %add3A_580 = arith.constant 48 : i32
        %add3A_581 = arith.addi %mul3A_579, %add3A_580 : i32
        %get3A_582 = arith.index_cast %add3A_581 : i32 to index
        %get3A_583 = tpu.vector_load %arg8[%get3A_582] {strides = array<i32>} : memref<10000xi32, #tpu.memory_space<vmem>>, vector<16xi32>,
        %get3A_584 = arith.constant 48 : index
        %get3A_585 = tpu.vector_load %arg12[%get3A_584] {strides = array<i32>} : memref<80xf32, #tpu.memory_space<vmem>>, vector<16xf32>,
        tpu.vector_store_idx %arg13[%get3A_583], %get3A_585 {add = true} : memref<10000xf32, #tpu.memory_space<vmem>>[vector<16xi32>], vector<16xf32>,
        %mul3A_586 = arith.constant 80 : i32
        %mul3A_587 = arith.muli %add3A_479, %mul3A_586 : i32
        %add3A_588 = arith.constant 64 : i32
        %add3A_589 = arith.addi %mul3A_587, %add3A_588 : i32
        %get3A_590 = arith.index_cast %add3A_589 : i32 to index
        %get3A_591 = tpu.vector_load %arg8[%get3A_590] {strides = array<i32>} : memref<10000xi32, #tpu.memory_space<vmem>>, vector<16xi32>,
        %get3A_592 = arith.constant 64 : index
        %get3A_593 = tpu.vector_load %arg12[%get3A_592] {strides = array<i32>} : memref<80xf32, #tpu.memory_space<vmem>>, vector<16xf32>,
        tpu.vector_store_idx %arg13[%get3A_591], %get3A_593 {add = true} : memref<10000xf32, #tpu.memory_space<vmem>>[vector<16xi32>], vector<16xf32>,
      } else {
      }
      %scan3A_501 = arith.constant 0 : i32
      %scan3A_502 = arith.constant 5 : i32
      %scan3A_503 = arith.addi %scan3A_501, %scan3A_502 : i32
      %scan3A_504 = arith.constant 1 : i32
      scf.for %scan3A_552 = %scan3A_501 to %scan3A_503 step %scan3A_504  : i32 {
        %mul3A_553 = arith.constant 1 : i32
        %mul3A_554 = arith.muli %scan3A_552, %mul3A_553 : i32
        %add3A_555 = arith.constant 0 : i32
        %add3A_556 = arith.addi %add3A_555, %mul3A_554 : i32
        %mul3A_557 = arith.constant 80 : i32
        %mul3A_558 = arith.muli %add3A_479, %mul3A_557 : i32
        %mul3A_559 = arith.constant 16 : i32
        %mul3A_560 = arith.muli %add3A_556, %mul3A_559 : i32
        %add3A_561 = arith.addi %mul3A_558, %mul3A_560 : i32
        %get3A = arith.index_cast %add3A_561 : i32 to index
        %get3A_562 = tpu.vector_load %arg8[%get3A] {strides = array<i32>} : memref<10000xi32, #tpu.memory_space<vmem>>, vector<16xi32>,
        %sub3A = vector.broadcast %mul3A_2 : i32 to vector<16xi32>
        %sub3A_563 = arith.subi %get3A_562, %sub3A : vector<16xi32>
        %ge3A_564 = arith.constant 0 : i32
        %ge3A_565 = vector.broadcast %ge3A_564 : i32 to vector<16xi32>
        %ge3A_566 = arith.cmpi sge, %sub3A_563, %ge3A_565 : vector<16xi32>
        %lt3A_567 = arith.constant 5000 : i32
        %lt3A_568 = vector.broadcast %lt3A_567 : i32 to vector<16xi32>
        %lt3A_569 = arith.cmpi slt, %sub3A_563, %lt3A_568 : vector<16xi32>
        %and3A_570 = arith.andi %ge3A_566, %lt3A_569 : vector<16xi1>
        %jit3A = arith.constant 5000 : i32
        %broadcast_in_dim3A = vector.broadcast %jit3A : i32 to vector<16xi32>
        %select_n3A = arith.select %and3A_570, %sub3A_563, %broadcast_in_dim3A : vector<16xi1>, vector<16xi32>
        %mul3A_571 = arith.constant 16 : i32
        %mul3A_572 = arith.muli %add3A_556, %mul3A_571 : i32
        %swap3A_573 = arith.constant 0 : i32
        %swap3A_574 = arith.index_cast %swap3A_573 : i32 to index
        %swap3A_575 = arith.index_cast %mul3A_572 : i32 to index
        %swap3A_576 = tpu.vector_load %arg9[%swap3A_574, %swap3A_575] {strides = array<i32>} : memref<1x80xi32, #tpu.memory_space<vmem>>, vector<16xi32>,
        tpu.vector_store %arg9[%swap3A_574, %swap3A_575], %select_n3A {strides = array<i32>} : memref<1x80xi32, #tpu.memory_space<vmem>>, vector<16xi32>,
      }
      %scan3A_505 = arith.constant 5 : i32
      %run_scoped3A_506 = arith.constant 3 : i32
      %run_scoped3A_507 = arith.constant 0 : i32
      "tpu.region"() ({
        %run_scoped3A_552 = tpu.sem_alloc : memref<!tpu.dma_semaphore, #tpu.memory_space<semaphore_mem>>
        %dma_start3A_553 = arith.constant 0 : i32
        %dma_start3A_554 = arith.constant 0 : i32
        %dma_start3A_555 = tpu.memref_slice %arg11[%run_scoped3A_506, %dma_start3A_553, %dma_start3A_554] : memref<5x80x128xf32, #tpu.memory_space<vmem>> -> memref<1x80x128xf32, #tpu.memory_space<vmem>>
        %dma_start3A_556 = tpu.memref_squeeze %dma_start3A_555 : memref<1x80x128xf32, #tpu.memory_space<vmem>> -> memref<80x128xf32, #tpu.memory_space<vmem>>
        %dma_start3A_557 = arith.constant 0 : i32
        %dma_start3A_558 = tpu.memref_slice %arg9[%run_scoped3A_507, %dma_start3A_557] : memref<1x80xi32, #tpu.memory_space<vmem>> -> memref<1x80xi32, #tpu.memory_space<vmem>>
        %dma_start3A_559 = tpu.memref_squeeze %dma_start3A_558 : memref<1x80xi32, #tpu.memory_space<vmem>> -> memref<80xi32, #tpu.memory_space<vmem>>
        %dma_start3A_560 = arith.constant 0 : i32
        %dma_start3A_561 = arith.constant 0 : i32
        %dma_start3A_562 = tpu.memref_slice %arg14[%dma_start3A_560, %dma_start3A_561] : memref<5008x128xf32, #tpu.memory_space<vmem_shared>> -> memref<5008x128xf32, #tpu.memory_space<vmem_shared>>
        tpu.enqueue_indirect_dma source(%dma_start3A_556 : memref<80x128xf32, #tpu.memory_space<vmem>>) target(%dma_start3A_562 : memref<5008x128xf32, #tpu.memory_space<vmem_shared>>) offsets(%dma_start3A_559 : memref<80xi32, #tpu.memory_space<vmem>>) semaphore(%run_scoped3A_552 : memref<!tpu.dma_semaphore, #tpu.memory_space<semaphore_mem>>) {add = true}
        %dma_wait3A_563 = arith.constant 0 : i32
        %dma_wait3A_564 = arith.constant 0 : i32
        %dma_wait3A_565 = tpu.memref_slice %arg11[%run_scoped3A_506, %dma_wait3A_563, %dma_wait3A_564] : memref<5x80x128xf32, #tpu.memory_space<vmem>> -> memref<1x80x128xf32, #tpu.memory_space<vmem>>
        %dma_wait3A_566 = tpu.memref_squeeze %dma_wait3A_565 : memref<1x80x128xf32, #tpu.memory_space<vmem>> -> memref<80x128xf32, #tpu.memory_space<vmem>>
        %dma_wait3A_567 = arith.constant 0 : i32
        %dma_wait3A_568 = tpu.memref_slice %arg9[%run_scoped3A_507, %dma_wait3A_567] : memref<1x80xi32, #tpu.memory_space<vmem>> -> memref<1x80xi32, #tpu.memory_space<vmem>>
        %dma_wait3A_569 = tpu.memref_squeeze %dma_wait3A_568 : memref<1x80xi32, #tpu.memory_space<vmem>> -> memref<80xi32, #tpu.memory_space<vmem>>
        %dma_wait3A_570 = arith.constant 0 : i32
        %dma_wait3A_571 = arith.constant 0 : i32
        %dma_wait3A_572 = tpu.memref_slice %arg14[%dma_wait3A_570, %dma_wait3A_571] : memref<5008x128xf32, #tpu.memory_space<vmem_shared>> -> memref<5008x128xf32, #tpu.memory_space<vmem_shared>>
        tpu.wait_indirect_dma semaphore(%run_scoped3A_552 : memref<!tpu.dma_semaphore, #tpu.memory_space<semaphore_mem>>) src(%dma_wait3A_566 : memref<80x128xf32, #tpu.memory_space<vmem>>) dst(%dma_wait3A_572 : memref<5008x128xf32, #tpu.memory_space<vmem_shared>>)
        tpu.yield
      }) : () -> ()
      %add3A_508 = arith.constant 5 : i32
      %add3A_509 = arith.addi %add3A_479, %add3A_508 : i32
      %lt3A_510 = arith.constant 125 : i32
      %lt3A_511 = arith.cmpi slt, %add3A_509, %lt3A_510 : i32
      %convert_element_type3A_512 = arith.extui %lt3A_511 : i1 to i32
      %cond3A_513 = arith.constant 0 : i32
      %cond3A_514 = arith.cmpi ne, %convert_element_type3A_512, %cond3A_513 : i32
      scf.if %cond3A_514 {
        %add3A_552 = arith.constant 5 : i32
        %add3A_553 = arith.addi %add3A_479, %add3A_552 : i32
        %iota3A_554 = tpu.iota {dimensions = array<i32: 0>} : vector<16xi32>
        %mul3A_555 = arith.constant 80 : i32
        %mul3A_556 = arith.muli %add3A_553, %mul3A_555 : i32
        %add3A_557 = arith.addi %mul3A_0, %mul3A_556 : i32
        %add3A_558 = arith.constant 0 : i32
        %add3A_559 = arith.addi %add3A_557, %add3A_558 : i32
        %add3A_560 = vector.broadcast %add3A_559 : i32 to vector<16xi32>
        %add3A_561 = arith.addi %iota3A_554, %add3A_560 : vector<16xi32>
        %swap3A_562 = arith.constant 3 : i32
        %swap3A_563 = arith.index_cast %swap3A_562 : i32 to index
        %swap3A_564 = arith.constant 0 : index
        %swap3A_565 = tpu.vector_load %arg10[%swap3A_563, %swap3A_564] {strides = array<i32>} : memref<5x80xi32, #tpu.memory_space<vmem>>, vector<16xi32>,
        tpu.vector_store %arg10[%swap3A_563, %swap3A_564], %add3A_561 {strides = array<i32>} : memref<5x80xi32, #tpu.memory_space<vmem>>, vector<16xi32>,
        %iota3A_566 = tpu.iota {dimensions = array<i32: 0>} : vector<16xi32>
        %mul3A_567 = arith.constant 80 : i32
        %mul3A_568 = arith.muli %add3A_553, %mul3A_567 : i32
        %add3A_569 = arith.addi %mul3A_0, %mul3A_568 : i32
        %add3A_570 = arith.constant 16 : i32
        %add3A_571 = arith.addi %add3A_569, %add3A_570 : i32
        %add3A_572 = vector.broadcast %add3A_571 : i32 to vector<16xi32>
        %add3A_573 = arith.addi %iota3A_566, %add3A_572 : vector<16xi32>
        %swap3A_574 = arith.constant 3 : i32
        %swap3A_575 = arith.index_cast %swap3A_574 : i32 to index
        %swap3A_576 = arith.constant 16 : index
        %swap3A_577 = tpu.vector_load %arg10[%swap3A_575, %swap3A_576] {strides = array<i32>} : memref<5x80xi32, #tpu.memory_space<vmem>>, vector<16xi32>,
        tpu.vector_store %arg10[%swap3A_575, %swap3A_576], %add3A_573 {strides = array<i32>} : memref<5x80xi32, #tpu.memory_space<vmem>>, vector<16xi32>,
        %iota3A_578 = tpu.iota {dimensions = array<i32: 0>} : vector<16xi32>
        %mul3A_579 = arith.constant 80 : i32
        %mul3A_580 = arith.muli %add3A_553, %mul3A_579 : i32
        %add3A_581 = arith.addi %mul3A_0, %mul3A_580 : i32
        %add3A_582 = arith.constant 32 : i32
        %add3A_583 = arith.addi %add3A_581, %add3A_582 : i32
        %add3A_584 = vector.broadcast %add3A_583 : i32 to vector<16xi32>
        %add3A_585 = arith.addi %iota3A_578, %add3A_584 : vector<16xi32>
        %swap3A_586 = arith.constant 3 : i32
        %swap3A_587 = arith.index_cast %swap3A_586 : i32 to index
        %swap3A_588 = arith.constant 32 : index
        %swap3A_589 = tpu.vector_load %arg10[%swap3A_587, %swap3A_588] {strides = array<i32>} : memref<5x80xi32, #tpu.memory_space<vmem>>, vector<16xi32>,
        tpu.vector_store %arg10[%swap3A_587, %swap3A_588], %add3A_585 {strides = array<i32>} : memref<5x80xi32, #tpu.memory_space<vmem>>, vector<16xi32>,
        %iota3A_590 = tpu.iota {dimensions = array<i32: 0>} : vector<16xi32>
        %mul3A_591 = arith.constant 80 : i32
        %mul3A_592 = arith.muli %add3A_553, %mul3A_591 : i32
        %add3A_593 = arith.addi %mul3A_0, %mul3A_592 : i32
        %add3A_594 = arith.constant 48 : i32
        %add3A_595 = arith.addi %add3A_593, %add3A_594 : i32
        %add3A_596 = vector.broadcast %add3A_595 : i32 to vector<16xi32>
        %add3A_597 = arith.addi %iota3A_590, %add3A_596 : vector<16xi32>
        %swap3A_598 = arith.constant 3 : i32
        %swap3A_599 = arith.index_cast %swap3A_598 : i32 to index
        %swap3A_600 = arith.constant 48 : index
        %swap3A_601 = tpu.vector_load %arg10[%swap3A_599, %swap3A_600] {strides = array<i32>} : memref<5x80xi32, #tpu.memory_space<vmem>>, vector<16xi32>,
        tpu.vector_store %arg10[%swap3A_599, %swap3A_600], %add3A_597 {strides = array<i32>} : memref<5x80xi32, #tpu.memory_space<vmem>>, vector<16xi32>,
        %iota3A_602 = tpu.iota {dimensions = array<i32: 0>} : vector<16xi32>
        %mul3A_603 = arith.constant 80 : i32
        %mul3A_604 = arith.muli %add3A_553, %mul3A_603 : i32
        %add3A_605 = arith.addi %mul3A_0, %mul3A_604 : i32
        %add3A_606 = arith.constant 64 : i32
        %add3A_607 = arith.addi %add3A_605, %add3A_606 : i32
        %add3A_608 = vector.broadcast %add3A_607 : i32 to vector<16xi32>
        %add3A_609 = arith.addi %iota3A_602, %add3A_608 : vector<16xi32>
        %swap3A_610 = arith.constant 3 : i32
        %swap3A_611 = arith.index_cast %swap3A_610 : i32 to index
        %swap3A_612 = arith.constant 64 : index
        %swap3A_613 = tpu.vector_load %arg10[%swap3A_611, %swap3A_612] {strides = array<i32>} : memref<5x80xi32, #tpu.memory_space<vmem>>, vector<16xi32>,
        tpu.vector_store %arg10[%swap3A_611, %swap3A_612], %add3A_609 {strides = array<i32>} : memref<5x80xi32, #tpu.memory_space<vmem>>, vector<16xi32>,
        %dma_start3A_614 = arith.constant 3 : i32
        %dma_start3A_615 = arith.constant 3 : i32
        %dma_start3A_616 = arith.constant 0 : i32
        %dma_start3A_617 = arith.constant 0 : i32
        %dma_start3A_618 = tpu.memref_slice %arg11[%dma_start3A_615, %dma_start3A_616, %dma_start3A_617] : memref<5x80x128xf32, #tpu.memory_space<vmem>> -> memref<1x80x128xf32, #tpu.memory_space<vmem>>
        %dma_start3A_619 = tpu.memref_squeeze %dma_start3A_618 : memref<1x80x128xf32, #tpu.memory_space<vmem>> -> memref<80x128xf32, #tpu.memory_space<vmem>>
        %dma_start3A_620 = arith.constant 0 : i32
        %dma_start3A_621 = tpu.memref_slice %arg10[%dma_start3A_614, %dma_start3A_620] : memref<5x80xi32, #tpu.memory_space<vmem>> -> memref<1x80xi32, #tpu.memory_space<vmem>>
        %dma_start3A_622 = tpu.memref_squeeze %dma_start3A_621 : memref<1x80xi32, #tpu.memory_space<vmem>> -> memref<80xi32, #tpu.memory_space<vmem>>
        %dma_start3A_623 = arith.constant 0 : i32
        %dma_start3A_624 = arith.constant 0 : i32
        %dma_start3A_625 = tpu.memref_slice %arg3[%dma_start3A_623, %dma_start3A_624] : memref<160000x128xf32, #tpu.memory_space<hbm>> -> memref<160000x128xf32, #tpu.memory_space<hbm>>
        tpu.enqueue_indirect_dma source(%dma_start3A_625 : memref<160000x128xf32, #tpu.memory_space<hbm>>) target(%dma_start3A_619 : memref<80x128xf32, #tpu.memory_space<vmem>>) offsets(%dma_start3A_622 : memref<80xi32, #tpu.memory_space<vmem>>) semaphore(%arg18 : memref<!tpu.dma_semaphore, #tpu.memory_space<semaphore_mem>>)
      } else {
      }
      %add3A_515 = arith.constant 4 : i32
      %add3A_516 = arith.addi %add3A_370, %add3A_515 : i32
      %dma_wait3A_517 = arith.constant 4 : i32
      %dma_wait3A_518 = arith.constant 0 : i32
      %dma_wait3A_519 = arith.constant 0 : i32
      %dma_wait3A_520 = tpu.memref_slice %arg11[%dma_wait3A_517, %dma_wait3A_518, %dma_wait3A_519] : memref<5x80x128xf32, #tpu.memory_space<vmem>> -> memref<1x80x128xf32, #tpu.memory_space<vmem>>
      %dma_wait3A_521 = tpu.memref_squeeze %dma_wait3A_520 : memref<1x80x128xf32, #tpu.memory_space<vmem>> -> memref<80x128xf32, #tpu.memory_space<vmem>>
      %dma_wait3A_522 = arith.constant 0 : i32
      %dma_wait3A_523 = arith.constant 0 : i32
      %dma_wait3A_524 = tpu.memref_slice %arg3[%dma_wait3A_522, %dma_wait3A_523] : memref<160000x128xf32, #tpu.memory_space<hbm>> -> memref<80x128xf32, #tpu.memory_space<hbm>>
      %dma_wait3A_525 = arith.constant 0 : i32
      %dma_wait3A_526 = arith.constant 0 : i32
      %dma_wait3A_527 = tpu.memref_slice %arg11[%dma_wait3A_517, %dma_wait3A_525, %dma_wait3A_526] : memref<5x80x128xf32, #tpu.memory_space<vmem>> -> memref<1x80x128xf32, #tpu.memory_space<vmem>>
      %dma_wait3A_528 = tpu.memref_squeeze %dma_wait3A_527 : memref<1x80x128xf32, #tpu.memory_space<vmem>> -> memref<80x128xf32, #tpu.memory_space<vmem>>
      %dma_wait3A_529 = arith.constant 0 : i32
      %dma_wait3A_530 = arith.constant 0 : i32
      %dma_wait3A_531 = tpu.memref_slice %arg3[%dma_wait3A_529, %dma_wait3A_530] : memref<160000x128xf32, #tpu.memory_space<hbm>> -> memref<80x128xf32, #tpu.memory_space<hbm>>
      tpu.wait_dma2 semaphore(%arg19 : memref<!tpu.dma_semaphore, #tpu.memory_space<semaphore_mem>>) src(%dma_wait3A_531 : memref<80x128xf32, #tpu.memory_space<hbm>>) dst(%dma_wait3A_528 : memref<80x128xf32, #tpu.memory_space<vmem>>)
      %ge3A_532 = arith.cmpi sge, %add3A_516, %mul3A_4 : i32
      %lt3A_533 = arith.cmpi slt, %add3A_516, %add3A_8 : i32
      %and3A_534 = arith.andi %ge3A_532, %lt3A_533 : i1
      %convert_element_type3A_535 = arith.extui %and3A_534 : i1 to i32
      %cond3A_536 = arith.constant 0 : i32
      %cond3A_537 = arith.cmpi ne, %convert_element_type3A_535, %cond3A_536 : i32
      scf.if %cond3A_537 {
        %mul3A_552 = arith.constant 80 : i32
        %mul3A_553 = arith.muli %add3A_516, %mul3A_552 : i32
        %add3A_554 = arith.addi %mul3A_0, %mul3A_553 : i32
        "tpu.region"() ({
          %run_scoped3A_594 = tpu.sem_alloc : memref<!tpu.dma_semaphore, #tpu.memory_space<semaphore_mem>>
          %dma_start3A_595 = tpu.memref_slice %arg4[%add3A_554] : memref<160000xf32, #tpu.memory_space<hbm>> -> memref<80xf32, #tpu.memory_space<hbm>>
          %dma_start3A_596 = tpu.memref_slice %arg4[%add3A_554] : memref<160000xf32, #tpu.memory_space<hbm>> -> memref<80xf32, #tpu.memory_space<hbm>>
          tpu.enqueue_dma source(%dma_start3A_596 : memref<80xf32, #tpu.memory_space<hbm>>) target(%arg12 : memref<80xf32, #tpu.memory_space<vmem>>) target_semaphore(%run_scoped3A_594 : memref<!tpu.dma_semaphore, #tpu.memory_space<semaphore_mem>>)
          %dma_wait3A_597 = tpu.memref_slice %arg4[%add3A_554] : memref<160000xf32, #tpu.memory_space<hbm>> -> memref<80xf32, #tpu.memory_space<hbm>>
          %dma_wait3A_598 = tpu.memref_slice %arg4[%add3A_554] : memref<160000xf32, #tpu.memory_space<hbm>> -> memref<80xf32, #tpu.memory_space<hbm>>
          tpu.wait_dma2 semaphore(%run_scoped3A_594 : memref<!tpu.dma_semaphore, #tpu.memory_space<semaphore_mem>>) src(%dma_wait3A_598 : memref<80xf32, #tpu.memory_space<hbm>>) dst(%arg12 : memref<80xf32, #tpu.memory_space<vmem>>)
          tpu.yield
        }) : () -> ()
        %mul3A_555 = arith.constant 80 : i32
        %mul3A_556 = arith.muli %add3A_516, %mul3A_555 : i32
        %add3A_557 = arith.constant 0 : i32
        %add3A_558 = arith.addi %mul3A_556, %add3A_557 : i32
        %get3A = arith.index_cast %add3A_558 : i32 to index
        %get3A_559 = tpu.vector_load %arg8[%get3A] {strides = array<i32>} : memref<10000xi32, #tpu.memory_space<vmem>>, vector<16xi32>,
        %get3A_560 = arith.constant 0 : index
        %get3A_561 = tpu.vector_load %arg12[%get3A_560] {strides = array<i32>} : memref<80xf32, #tpu.memory_space<vmem>>, vector<16xf32>,
        tpu.vector_store_idx %arg13[%get3A_559], %get3A_561 {add = true} : memref<10000xf32, #tpu.memory_space<vmem>>[vector<16xi32>], vector<16xf32>,
        %mul3A_562 = arith.constant 80 : i32
        %mul3A_563 = arith.muli %add3A_516, %mul3A_562 : i32
        %add3A_564 = arith.constant 16 : i32
        %add3A_565 = arith.addi %mul3A_563, %add3A_564 : i32
        %get3A_566 = arith.index_cast %add3A_565 : i32 to index
        %get3A_567 = tpu.vector_load %arg8[%get3A_566] {strides = array<i32>} : memref<10000xi32, #tpu.memory_space<vmem>>, vector<16xi32>,
        %get3A_568 = arith.constant 16 : index
        %get3A_569 = tpu.vector_load %arg12[%get3A_568] {strides = array<i32>} : memref<80xf32, #tpu.memory_space<vmem>>, vector<16xf32>,
        tpu.vector_store_idx %arg13[%get3A_567], %get3A_569 {add = true} : memref<10000xf32, #tpu.memory_space<vmem>>[vector<16xi32>], vector<16xf32>,
        %mul3A_570 = arith.constant 80 : i32
        %mul3A_571 = arith.muli %add3A_516, %mul3A_570 : i32
        %add3A_572 = arith.constant 32 : i32
        %add3A_573 = arith.addi %mul3A_571, %add3A_572 : i32
        %get3A_574 = arith.index_cast %add3A_573 : i32 to index
        %get3A_575 = tpu.vector_load %arg8[%get3A_574] {strides = array<i32>} : memref<10000xi32, #tpu.memory_space<vmem>>, vector<16xi32>,
        %get3A_576 = arith.constant 32 : index
        %get3A_577 = tpu.vector_load %arg12[%get3A_576] {strides = array<i32>} : memref<80xf32, #tpu.memory_space<vmem>>, vector<16xf32>,
        tpu.vector_store_idx %arg13[%get3A_575], %get3A_577 {add = true} : memref<10000xf32, #tpu.memory_space<vmem>>[vector<16xi32>], vector<16xf32>,
        %mul3A_578 = arith.constant 80 : i32
        %mul3A_579 = arith.muli %add3A_516, %mul3A_578 : i32
        %add3A_580 = arith.constant 48 : i32
        %add3A_581 = arith.addi %mul3A_579, %add3A_580 : i32
        %get3A_582 = arith.index_cast %add3A_581 : i32 to index
        %get3A_583 = tpu.vector_load %arg8[%get3A_582] {strides = array<i32>} : memref<10000xi32, #tpu.memory_space<vmem>>, vector<16xi32>,
        %get3A_584 = arith.constant 48 : index
        %get3A_585 = tpu.vector_load %arg12[%get3A_584] {strides = array<i32>} : memref<80xf32, #tpu.memory_space<vmem>>, vector<16xf32>,
        tpu.vector_store_idx %arg13[%get3A_583], %get3A_585 {add = true} : memref<10000xf32, #tpu.memory_space<vmem>>[vector<16xi32>], vector<16xf32>,
        %mul3A_586 = arith.constant 80 : i32
        %mul3A_587 = arith.muli %add3A_516, %mul3A_586 : i32
        %add3A_588 = arith.constant 64 : i32
        %add3A_589 = arith.addi %mul3A_587, %add3A_588 : i32
        %get3A_590 = arith.index_cast %add3A_589 : i32 to index
        %get3A_591 = tpu.vector_load %arg8[%get3A_590] {strides = array<i32>} : memref<10000xi32, #tpu.memory_space<vmem>>, vector<16xi32>,
        %get3A_592 = arith.constant 64 : index
        %get3A_593 = tpu.vector_load %arg12[%get3A_592] {strides = array<i32>} : memref<80xf32, #tpu.memory_space<vmem>>, vector<16xf32>,
        tpu.vector_store_idx %arg13[%get3A_591], %get3A_593 {add = true} : memref<10000xf32, #tpu.memory_space<vmem>>[vector<16xi32>], vector<16xf32>,
      } else {
      }
      %scan3A_538 = arith.constant 0 : i32
      %scan3A_539 = arith.constant 5 : i32
      %scan3A_540 = arith.addi %scan3A_538, %scan3A_539 : i32
      %scan3A_541 = arith.constant 1 : i32
      scf.for %scan3A_552 = %scan3A_538 to %scan3A_540 step %scan3A_541  : i32 {
        %mul3A_553 = arith.constant 1 : i32
        %mul3A_554 = arith.muli %scan3A_552, %mul3A_553 : i32
        %add3A_555 = arith.constant 0 : i32
        %add3A_556 = arith.addi %add3A_555, %mul3A_554 : i32
        %mul3A_557 = arith.constant 80 : i32
        %mul3A_558 = arith.muli %add3A_516, %mul3A_557 : i32
        %mul3A_559 = arith.constant 16 : i32
        %mul3A_560 = arith.muli %add3A_556, %mul3A_559 : i32
        %add3A_561 = arith.addi %mul3A_558, %mul3A_560 : i32
        %get3A = arith.index_cast %add3A_561 : i32 to index
        %get3A_562 = tpu.vector_load %arg8[%get3A] {strides = array<i32>} : memref<10000xi32, #tpu.memory_space<vmem>>, vector<16xi32>,
        %sub3A = vector.broadcast %mul3A_2 : i32 to vector<16xi32>
        %sub3A_563 = arith.subi %get3A_562, %sub3A : vector<16xi32>
        %ge3A_564 = arith.constant 0 : i32
        %ge3A_565 = vector.broadcast %ge3A_564 : i32 to vector<16xi32>
        %ge3A_566 = arith.cmpi sge, %sub3A_563, %ge3A_565 : vector<16xi32>
        %lt3A_567 = arith.constant 5000 : i32
        %lt3A_568 = vector.broadcast %lt3A_567 : i32 to vector<16xi32>
        %lt3A_569 = arith.cmpi slt, %sub3A_563, %lt3A_568 : vector<16xi32>
        %and3A_570 = arith.andi %ge3A_566, %lt3A_569 : vector<16xi1>
        %jit3A = arith.constant 5000 : i32
        %broadcast_in_dim3A = vector.broadcast %jit3A : i32 to vector<16xi32>
        %select_n3A = arith.select %and3A_570, %sub3A_563, %broadcast_in_dim3A : vector<16xi1>, vector<16xi32>
        %mul3A_571 = arith.constant 16 : i32
        %mul3A_572 = arith.muli %add3A_556, %mul3A_571 : i32
        %swap3A_573 = arith.constant 0 : i32
        %swap3A_574 = arith.index_cast %swap3A_573 : i32 to index
        %swap3A_575 = arith.index_cast %mul3A_572 : i32 to index
        %swap3A_576 = tpu.vector_load %arg9[%swap3A_574, %swap3A_575] {strides = array<i32>} : memref<1x80xi32, #tpu.memory_space<vmem>>, vector<16xi32>,
        tpu.vector_store %arg9[%swap3A_574, %swap3A_575], %select_n3A {strides = array<i32>} : memref<1x80xi32, #tpu.memory_space<vmem>>, vector<16xi32>,
      }
      %scan3A_542 = arith.constant 5 : i32
      %run_scoped3A_543 = arith.constant 4 : i32
      %run_scoped3A_544 = arith.constant 0 : i32
      "tpu.region"() ({
        %run_scoped3A_552 = tpu.sem_alloc : memref<!tpu.dma_semaphore, #tpu.memory_space<semaphore_mem>>
        %dma_start3A_553 = arith.constant 0 : i32
        %dma_start3A_554 = arith.constant 0 : i32
        %dma_start3A_555 = tpu.memref_slice %arg11[%run_scoped3A_543, %dma_start3A_553, %dma_start3A_554] : memref<5x80x128xf32, #tpu.memory_space<vmem>> -> memref<1x80x128xf32, #tpu.memory_space<vmem>>
        %dma_start3A_556 = tpu.memref_squeeze %dma_start3A_555 : memref<1x80x128xf32, #tpu.memory_space<vmem>> -> memref<80x128xf32, #tpu.memory_space<vmem>>
        %dma_start3A_557 = arith.constant 0 : i32
        %dma_start3A_558 = tpu.memref_slice %arg9[%run_scoped3A_544, %dma_start3A_557] : memref<1x80xi32, #tpu.memory_space<vmem>> -> memref<1x80xi32, #tpu.memory_space<vmem>>
        %dma_start3A_559 = tpu.memref_squeeze %dma_start3A_558 : memref<1x80xi32, #tpu.memory_space<vmem>> -> memref<80xi32, #tpu.memory_space<vmem>>
        %dma_start3A_560 = arith.constant 0 : i32
        %dma_start3A_561 = arith.constant 0 : i32
        %dma_start3A_562 = tpu.memref_slice %arg14[%dma_start3A_560, %dma_start3A_561] : memref<5008x128xf32, #tpu.memory_space<vmem_shared>> -> memref<5008x128xf32, #tpu.memory_space<vmem_shared>>
        tpu.enqueue_indirect_dma source(%dma_start3A_556 : memref<80x128xf32, #tpu.memory_space<vmem>>) target(%dma_start3A_562 : memref<5008x128xf32, #tpu.memory_space<vmem_shared>>) offsets(%dma_start3A_559 : memref<80xi32, #tpu.memory_space<vmem>>) semaphore(%run_scoped3A_552 : memref<!tpu.dma_semaphore, #tpu.memory_space<semaphore_mem>>) {add = true}
        %dma_wait3A_563 = arith.constant 0 : i32
        %dma_wait3A_564 = arith.constant 0 : i32
        %dma_wait3A_565 = tpu.memref_slice %arg11[%run_scoped3A_543, %dma_wait3A_563, %dma_wait3A_564] : memref<5x80x128xf32, #tpu.memory_space<vmem>> -> memref<1x80x128xf32, #tpu.memory_space<vmem>>
        %dma_wait3A_566 = tpu.memref_squeeze %dma_wait3A_565 : memref<1x80x128xf32, #tpu.memory_space<vmem>> -> memref<80x128xf32, #tpu.memory_space<vmem>>
        %dma_wait3A_567 = arith.constant 0 : i32
        %dma_wait3A_568 = tpu.memref_slice %arg9[%run_scoped3A_544, %dma_wait3A_567] : memref<1x80xi32, #tpu.memory_space<vmem>> -> memref<1x80xi32, #tpu.memory_space<vmem>>
        %dma_wait3A_569 = tpu.memref_squeeze %dma_wait3A_568 : memref<1x80xi32, #tpu.memory_space<vmem>> -> memref<80xi32, #tpu.memory_space<vmem>>
        %dma_wait3A_570 = arith.constant 0 : i32
        %dma_wait3A_571 = arith.constant 0 : i32
        %dma_wait3A_572 = tpu.memref_slice %arg14[%dma_wait3A_570, %dma_wait3A_571] : memref<5008x128xf32, #tpu.memory_space<vmem_shared>> -> memref<5008x128xf32, #tpu.memory_space<vmem_shared>>
        tpu.wait_indirect_dma semaphore(%run_scoped3A_552 : memref<!tpu.dma_semaphore, #tpu.memory_space<semaphore_mem>>) src(%dma_wait3A_566 : memref<80x128xf32, #tpu.memory_space<vmem>>) dst(%dma_wait3A_572 : memref<5008x128xf32, #tpu.memory_space<vmem_shared>>)
        tpu.yield
      }) : () -> ()
      %add3A_545 = arith.constant 5 : i32
      %add3A_546 = arith.addi %add3A_516, %add3A_545 : i32
      %lt3A_547 = arith.constant 125 : i32
      %lt3A_548 = arith.cmpi slt, %add3A_546, %lt3A_547 : i32
      %convert_element_type3A_549 = arith.extui %lt3A_548 : i1 to i32
      %cond3A_550 = arith.constant 0 : i32
      %cond3A_551 = arith.cmpi ne, %convert_element_type3A_549, %cond3A_550 : i32
      scf.if %cond3A_551 {
        %add3A_552 = arith.constant 5 : i32
        %add3A_553 = arith.addi %add3A_516, %add3A_552 : i32
        %iota3A_554 = tpu.iota {dimensions = array<i32: 0>} : vector<16xi32>
        %mul3A_555 = arith.constant 80 : i32
        %mul3A_556 = arith.muli %add3A_553, %mul3A_555 : i32
        %add3A_557 = arith.addi %mul3A_0, %mul3A_556 : i32
        %add3A_558 = arith.constant 0 : i32
        %add3A_559 = arith.addi %add3A_557, %add3A_558 : i32
        %add3A_560 = vector.broadcast %add3A_559 : i32 to vector<16xi32>
        %add3A_561 = arith.addi %iota3A_554, %add3A_560 : vector<16xi32>
        %swap3A_562 = arith.constant 4 : i32
        %swap3A_563 = arith.index_cast %swap3A_562 : i32 to index
        %swap3A_564 = arith.constant 0 : index
        %swap3A_565 = tpu.vector_load %arg10[%swap3A_563, %swap3A_564] {strides = array<i32>} : memref<5x80xi32, #tpu.memory_space<vmem>>, vector<16xi32>,
        tpu.vector_store %arg10[%swap3A_563, %swap3A_564], %add3A_561 {strides = array<i32>} : memref<5x80xi32, #tpu.memory_space<vmem>>, vector<16xi32>,
        %iota3A_566 = tpu.iota {dimensions = array<i32: 0>} : vector<16xi32>
        %mul3A_567 = arith.constant 80 : i32
        %mul3A_568 = arith.muli %add3A_553, %mul3A_567 : i32
        %add3A_569 = arith.addi %mul3A_0, %mul3A_568 : i32
        %add3A_570 = arith.constant 16 : i32
        %add3A_571 = arith.addi %add3A_569, %add3A_570 : i32
        %add3A_572 = vector.broadcast %add3A_571 : i32 to vector<16xi32>
        %add3A_573 = arith.addi %iota3A_566, %add3A_572 : vector<16xi32>
        %swap3A_574 = arith.constant 4 : i32
        %swap3A_575 = arith.index_cast %swap3A_574 : i32 to index
        %swap3A_576 = arith.constant 16 : index
        %swap3A_577 = tpu.vector_load %arg10[%swap3A_575, %swap3A_576] {strides = array<i32>} : memref<5x80xi32, #tpu.memory_space<vmem>>, vector<16xi32>,
        tpu.vector_store %arg10[%swap3A_575, %swap3A_576], %add3A_573 {strides = array<i32>} : memref<5x80xi32, #tpu.memory_space<vmem>>, vector<16xi32>,
        %iota3A_578 = tpu.iota {dimensions = array<i32: 0>} : vector<16xi32>
        %mul3A_579 = arith.constant 80 : i32
        %mul3A_580 = arith.muli %add3A_553, %mul3A_579 : i32
        %add3A_581 = arith.addi %mul3A_0, %mul3A_580 : i32
        %add3A_582 = arith.constant 32 : i32
        %add3A_583 = arith.addi %add3A_581, %add3A_582 : i32
        %add3A_584 = vector.broadcast %add3A_583 : i32 to vector<16xi32>
        %add3A_585 = arith.addi %iota3A_578, %add3A_584 : vector<16xi32>
        %swap3A_586 = arith.constant 4 : i32
        %swap3A_587 = arith.index_cast %swap3A_586 : i32 to index
        %swap3A_588 = arith.constant 32 : index
        %swap3A_589 = tpu.vector_load %arg10[%swap3A_587, %swap3A_588] {strides = array<i32>} : memref<5x80xi32, #tpu.memory_space<vmem>>, vector<16xi32>,
        tpu.vector_store %arg10[%swap3A_587, %swap3A_588], %add3A_585 {strides = array<i32>} : memref<5x80xi32, #tpu.memory_space<vmem>>, vector<16xi32>,
        %iota3A_590 = tpu.iota {dimensions = array<i32: 0>} : vector<16xi32>
        %mul3A_591 = arith.constant 80 : i32
        %mul3A_592 = arith.muli %add3A_553, %mul3A_591 : i32
        %add3A_593 = arith.addi %mul3A_0, %mul3A_592 : i32
        %add3A_594 = arith.constant 48 : i32
        %add3A_595 = arith.addi %add3A_593, %add3A_594 : i32
        %add3A_596 = vector.broadcast %add3A_595 : i32 to vector<16xi32>
        %add3A_597 = arith.addi %iota3A_590, %add3A_596 : vector<16xi32>
        %swap3A_598 = arith.constant 4 : i32
        %swap3A_599 = arith.index_cast %swap3A_598 : i32 to index
        %swap3A_600 = arith.constant 48 : index
        %swap3A_601 = tpu.vector_load %arg10[%swap3A_599, %swap3A_600] {strides = array<i32>} : memref<5x80xi32, #tpu.memory_space<vmem>>, vector<16xi32>,
        tpu.vector_store %arg10[%swap3A_599, %swap3A_600], %add3A_597 {strides = array<i32>} : memref<5x80xi32, #tpu.memory_space<vmem>>, vector<16xi32>,
        %iota3A_602 = tpu.iota {dimensions = array<i32: 0>} : vector<16xi32>
        %mul3A_603 = arith.constant 80 : i32
        %mul3A_604 = arith.muli %add3A_553, %mul3A_603 : i32
        %add3A_605 = arith.addi %mul3A_0, %mul3A_604 : i32
        %add3A_606 = arith.constant 64 : i32
        %add3A_607 = arith.addi %add3A_605, %add3A_606 : i32
        %add3A_608 = vector.broadcast %add3A_607 : i32 to vector<16xi32>
        %add3A_609 = arith.addi %iota3A_602, %add3A_608 : vector<16xi32>
        %swap3A_610 = arith.constant 4 : i32
        %swap3A_611 = arith.index_cast %swap3A_610 : i32 to index
        %swap3A_612 = arith.constant 64 : index
        %swap3A_613 = tpu.vector_load %arg10[%swap3A_611, %swap3A_612] {strides = array<i32>} : memref<5x80xi32, #tpu.memory_space<vmem>>, vector<16xi32>,
        tpu.vector_store %arg10[%swap3A_611, %swap3A_612], %add3A_609 {strides = array<i32>} : memref<5x80xi32, #tpu.memory_space<vmem>>, vector<16xi32>,
        %dma_start3A_614 = arith.constant 4 : i32
        %dma_start3A_615 = arith.constant 4 : i32
        %dma_start3A_616 = arith.constant 0 : i32
        %dma_start3A_617 = arith.constant 0 : i32
        %dma_start3A_618 = tpu.memref_slice %arg11[%dma_start3A_615, %dma_start3A_616, %dma_start3A_617] : memref<5x80x128xf32, #tpu.memory_space<vmem>> -> memref<1x80x128xf32, #tpu.memory_space<vmem>>
        %dma_start3A_619 = tpu.memref_squeeze %dma_start3A_618 : memref<1x80x128xf32, #tpu.memory_space<vmem>> -> memref<80x128xf32, #tpu.memory_space<vmem>>
        %dma_start3A_620 = arith.constant 0 : i32
        %dma_start3A_621 = tpu.memref_slice %arg10[%dma_start3A_614, %dma_start3A_620] : memref<5x80xi32, #tpu.memory_space<vmem>> -> memref<1x80xi32, #tpu.memory_space<vmem>>
        %dma_start3A_622 = tpu.memref_squeeze %dma_start3A_621 : memref<1x80xi32, #tpu.memory_space<vmem>> -> memref<80xi32, #tpu.memory_space<vmem>>
        %dma_start3A_623 = arith.constant 0 : i32
        %dma_start3A_624 = arith.constant 0 : i32
        %dma_start3A_625 = tpu.memref_slice %arg3[%dma_start3A_623, %dma_start3A_624] : memref<160000x128xf32, #tpu.memory_space<hbm>> -> memref<160000x128xf32, #tpu.memory_space<hbm>>
        tpu.enqueue_indirect_dma source(%dma_start3A_625 : memref<160000x128xf32, #tpu.memory_space<hbm>>) target(%dma_start3A_619 : memref<80x128xf32, #tpu.memory_space<vmem>>) offsets(%dma_start3A_622 : memref<80xi32, #tpu.memory_space<vmem>>) semaphore(%arg19 : memref<!tpu.dma_semaphore, #tpu.memory_space<semaphore_mem>>)
      } else {
      }
    }
    %scan3A_355 = arith.constant 25 : i32
    %barrier3A_356 = arith.constant 0 : index
    tpu.barrier barrier_id(%barrier3A_356)
    %mul3A_357 = arith.constant 312 : i32
    %mul3A_358 = arith.muli %arg1, %mul3A_357 : i32
    %mul3A_359 = arith.constant 312 : i32
    %mul3A_360 = arith.muli %arg1, %mul3A_359 : i32
    "tpu.region"() ({
      %run_scoped3A = tpu.sem_alloc : memref<!tpu.dma_semaphore, #tpu.memory_space<semaphore_mem>>
      %dma_start3A_366 = arith.constant 0 : i32
      %dma_start3A_367 = tpu.memref_slice %arg6[%arg0, %mul3A_360, %dma_start3A_366] : memref<2x5000x128xf32, #tpu.memory_space<hbm>> -> memref<1x320x128xf32, #tpu.memory_space<hbm>>
      %dma_start3A_368 = tpu.memref_squeeze %dma_start3A_367 : memref<1x320x128xf32, #tpu.memory_space<hbm>> -> memref<320x128xf32, #tpu.memory_space<hbm>>
      %dma_start3A_369 = arith.constant 0 : i32
      %dma_start3A_370 = tpu.memref_slice %arg14[%mul3A_358, %dma_start3A_369] : memref<5008x128xf32, #tpu.memory_space<vmem_shared>> -> memref<320x128xf32, #tpu.memory_space<vmem_shared>>
      tpu.enqueue_dma source(%dma_start3A_370 : memref<320x128xf32, #tpu.memory_space<vmem_shared>>) target(%dma_start3A_368 : memref<320x128xf32, #tpu.memory_space<hbm>>) target_semaphore(%run_scoped3A : memref<!tpu.dma_semaphore, #tpu.memory_space<semaphore_mem>>)
      %dma_wait3A = arith.constant 0 : i32
      %dma_wait3A_371 = tpu.memref_slice %arg6[%arg0, %mul3A_360, %dma_wait3A] : memref<2x5000x128xf32, #tpu.memory_space<hbm>> -> memref<1x320x128xf32, #tpu.memory_space<hbm>>
      %dma_wait3A_372 = tpu.memref_squeeze %dma_wait3A_371 : memref<1x320x128xf32, #tpu.memory_space<hbm>> -> memref<320x128xf32, #tpu.memory_space<hbm>>
      %dma_wait3A_373 = arith.constant 0 : i32
      %dma_wait3A_374 = tpu.memref_slice %arg14[%mul3A_358, %dma_wait3A_373] : memref<5008x128xf32, #tpu.memory_space<vmem_shared>> -> memref<320x128xf32, #tpu.memory_space<vmem_shared>>
      tpu.wait_dma2 semaphore(%run_scoped3A : memref<!tpu.dma_semaphore, #tpu.memory_space<semaphore_mem>>) src(%dma_wait3A_374 : memref<320x128xf32, #tpu.memory_space<vmem_shared>>) dst(%dma_wait3A_372 : memref<320x128xf32, #tpu.memory_space<hbm>>)
      tpu.yield
    }) : () -> ()
    %mul3A_361 = arith.constant 2 : i32
    %mul3A_362 = arith.muli %arg1, %mul3A_361 : i32
    %add3A_363 = arith.addi %mul3A_362, %arg0 : i32
    %mul3A_364 = arith.constant 10000 : i32
    %mul3A_365 = arith.muli %add3A_363, %mul3A_364 : i32
    "tpu.region"() ({
      %run_scoped3A = tpu.sem_alloc : memref<!tpu.dma_semaphore, #tpu.memory_space<semaphore_mem>>
      %dma_start3A_366 = tpu.memref_slice %arg7[%mul3A_365] : memref<320000xf32, #tpu.memory_space<hbm>> -> memref<10000xf32, #tpu.memory_space<hbm>>
      %dma_start3A_367 = tpu.memref_slice %arg7[%mul3A_365] : memref<320000xf32, #tpu.memory_space<hbm>> -> memref<10000xf32, #tpu.memory_space<hbm>>
      tpu.enqueue_dma source(%arg13 : memref<10000xf32, #tpu.memory_space<vmem>>) target(%dma_start3A_367 : memref<10000xf32, #tpu.memory_space<hbm>>) target_semaphore(%run_scoped3A : memref<!tpu.dma_semaphore, #tpu.memory_space<semaphore_mem>>)
      %dma_wait3A = tpu.memref_slice %arg7[%mul3A_365] : memref<320000xf32, #tpu.memory_space<hbm>> -> memref<10000xf32, #tpu.memory_space<hbm>>
      %dma_wait3A_368 = tpu.memref_slice %arg7[%mul3A_365] : memref<320000xf32, #tpu.memory_space<hbm>> -> memref<10000xf32, #tpu.memory_space<hbm>>
      tpu.wait_dma2 semaphore(%run_scoped3A : memref<!tpu.dma_semaphore, #tpu.memory_space<semaphore_mem>>) src(%arg13 : memref<10000xf32, #tpu.memory_space<vmem>>) dst(%dma_wait3A_368 : memref<10000xf32, #tpu.memory_space<hbm>>)
      tpu.yield
    }) : () -> ()
    return
  }
}

#map = affine_map<(d0, d1) -> (0)>
#map1 = affine_map<(d0, d1) -> (0, 0)>
module attributes {stable_mosaic.version = 14 : i64} {
  func.func @gather_k(%arg0: i32, %arg1: i32, %arg2: memref<320000xi32, #tpu.memory_space<hbm>>, %arg3: memref<320000xi32, #tpu.memory_space<hbm>>, %arg4: memref<10000x128xf32, #tpu.memory_space<hbm>>, %arg5: memref<320000x128xf32, #tpu.memory_space<hbm>>, %arg6: memref<320000x128xf32, #tpu.memory_space<hbm>>, %arg7: memref<10000xi32, #tpu.memory_space<vmem>>, %arg8: memref<10000xi32, #tpu.memory_space<vmem>>, %arg9: memref<5x80x128xf32, #tpu.memory_space<vmem>>, %arg10: memref<5x80x128xf32, #tpu.memory_space<vmem>>, %arg11: memref<!tpu.dma_semaphore, #tpu.memory_space<semaphore_mem>>, %arg12: memref<!tpu.dma_semaphore, #tpu.memory_space<semaphore_mem>>, %arg13: memref<!tpu.dma_semaphore, #tpu.memory_space<semaphore_mem>>, %arg14: memref<!tpu.dma_semaphore, #tpu.memory_space<semaphore_mem>>, %arg15: memref<!tpu.dma_semaphore, #tpu.memory_space<semaphore_mem>>, %arg16: memref<!tpu.dma_semaphore, #tpu.memory_space<semaphore_mem>>, %arg17: memref<!tpu.dma_semaphore, #tpu.memory_space<semaphore_mem>>, %arg18: memref<!tpu.dma_semaphore, #tpu.memory_space<semaphore_mem>>, %arg19: memref<!tpu.dma_semaphore, #tpu.memory_space<semaphore_mem>>, %arg20: memref<!tpu.dma_semaphore, #tpu.memory_space<semaphore_mem>>) attributes {dimension_semantics = [#tpu.dimension_semantics<core_parallel>, #tpu.dimension_semantics<subcore_parallel>], iteration_bounds = array<i64: 2, 16>, scalar_prefetch = 0 : i64, scratch_operands = 14 : i64, tpu.core_type = #tpu.core_type<sc_vector_subcore>, window_params = [{transform_indices = #map}, {transform_indices = #map}, {transform_indices = #map1}, {transform_indices = #map1}, {transform_indices = #map1}]} {
    %mul3A = arith.constant 2 : i32
    %mul3A_0 = arith.muli %arg1, %mul3A : i32
    %add3A = arith.addi %mul3A_0, %arg0 : i32
    %mul3A_1 = arith.constant 10000 : i32
    %mul3A_2 = arith.muli %add3A, %mul3A_1 : i32
    "tpu.region"() ({
      %run_scoped3A = tpu.sem_alloc : memref<!tpu.dma_semaphore, #tpu.memory_space<semaphore_mem>>
      %dma_start3A_235 = tpu.memref_slice %arg2[%mul3A_2] : memref<320000xi32, #tpu.memory_space<hbm>> -> memref<10000xi32, #tpu.memory_space<hbm>>
      %dma_start3A_236 = tpu.memref_slice %arg2[%mul3A_2] : memref<320000xi32, #tpu.memory_space<hbm>> -> memref<10000xi32, #tpu.memory_space<hbm>>
      tpu.enqueue_dma source(%dma_start3A_236 : memref<10000xi32, #tpu.memory_space<hbm>>) target(%arg7 : memref<10000xi32, #tpu.memory_space<vmem>>) target_semaphore(%run_scoped3A : memref<!tpu.dma_semaphore, #tpu.memory_space<semaphore_mem>>)
      %dma_wait3A_237 = tpu.memref_slice %arg2[%mul3A_2] : memref<320000xi32, #tpu.memory_space<hbm>> -> memref<10000xi32, #tpu.memory_space<hbm>>
      %dma_wait3A_238 = tpu.memref_slice %arg2[%mul3A_2] : memref<320000xi32, #tpu.memory_space<hbm>> -> memref<10000xi32, #tpu.memory_space<hbm>>
      tpu.wait_dma2 semaphore(%run_scoped3A : memref<!tpu.dma_semaphore, #tpu.memory_space<semaphore_mem>>) src(%dma_wait3A_238 : memref<10000xi32, #tpu.memory_space<hbm>>) dst(%arg7 : memref<10000xi32, #tpu.memory_space<vmem>>)
      tpu.yield
    }) : () -> ()
    "tpu.region"() ({
      %run_scoped3A = tpu.sem_alloc : memref<!tpu.dma_semaphore, #tpu.memory_space<semaphore_mem>>
      %dma_start3A_235 = tpu.memref_slice %arg3[%mul3A_2] : memref<320000xi32, #tpu.memory_space<hbm>> -> memref<10000xi32, #tpu.memory_space<hbm>>
      %dma_start3A_236 = tpu.memref_slice %arg3[%mul3A_2] : memref<320000xi32, #tpu.memory_space<hbm>> -> memref<10000xi32, #tpu.memory_space<hbm>>
      tpu.enqueue_dma source(%dma_start3A_236 : memref<10000xi32, #tpu.memory_space<hbm>>) target(%arg8 : memref<10000xi32, #tpu.memory_space<vmem>>) target_semaphore(%run_scoped3A : memref<!tpu.dma_semaphore, #tpu.memory_space<semaphore_mem>>)
      %dma_wait3A_237 = tpu.memref_slice %arg3[%mul3A_2] : memref<320000xi32, #tpu.memory_space<hbm>> -> memref<10000xi32, #tpu.memory_space<hbm>>
      %dma_wait3A_238 = tpu.memref_slice %arg3[%mul3A_2] : memref<320000xi32, #tpu.memory_space<hbm>> -> memref<10000xi32, #tpu.memory_space<hbm>>
      tpu.wait_dma2 semaphore(%run_scoped3A : memref<!tpu.dma_semaphore, #tpu.memory_space<semaphore_mem>>) src(%dma_wait3A_238 : memref<10000xi32, #tpu.memory_space<hbm>>) dst(%arg8 : memref<10000xi32, #tpu.memory_space<vmem>>)
      tpu.yield
    }) : () -> ()
    %dma_start3A = arith.constant 0 : i32
    %dma_start3A_3 = arith.constant 0 : i32
    %dma_start3A_4 = arith.constant 0 : i32
    %dma_start3A_5 = tpu.memref_slice %arg9[%dma_start3A, %dma_start3A_3, %dma_start3A_4] : memref<5x80x128xf32, #tpu.memory_space<vmem>> -> memref<1x80x128xf32, #tpu.memory_space<vmem>>
    %dma_start3A_6 = tpu.memref_squeeze %dma_start3A_5 : memref<1x80x128xf32, #tpu.memory_space<vmem>> -> memref<80x128xf32, #tpu.memory_space<vmem>>
    %dma_start3A_7 = arith.constant 0 : i32
    %dma_start3A_8 = tpu.memref_slice %arg7[%dma_start3A_7] : memref<10000xi32, #tpu.memory_space<vmem>> -> memref<80xi32, #tpu.memory_space<vmem>>
    %dma_start3A_9 = arith.constant 0 : i32
    %dma_start3A_10 = arith.constant 0 : i32
    %dma_start3A_11 = tpu.memref_slice %arg4[%dma_start3A_9, %dma_start3A_10] : memref<10000x128xf32, #tpu.memory_space<hbm>> -> memref<10000x128xf32, #tpu.memory_space<hbm>>
    tpu.enqueue_indirect_dma source(%dma_start3A_11 : memref<10000x128xf32, #tpu.memory_space<hbm>>) target(%dma_start3A_6 : memref<80x128xf32, #tpu.memory_space<vmem>>) offsets(%dma_start3A_8 : memref<80xi32, #tpu.memory_space<vmem>>) semaphore(%arg11 : memref<!tpu.dma_semaphore, #tpu.memory_space<semaphore_mem>>)
    %dma_start3A_12 = arith.constant 0 : i32
    %dma_start3A_13 = arith.constant 0 : i32
    %dma_start3A_14 = arith.constant 0 : i32
    %dma_start3A_15 = tpu.memref_slice %arg10[%dma_start3A_12, %dma_start3A_13, %dma_start3A_14] : memref<5x80x128xf32, #tpu.memory_space<vmem>> -> memref<1x80x128xf32, #tpu.memory_space<vmem>>
    %dma_start3A_16 = tpu.memref_squeeze %dma_start3A_15 : memref<1x80x128xf32, #tpu.memory_space<vmem>> -> memref<80x128xf32, #tpu.memory_space<vmem>>
    %dma_start3A_17 = arith.constant 0 : i32
    %dma_start3A_18 = tpu.memref_slice %arg8[%dma_start3A_17] : memref<10000xi32, #tpu.memory_space<vmem>> -> memref<80xi32, #tpu.memory_space<vmem>>
    %dma_start3A_19 = arith.constant 0 : i32
    %dma_start3A_20 = arith.constant 0 : i32
    %dma_start3A_21 = tpu.memref_slice %arg4[%dma_start3A_19, %dma_start3A_20] : memref<10000x128xf32, #tpu.memory_space<hbm>> -> memref<10000x128xf32, #tpu.memory_space<hbm>>
    tpu.enqueue_indirect_dma source(%dma_start3A_21 : memref<10000x128xf32, #tpu.memory_space<hbm>>) target(%dma_start3A_16 : memref<80x128xf32, #tpu.memory_space<vmem>>) offsets(%dma_start3A_18 : memref<80xi32, #tpu.memory_space<vmem>>) semaphore(%arg11 : memref<!tpu.dma_semaphore, #tpu.memory_space<semaphore_mem>>)
    %dma_start3A_22 = arith.constant 1 : i32
    %dma_start3A_23 = arith.constant 0 : i32
    %dma_start3A_24 = arith.constant 0 : i32
    %dma_start3A_25 = tpu.memref_slice %arg9[%dma_start3A_22, %dma_start3A_23, %dma_start3A_24] : memref<5x80x128xf32, #tpu.memory_space<vmem>> -> memref<1x80x128xf32, #tpu.memory_space<vmem>>
    %dma_start3A_26 = tpu.memref_squeeze %dma_start3A_25 : memref<1x80x128xf32, #tpu.memory_space<vmem>> -> memref<80x128xf32, #tpu.memory_space<vmem>>
    %dma_start3A_27 = arith.constant 80 : i32
    %dma_start3A_28 = tpu.memref_slice %arg7[%dma_start3A_27] : memref<10000xi32, #tpu.memory_space<vmem>> -> memref<80xi32, #tpu.memory_space<vmem>>
    %dma_start3A_29 = arith.constant 0 : i32
    %dma_start3A_30 = arith.constant 0 : i32
    %dma_start3A_31 = tpu.memref_slice %arg4[%dma_start3A_29, %dma_start3A_30] : memref<10000x128xf32, #tpu.memory_space<hbm>> -> memref<10000x128xf32, #tpu.memory_space<hbm>>
    tpu.enqueue_indirect_dma source(%dma_start3A_31 : memref<10000x128xf32, #tpu.memory_space<hbm>>) target(%dma_start3A_26 : memref<80x128xf32, #tpu.memory_space<vmem>>) offsets(%dma_start3A_28 : memref<80xi32, #tpu.memory_space<vmem>>) semaphore(%arg12 : memref<!tpu.dma_semaphore, #tpu.memory_space<semaphore_mem>>)
    %dma_start3A_32 = arith.constant 1 : i32
    %dma_start3A_33 = arith.constant 0 : i32
    %dma_start3A_34 = arith.constant 0 : i32
    %dma_start3A_35 = tpu.memref_slice %arg10[%dma_start3A_32, %dma_start3A_33, %dma_start3A_34] : memref<5x80x128xf32, #tpu.memory_space<vmem>> -> memref<1x80x128xf32, #tpu.memory_space<vmem>>
    %dma_start3A_36 = tpu.memref_squeeze %dma_start3A_35 : memref<1x80x128xf32, #tpu.memory_space<vmem>> -> memref<80x128xf32, #tpu.memory_space<vmem>>
    %dma_start3A_37 = arith.constant 80 : i32
    %dma_start3A_38 = tpu.memref_slice %arg8[%dma_start3A_37] : memref<10000xi32, #tpu.memory_space<vmem>> -> memref<80xi32, #tpu.memory_space<vmem>>
    %dma_start3A_39 = arith.constant 0 : i32
    %dma_start3A_40 = arith.constant 0 : i32
    %dma_start3A_41 = tpu.memref_slice %arg4[%dma_start3A_39, %dma_start3A_40] : memref<10000x128xf32, #tpu.memory_space<hbm>> -> memref<10000x128xf32, #tpu.memory_space<hbm>>
    tpu.enqueue_indirect_dma source(%dma_start3A_41 : memref<10000x128xf32, #tpu.memory_space<hbm>>) target(%dma_start3A_36 : memref<80x128xf32, #tpu.memory_space<vmem>>) offsets(%dma_start3A_38 : memref<80xi32, #tpu.memory_space<vmem>>) semaphore(%arg12 : memref<!tpu.dma_semaphore, #tpu.memory_space<semaphore_mem>>)
    %dma_start3A_42 = arith.constant 2 : i32
    %dma_start3A_43 = arith.constant 0 : i32
    %dma_start3A_44 = arith.constant 0 : i32
    %dma_start3A_45 = tpu.memref_slice %arg9[%dma_start3A_42, %dma_start3A_43, %dma_start3A_44] : memref<5x80x128xf32, #tpu.memory_space<vmem>> -> memref<1x80x128xf32, #tpu.memory_space<vmem>>
    %dma_start3A_46 = tpu.memref_squeeze %dma_start3A_45 : memref<1x80x128xf32, #tpu.memory_space<vmem>> -> memref<80x128xf32, #tpu.memory_space<vmem>>
    %dma_start3A_47 = arith.constant 160 : i32
    %dma_start3A_48 = tpu.memref_slice %arg7[%dma_start3A_47] : memref<10000xi32, #tpu.memory_space<vmem>> -> memref<80xi32, #tpu.memory_space<vmem>>
    %dma_start3A_49 = arith.constant 0 : i32
    %dma_start3A_50 = arith.constant 0 : i32
    %dma_start3A_51 = tpu.memref_slice %arg4[%dma_start3A_49, %dma_start3A_50] : memref<10000x128xf32, #tpu.memory_space<hbm>> -> memref<10000x128xf32, #tpu.memory_space<hbm>>
    tpu.enqueue_indirect_dma source(%dma_start3A_51 : memref<10000x128xf32, #tpu.memory_space<hbm>>) target(%dma_start3A_46 : memref<80x128xf32, #tpu.memory_space<vmem>>) offsets(%dma_start3A_48 : memref<80xi32, #tpu.memory_space<vmem>>) semaphore(%arg13 : memref<!tpu.dma_semaphore, #tpu.memory_space<semaphore_mem>>)
    %dma_start3A_52 = arith.constant 2 : i32
    %dma_start3A_53 = arith.constant 0 : i32
    %dma_start3A_54 = arith.constant 0 : i32
    %dma_start3A_55 = tpu.memref_slice %arg10[%dma_start3A_52, %dma_start3A_53, %dma_start3A_54] : memref<5x80x128xf32, #tpu.memory_space<vmem>> -> memref<1x80x128xf32, #tpu.memory_space<vmem>>
    %dma_start3A_56 = tpu.memref_squeeze %dma_start3A_55 : memref<1x80x128xf32, #tpu.memory_space<vmem>> -> memref<80x128xf32, #tpu.memory_space<vmem>>
    %dma_start3A_57 = arith.constant 160 : i32
    %dma_start3A_58 = tpu.memref_slice %arg8[%dma_start3A_57] : memref<10000xi32, #tpu.memory_space<vmem>> -> memref<80xi32, #tpu.memory_space<vmem>>
    %dma_start3A_59 = arith.constant 0 : i32
    %dma_start3A_60 = arith.constant 0 : i32
    %dma_start3A_61 = tpu.memref_slice %arg4[%dma_start3A_59, %dma_start3A_60] : memref<10000x128xf32, #tpu.memory_space<hbm>> -> memref<10000x128xf32, #tpu.memory_space<hbm>>
    tpu.enqueue_indirect_dma source(%dma_start3A_61 : memref<10000x128xf32, #tpu.memory_space<hbm>>) target(%dma_start3A_56 : memref<80x128xf32, #tpu.memory_space<vmem>>) offsets(%dma_start3A_58 : memref<80xi32, #tpu.memory_space<vmem>>) semaphore(%arg13 : memref<!tpu.dma_semaphore, #tpu.memory_space<semaphore_mem>>)
    %dma_start3A_62 = arith.constant 3 : i32
    %dma_start3A_63 = arith.constant 0 : i32
    %dma_start3A_64 = arith.constant 0 : i32
    %dma_start3A_65 = tpu.memref_slice %arg9[%dma_start3A_62, %dma_start3A_63, %dma_start3A_64] : memref<5x80x128xf32, #tpu.memory_space<vmem>> -> memref<1x80x128xf32, #tpu.memory_space<vmem>>
    %dma_start3A_66 = tpu.memref_squeeze %dma_start3A_65 : memref<1x80x128xf32, #tpu.memory_space<vmem>> -> memref<80x128xf32, #tpu.memory_space<vmem>>
    %dma_start3A_67 = arith.constant 240 : i32
    %dma_start3A_68 = tpu.memref_slice %arg7[%dma_start3A_67] : memref<10000xi32, #tpu.memory_space<vmem>> -> memref<80xi32, #tpu.memory_space<vmem>>
    %dma_start3A_69 = arith.constant 0 : i32
    %dma_start3A_70 = arith.constant 0 : i32
    %dma_start3A_71 = tpu.memref_slice %arg4[%dma_start3A_69, %dma_start3A_70] : memref<10000x128xf32, #tpu.memory_space<hbm>> -> memref<10000x128xf32, #tpu.memory_space<hbm>>
    tpu.enqueue_indirect_dma source(%dma_start3A_71 : memref<10000x128xf32, #tpu.memory_space<hbm>>) target(%dma_start3A_66 : memref<80x128xf32, #tpu.memory_space<vmem>>) offsets(%dma_start3A_68 : memref<80xi32, #tpu.memory_space<vmem>>) semaphore(%arg14 : memref<!tpu.dma_semaphore, #tpu.memory_space<semaphore_mem>>)
    %dma_start3A_72 = arith.constant 3 : i32
    %dma_start3A_73 = arith.constant 0 : i32
    %dma_start3A_74 = arith.constant 0 : i32
    %dma_start3A_75 = tpu.memref_slice %arg10[%dma_start3A_72, %dma_start3A_73, %dma_start3A_74] : memref<5x80x128xf32, #tpu.memory_space<vmem>> -> memref<1x80x128xf32, #tpu.memory_space<vmem>>
    %dma_start3A_76 = tpu.memref_squeeze %dma_start3A_75 : memref<1x80x128xf32, #tpu.memory_space<vmem>> -> memref<80x128xf32, #tpu.memory_space<vmem>>
    %dma_start3A_77 = arith.constant 240 : i32
    %dma_start3A_78 = tpu.memref_slice %arg8[%dma_start3A_77] : memref<10000xi32, #tpu.memory_space<vmem>> -> memref<80xi32, #tpu.memory_space<vmem>>
    %dma_start3A_79 = arith.constant 0 : i32
    %dma_start3A_80 = arith.constant 0 : i32
    %dma_start3A_81 = tpu.memref_slice %arg4[%dma_start3A_79, %dma_start3A_80] : memref<10000x128xf32, #tpu.memory_space<hbm>> -> memref<10000x128xf32, #tpu.memory_space<hbm>>
    tpu.enqueue_indirect_dma source(%dma_start3A_81 : memref<10000x128xf32, #tpu.memory_space<hbm>>) target(%dma_start3A_76 : memref<80x128xf32, #tpu.memory_space<vmem>>) offsets(%dma_start3A_78 : memref<80xi32, #tpu.memory_space<vmem>>) semaphore(%arg14 : memref<!tpu.dma_semaphore, #tpu.memory_space<semaphore_mem>>)
    %dma_start3A_82 = arith.constant 4 : i32
    %dma_start3A_83 = arith.constant 0 : i32
    %dma_start3A_84 = arith.constant 0 : i32
    %dma_start3A_85 = tpu.memref_slice %arg9[%dma_start3A_82, %dma_start3A_83, %dma_start3A_84] : memref<5x80x128xf32, #tpu.memory_space<vmem>> -> memref<1x80x128xf32, #tpu.memory_space<vmem>>
    %dma_start3A_86 = tpu.memref_squeeze %dma_start3A_85 : memref<1x80x128xf32, #tpu.memory_space<vmem>> -> memref<80x128xf32, #tpu.memory_space<vmem>>
    %dma_start3A_87 = arith.constant 320 : i32
    %dma_start3A_88 = tpu.memref_slice %arg7[%dma_start3A_87] : memref<10000xi32, #tpu.memory_space<vmem>> -> memref<80xi32, #tpu.memory_space<vmem>>
    %dma_start3A_89 = arith.constant 0 : i32
    %dma_start3A_90 = arith.constant 0 : i32
    %dma_start3A_91 = tpu.memref_slice %arg4[%dma_start3A_89, %dma_start3A_90] : memref<10000x128xf32, #tpu.memory_space<hbm>> -> memref<10000x128xf32, #tpu.memory_space<hbm>>
    tpu.enqueue_indirect_dma source(%dma_start3A_91 : memref<10000x128xf32, #tpu.memory_space<hbm>>) target(%dma_start3A_86 : memref<80x128xf32, #tpu.memory_space<vmem>>) offsets(%dma_start3A_88 : memref<80xi32, #tpu.memory_space<vmem>>) semaphore(%arg15 : memref<!tpu.dma_semaphore, #tpu.memory_space<semaphore_mem>>)
    %dma_start3A_92 = arith.constant 4 : i32
    %dma_start3A_93 = arith.constant 0 : i32
    %dma_start3A_94 = arith.constant 0 : i32
    %dma_start3A_95 = tpu.memref_slice %arg10[%dma_start3A_92, %dma_start3A_93, %dma_start3A_94] : memref<5x80x128xf32, #tpu.memory_space<vmem>> -> memref<1x80x128xf32, #tpu.memory_space<vmem>>
    %dma_start3A_96 = tpu.memref_squeeze %dma_start3A_95 : memref<1x80x128xf32, #tpu.memory_space<vmem>> -> memref<80x128xf32, #tpu.memory_space<vmem>>
    %dma_start3A_97 = arith.constant 320 : i32
    %dma_start3A_98 = tpu.memref_slice %arg8[%dma_start3A_97] : memref<10000xi32, #tpu.memory_space<vmem>> -> memref<80xi32, #tpu.memory_space<vmem>>
    %dma_start3A_99 = arith.constant 0 : i32
    %dma_start3A_100 = arith.constant 0 : i32
    %dma_start3A_101 = tpu.memref_slice %arg4[%dma_start3A_99, %dma_start3A_100] : memref<10000x128xf32, #tpu.memory_space<hbm>> -> memref<10000x128xf32, #tpu.memory_space<hbm>>
    tpu.enqueue_indirect_dma source(%dma_start3A_101 : memref<10000x128xf32, #tpu.memory_space<hbm>>) target(%dma_start3A_96 : memref<80x128xf32, #tpu.memory_space<vmem>>) offsets(%dma_start3A_98 : memref<80xi32, #tpu.memory_space<vmem>>) semaphore(%arg15 : memref<!tpu.dma_semaphore, #tpu.memory_space<semaphore_mem>>)
    %scan3A = arith.constant 0 : i32
    %scan3A_102 = arith.constant 25 : i32
    %scan3A_103 = arith.addi %scan3A, %scan3A_102 : i32
    %scan3A_104 = arith.constant 1 : i32
    scf.for %scan3A_235 = %scan3A to %scan3A_103 step %scan3A_104  : i32 {
      %mul3A_236 = arith.constant 5 : i32
      %mul3A_237 = arith.muli %scan3A_235, %mul3A_236 : i32
      %add3A_238 = arith.constant 0 : i32
      %add3A_239 = arith.addi %add3A_238, %mul3A_237 : i32
      %add3A_240 = arith.constant 0 : i32
      %add3A_241 = arith.addi %add3A_239, %add3A_240 : i32
      %dma_wait3A_242 = arith.constant 0 : i32
      %dma_wait3A_243 = arith.constant 0 : i32
      %dma_wait3A_244 = arith.constant 0 : i32
      %dma_wait3A_245 = tpu.memref_slice %arg9[%dma_wait3A_242, %dma_wait3A_243, %dma_wait3A_244] : memref<5x80x128xf32, #tpu.memory_space<vmem>> -> memref<1x80x128xf32, #tpu.memory_space<vmem>>
      %dma_wait3A_246 = tpu.memref_squeeze %dma_wait3A_245 : memref<1x80x128xf32, #tpu.memory_space<vmem>> -> memref<80x128xf32, #tpu.memory_space<vmem>>
      %dma_wait3A_247 = arith.constant 0 : i32
      %dma_wait3A_248 = arith.constant 0 : i32
      %dma_wait3A_249 = tpu.memref_slice %arg4[%dma_wait3A_247, %dma_wait3A_248] : memref<10000x128xf32, #tpu.memory_space<hbm>> -> memref<80x128xf32, #tpu.memory_space<hbm>>
      %dma_wait3A_250 = arith.constant 0 : i32
      %dma_wait3A_251 = arith.constant 0 : i32
      %dma_wait3A_252 = tpu.memref_slice %arg9[%dma_wait3A_242, %dma_wait3A_250, %dma_wait3A_251] : memref<5x80x128xf32, #tpu.memory_space<vmem>> -> memref<1x80x128xf32, #tpu.memory_space<vmem>>
      %dma_wait3A_253 = tpu.memref_squeeze %dma_wait3A_252 : memref<1x80x128xf32, #tpu.memory_space<vmem>> -> memref<80x128xf32, #tpu.memory_space<vmem>>
      %dma_wait3A_254 = arith.constant 0 : i32
      %dma_wait3A_255 = arith.constant 0 : i32
      %dma_wait3A_256 = tpu.memref_slice %arg4[%dma_wait3A_254, %dma_wait3A_255] : memref<10000x128xf32, #tpu.memory_space<hbm>> -> memref<80x128xf32, #tpu.memory_space<hbm>>
      tpu.wait_dma2 semaphore(%arg11 : memref<!tpu.dma_semaphore, #tpu.memory_space<semaphore_mem>>) src(%dma_wait3A_256 : memref<80x128xf32, #tpu.memory_space<hbm>>) dst(%dma_wait3A_253 : memref<80x128xf32, #tpu.memory_space<vmem>>)
      %dma_wait3A_257 = arith.constant 0 : i32
      %dma_wait3A_258 = arith.constant 0 : i32
      %dma_wait3A_259 = arith.constant 0 : i32
      %dma_wait3A_260 = tpu.memref_slice %arg10[%dma_wait3A_257, %dma_wait3A_258, %dma_wait3A_259] : memref<5x80x128xf32, #tpu.memory_space<vmem>> -> memref<1x80x128xf32, #tpu.memory_space<vmem>>
      %dma_wait3A_261 = tpu.memref_squeeze %dma_wait3A_260 : memref<1x80x128xf32, #tpu.memory_space<vmem>> -> memref<80x128xf32, #tpu.memory_space<vmem>>
      %dma_wait3A_262 = arith.constant 0 : i32
      %dma_wait3A_263 = arith.constant 0 : i32
      %dma_wait3A_264 = tpu.memref_slice %arg4[%dma_wait3A_262, %dma_wait3A_263] : memref<10000x128xf32, #tpu.memory_space<hbm>> -> memref<80x128xf32, #tpu.memory_space<hbm>>
      %dma_wait3A_265 = arith.constant 0 : i32
      %dma_wait3A_266 = arith.constant 0 : i32
      %dma_wait3A_267 = tpu.memref_slice %arg10[%dma_wait3A_257, %dma_wait3A_265, %dma_wait3A_266] : memref<5x80x128xf32, #tpu.memory_space<vmem>> -> memref<1x80x128xf32, #tpu.memory_space<vmem>>
      %dma_wait3A_268 = tpu.memref_squeeze %dma_wait3A_267 : memref<1x80x128xf32, #tpu.memory_space<vmem>> -> memref<80x128xf32, #tpu.memory_space<vmem>>
      %dma_wait3A_269 = arith.constant 0 : i32
      %dma_wait3A_270 = arith.constant 0 : i32
      %dma_wait3A_271 = tpu.memref_slice %arg4[%dma_wait3A_269, %dma_wait3A_270] : memref<10000x128xf32, #tpu.memory_space<hbm>> -> memref<80x128xf32, #tpu.memory_space<hbm>>
      tpu.wait_dma2 semaphore(%arg11 : memref<!tpu.dma_semaphore, #tpu.memory_space<semaphore_mem>>) src(%dma_wait3A_271 : memref<80x128xf32, #tpu.memory_space<hbm>>) dst(%dma_wait3A_268 : memref<80x128xf32, #tpu.memory_space<vmem>>)
      %mul3A_272 = arith.constant 80 : i32
      %mul3A_273 = arith.muli %add3A_241, %mul3A_272 : i32
      %add3A_274 = arith.addi %mul3A_2, %mul3A_273 : i32
      %dma_start3A_275 = arith.constant 0 : i32
      %dma_start3A_276 = arith.constant 0 : i32
      %dma_start3A_277 = arith.constant 0 : i32
      %dma_start3A_278 = tpu.memref_slice %arg9[%dma_start3A_275, %dma_start3A_276, %dma_start3A_277] : memref<5x80x128xf32, #tpu.memory_space<vmem>> -> memref<1x80x128xf32, #tpu.memory_space<vmem>>
      %dma_start3A_279 = tpu.memref_squeeze %dma_start3A_278 : memref<1x80x128xf32, #tpu.memory_space<vmem>> -> memref<80x128xf32, #tpu.memory_space<vmem>>
      %dma_start3A_280 = arith.constant 0 : i32
      %dma_start3A_281 = tpu.memref_slice %arg5[%add3A_274, %dma_start3A_280] : memref<320000x128xf32, #tpu.memory_space<hbm>> -> memref<80x128xf32, #tpu.memory_space<hbm>>
      %dma_start3A_282 = arith.constant 0 : i32
      %dma_start3A_283 = tpu.memref_slice %arg5[%add3A_274, %dma_start3A_282] : memref<320000x128xf32, #tpu.memory_space<hbm>> -> memref<80x128xf32, #tpu.memory_space<hbm>>
      %dma_start3A_284 = arith.constant 0 : i32
      %dma_start3A_285 = arith.constant 0 : i32
      %dma_start3A_286 = tpu.memref_slice %arg9[%dma_start3A_275, %dma_start3A_284, %dma_start3A_285] : memref<5x80x128xf32, #tpu.memory_space<vmem>> -> memref<1x80x128xf32, #tpu.memory_space<vmem>>
      %dma_start3A_287 = tpu.memref_squeeze %dma_start3A_286 : memref<1x80x128xf32, #tpu.memory_space<vmem>> -> memref<80x128xf32, #tpu.memory_space<vmem>>
      tpu.enqueue_dma source(%dma_start3A_287 : memref<80x128xf32, #tpu.memory_space<vmem>>) target(%dma_start3A_283 : memref<80x128xf32, #tpu.memory_space<hbm>>) target_semaphore(%arg16 : memref<!tpu.dma_semaphore, #tpu.memory_space<semaphore_mem>>)
      %mul3A_288 = arith.constant 80 : i32
      %mul3A_289 = arith.muli %add3A_241, %mul3A_288 : i32
      %add3A_290 = arith.addi %mul3A_2, %mul3A_289 : i32
      %dma_start3A_291 = arith.constant 0 : i32
      %dma_start3A_292 = arith.constant 0 : i32
      %dma_start3A_293 = arith.constant 0 : i32
      %dma_start3A_294 = tpu.memref_slice %arg10[%dma_start3A_291, %dma_start3A_292, %dma_start3A_293] : memref<5x80x128xf32, #tpu.memory_space<vmem>> -> memref<1x80x128xf32, #tpu.memory_space<vmem>>
      %dma_start3A_295 = tpu.memref_squeeze %dma_start3A_294 : memref<1x80x128xf32, #tpu.memory_space<vmem>> -> memref<80x128xf32, #tpu.memory_space<vmem>>
      %dma_start3A_296 = arith.constant 0 : i32
      %dma_start3A_297 = tpu.memref_slice %arg6[%add3A_290, %dma_start3A_296] : memref<320000x128xf32, #tpu.memory_space<hbm>> -> memref<80x128xf32, #tpu.memory_space<hbm>>
      %dma_start3A_298 = arith.constant 0 : i32
      %dma_start3A_299 = tpu.memref_slice %arg6[%add3A_290, %dma_start3A_298] : memref<320000x128xf32, #tpu.memory_space<hbm>> -> memref<80x128xf32, #tpu.memory_space<hbm>>
      %dma_start3A_300 = arith.constant 0 : i32
      %dma_start3A_301 = arith.constant 0 : i32
      %dma_start3A_302 = tpu.memref_slice %arg10[%dma_start3A_291, %dma_start3A_300, %dma_start3A_301] : memref<5x80x128xf32, #tpu.memory_space<vmem>> -> memref<1x80x128xf32, #tpu.memory_space<vmem>>
      %dma_start3A_303 = tpu.memref_squeeze %dma_start3A_302 : memref<1x80x128xf32, #tpu.memory_space<vmem>> -> memref<80x128xf32, #tpu.memory_space<vmem>>
      tpu.enqueue_dma source(%dma_start3A_303 : memref<80x128xf32, #tpu.memory_space<vmem>>) target(%dma_start3A_299 : memref<80x128xf32, #tpu.memory_space<hbm>>) target_semaphore(%arg16 : memref<!tpu.dma_semaphore, #tpu.memory_space<semaphore_mem>>)
      %add3A_304 = arith.constant 5 : i32
      %add3A_305 = arith.addi %add3A_241, %add3A_304 : i32
      %lt3A = arith.constant 125 : i32
      %lt3A_306 = arith.cmpi slt, %add3A_305, %lt3A : i32
      %convert_element_type3A = arith.extui %lt3A_306 : i1 to i32
      %cond3A = arith.constant 0 : i32
      %cond3A_307 = arith.cmpi ne, %convert_element_type3A, %cond3A : i32
      scf.if %cond3A_307 {
        %dma_wait3A_592 = arith.constant 0 : i32
        %dma_wait3A_593 = arith.constant 0 : i32
        %dma_wait3A_594 = arith.constant 0 : i32
        %dma_wait3A_595 = tpu.memref_slice %arg9[%dma_wait3A_592, %dma_wait3A_593, %dma_wait3A_594] : memref<5x80x128xf32, #tpu.memory_space<vmem>> -> memref<1x80x128xf32, #tpu.memory_space<vmem>>
        %dma_wait3A_596 = tpu.memref_squeeze %dma_wait3A_595 : memref<1x80x128xf32, #tpu.memory_space<vmem>> -> memref<80x128xf32, #tpu.memory_space<vmem>>
        %dma_wait3A_597 = arith.constant 0 : i32
        %dma_wait3A_598 = tpu.memref_slice %arg5[%mul3A_2, %dma_wait3A_597] : memref<320000x128xf32, #tpu.memory_space<hbm>> -> memref<80x128xf32, #tpu.memory_space<hbm>>
        %dma_wait3A_599 = arith.constant 0 : i32
        %dma_wait3A_600 = tpu.memref_slice %arg5[%mul3A_2, %dma_wait3A_599] : memref<320000x128xf32, #tpu.memory_space<hbm>> -> memref<80x128xf32, #tpu.memory_space<hbm>>
        %dma_wait3A_601 = arith.constant 0 : i32
        %dma_wait3A_602 = arith.constant 0 : i32
        %dma_wait3A_603 = tpu.memref_slice %arg9[%dma_wait3A_592, %dma_wait3A_601, %dma_wait3A_602] : memref<5x80x128xf32, #tpu.memory_space<vmem>> -> memref<1x80x128xf32, #tpu.memory_space<vmem>>
        %dma_wait3A_604 = tpu.memref_squeeze %dma_wait3A_603 : memref<1x80x128xf32, #tpu.memory_space<vmem>> -> memref<80x128xf32, #tpu.memory_space<vmem>>
        tpu.wait_dma2 semaphore(%arg16 : memref<!tpu.dma_semaphore, #tpu.memory_space<semaphore_mem>>) src(%dma_wait3A_604 : memref<80x128xf32, #tpu.memory_space<vmem>>) dst(%dma_wait3A_600 : memref<80x128xf32, #tpu.memory_space<hbm>>)
        %dma_wait3A_605 = arith.constant 0 : i32
        %dma_wait3A_606 = arith.constant 0 : i32
        %dma_wait3A_607 = arith.constant 0 : i32
        %dma_wait3A_608 = tpu.memref_slice %arg10[%dma_wait3A_605, %dma_wait3A_606, %dma_wait3A_607] : memref<5x80x128xf32, #tpu.memory_space<vmem>> -> memref<1x80x128xf32, #tpu.memory_space<vmem>>
        %dma_wait3A_609 = tpu.memref_squeeze %dma_wait3A_608 : memref<1x80x128xf32, #tpu.memory_space<vmem>> -> memref<80x128xf32, #tpu.memory_space<vmem>>
        %dma_wait3A_610 = arith.constant 0 : i32
        %dma_wait3A_611 = tpu.memref_slice %arg6[%mul3A_2, %dma_wait3A_610] : memref<320000x128xf32, #tpu.memory_space<hbm>> -> memref<80x128xf32, #tpu.memory_space<hbm>>
        %dma_wait3A_612 = arith.constant 0 : i32
        %dma_wait3A_613 = tpu.memref_slice %arg6[%mul3A_2, %dma_wait3A_612] : memref<320000x128xf32, #tpu.memory_space<hbm>> -> memref<80x128xf32, #tpu.memory_space<hbm>>
        %dma_wait3A_614 = arith.constant 0 : i32
        %dma_wait3A_615 = arith.constant 0 : i32
        %dma_wait3A_616 = tpu.memref_slice %arg10[%dma_wait3A_605, %dma_wait3A_614, %dma_wait3A_615] : memref<5x80x128xf32, #tpu.memory_space<vmem>> -> memref<1x80x128xf32, #tpu.memory_space<vmem>>
        %dma_wait3A_617 = tpu.memref_squeeze %dma_wait3A_616 : memref<1x80x128xf32, #tpu.memory_space<vmem>> -> memref<80x128xf32, #tpu.memory_space<vmem>>
        tpu.wait_dma2 semaphore(%arg16 : memref<!tpu.dma_semaphore, #tpu.memory_space<semaphore_mem>>) src(%dma_wait3A_617 : memref<80x128xf32, #tpu.memory_space<vmem>>) dst(%dma_wait3A_613 : memref<80x128xf32, #tpu.memory_space<hbm>>)
        %add3A_618 = arith.constant 5 : i32
        %add3A_619 = arith.addi %add3A_241, %add3A_618 : i32
        %mul3A_620 = arith.constant 80 : i32
        %mul3A_621 = arith.muli %add3A_619, %mul3A_620 : i32
        %dma_start3A_622 = arith.constant 0 : i32
        %dma_start3A_623 = arith.constant 0 : i32
        %dma_start3A_624 = arith.constant 0 : i32
        %dma_start3A_625 = tpu.memref_slice %arg9[%dma_start3A_622, %dma_start3A_623, %dma_start3A_624] : memref<5x80x128xf32, #tpu.memory_space<vmem>> -> memref<1x80x128xf32, #tpu.memory_space<vmem>>
        %dma_start3A_626 = tpu.memref_squeeze %dma_start3A_625 : memref<1x80x128xf32, #tpu.memory_space<vmem>> -> memref<80x128xf32, #tpu.memory_space<vmem>>
        %dma_start3A_627 = tpu.memref_slice %arg7[%mul3A_621] : memref<10000xi32, #tpu.memory_space<vmem>> -> memref<80xi32, #tpu.memory_space<vmem>>
        %dma_start3A_628 = arith.constant 0 : i32
        %dma_start3A_629 = arith.constant 0 : i32
        %dma_start3A_630 = tpu.memref_slice %arg4[%dma_start3A_628, %dma_start3A_629] : memref<10000x128xf32, #tpu.memory_space<hbm>> -> memref<10000x128xf32, #tpu.memory_space<hbm>>
        tpu.enqueue_indirect_dma source(%dma_start3A_630 : memref<10000x128xf32, #tpu.memory_space<hbm>>) target(%dma_start3A_626 : memref<80x128xf32, #tpu.memory_space<vmem>>) offsets(%dma_start3A_627 : memref<80xi32, #tpu.memory_space<vmem>>) semaphore(%arg11 : memref<!tpu.dma_semaphore, #tpu.memory_space<semaphore_mem>>)
        %mul3A_631 = arith.constant 80 : i32
        %mul3A_632 = arith.muli %add3A_619, %mul3A_631 : i32
        %dma_start3A_633 = arith.constant 0 : i32
        %dma_start3A_634 = arith.constant 0 : i32
        %dma_start3A_635 = arith.constant 0 : i32
        %dma_start3A_636 = tpu.memref_slice %arg10[%dma_start3A_633, %dma_start3A_634, %dma_start3A_635] : memref<5x80x128xf32, #tpu.memory_space<vmem>> -> memref<1x80x128xf32, #tpu.memory_space<vmem>>
        %dma_start3A_637 = tpu.memref_squeeze %dma_start3A_636 : memref<1x80x128xf32, #tpu.memory_space<vmem>> -> memref<80x128xf32, #tpu.memory_space<vmem>>
        %dma_start3A_638 = tpu.memref_slice %arg8[%mul3A_632] : memref<10000xi32, #tpu.memory_space<vmem>> -> memref<80xi32, #tpu.memory_space<vmem>>
        %dma_start3A_639 = arith.constant 0 : i32
        %dma_start3A_640 = arith.constant 0 : i32
        %dma_start3A_641 = tpu.memref_slice %arg4[%dma_start3A_639, %dma_start3A_640] : memref<10000x128xf32, #tpu.memory_space<hbm>> -> memref<10000x128xf32, #tpu.memory_space<hbm>>
        tpu.enqueue_indirect_dma source(%dma_start3A_641 : memref<10000x128xf32, #tpu.memory_space<hbm>>) target(%dma_start3A_637 : memref<80x128xf32, #tpu.memory_space<vmem>>) offsets(%dma_start3A_638 : memref<80xi32, #tpu.memory_space<vmem>>) semaphore(%arg11 : memref<!tpu.dma_semaphore, #tpu.memory_space<semaphore_mem>>)
      } else {
      }
      %add3A_308 = arith.constant 1 : i32
      %add3A_309 = arith.addi %add3A_239, %add3A_308 : i32
      %dma_wait3A_310 = arith.constant 1 : i32
      %dma_wait3A_311 = arith.constant 0 : i32
      %dma_wait3A_312 = arith.constant 0 : i32
      %dma_wait3A_313 = tpu.memref_slice %arg9[%dma_wait3A_310, %dma_wait3A_311, %dma_wait3A_312] : memref<5x80x128xf32, #tpu.memory_space<vmem>> -> memref<1x80x128xf32, #tpu.memory_space<vmem>>
      %dma_wait3A_314 = tpu.memref_squeeze %dma_wait3A_313 : memref<1x80x128xf32, #tpu.memory_space<vmem>> -> memref<80x128xf32, #tpu.memory_space<vmem>>
      %dma_wait3A_315 = arith.constant 0 : i32
      %dma_wait3A_316 = arith.constant 0 : i32
      %dma_wait3A_317 = tpu.memref_slice %arg4[%dma_wait3A_315, %dma_wait3A_316] : memref<10000x128xf32, #tpu.memory_space<hbm>> -> memref<80x128xf32, #tpu.memory_space<hbm>>
      %dma_wait3A_318 = arith.constant 0 : i32
      %dma_wait3A_319 = arith.constant 0 : i32
      %dma_wait3A_320 = tpu.memref_slice %arg9[%dma_wait3A_310, %dma_wait3A_318, %dma_wait3A_319] : memref<5x80x128xf32, #tpu.memory_space<vmem>> -> memref<1x80x128xf32, #tpu.memory_space<vmem>>
      %dma_wait3A_321 = tpu.memref_squeeze %dma_wait3A_320 : memref<1x80x128xf32, #tpu.memory_space<vmem>> -> memref<80x128xf32, #tpu.memory_space<vmem>>
      %dma_wait3A_322 = arith.constant 0 : i32
      %dma_wait3A_323 = arith.constant 0 : i32
      %dma_wait3A_324 = tpu.memref_slice %arg4[%dma_wait3A_322, %dma_wait3A_323] : memref<10000x128xf32, #tpu.memory_space<hbm>> -> memref<80x128xf32, #tpu.memory_space<hbm>>
      tpu.wait_dma2 semaphore(%arg12 : memref<!tpu.dma_semaphore, #tpu.memory_space<semaphore_mem>>) src(%dma_wait3A_324 : memref<80x128xf32, #tpu.memory_space<hbm>>) dst(%dma_wait3A_321 : memref<80x128xf32, #tpu.memory_space<vmem>>)
      %dma_wait3A_325 = arith.constant 1 : i32
      %dma_wait3A_326 = arith.constant 0 : i32
      %dma_wait3A_327 = arith.constant 0 : i32
      %dma_wait3A_328 = tpu.memref_slice %arg10[%dma_wait3A_325, %dma_wait3A_326, %dma_wait3A_327] : memref<5x80x128xf32, #tpu.memory_space<vmem>> -> memref<1x80x128xf32, #tpu.memory_space<vmem>>
      %dma_wait3A_329 = tpu.memref_squeeze %dma_wait3A_328 : memref<1x80x128xf32, #tpu.memory_space<vmem>> -> memref<80x128xf32, #tpu.memory_space<vmem>>
      %dma_wait3A_330 = arith.constant 0 : i32
      %dma_wait3A_331 = arith.constant 0 : i32
      %dma_wait3A_332 = tpu.memref_slice %arg4[%dma_wait3A_330, %dma_wait3A_331] : memref<10000x128xf32, #tpu.memory_space<hbm>> -> memref<80x128xf32, #tpu.memory_space<hbm>>
      %dma_wait3A_333 = arith.constant 0 : i32
      %dma_wait3A_334 = arith.constant 0 : i32
      %dma_wait3A_335 = tpu.memref_slice %arg10[%dma_wait3A_325, %dma_wait3A_333, %dma_wait3A_334] : memref<5x80x128xf32, #tpu.memory_space<vmem>> -> memref<1x80x128xf32, #tpu.memory_space<vmem>>
      %dma_wait3A_336 = tpu.memref_squeeze %dma_wait3A_335 : memref<1x80x128xf32, #tpu.memory_space<vmem>> -> memref<80x128xf32, #tpu.memory_space<vmem>>
      %dma_wait3A_337 = arith.constant 0 : i32
      %dma_wait3A_338 = arith.constant 0 : i32
      %dma_wait3A_339 = tpu.memref_slice %arg4[%dma_wait3A_337, %dma_wait3A_338] : memref<10000x128xf32, #tpu.memory_space<hbm>> -> memref<80x128xf32, #tpu.memory_space<hbm>>
      tpu.wait_dma2 semaphore(%arg12 : memref<!tpu.dma_semaphore, #tpu.memory_space<semaphore_mem>>) src(%dma_wait3A_339 : memref<80x128xf32, #tpu.memory_space<hbm>>) dst(%dma_wait3A_336 : memref<80x128xf32, #tpu.memory_space<vmem>>)
      %mul3A_340 = arith.constant 80 : i32
      %mul3A_341 = arith.muli %add3A_309, %mul3A_340 : i32
      %add3A_342 = arith.addi %mul3A_2, %mul3A_341 : i32
      %dma_start3A_343 = arith.constant 1 : i32
      %dma_start3A_344 = arith.constant 0 : i32
      %dma_start3A_345 = arith.constant 0 : i32
      %dma_start3A_346 = tpu.memref_slice %arg9[%dma_start3A_343, %dma_start3A_344, %dma_start3A_345] : memref<5x80x128xf32, #tpu.memory_space<vmem>> -> memref<1x80x128xf32, #tpu.memory_space<vmem>>
      %dma_start3A_347 = tpu.memref_squeeze %dma_start3A_346 : memref<1x80x128xf32, #tpu.memory_space<vmem>> -> memref<80x128xf32, #tpu.memory_space<vmem>>
      %dma_start3A_348 = arith.constant 0 : i32
      %dma_start3A_349 = tpu.memref_slice %arg5[%add3A_342, %dma_start3A_348] : memref<320000x128xf32, #tpu.memory_space<hbm>> -> memref<80x128xf32, #tpu.memory_space<hbm>>
      %dma_start3A_350 = arith.constant 0 : i32
      %dma_start3A_351 = tpu.memref_slice %arg5[%add3A_342, %dma_start3A_350] : memref<320000x128xf32, #tpu.memory_space<hbm>> -> memref<80x128xf32, #tpu.memory_space<hbm>>
      %dma_start3A_352 = arith.constant 0 : i32
      %dma_start3A_353 = arith.constant 0 : i32
      %dma_start3A_354 = tpu.memref_slice %arg9[%dma_start3A_343, %dma_start3A_352, %dma_start3A_353] : memref<5x80x128xf32, #tpu.memory_space<vmem>> -> memref<1x80x128xf32, #tpu.memory_space<vmem>>
      %dma_start3A_355 = tpu.memref_squeeze %dma_start3A_354 : memref<1x80x128xf32, #tpu.memory_space<vmem>> -> memref<80x128xf32, #tpu.memory_space<vmem>>
      tpu.enqueue_dma source(%dma_start3A_355 : memref<80x128xf32, #tpu.memory_space<vmem>>) target(%dma_start3A_351 : memref<80x128xf32, #tpu.memory_space<hbm>>) target_semaphore(%arg17 : memref<!tpu.dma_semaphore, #tpu.memory_space<semaphore_mem>>)
      %mul3A_356 = arith.constant 80 : i32
      %mul3A_357 = arith.muli %add3A_309, %mul3A_356 : i32
      %add3A_358 = arith.addi %mul3A_2, %mul3A_357 : i32
      %dma_start3A_359 = arith.constant 1 : i32
      %dma_start3A_360 = arith.constant 0 : i32
      %dma_start3A_361 = arith.constant 0 : i32
      %dma_start3A_362 = tpu.memref_slice %arg10[%dma_start3A_359, %dma_start3A_360, %dma_start3A_361] : memref<5x80x128xf32, #tpu.memory_space<vmem>> -> memref<1x80x128xf32, #tpu.memory_space<vmem>>
      %dma_start3A_363 = tpu.memref_squeeze %dma_start3A_362 : memref<1x80x128xf32, #tpu.memory_space<vmem>> -> memref<80x128xf32, #tpu.memory_space<vmem>>
      %dma_start3A_364 = arith.constant 0 : i32
      %dma_start3A_365 = tpu.memref_slice %arg6[%add3A_358, %dma_start3A_364] : memref<320000x128xf32, #tpu.memory_space<hbm>> -> memref<80x128xf32, #tpu.memory_space<hbm>>
      %dma_start3A_366 = arith.constant 0 : i32
      %dma_start3A_367 = tpu.memref_slice %arg6[%add3A_358, %dma_start3A_366] : memref<320000x128xf32, #tpu.memory_space<hbm>> -> memref<80x128xf32, #tpu.memory_space<hbm>>
      %dma_start3A_368 = arith.constant 0 : i32
      %dma_start3A_369 = arith.constant 0 : i32
      %dma_start3A_370 = tpu.memref_slice %arg10[%dma_start3A_359, %dma_start3A_368, %dma_start3A_369] : memref<5x80x128xf32, #tpu.memory_space<vmem>> -> memref<1x80x128xf32, #tpu.memory_space<vmem>>
      %dma_start3A_371 = tpu.memref_squeeze %dma_start3A_370 : memref<1x80x128xf32, #tpu.memory_space<vmem>> -> memref<80x128xf32, #tpu.memory_space<vmem>>
      tpu.enqueue_dma source(%dma_start3A_371 : memref<80x128xf32, #tpu.memory_space<vmem>>) target(%dma_start3A_367 : memref<80x128xf32, #tpu.memory_space<hbm>>) target_semaphore(%arg17 : memref<!tpu.dma_semaphore, #tpu.memory_space<semaphore_mem>>)
      %add3A_372 = arith.constant 5 : i32
      %add3A_373 = arith.addi %add3A_309, %add3A_372 : i32
      %lt3A_374 = arith.constant 125 : i32
      %lt3A_375 = arith.cmpi slt, %add3A_373, %lt3A_374 : i32
      %convert_element_type3A_376 = arith.extui %lt3A_375 : i1 to i32
      %cond3A_377 = arith.constant 0 : i32
      %cond3A_378 = arith.cmpi ne, %convert_element_type3A_376, %cond3A_377 : i32
      scf.if %cond3A_378 {
        %dma_wait3A_592 = arith.constant 1 : i32
        %dma_wait3A_593 = arith.constant 0 : i32
        %dma_wait3A_594 = arith.constant 0 : i32
        %dma_wait3A_595 = tpu.memref_slice %arg9[%dma_wait3A_592, %dma_wait3A_593, %dma_wait3A_594] : memref<5x80x128xf32, #tpu.memory_space<vmem>> -> memref<1x80x128xf32, #tpu.memory_space<vmem>>
        %dma_wait3A_596 = tpu.memref_squeeze %dma_wait3A_595 : memref<1x80x128xf32, #tpu.memory_space<vmem>> -> memref<80x128xf32, #tpu.memory_space<vmem>>
        %dma_wait3A_597 = arith.constant 0 : i32
        %dma_wait3A_598 = tpu.memref_slice %arg5[%mul3A_2, %dma_wait3A_597] : memref<320000x128xf32, #tpu.memory_space<hbm>> -> memref<80x128xf32, #tpu.memory_space<hbm>>
        %dma_wait3A_599 = arith.constant 0 : i32
        %dma_wait3A_600 = tpu.memref_slice %arg5[%mul3A_2, %dma_wait3A_599] : memref<320000x128xf32, #tpu.memory_space<hbm>> -> memref<80x128xf32, #tpu.memory_space<hbm>>
        %dma_wait3A_601 = arith.constant 0 : i32
        %dma_wait3A_602 = arith.constant 0 : i32
        %dma_wait3A_603 = tpu.memref_slice %arg9[%dma_wait3A_592, %dma_wait3A_601, %dma_wait3A_602] : memref<5x80x128xf32, #tpu.memory_space<vmem>> -> memref<1x80x128xf32, #tpu.memory_space<vmem>>
        %dma_wait3A_604 = tpu.memref_squeeze %dma_wait3A_603 : memref<1x80x128xf32, #tpu.memory_space<vmem>> -> memref<80x128xf32, #tpu.memory_space<vmem>>
        tpu.wait_dma2 semaphore(%arg17 : memref<!tpu.dma_semaphore, #tpu.memory_space<semaphore_mem>>) src(%dma_wait3A_604 : memref<80x128xf32, #tpu.memory_space<vmem>>) dst(%dma_wait3A_600 : memref<80x128xf32, #tpu.memory_space<hbm>>)
        %dma_wait3A_605 = arith.constant 1 : i32
        %dma_wait3A_606 = arith.constant 0 : i32
        %dma_wait3A_607 = arith.constant 0 : i32
        %dma_wait3A_608 = tpu.memref_slice %arg10[%dma_wait3A_605, %dma_wait3A_606, %dma_wait3A_607] : memref<5x80x128xf32, #tpu.memory_space<vmem>> -> memref<1x80x128xf32, #tpu.memory_space<vmem>>
        %dma_wait3A_609 = tpu.memref_squeeze %dma_wait3A_608 : memref<1x80x128xf32, #tpu.memory_space<vmem>> -> memref<80x128xf32, #tpu.memory_space<vmem>>
        %dma_wait3A_610 = arith.constant 0 : i32
        %dma_wait3A_611 = tpu.memref_slice %arg6[%mul3A_2, %dma_wait3A_610] : memref<320000x128xf32, #tpu.memory_space<hbm>> -> memref<80x128xf32, #tpu.memory_space<hbm>>
        %dma_wait3A_612 = arith.constant 0 : i32
        %dma_wait3A_613 = tpu.memref_slice %arg6[%mul3A_2, %dma_wait3A_612] : memref<320000x128xf32, #tpu.memory_space<hbm>> -> memref<80x128xf32, #tpu.memory_space<hbm>>
        %dma_wait3A_614 = arith.constant 0 : i32
        %dma_wait3A_615 = arith.constant 0 : i32
        %dma_wait3A_616 = tpu.memref_slice %arg10[%dma_wait3A_605, %dma_wait3A_614, %dma_wait3A_615] : memref<5x80x128xf32, #tpu.memory_space<vmem>> -> memref<1x80x128xf32, #tpu.memory_space<vmem>>
        %dma_wait3A_617 = tpu.memref_squeeze %dma_wait3A_616 : memref<1x80x128xf32, #tpu.memory_space<vmem>> -> memref<80x128xf32, #tpu.memory_space<vmem>>
        tpu.wait_dma2 semaphore(%arg17 : memref<!tpu.dma_semaphore, #tpu.memory_space<semaphore_mem>>) src(%dma_wait3A_617 : memref<80x128xf32, #tpu.memory_space<vmem>>) dst(%dma_wait3A_613 : memref<80x128xf32, #tpu.memory_space<hbm>>)
        %add3A_618 = arith.constant 5 : i32
        %add3A_619 = arith.addi %add3A_309, %add3A_618 : i32
        %mul3A_620 = arith.constant 80 : i32
        %mul3A_621 = arith.muli %add3A_619, %mul3A_620 : i32
        %dma_start3A_622 = arith.constant 1 : i32
        %dma_start3A_623 = arith.constant 0 : i32
        %dma_start3A_624 = arith.constant 0 : i32
        %dma_start3A_625 = tpu.memref_slice %arg9[%dma_start3A_622, %dma_start3A_623, %dma_start3A_624] : memref<5x80x128xf32, #tpu.memory_space<vmem>> -> memref<1x80x128xf32, #tpu.memory_space<vmem>>
        %dma_start3A_626 = tpu.memref_squeeze %dma_start3A_625 : memref<1x80x128xf32, #tpu.memory_space<vmem>> -> memref<80x128xf32, #tpu.memory_space<vmem>>
        %dma_start3A_627 = tpu.memref_slice %arg7[%mul3A_621] : memref<10000xi32, #tpu.memory_space<vmem>> -> memref<80xi32, #tpu.memory_space<vmem>>
        %dma_start3A_628 = arith.constant 0 : i32
        %dma_start3A_629 = arith.constant 0 : i32
        %dma_start3A_630 = tpu.memref_slice %arg4[%dma_start3A_628, %dma_start3A_629] : memref<10000x128xf32, #tpu.memory_space<hbm>> -> memref<10000x128xf32, #tpu.memory_space<hbm>>
        tpu.enqueue_indirect_dma source(%dma_start3A_630 : memref<10000x128xf32, #tpu.memory_space<hbm>>) target(%dma_start3A_626 : memref<80x128xf32, #tpu.memory_space<vmem>>) offsets(%dma_start3A_627 : memref<80xi32, #tpu.memory_space<vmem>>) semaphore(%arg12 : memref<!tpu.dma_semaphore, #tpu.memory_space<semaphore_mem>>)
        %mul3A_631 = arith.constant 80 : i32
        %mul3A_632 = arith.muli %add3A_619, %mul3A_631 : i32
        %dma_start3A_633 = arith.constant 1 : i32
        %dma_start3A_634 = arith.constant 0 : i32
        %dma_start3A_635 = arith.constant 0 : i32
        %dma_start3A_636 = tpu.memref_slice %arg10[%dma_start3A_633, %dma_start3A_634, %dma_start3A_635] : memref<5x80x128xf32, #tpu.memory_space<vmem>> -> memref<1x80x128xf32, #tpu.memory_space<vmem>>
        %dma_start3A_637 = tpu.memref_squeeze %dma_start3A_636 : memref<1x80x128xf32, #tpu.memory_space<vmem>> -> memref<80x128xf32, #tpu.memory_space<vmem>>
        %dma_start3A_638 = tpu.memref_slice %arg8[%mul3A_632] : memref<10000xi32, #tpu.memory_space<vmem>> -> memref<80xi32, #tpu.memory_space<vmem>>
        %dma_start3A_639 = arith.constant 0 : i32
        %dma_start3A_640 = arith.constant 0 : i32
        %dma_start3A_641 = tpu.memref_slice %arg4[%dma_start3A_639, %dma_start3A_640] : memref<10000x128xf32, #tpu.memory_space<hbm>> -> memref<10000x128xf32, #tpu.memory_space<hbm>>
        tpu.enqueue_indirect_dma source(%dma_start3A_641 : memref<10000x128xf32, #tpu.memory_space<hbm>>) target(%dma_start3A_637 : memref<80x128xf32, #tpu.memory_space<vmem>>) offsets(%dma_start3A_638 : memref<80xi32, #tpu.memory_space<vmem>>) semaphore(%arg12 : memref<!tpu.dma_semaphore, #tpu.memory_space<semaphore_mem>>)
      } else {
      }
      %add3A_379 = arith.constant 2 : i32
      %add3A_380 = arith.addi %add3A_239, %add3A_379 : i32
      %dma_wait3A_381 = arith.constant 2 : i32
      %dma_wait3A_382 = arith.constant 0 : i32
      %dma_wait3A_383 = arith.constant 0 : i32
      %dma_wait3A_384 = tpu.memref_slice %arg9[%dma_wait3A_381, %dma_wait3A_382, %dma_wait3A_383] : memref<5x80x128xf32, #tpu.memory_space<vmem>> -> memref<1x80x128xf32, #tpu.memory_space<vmem>>
      %dma_wait3A_385 = tpu.memref_squeeze %dma_wait3A_384 : memref<1x80x128xf32, #tpu.memory_space<vmem>> -> memref<80x128xf32, #tpu.memory_space<vmem>>
      %dma_wait3A_386 = arith.constant 0 : i32
      %dma_wait3A_387 = arith.constant 0 : i32
      %dma_wait3A_388 = tpu.memref_slice %arg4[%dma_wait3A_386, %dma_wait3A_387] : memref<10000x128xf32, #tpu.memory_space<hbm>> -> memref<80x128xf32, #tpu.memory_space<hbm>>
      %dma_wait3A_389 = arith.constant 0 : i32
      %dma_wait3A_390 = arith.constant 0 : i32
      %dma_wait3A_391 = tpu.memref_slice %arg9[%dma_wait3A_381, %dma_wait3A_389, %dma_wait3A_390] : memref<5x80x128xf32, #tpu.memory_space<vmem>> -> memref<1x80x128xf32, #tpu.memory_space<vmem>>
      %dma_wait3A_392 = tpu.memref_squeeze %dma_wait3A_391 : memref<1x80x128xf32, #tpu.memory_space<vmem>> -> memref<80x128xf32, #tpu.memory_space<vmem>>
      %dma_wait3A_393 = arith.constant 0 : i32
      %dma_wait3A_394 = arith.constant 0 : i32
      %dma_wait3A_395 = tpu.memref_slice %arg4[%dma_wait3A_393, %dma_wait3A_394] : memref<10000x128xf32, #tpu.memory_space<hbm>> -> memref<80x128xf32, #tpu.memory_space<hbm>>
      tpu.wait_dma2 semaphore(%arg13 : memref<!tpu.dma_semaphore, #tpu.memory_space<semaphore_mem>>) src(%dma_wait3A_395 : memref<80x128xf32, #tpu.memory_space<hbm>>) dst(%dma_wait3A_392 : memref<80x128xf32, #tpu.memory_space<vmem>>)
      %dma_wait3A_396 = arith.constant 2 : i32
      %dma_wait3A_397 = arith.constant 0 : i32
      %dma_wait3A_398 = arith.constant 0 : i32
      %dma_wait3A_399 = tpu.memref_slice %arg10[%dma_wait3A_396, %dma_wait3A_397, %dma_wait3A_398] : memref<5x80x128xf32, #tpu.memory_space<vmem>> -> memref<1x80x128xf32, #tpu.memory_space<vmem>>
      %dma_wait3A_400 = tpu.memref_squeeze %dma_wait3A_399 : memref<1x80x128xf32, #tpu.memory_space<vmem>> -> memref<80x128xf32, #tpu.memory_space<vmem>>
      %dma_wait3A_401 = arith.constant 0 : i32
      %dma_wait3A_402 = arith.constant 0 : i32
      %dma_wait3A_403 = tpu.memref_slice %arg4[%dma_wait3A_401, %dma_wait3A_402] : memref<10000x128xf32, #tpu.memory_space<hbm>> -> memref<80x128xf32, #tpu.memory_space<hbm>>
      %dma_wait3A_404 = arith.constant 0 : i32
      %dma_wait3A_405 = arith.constant 0 : i32
      %dma_wait3A_406 = tpu.memref_slice %arg10[%dma_wait3A_396, %dma_wait3A_404, %dma_wait3A_405] : memref<5x80x128xf32, #tpu.memory_space<vmem>> -> memref<1x80x128xf32, #tpu.memory_space<vmem>>
      %dma_wait3A_407 = tpu.memref_squeeze %dma_wait3A_406 : memref<1x80x128xf32, #tpu.memory_space<vmem>> -> memref<80x128xf32, #tpu.memory_space<vmem>>
      %dma_wait3A_408 = arith.constant 0 : i32
      %dma_wait3A_409 = arith.constant 0 : i32
      %dma_wait3A_410 = tpu.memref_slice %arg4[%dma_wait3A_408, %dma_wait3A_409] : memref<10000x128xf32, #tpu.memory_space<hbm>> -> memref<80x128xf32, #tpu.memory_space<hbm>>
      tpu.wait_dma2 semaphore(%arg13 : memref<!tpu.dma_semaphore, #tpu.memory_space<semaphore_mem>>) src(%dma_wait3A_410 : memref<80x128xf32, #tpu.memory_space<hbm>>) dst(%dma_wait3A_407 : memref<80x128xf32, #tpu.memory_space<vmem>>)
      %mul3A_411 = arith.constant 80 : i32
      %mul3A_412 = arith.muli %add3A_380, %mul3A_411 : i32
      %add3A_413 = arith.addi %mul3A_2, %mul3A_412 : i32
      %dma_start3A_414 = arith.constant 2 : i32
      %dma_start3A_415 = arith.constant 0 : i32
      %dma_start3A_416 = arith.constant 0 : i32
      %dma_start3A_417 = tpu.memref_slice %arg9[%dma_start3A_414, %dma_start3A_415, %dma_start3A_416] : memref<5x80x128xf32, #tpu.memory_space<vmem>> -> memref<1x80x128xf32, #tpu.memory_space<vmem>>
      %dma_start3A_418 = tpu.memref_squeeze %dma_start3A_417 : memref<1x80x128xf32, #tpu.memory_space<vmem>> -> memref<80x128xf32, #tpu.memory_space<vmem>>
      %dma_start3A_419 = arith.constant 0 : i32
      %dma_start3A_420 = tpu.memref_slice %arg5[%add3A_413, %dma_start3A_419] : memref<320000x128xf32, #tpu.memory_space<hbm>> -> memref<80x128xf32, #tpu.memory_space<hbm>>
      %dma_start3A_421 = arith.constant 0 : i32
      %dma_start3A_422 = tpu.memref_slice %arg5[%add3A_413, %dma_start3A_421] : memref<320000x128xf32, #tpu.memory_space<hbm>> -> memref<80x128xf32, #tpu.memory_space<hbm>>
      %dma_start3A_423 = arith.constant 0 : i32
      %dma_start3A_424 = arith.constant 0 : i32
      %dma_start3A_425 = tpu.memref_slice %arg9[%dma_start3A_414, %dma_start3A_423, %dma_start3A_424] : memref<5x80x128xf32, #tpu.memory_space<vmem>> -> memref<1x80x128xf32, #tpu.memory_space<vmem>>
      %dma_start3A_426 = tpu.memref_squeeze %dma_start3A_425 : memref<1x80x128xf32, #tpu.memory_space<vmem>> -> memref<80x128xf32, #tpu.memory_space<vmem>>
      tpu.enqueue_dma source(%dma_start3A_426 : memref<80x128xf32, #tpu.memory_space<vmem>>) target(%dma_start3A_422 : memref<80x128xf32, #tpu.memory_space<hbm>>) target_semaphore(%arg18 : memref<!tpu.dma_semaphore, #tpu.memory_space<semaphore_mem>>)
      %mul3A_427 = arith.constant 80 : i32
      %mul3A_428 = arith.muli %add3A_380, %mul3A_427 : i32
      %add3A_429 = arith.addi %mul3A_2, %mul3A_428 : i32
      %dma_start3A_430 = arith.constant 2 : i32
      %dma_start3A_431 = arith.constant 0 : i32
      %dma_start3A_432 = arith.constant 0 : i32
      %dma_start3A_433 = tpu.memref_slice %arg10[%dma_start3A_430, %dma_start3A_431, %dma_start3A_432] : memref<5x80x128xf32, #tpu.memory_space<vmem>> -> memref<1x80x128xf32, #tpu.memory_space<vmem>>
      %dma_start3A_434 = tpu.memref_squeeze %dma_start3A_433 : memref<1x80x128xf32, #tpu.memory_space<vmem>> -> memref<80x128xf32, #tpu.memory_space<vmem>>
      %dma_start3A_435 = arith.constant 0 : i32
      %dma_start3A_436 = tpu.memref_slice %arg6[%add3A_429, %dma_start3A_435] : memref<320000x128xf32, #tpu.memory_space<hbm>> -> memref<80x128xf32, #tpu.memory_space<hbm>>
      %dma_start3A_437 = arith.constant 0 : i32
      %dma_start3A_438 = tpu.memref_slice %arg6[%add3A_429, %dma_start3A_437] : memref<320000x128xf32, #tpu.memory_space<hbm>> -> memref<80x128xf32, #tpu.memory_space<hbm>>
      %dma_start3A_439 = arith.constant 0 : i32
      %dma_start3A_440 = arith.constant 0 : i32
      %dma_start3A_441 = tpu.memref_slice %arg10[%dma_start3A_430, %dma_start3A_439, %dma_start3A_440] : memref<5x80x128xf32, #tpu.memory_space<vmem>> -> memref<1x80x128xf32, #tpu.memory_space<vmem>>
      %dma_start3A_442 = tpu.memref_squeeze %dma_start3A_441 : memref<1x80x128xf32, #tpu.memory_space<vmem>> -> memref<80x128xf32, #tpu.memory_space<vmem>>
      tpu.enqueue_dma source(%dma_start3A_442 : memref<80x128xf32, #tpu.memory_space<vmem>>) target(%dma_start3A_438 : memref<80x128xf32, #tpu.memory_space<hbm>>) target_semaphore(%arg18 : memref<!tpu.dma_semaphore, #tpu.memory_space<semaphore_mem>>)
      %add3A_443 = arith.constant 5 : i32
      %add3A_444 = arith.addi %add3A_380, %add3A_443 : i32
      %lt3A_445 = arith.constant 125 : i32
      %lt3A_446 = arith.cmpi slt, %add3A_444, %lt3A_445 : i32
      %convert_element_type3A_447 = arith.extui %lt3A_446 : i1 to i32
      %cond3A_448 = arith.constant 0 : i32
      %cond3A_449 = arith.cmpi ne, %convert_element_type3A_447, %cond3A_448 : i32
      scf.if %cond3A_449 {
        %dma_wait3A_592 = arith.constant 2 : i32
        %dma_wait3A_593 = arith.constant 0 : i32
        %dma_wait3A_594 = arith.constant 0 : i32
        %dma_wait3A_595 = tpu.memref_slice %arg9[%dma_wait3A_592, %dma_wait3A_593, %dma_wait3A_594] : memref<5x80x128xf32, #tpu.memory_space<vmem>> -> memref<1x80x128xf32, #tpu.memory_space<vmem>>
        %dma_wait3A_596 = tpu.memref_squeeze %dma_wait3A_595 : memref<1x80x128xf32, #tpu.memory_space<vmem>> -> memref<80x128xf32, #tpu.memory_space<vmem>>
        %dma_wait3A_597 = arith.constant 0 : i32
        %dma_wait3A_598 = tpu.memref_slice %arg5[%mul3A_2, %dma_wait3A_597] : memref<320000x128xf32, #tpu.memory_space<hbm>> -> memref<80x128xf32, #tpu.memory_space<hbm>>
        %dma_wait3A_599 = arith.constant 0 : i32
        %dma_wait3A_600 = tpu.memref_slice %arg5[%mul3A_2, %dma_wait3A_599] : memref<320000x128xf32, #tpu.memory_space<hbm>> -> memref<80x128xf32, #tpu.memory_space<hbm>>
        %dma_wait3A_601 = arith.constant 0 : i32
        %dma_wait3A_602 = arith.constant 0 : i32
        %dma_wait3A_603 = tpu.memref_slice %arg9[%dma_wait3A_592, %dma_wait3A_601, %dma_wait3A_602] : memref<5x80x128xf32, #tpu.memory_space<vmem>> -> memref<1x80x128xf32, #tpu.memory_space<vmem>>
        %dma_wait3A_604 = tpu.memref_squeeze %dma_wait3A_603 : memref<1x80x128xf32, #tpu.memory_space<vmem>> -> memref<80x128xf32, #tpu.memory_space<vmem>>
        tpu.wait_dma2 semaphore(%arg18 : memref<!tpu.dma_semaphore, #tpu.memory_space<semaphore_mem>>) src(%dma_wait3A_604 : memref<80x128xf32, #tpu.memory_space<vmem>>) dst(%dma_wait3A_600 : memref<80x128xf32, #tpu.memory_space<hbm>>)
        %dma_wait3A_605 = arith.constant 2 : i32
        %dma_wait3A_606 = arith.constant 0 : i32
        %dma_wait3A_607 = arith.constant 0 : i32
        %dma_wait3A_608 = tpu.memref_slice %arg10[%dma_wait3A_605, %dma_wait3A_606, %dma_wait3A_607] : memref<5x80x128xf32, #tpu.memory_space<vmem>> -> memref<1x80x128xf32, #tpu.memory_space<vmem>>
        %dma_wait3A_609 = tpu.memref_squeeze %dma_wait3A_608 : memref<1x80x128xf32, #tpu.memory_space<vmem>> -> memref<80x128xf32, #tpu.memory_space<vmem>>
        %dma_wait3A_610 = arith.constant 0 : i32
        %dma_wait3A_611 = tpu.memref_slice %arg6[%mul3A_2, %dma_wait3A_610] : memref<320000x128xf32, #tpu.memory_space<hbm>> -> memref<80x128xf32, #tpu.memory_space<hbm>>
        %dma_wait3A_612 = arith.constant 0 : i32
        %dma_wait3A_613 = tpu.memref_slice %arg6[%mul3A_2, %dma_wait3A_612] : memref<320000x128xf32, #tpu.memory_space<hbm>> -> memref<80x128xf32, #tpu.memory_space<hbm>>
        %dma_wait3A_614 = arith.constant 0 : i32
        %dma_wait3A_615 = arith.constant 0 : i32
        %dma_wait3A_616 = tpu.memref_slice %arg10[%dma_wait3A_605, %dma_wait3A_614, %dma_wait3A_615] : memref<5x80x128xf32, #tpu.memory_space<vmem>> -> memref<1x80x128xf32, #tpu.memory_space<vmem>>
        %dma_wait3A_617 = tpu.memref_squeeze %dma_wait3A_616 : memref<1x80x128xf32, #tpu.memory_space<vmem>> -> memref<80x128xf32, #tpu.memory_space<vmem>>
        tpu.wait_dma2 semaphore(%arg18 : memref<!tpu.dma_semaphore, #tpu.memory_space<semaphore_mem>>) src(%dma_wait3A_617 : memref<80x128xf32, #tpu.memory_space<vmem>>) dst(%dma_wait3A_613 : memref<80x128xf32, #tpu.memory_space<hbm>>)
        %add3A_618 = arith.constant 5 : i32
        %add3A_619 = arith.addi %add3A_380, %add3A_618 : i32
        %mul3A_620 = arith.constant 80 : i32
        %mul3A_621 = arith.muli %add3A_619, %mul3A_620 : i32
        %dma_start3A_622 = arith.constant 2 : i32
        %dma_start3A_623 = arith.constant 0 : i32
        %dma_start3A_624 = arith.constant 0 : i32
        %dma_start3A_625 = tpu.memref_slice %arg9[%dma_start3A_622, %dma_start3A_623, %dma_start3A_624] : memref<5x80x128xf32, #tpu.memory_space<vmem>> -> memref<1x80x128xf32, #tpu.memory_space<vmem>>
        %dma_start3A_626 = tpu.memref_squeeze %dma_start3A_625 : memref<1x80x128xf32, #tpu.memory_space<vmem>> -> memref<80x128xf32, #tpu.memory_space<vmem>>
        %dma_start3A_627 = tpu.memref_slice %arg7[%mul3A_621] : memref<10000xi32, #tpu.memory_space<vmem>> -> memref<80xi32, #tpu.memory_space<vmem>>
        %dma_start3A_628 = arith.constant 0 : i32
        %dma_start3A_629 = arith.constant 0 : i32
        %dma_start3A_630 = tpu.memref_slice %arg4[%dma_start3A_628, %dma_start3A_629] : memref<10000x128xf32, #tpu.memory_space<hbm>> -> memref<10000x128xf32, #tpu.memory_space<hbm>>
        tpu.enqueue_indirect_dma source(%dma_start3A_630 : memref<10000x128xf32, #tpu.memory_space<hbm>>) target(%dma_start3A_626 : memref<80x128xf32, #tpu.memory_space<vmem>>) offsets(%dma_start3A_627 : memref<80xi32, #tpu.memory_space<vmem>>) semaphore(%arg13 : memref<!tpu.dma_semaphore, #tpu.memory_space<semaphore_mem>>)
        %mul3A_631 = arith.constant 80 : i32
        %mul3A_632 = arith.muli %add3A_619, %mul3A_631 : i32
        %dma_start3A_633 = arith.constant 2 : i32
        %dma_start3A_634 = arith.constant 0 : i32
        %dma_start3A_635 = arith.constant 0 : i32
        %dma_start3A_636 = tpu.memref_slice %arg10[%dma_start3A_633, %dma_start3A_634, %dma_start3A_635] : memref<5x80x128xf32, #tpu.memory_space<vmem>> -> memref<1x80x128xf32, #tpu.memory_space<vmem>>
        %dma_start3A_637 = tpu.memref_squeeze %dma_start3A_636 : memref<1x80x128xf32, #tpu.memory_space<vmem>> -> memref<80x128xf32, #tpu.memory_space<vmem>>
        %dma_start3A_638 = tpu.memref_slice %arg8[%mul3A_632] : memref<10000xi32, #tpu.memory_space<vmem>> -> memref<80xi32, #tpu.memory_space<vmem>>
        %dma_start3A_639 = arith.constant 0 : i32
        %dma_start3A_640 = arith.constant 0 : i32
        %dma_start3A_641 = tpu.memref_slice %arg4[%dma_start3A_639, %dma_start3A_640] : memref<10000x128xf32, #tpu.memory_space<hbm>> -> memref<10000x128xf32, #tpu.memory_space<hbm>>
        tpu.enqueue_indirect_dma source(%dma_start3A_641 : memref<10000x128xf32, #tpu.memory_space<hbm>>) target(%dma_start3A_637 : memref<80x128xf32, #tpu.memory_space<vmem>>) offsets(%dma_start3A_638 : memref<80xi32, #tpu.memory_space<vmem>>) semaphore(%arg13 : memref<!tpu.dma_semaphore, #tpu.memory_space<semaphore_mem>>)
      } else {
      }
      %add3A_450 = arith.constant 3 : i32
      %add3A_451 = arith.addi %add3A_239, %add3A_450 : i32
      %dma_wait3A_452 = arith.constant 3 : i32
      %dma_wait3A_453 = arith.constant 0 : i32
      %dma_wait3A_454 = arith.constant 0 : i32
      %dma_wait3A_455 = tpu.memref_slice %arg9[%dma_wait3A_452, %dma_wait3A_453, %dma_wait3A_454] : memref<5x80x128xf32, #tpu.memory_space<vmem>> -> memref<1x80x128xf32, #tpu.memory_space<vmem>>
      %dma_wait3A_456 = tpu.memref_squeeze %dma_wait3A_455 : memref<1x80x128xf32, #tpu.memory_space<vmem>> -> memref<80x128xf32, #tpu.memory_space<vmem>>
      %dma_wait3A_457 = arith.constant 0 : i32
      %dma_wait3A_458 = arith.constant 0 : i32
      %dma_wait3A_459 = tpu.memref_slice %arg4[%dma_wait3A_457, %dma_wait3A_458] : memref<10000x128xf32, #tpu.memory_space<hbm>> -> memref<80x128xf32, #tpu.memory_space<hbm>>
      %dma_wait3A_460 = arith.constant 0 : i32
      %dma_wait3A_461 = arith.constant 0 : i32
      %dma_wait3A_462 = tpu.memref_slice %arg9[%dma_wait3A_452, %dma_wait3A_460, %dma_wait3A_461] : memref<5x80x128xf32, #tpu.memory_space<vmem>> -> memref<1x80x128xf32, #tpu.memory_space<vmem>>
      %dma_wait3A_463 = tpu.memref_squeeze %dma_wait3A_462 : memref<1x80x128xf32, #tpu.memory_space<vmem>> -> memref<80x128xf32, #tpu.memory_space<vmem>>
      %dma_wait3A_464 = arith.constant 0 : i32
      %dma_wait3A_465 = arith.constant 0 : i32
      %dma_wait3A_466 = tpu.memref_slice %arg4[%dma_wait3A_464, %dma_wait3A_465] : memref<10000x128xf32, #tpu.memory_space<hbm>> -> memref<80x128xf32, #tpu.memory_space<hbm>>
      tpu.wait_dma2 semaphore(%arg14 : memref<!tpu.dma_semaphore, #tpu.memory_space<semaphore_mem>>) src(%dma_wait3A_466 : memref<80x128xf32, #tpu.memory_space<hbm>>) dst(%dma_wait3A_463 : memref<80x128xf32, #tpu.memory_space<vmem>>)
      %dma_wait3A_467 = arith.constant 3 : i32
      %dma_wait3A_468 = arith.constant 0 : i32
      %dma_wait3A_469 = arith.constant 0 : i32
      %dma_wait3A_470 = tpu.memref_slice %arg10[%dma_wait3A_467, %dma_wait3A_468, %dma_wait3A_469] : memref<5x80x128xf32, #tpu.memory_space<vmem>> -> memref<1x80x128xf32, #tpu.memory_space<vmem>>
      %dma_wait3A_471 = tpu.memref_squeeze %dma_wait3A_470 : memref<1x80x128xf32, #tpu.memory_space<vmem>> -> memref<80x128xf32, #tpu.memory_space<vmem>>
      %dma_wait3A_472 = arith.constant 0 : i32
      %dma_wait3A_473 = arith.constant 0 : i32
      %dma_wait3A_474 = tpu.memref_slice %arg4[%dma_wait3A_472, %dma_wait3A_473] : memref<10000x128xf32, #tpu.memory_space<hbm>> -> memref<80x128xf32, #tpu.memory_space<hbm>>
      %dma_wait3A_475 = arith.constant 0 : i32
      %dma_wait3A_476 = arith.constant 0 : i32
      %dma_wait3A_477 = tpu.memref_slice %arg10[%dma_wait3A_467, %dma_wait3A_475, %dma_wait3A_476] : memref<5x80x128xf32, #tpu.memory_space<vmem>> -> memref<1x80x128xf32, #tpu.memory_space<vmem>>
      %dma_wait3A_478 = tpu.memref_squeeze %dma_wait3A_477 : memref<1x80x128xf32, #tpu.memory_space<vmem>> -> memref<80x128xf32, #tpu.memory_space<vmem>>
      %dma_wait3A_479 = arith.constant 0 : i32
      %dma_wait3A_480 = arith.constant 0 : i32
      %dma_wait3A_481 = tpu.memref_slice %arg4[%dma_wait3A_479, %dma_wait3A_480] : memref<10000x128xf32, #tpu.memory_space<hbm>> -> memref<80x128xf32, #tpu.memory_space<hbm>>
      tpu.wait_dma2 semaphore(%arg14 : memref<!tpu.dma_semaphore, #tpu.memory_space<semaphore_mem>>) src(%dma_wait3A_481 : memref<80x128xf32, #tpu.memory_space<hbm>>) dst(%dma_wait3A_478 : memref<80x128xf32, #tpu.memory_space<vmem>>)
      %mul3A_482 = arith.constant 80 : i32
      %mul3A_483 = arith.muli %add3A_451, %mul3A_482 : i32
      %add3A_484 = arith.addi %mul3A_2, %mul3A_483 : i32
      %dma_start3A_485 = arith.constant 3 : i32
      %dma_start3A_486 = arith.constant 0 : i32
      %dma_start3A_487 = arith.constant 0 : i32
      %dma_start3A_488 = tpu.memref_slice %arg9[%dma_start3A_485, %dma_start3A_486, %dma_start3A_487] : memref<5x80x128xf32, #tpu.memory_space<vmem>> -> memref<1x80x128xf32, #tpu.memory_space<vmem>>
      %dma_start3A_489 = tpu.memref_squeeze %dma_start3A_488 : memref<1x80x128xf32, #tpu.memory_space<vmem>> -> memref<80x128xf32, #tpu.memory_space<vmem>>
      %dma_start3A_490 = arith.constant 0 : i32
      %dma_start3A_491 = tpu.memref_slice %arg5[%add3A_484, %dma_start3A_490] : memref<320000x128xf32, #tpu.memory_space<hbm>> -> memref<80x128xf32, #tpu.memory_space<hbm>>
      %dma_start3A_492 = arith.constant 0 : i32
      %dma_start3A_493 = tpu.memref_slice %arg5[%add3A_484, %dma_start3A_492] : memref<320000x128xf32, #tpu.memory_space<hbm>> -> memref<80x128xf32, #tpu.memory_space<hbm>>
      %dma_start3A_494 = arith.constant 0 : i32
      %dma_start3A_495 = arith.constant 0 : i32
      %dma_start3A_496 = tpu.memref_slice %arg9[%dma_start3A_485, %dma_start3A_494, %dma_start3A_495] : memref<5x80x128xf32, #tpu.memory_space<vmem>> -> memref<1x80x128xf32, #tpu.memory_space<vmem>>
      %dma_start3A_497 = tpu.memref_squeeze %dma_start3A_496 : memref<1x80x128xf32, #tpu.memory_space<vmem>> -> memref<80x128xf32, #tpu.memory_space<vmem>>
      tpu.enqueue_dma source(%dma_start3A_497 : memref<80x128xf32, #tpu.memory_space<vmem>>) target(%dma_start3A_493 : memref<80x128xf32, #tpu.memory_space<hbm>>) target_semaphore(%arg19 : memref<!tpu.dma_semaphore, #tpu.memory_space<semaphore_mem>>)
      %mul3A_498 = arith.constant 80 : i32
      %mul3A_499 = arith.muli %add3A_451, %mul3A_498 : i32
      %add3A_500 = arith.addi %mul3A_2, %mul3A_499 : i32
      %dma_start3A_501 = arith.constant 3 : i32
      %dma_start3A_502 = arith.constant 0 : i32
      %dma_start3A_503 = arith.constant 0 : i32
      %dma_start3A_504 = tpu.memref_slice %arg10[%dma_start3A_501, %dma_start3A_502, %dma_start3A_503] : memref<5x80x128xf32, #tpu.memory_space<vmem>> -> memref<1x80x128xf32, #tpu.memory_space<vmem>>
      %dma_start3A_505 = tpu.memref_squeeze %dma_start3A_504 : memref<1x80x128xf32, #tpu.memory_space<vmem>> -> memref<80x128xf32, #tpu.memory_space<vmem>>
      %dma_start3A_506 = arith.constant 0 : i32
      %dma_start3A_507 = tpu.memref_slice %arg6[%add3A_500, %dma_start3A_506] : memref<320000x128xf32, #tpu.memory_space<hbm>> -> memref<80x128xf32, #tpu.memory_space<hbm>>
      %dma_start3A_508 = arith.constant 0 : i32
      %dma_start3A_509 = tpu.memref_slice %arg6[%add3A_500, %dma_start3A_508] : memref<320000x128xf32, #tpu.memory_space<hbm>> -> memref<80x128xf32, #tpu.memory_space<hbm>>
      %dma_start3A_510 = arith.constant 0 : i32
      %dma_start3A_511 = arith.constant 0 : i32
      %dma_start3A_512 = tpu.memref_slice %arg10[%dma_start3A_501, %dma_start3A_510, %dma_start3A_511] : memref<5x80x128xf32, #tpu.memory_space<vmem>> -> memref<1x80x128xf32, #tpu.memory_space<vmem>>
      %dma_start3A_513 = tpu.memref_squeeze %dma_start3A_512 : memref<1x80x128xf32, #tpu.memory_space<vmem>> -> memref<80x128xf32, #tpu.memory_space<vmem>>
      tpu.enqueue_dma source(%dma_start3A_513 : memref<80x128xf32, #tpu.memory_space<vmem>>) target(%dma_start3A_509 : memref<80x128xf32, #tpu.memory_space<hbm>>) target_semaphore(%arg19 : memref<!tpu.dma_semaphore, #tpu.memory_space<semaphore_mem>>)
      %add3A_514 = arith.constant 5 : i32
      %add3A_515 = arith.addi %add3A_451, %add3A_514 : i32
      %lt3A_516 = arith.constant 125 : i32
      %lt3A_517 = arith.cmpi slt, %add3A_515, %lt3A_516 : i32
      %convert_element_type3A_518 = arith.extui %lt3A_517 : i1 to i32
      %cond3A_519 = arith.constant 0 : i32
      %cond3A_520 = arith.cmpi ne, %convert_element_type3A_518, %cond3A_519 : i32
      scf.if %cond3A_520 {
        %dma_wait3A_592 = arith.constant 3 : i32
        %dma_wait3A_593 = arith.constant 0 : i32
        %dma_wait3A_594 = arith.constant 0 : i32
        %dma_wait3A_595 = tpu.memref_slice %arg9[%dma_wait3A_592, %dma_wait3A_593, %dma_wait3A_594] : memref<5x80x128xf32, #tpu.memory_space<vmem>> -> memref<1x80x128xf32, #tpu.memory_space<vmem>>
        %dma_wait3A_596 = tpu.memref_squeeze %dma_wait3A_595 : memref<1x80x128xf32, #tpu.memory_space<vmem>> -> memref<80x128xf32, #tpu.memory_space<vmem>>
        %dma_wait3A_597 = arith.constant 0 : i32
        %dma_wait3A_598 = tpu.memref_slice %arg5[%mul3A_2, %dma_wait3A_597] : memref<320000x128xf32, #tpu.memory_space<hbm>> -> memref<80x128xf32, #tpu.memory_space<hbm>>
        %dma_wait3A_599 = arith.constant 0 : i32
        %dma_wait3A_600 = tpu.memref_slice %arg5[%mul3A_2, %dma_wait3A_599] : memref<320000x128xf32, #tpu.memory_space<hbm>> -> memref<80x128xf32, #tpu.memory_space<hbm>>
        %dma_wait3A_601 = arith.constant 0 : i32
        %dma_wait3A_602 = arith.constant 0 : i32
        %dma_wait3A_603 = tpu.memref_slice %arg9[%dma_wait3A_592, %dma_wait3A_601, %dma_wait3A_602] : memref<5x80x128xf32, #tpu.memory_space<vmem>> -> memref<1x80x128xf32, #tpu.memory_space<vmem>>
        %dma_wait3A_604 = tpu.memref_squeeze %dma_wait3A_603 : memref<1x80x128xf32, #tpu.memory_space<vmem>> -> memref<80x128xf32, #tpu.memory_space<vmem>>
        tpu.wait_dma2 semaphore(%arg19 : memref<!tpu.dma_semaphore, #tpu.memory_space<semaphore_mem>>) src(%dma_wait3A_604 : memref<80x128xf32, #tpu.memory_space<vmem>>) dst(%dma_wait3A_600 : memref<80x128xf32, #tpu.memory_space<hbm>>)
        %dma_wait3A_605 = arith.constant 3 : i32
        %dma_wait3A_606 = arith.constant 0 : i32
        %dma_wait3A_607 = arith.constant 0 : i32
        %dma_wait3A_608 = tpu.memref_slice %arg10[%dma_wait3A_605, %dma_wait3A_606, %dma_wait3A_607] : memref<5x80x128xf32, #tpu.memory_space<vmem>> -> memref<1x80x128xf32, #tpu.memory_space<vmem>>
        %dma_wait3A_609 = tpu.memref_squeeze %dma_wait3A_608 : memref<1x80x128xf32, #tpu.memory_space<vmem>> -> memref<80x128xf32, #tpu.memory_space<vmem>>
        %dma_wait3A_610 = arith.constant 0 : i32
        %dma_wait3A_611 = tpu.memref_slice %arg6[%mul3A_2, %dma_wait3A_610] : memref<320000x128xf32, #tpu.memory_space<hbm>> -> memref<80x128xf32, #tpu.memory_space<hbm>>
        %dma_wait3A_612 = arith.constant 0 : i32
        %dma_wait3A_613 = tpu.memref_slice %arg6[%mul3A_2, %dma_wait3A_612] : memref<320000x128xf32, #tpu.memory_space<hbm>> -> memref<80x128xf32, #tpu.memory_space<hbm>>
        %dma_wait3A_614 = arith.constant 0 : i32
        %dma_wait3A_615 = arith.constant 0 : i32
        %dma_wait3A_616 = tpu.memref_slice %arg10[%dma_wait3A_605, %dma_wait3A_614, %dma_wait3A_615] : memref<5x80x128xf32, #tpu.memory_space<vmem>> -> memref<1x80x128xf32, #tpu.memory_space<vmem>>
        %dma_wait3A_617 = tpu.memref_squeeze %dma_wait3A_616 : memref<1x80x128xf32, #tpu.memory_space<vmem>> -> memref<80x128xf32, #tpu.memory_space<vmem>>
        tpu.wait_dma2 semaphore(%arg19 : memref<!tpu.dma_semaphore, #tpu.memory_space<semaphore_mem>>) src(%dma_wait3A_617 : memref<80x128xf32, #tpu.memory_space<vmem>>) dst(%dma_wait3A_613 : memref<80x128xf32, #tpu.memory_space<hbm>>)
        %add3A_618 = arith.constant 5 : i32
        %add3A_619 = arith.addi %add3A_451, %add3A_618 : i32
        %mul3A_620 = arith.constant 80 : i32
        %mul3A_621 = arith.muli %add3A_619, %mul3A_620 : i32
        %dma_start3A_622 = arith.constant 3 : i32
        %dma_start3A_623 = arith.constant 0 : i32
        %dma_start3A_624 = arith.constant 0 : i32
        %dma_start3A_625 = tpu.memref_slice %arg9[%dma_start3A_622, %dma_start3A_623, %dma_start3A_624] : memref<5x80x128xf32, #tpu.memory_space<vmem>> -> memref<1x80x128xf32, #tpu.memory_space<vmem>>
        %dma_start3A_626 = tpu.memref_squeeze %dma_start3A_625 : memref<1x80x128xf32, #tpu.memory_space<vmem>> -> memref<80x128xf32, #tpu.memory_space<vmem>>
        %dma_start3A_627 = tpu.memref_slice %arg7[%mul3A_621] : memref<10000xi32, #tpu.memory_space<vmem>> -> memref<80xi32, #tpu.memory_space<vmem>>
        %dma_start3A_628 = arith.constant 0 : i32
        %dma_start3A_629 = arith.constant 0 : i32
        %dma_start3A_630 = tpu.memref_slice %arg4[%dma_start3A_628, %dma_start3A_629] : memref<10000x128xf32, #tpu.memory_space<hbm>> -> memref<10000x128xf32, #tpu.memory_space<hbm>>
        tpu.enqueue_indirect_dma source(%dma_start3A_630 : memref<10000x128xf32, #tpu.memory_space<hbm>>) target(%dma_start3A_626 : memref<80x128xf32, #tpu.memory_space<vmem>>) offsets(%dma_start3A_627 : memref<80xi32, #tpu.memory_space<vmem>>) semaphore(%arg14 : memref<!tpu.dma_semaphore, #tpu.memory_space<semaphore_mem>>)
        %mul3A_631 = arith.constant 80 : i32
        %mul3A_632 = arith.muli %add3A_619, %mul3A_631 : i32
        %dma_start3A_633 = arith.constant 3 : i32
        %dma_start3A_634 = arith.constant 0 : i32
        %dma_start3A_635 = arith.constant 0 : i32
        %dma_start3A_636 = tpu.memref_slice %arg10[%dma_start3A_633, %dma_start3A_634, %dma_start3A_635] : memref<5x80x128xf32, #tpu.memory_space<vmem>> -> memref<1x80x128xf32, #tpu.memory_space<vmem>>
        %dma_start3A_637 = tpu.memref_squeeze %dma_start3A_636 : memref<1x80x128xf32, #tpu.memory_space<vmem>> -> memref<80x128xf32, #tpu.memory_space<vmem>>
        %dma_start3A_638 = tpu.memref_slice %arg8[%mul3A_632] : memref<10000xi32, #tpu.memory_space<vmem>> -> memref<80xi32, #tpu.memory_space<vmem>>
        %dma_start3A_639 = arith.constant 0 : i32
        %dma_start3A_640 = arith.constant 0 : i32
        %dma_start3A_641 = tpu.memref_slice %arg4[%dma_start3A_639, %dma_start3A_640] : memref<10000x128xf32, #tpu.memory_space<hbm>> -> memref<10000x128xf32, #tpu.memory_space<hbm>>
        tpu.enqueue_indirect_dma source(%dma_start3A_641 : memref<10000x128xf32, #tpu.memory_space<hbm>>) target(%dma_start3A_637 : memref<80x128xf32, #tpu.memory_space<vmem>>) offsets(%dma_start3A_638 : memref<80xi32, #tpu.memory_space<vmem>>) semaphore(%arg14 : memref<!tpu.dma_semaphore, #tpu.memory_space<semaphore_mem>>)
      } else {
      }
      %add3A_521 = arith.constant 4 : i32
      %add3A_522 = arith.addi %add3A_239, %add3A_521 : i32
      %dma_wait3A_523 = arith.constant 4 : i32
      %dma_wait3A_524 = arith.constant 0 : i32
      %dma_wait3A_525 = arith.constant 0 : i32
      %dma_wait3A_526 = tpu.memref_slice %arg9[%dma_wait3A_523, %dma_wait3A_524, %dma_wait3A_525] : memref<5x80x128xf32, #tpu.memory_space<vmem>> -> memref<1x80x128xf32, #tpu.memory_space<vmem>>
      %dma_wait3A_527 = tpu.memref_squeeze %dma_wait3A_526 : memref<1x80x128xf32, #tpu.memory_space<vmem>> -> memref<80x128xf32, #tpu.memory_space<vmem>>
      %dma_wait3A_528 = arith.constant 0 : i32
      %dma_wait3A_529 = arith.constant 0 : i32
      %dma_wait3A_530 = tpu.memref_slice %arg4[%dma_wait3A_528, %dma_wait3A_529] : memref<10000x128xf32, #tpu.memory_space<hbm>> -> memref<80x128xf32, #tpu.memory_space<hbm>>
      %dma_wait3A_531 = arith.constant 0 : i32
      %dma_wait3A_532 = arith.constant 0 : i32
      %dma_wait3A_533 = tpu.memref_slice %arg9[%dma_wait3A_523, %dma_wait3A_531, %dma_wait3A_532] : memref<5x80x128xf32, #tpu.memory_space<vmem>> -> memref<1x80x128xf32, #tpu.memory_space<vmem>>
      %dma_wait3A_534 = tpu.memref_squeeze %dma_wait3A_533 : memref<1x80x128xf32, #tpu.memory_space<vmem>> -> memref<80x128xf32, #tpu.memory_space<vmem>>
      %dma_wait3A_535 = arith.constant 0 : i32
      %dma_wait3A_536 = arith.constant 0 : i32
      %dma_wait3A_537 = tpu.memref_slice %arg4[%dma_wait3A_535, %dma_wait3A_536] : memref<10000x128xf32, #tpu.memory_space<hbm>> -> memref<80x128xf32, #tpu.memory_space<hbm>>
      tpu.wait_dma2 semaphore(%arg15 : memref<!tpu.dma_semaphore, #tpu.memory_space<semaphore_mem>>) src(%dma_wait3A_537 : memref<80x128xf32, #tpu.memory_space<hbm>>) dst(%dma_wait3A_534 : memref<80x128xf32, #tpu.memory_space<vmem>>)
      %dma_wait3A_538 = arith.constant 4 : i32
      %dma_wait3A_539 = arith.constant 0 : i32
      %dma_wait3A_540 = arith.constant 0 : i32
      %dma_wait3A_541 = tpu.memref_slice %arg10[%dma_wait3A_538, %dma_wait3A_539, %dma_wait3A_540] : memref<5x80x128xf32, #tpu.memory_space<vmem>> -> memref<1x80x128xf32, #tpu.memory_space<vmem>>
      %dma_wait3A_542 = tpu.memref_squeeze %dma_wait3A_541 : memref<1x80x128xf32, #tpu.memory_space<vmem>> -> memref<80x128xf32, #tpu.memory_space<vmem>>
      %dma_wait3A_543 = arith.constant 0 : i32
      %dma_wait3A_544 = arith.constant 0 : i32
      %dma_wait3A_545 = tpu.memref_slice %arg4[%dma_wait3A_543, %dma_wait3A_544] : memref<10000x128xf32, #tpu.memory_space<hbm>> -> memref<80x128xf32, #tpu.memory_space<hbm>>
      %dma_wait3A_546 = arith.constant 0 : i32
      %dma_wait3A_547 = arith.constant 0 : i32
      %dma_wait3A_548 = tpu.memref_slice %arg10[%dma_wait3A_538, %dma_wait3A_546, %dma_wait3A_547] : memref<5x80x128xf32, #tpu.memory_space<vmem>> -> memref<1x80x128xf32, #tpu.memory_space<vmem>>
      %dma_wait3A_549 = tpu.memref_squeeze %dma_wait3A_548 : memref<1x80x128xf32, #tpu.memory_space<vmem>> -> memref<80x128xf32, #tpu.memory_space<vmem>>
      %dma_wait3A_550 = arith.constant 0 : i32
      %dma_wait3A_551 = arith.constant 0 : i32
      %dma_wait3A_552 = tpu.memref_slice %arg4[%dma_wait3A_550, %dma_wait3A_551] : memref<10000x128xf32, #tpu.memory_space<hbm>> -> memref<80x128xf32, #tpu.memory_space<hbm>>
      tpu.wait_dma2 semaphore(%arg15 : memref<!tpu.dma_semaphore, #tpu.memory_space<semaphore_mem>>) src(%dma_wait3A_552 : memref<80x128xf32, #tpu.memory_space<hbm>>) dst(%dma_wait3A_549 : memref<80x128xf32, #tpu.memory_space<vmem>>)
      %mul3A_553 = arith.constant 80 : i32
      %mul3A_554 = arith.muli %add3A_522, %mul3A_553 : i32
      %add3A_555 = arith.addi %mul3A_2, %mul3A_554 : i32
      %dma_start3A_556 = arith.constant 4 : i32
      %dma_start3A_557 = arith.constant 0 : i32
      %dma_start3A_558 = arith.constant 0 : i32
      %dma_start3A_559 = tpu.memref_slice %arg9[%dma_start3A_556, %dma_start3A_557, %dma_start3A_558] : memref<5x80x128xf32, #tpu.memory_space<vmem>> -> memref<1x80x128xf32, #tpu.memory_space<vmem>>
      %dma_start3A_560 = tpu.memref_squeeze %dma_start3A_559 : memref<1x80x128xf32, #tpu.memory_space<vmem>> -> memref<80x128xf32, #tpu.memory_space<vmem>>
      %dma_start3A_561 = arith.constant 0 : i32
      %dma_start3A_562 = tpu.memref_slice %arg5[%add3A_555, %dma_start3A_561] : memref<320000x128xf32, #tpu.memory_space<hbm>> -> memref<80x128xf32, #tpu.memory_space<hbm>>
      %dma_start3A_563 = arith.constant 0 : i32
      %dma_start3A_564 = tpu.memref_slice %arg5[%add3A_555, %dma_start3A_563] : memref<320000x128xf32, #tpu.memory_space<hbm>> -> memref<80x128xf32, #tpu.memory_space<hbm>>
      %dma_start3A_565 = arith.constant 0 : i32
      %dma_start3A_566 = arith.constant 0 : i32
      %dma_start3A_567 = tpu.memref_slice %arg9[%dma_start3A_556, %dma_start3A_565, %dma_start3A_566] : memref<5x80x128xf32, #tpu.memory_space<vmem>> -> memref<1x80x128xf32, #tpu.memory_space<vmem>>
      %dma_start3A_568 = tpu.memref_squeeze %dma_start3A_567 : memref<1x80x128xf32, #tpu.memory_space<vmem>> -> memref<80x128xf32, #tpu.memory_space<vmem>>
      tpu.enqueue_dma source(%dma_start3A_568 : memref<80x128xf32, #tpu.memory_space<vmem>>) target(%dma_start3A_564 : memref<80x128xf32, #tpu.memory_space<hbm>>) target_semaphore(%arg20 : memref<!tpu.dma_semaphore, #tpu.memory_space<semaphore_mem>>)
      %mul3A_569 = arith.constant 80 : i32
      %mul3A_570 = arith.muli %add3A_522, %mul3A_569 : i32
      %add3A_571 = arith.addi %mul3A_2, %mul3A_570 : i32
      %dma_start3A_572 = arith.constant 4 : i32
      %dma_start3A_573 = arith.constant 0 : i32
      %dma_start3A_574 = arith.constant 0 : i32
      %dma_start3A_575 = tpu.memref_slice %arg10[%dma_start3A_572, %dma_start3A_573, %dma_start3A_574] : memref<5x80x128xf32, #tpu.memory_space<vmem>> -> memref<1x80x128xf32, #tpu.memory_space<vmem>>
      %dma_start3A_576 = tpu.memref_squeeze %dma_start3A_575 : memref<1x80x128xf32, #tpu.memory_space<vmem>> -> memref<80x128xf32, #tpu.memory_space<vmem>>
      %dma_start3A_577 = arith.constant 0 : i32
      %dma_start3A_578 = tpu.memref_slice %arg6[%add3A_571, %dma_start3A_577] : memref<320000x128xf32, #tpu.memory_space<hbm>> -> memref<80x128xf32, #tpu.memory_space<hbm>>
      %dma_start3A_579 = arith.constant 0 : i32
      %dma_start3A_580 = tpu.memref_slice %arg6[%add3A_571, %dma_start3A_579] : memref<320000x128xf32, #tpu.memory_space<hbm>> -> memref<80x128xf32, #tpu.memory_space<hbm>>
      %dma_start3A_581 = arith.constant 0 : i32
      %dma_start3A_582 = arith.constant 0 : i32
      %dma_start3A_583 = tpu.memref_slice %arg10[%dma_start3A_572, %dma_start3A_581, %dma_start3A_582] : memref<5x80x128xf32, #tpu.memory_space<vmem>> -> memref<1x80x128xf32, #tpu.memory_space<vmem>>
      %dma_start3A_584 = tpu.memref_squeeze %dma_start3A_583 : memref<1x80x128xf32, #tpu.memory_space<vmem>> -> memref<80x128xf32, #tpu.memory_space<vmem>>
      tpu.enqueue_dma source(%dma_start3A_584 : memref<80x128xf32, #tpu.memory_space<vmem>>) target(%dma_start3A_580 : memref<80x128xf32, #tpu.memory_space<hbm>>) target_semaphore(%arg20 : memref<!tpu.dma_semaphore, #tpu.memory_space<semaphore_mem>>)
      %add3A_585 = arith.constant 5 : i32
      %add3A_586 = arith.addi %add3A_522, %add3A_585 : i32
      %lt3A_587 = arith.constant 125 : i32
      %lt3A_588 = arith.cmpi slt, %add3A_586, %lt3A_587 : i32
      %convert_element_type3A_589 = arith.extui %lt3A_588 : i1 to i32
      %cond3A_590 = arith.constant 0 : i32
      %cond3A_591 = arith.cmpi ne, %convert_element_type3A_589, %cond3A_590 : i32
      scf.if %cond3A_591 {
        %dma_wait3A_592 = arith.constant 4 : i32
        %dma_wait3A_593 = arith.constant 0 : i32
        %dma_wait3A_594 = arith.constant 0 : i32
        %dma_wait3A_595 = tpu.memref_slice %arg9[%dma_wait3A_592, %dma_wait3A_593, %dma_wait3A_594] : memref<5x80x128xf32, #tpu.memory_space<vmem>> -> memref<1x80x128xf32, #tpu.memory_space<vmem>>
        %dma_wait3A_596 = tpu.memref_squeeze %dma_wait3A_595 : memref<1x80x128xf32, #tpu.memory_space<vmem>> -> memref<80x128xf32, #tpu.memory_space<vmem>>
        %dma_wait3A_597 = arith.constant 0 : i32
        %dma_wait3A_598 = tpu.memref_slice %arg5[%mul3A_2, %dma_wait3A_597] : memref<320000x128xf32, #tpu.memory_space<hbm>> -> memref<80x128xf32, #tpu.memory_space<hbm>>
        %dma_wait3A_599 = arith.constant 0 : i32
        %dma_wait3A_600 = tpu.memref_slice %arg5[%mul3A_2, %dma_wait3A_599] : memref<320000x128xf32, #tpu.memory_space<hbm>> -> memref<80x128xf32, #tpu.memory_space<hbm>>
        %dma_wait3A_601 = arith.constant 0 : i32
        %dma_wait3A_602 = arith.constant 0 : i32
        %dma_wait3A_603 = tpu.memref_slice %arg9[%dma_wait3A_592, %dma_wait3A_601, %dma_wait3A_602] : memref<5x80x128xf32, #tpu.memory_space<vmem>> -> memref<1x80x128xf32, #tpu.memory_space<vmem>>
        %dma_wait3A_604 = tpu.memref_squeeze %dma_wait3A_603 : memref<1x80x128xf32, #tpu.memory_space<vmem>> -> memref<80x128xf32, #tpu.memory_space<vmem>>
        tpu.wait_dma2 semaphore(%arg20 : memref<!tpu.dma_semaphore, #tpu.memory_space<semaphore_mem>>) src(%dma_wait3A_604 : memref<80x128xf32, #tpu.memory_space<vmem>>) dst(%dma_wait3A_600 : memref<80x128xf32, #tpu.memory_space<hbm>>)
        %dma_wait3A_605 = arith.constant 4 : i32
        %dma_wait3A_606 = arith.constant 0 : i32
        %dma_wait3A_607 = arith.constant 0 : i32
        %dma_wait3A_608 = tpu.memref_slice %arg10[%dma_wait3A_605, %dma_wait3A_606, %dma_wait3A_607] : memref<5x80x128xf32, #tpu.memory_space<vmem>> -> memref<1x80x128xf32, #tpu.memory_space<vmem>>
        %dma_wait3A_609 = tpu.memref_squeeze %dma_wait3A_608 : memref<1x80x128xf32, #tpu.memory_space<vmem>> -> memref<80x128xf32, #tpu.memory_space<vmem>>
        %dma_wait3A_610 = arith.constant 0 : i32
        %dma_wait3A_611 = tpu.memref_slice %arg6[%mul3A_2, %dma_wait3A_610] : memref<320000x128xf32, #tpu.memory_space<hbm>> -> memref<80x128xf32, #tpu.memory_space<hbm>>
        %dma_wait3A_612 = arith.constant 0 : i32
        %dma_wait3A_613 = tpu.memref_slice %arg6[%mul3A_2, %dma_wait3A_612] : memref<320000x128xf32, #tpu.memory_space<hbm>> -> memref<80x128xf32, #tpu.memory_space<hbm>>
        %dma_wait3A_614 = arith.constant 0 : i32
        %dma_wait3A_615 = arith.constant 0 : i32
        %dma_wait3A_616 = tpu.memref_slice %arg10[%dma_wait3A_605, %dma_wait3A_614, %dma_wait3A_615] : memref<5x80x128xf32, #tpu.memory_space<vmem>> -> memref<1x80x128xf32, #tpu.memory_space<vmem>>
        %dma_wait3A_617 = tpu.memref_squeeze %dma_wait3A_616 : memref<1x80x128xf32, #tpu.memory_space<vmem>> -> memref<80x128xf32, #tpu.memory_space<vmem>>
        tpu.wait_dma2 semaphore(%arg20 : memref<!tpu.dma_semaphore, #tpu.memory_space<semaphore_mem>>) src(%dma_wait3A_617 : memref<80x128xf32, #tpu.memory_space<vmem>>) dst(%dma_wait3A_613 : memref<80x128xf32, #tpu.memory_space<hbm>>)
        %add3A_618 = arith.constant 5 : i32
        %add3A_619 = arith.addi %add3A_522, %add3A_618 : i32
        %mul3A_620 = arith.constant 80 : i32
        %mul3A_621 = arith.muli %add3A_619, %mul3A_620 : i32
        %dma_start3A_622 = arith.constant 4 : i32
        %dma_start3A_623 = arith.constant 0 : i32
        %dma_start3A_624 = arith.constant 0 : i32
        %dma_start3A_625 = tpu.memref_slice %arg9[%dma_start3A_622, %dma_start3A_623, %dma_start3A_624] : memref<5x80x128xf32, #tpu.memory_space<vmem>> -> memref<1x80x128xf32, #tpu.memory_space<vmem>>
        %dma_start3A_626 = tpu.memref_squeeze %dma_start3A_625 : memref<1x80x128xf32, #tpu.memory_space<vmem>> -> memref<80x128xf32, #tpu.memory_space<vmem>>
        %dma_start3A_627 = tpu.memref_slice %arg7[%mul3A_621] : memref<10000xi32, #tpu.memory_space<vmem>> -> memref<80xi32, #tpu.memory_space<vmem>>
        %dma_start3A_628 = arith.constant 0 : i32
        %dma_start3A_629 = arith.constant 0 : i32
        %dma_start3A_630 = tpu.memref_slice %arg4[%dma_start3A_628, %dma_start3A_629] : memref<10000x128xf32, #tpu.memory_space<hbm>> -> memref<10000x128xf32, #tpu.memory_space<hbm>>
        tpu.enqueue_indirect_dma source(%dma_start3A_630 : memref<10000x128xf32, #tpu.memory_space<hbm>>) target(%dma_start3A_626 : memref<80x128xf32, #tpu.memory_space<vmem>>) offsets(%dma_start3A_627 : memref<80xi32, #tpu.memory_space<vmem>>) semaphore(%arg15 : memref<!tpu.dma_semaphore, #tpu.memory_space<semaphore_mem>>)
        %mul3A_631 = arith.constant 80 : i32
        %mul3A_632 = arith.muli %add3A_619, %mul3A_631 : i32
        %dma_start3A_633 = arith.constant 4 : i32
        %dma_start3A_634 = arith.constant 0 : i32
        %dma_start3A_635 = arith.constant 0 : i32
        %dma_start3A_636 = tpu.memref_slice %arg10[%dma_start3A_633, %dma_start3A_634, %dma_start3A_635] : memref<5x80x128xf32, #tpu.memory_space<vmem>> -> memref<1x80x128xf32, #tpu.memory_space<vmem>>
        %dma_start3A_637 = tpu.memref_squeeze %dma_start3A_636 : memref<1x80x128xf32, #tpu.memory_space<vmem>> -> memref<80x128xf32, #tpu.memory_space<vmem>>
        %dma_start3A_638 = tpu.memref_slice %arg8[%mul3A_632] : memref<10000xi32, #tpu.memory_space<vmem>> -> memref<80xi32, #tpu.memory_space<vmem>>
        %dma_start3A_639 = arith.constant 0 : i32
        %dma_start3A_640 = arith.constant 0 : i32
        %dma_start3A_641 = tpu.memref_slice %arg4[%dma_start3A_639, %dma_start3A_640] : memref<10000x128xf32, #tpu.memory_space<hbm>> -> memref<10000x128xf32, #tpu.memory_space<hbm>>
        tpu.enqueue_indirect_dma source(%dma_start3A_641 : memref<10000x128xf32, #tpu.memory_space<hbm>>) target(%dma_start3A_637 : memref<80x128xf32, #tpu.memory_space<vmem>>) offsets(%dma_start3A_638 : memref<80xi32, #tpu.memory_space<vmem>>) semaphore(%arg15 : memref<!tpu.dma_semaphore, #tpu.memory_space<semaphore_mem>>)
      } else {
      }
    }
    %scan3A_105 = arith.constant 25 : i32
    %dma_wait3A = arith.constant 0 : i32
    %dma_wait3A_106 = arith.constant 0 : i32
    %dma_wait3A_107 = arith.constant 0 : i32
    %dma_wait3A_108 = tpu.memref_slice %arg9[%dma_wait3A, %dma_wait3A_106, %dma_wait3A_107] : memref<5x80x128xf32, #tpu.memory_space<vmem>> -> memref<1x80x128xf32, #tpu.memory_space<vmem>>
    %dma_wait3A_109 = tpu.memref_squeeze %dma_wait3A_108 : memref<1x80x128xf32, #tpu.memory_space<vmem>> -> memref<80x128xf32, #tpu.memory_space<vmem>>
    %dma_wait3A_110 = arith.constant 0 : i32
    %dma_wait3A_111 = tpu.memref_slice %arg5[%mul3A_2, %dma_wait3A_110] : memref<320000x128xf32, #tpu.memory_space<hbm>> -> memref<80x128xf32, #tpu.memory_space<hbm>>
    %dma_wait3A_112 = arith.constant 0 : i32
    %dma_wait3A_113 = tpu.memref_slice %arg5[%mul3A_2, %dma_wait3A_112] : memref<320000x128xf32, #tpu.memory_space<hbm>> -> memref<80x128xf32, #tpu.memory_space<hbm>>
    %dma_wait3A_114 = arith.constant 0 : i32
    %dma_wait3A_115 = arith.constant 0 : i32
    %dma_wait3A_116 = tpu.memref_slice %arg9[%dma_wait3A, %dma_wait3A_114, %dma_wait3A_115] : memref<5x80x128xf32, #tpu.memory_space<vmem>> -> memref<1x80x128xf32, #tpu.memory_space<vmem>>
    %dma_wait3A_117 = tpu.memref_squeeze %dma_wait3A_116 : memref<1x80x128xf32, #tpu.memory_space<vmem>> -> memref<80x128xf32, #tpu.memory_space<vmem>>
    tpu.wait_dma2 semaphore(%arg16 : memref<!tpu.dma_semaphore, #tpu.memory_space<semaphore_mem>>) src(%dma_wait3A_117 : memref<80x128xf32, #tpu.memory_space<vmem>>) dst(%dma_wait3A_113 : memref<80x128xf32, #tpu.memory_space<hbm>>)
    %dma_wait3A_118 = arith.constant 0 : i32
    %dma_wait3A_119 = arith.constant 0 : i32
    %dma_wait3A_120 = arith.constant 0 : i32
    %dma_wait3A_121 = tpu.memref_slice %arg10[%dma_wait3A_118, %dma_wait3A_119, %dma_wait3A_120] : memref<5x80x128xf32, #tpu.memory_space<vmem>> -> memref<1x80x128xf32, #tpu.memory_space<vmem>>
    %dma_wait3A_122 = tpu.memref_squeeze %dma_wait3A_121 : memref<1x80x128xf32, #tpu.memory_space<vmem>> -> memref<80x128xf32, #tpu.memory_space<vmem>>
    %dma_wait3A_123 = arith.constant 0 : i32
    %dma_wait3A_124 = tpu.memref_slice %arg6[%mul3A_2, %dma_wait3A_123] : memref<320000x128xf32, #tpu.memory_space<hbm>> -> memref<80x128xf32, #tpu.memory_space<hbm>>
    %dma_wait3A_125 = arith.constant 0 : i32
    %dma_wait3A_126 = tpu.memref_slice %arg6[%mul3A_2, %dma_wait3A_125] : memref<320000x128xf32, #tpu.memory_space<hbm>> -> memref<80x128xf32, #tpu.memory_space<hbm>>
    %dma_wait3A_127 = arith.constant 0 : i32
    %dma_wait3A_128 = arith.constant 0 : i32
    %dma_wait3A_129 = tpu.memref_slice %arg10[%dma_wait3A_118, %dma_wait3A_127, %dma_wait3A_128] : memref<5x80x128xf32, #tpu.memory_space<vmem>> -> memref<1x80x128xf32, #tpu.memory_space<vmem>>
    %dma_wait3A_130 = tpu.memref_squeeze %dma_wait3A_129 : memref<1x80x128xf32, #tpu.memory_space<vmem>> -> memref<80x128xf32, #tpu.memory_space<vmem>>
    tpu.wait_dma2 semaphore(%arg16 : memref<!tpu.dma_semaphore, #tpu.memory_space<semaphore_mem>>) src(%dma_wait3A_130 : memref<80x128xf32, #tpu.memory_space<vmem>>) dst(%dma_wait3A_126 : memref<80x128xf32, #tpu.memory_space<hbm>>)
    %dma_wait3A_131 = arith.constant 1 : i32
    %dma_wait3A_132 = arith.constant 0 : i32
    %dma_wait3A_133 = arith.constant 0 : i32
    %dma_wait3A_134 = tpu.memref_slice %arg9[%dma_wait3A_131, %dma_wait3A_132, %dma_wait3A_133] : memref<5x80x128xf32, #tpu.memory_space<vmem>> -> memref<1x80x128xf32, #tpu.memory_space<vmem>>
    %dma_wait3A_135 = tpu.memref_squeeze %dma_wait3A_134 : memref<1x80x128xf32, #tpu.memory_space<vmem>> -> memref<80x128xf32, #tpu.memory_space<vmem>>
    %dma_wait3A_136 = arith.constant 0 : i32
    %dma_wait3A_137 = tpu.memref_slice %arg5[%mul3A_2, %dma_wait3A_136] : memref<320000x128xf32, #tpu.memory_space<hbm>> -> memref<80x128xf32, #tpu.memory_space<hbm>>
    %dma_wait3A_138 = arith.constant 0 : i32
    %dma_wait3A_139 = tpu.memref_slice %arg5[%mul3A_2, %dma_wait3A_138] : memref<320000x128xf32, #tpu.memory_space<hbm>> -> memref<80x128xf32, #tpu.memory_space<hbm>>
    %dma_wait3A_140 = arith.constant 0 : i32
    %dma_wait3A_141 = arith.constant 0 : i32
    %dma_wait3A_142 = tpu.memref_slice %arg9[%dma_wait3A_131, %dma_wait3A_140, %dma_wait3A_141] : memref<5x80x128xf32, #tpu.memory_space<vmem>> -> memref<1x80x128xf32, #tpu.memory_space<vmem>>
    %dma_wait3A_143 = tpu.memref_squeeze %dma_wait3A_142 : memref<1x80x128xf32, #tpu.memory_space<vmem>> -> memref<80x128xf32, #tpu.memory_space<vmem>>
    tpu.wait_dma2 semaphore(%arg17 : memref<!tpu.dma_semaphore, #tpu.memory_space<semaphore_mem>>) src(%dma_wait3A_143 : memref<80x128xf32, #tpu.memory_space<vmem>>) dst(%dma_wait3A_139 : memref<80x128xf32, #tpu.memory_space<hbm>>)
    %dma_wait3A_144 = arith.constant 1 : i32
    %dma_wait3A_145 = arith.constant 0 : i32
    %dma_wait3A_146 = arith.constant 0 : i32
    %dma_wait3A_147 = tpu.memref_slice %arg10[%dma_wait3A_144, %dma_wait3A_145, %dma_wait3A_146] : memref<5x80x128xf32, #tpu.memory_space<vmem>> -> memref<1x80x128xf32, #tpu.memory_space<vmem>>
    %dma_wait3A_148 = tpu.memref_squeeze %dma_wait3A_147 : memref<1x80x128xf32, #tpu.memory_space<vmem>> -> memref<80x128xf32, #tpu.memory_space<vmem>>
    %dma_wait3A_149 = arith.constant 0 : i32
    %dma_wait3A_150 = tpu.memref_slice %arg6[%mul3A_2, %dma_wait3A_149] : memref<320000x128xf32, #tpu.memory_space<hbm>> -> memref<80x128xf32, #tpu.memory_space<hbm>>
    %dma_wait3A_151 = arith.constant 0 : i32
    %dma_wait3A_152 = tpu.memref_slice %arg6[%mul3A_2, %dma_wait3A_151] : memref<320000x128xf32, #tpu.memory_space<hbm>> -> memref<80x128xf32, #tpu.memory_space<hbm>>
    %dma_wait3A_153 = arith.constant 0 : i32
    %dma_wait3A_154 = arith.constant 0 : i32
    %dma_wait3A_155 = tpu.memref_slice %arg10[%dma_wait3A_144, %dma_wait3A_153, %dma_wait3A_154] : memref<5x80x128xf32, #tpu.memory_space<vmem>> -> memref<1x80x128xf32, #tpu.memory_space<vmem>>
    %dma_wait3A_156 = tpu.memref_squeeze %dma_wait3A_155 : memref<1x80x128xf32, #tpu.memory_space<vmem>> -> memref<80x128xf32, #tpu.memory_space<vmem>>
    tpu.wait_dma2 semaphore(%arg17 : memref<!tpu.dma_semaphore, #tpu.memory_space<semaphore_mem>>) src(%dma_wait3A_156 : memref<80x128xf32, #tpu.memory_space<vmem>>) dst(%dma_wait3A_152 : memref<80x128xf32, #tpu.memory_space<hbm>>)
    %dma_wait3A_157 = arith.constant 2 : i32
    %dma_wait3A_158 = arith.constant 0 : i32
    %dma_wait3A_159 = arith.constant 0 : i32
    %dma_wait3A_160 = tpu.memref_slice %arg9[%dma_wait3A_157, %dma_wait3A_158, %dma_wait3A_159] : memref<5x80x128xf32, #tpu.memory_space<vmem>> -> memref<1x80x128xf32, #tpu.memory_space<vmem>>
    %dma_wait3A_161 = tpu.memref_squeeze %dma_wait3A_160 : memref<1x80x128xf32, #tpu.memory_space<vmem>> -> memref<80x128xf32, #tpu.memory_space<vmem>>
    %dma_wait3A_162 = arith.constant 0 : i32
    %dma_wait3A_163 = tpu.memref_slice %arg5[%mul3A_2, %dma_wait3A_162] : memref<320000x128xf32, #tpu.memory_space<hbm>> -> memref<80x128xf32, #tpu.memory_space<hbm>>
    %dma_wait3A_164 = arith.constant 0 : i32
    %dma_wait3A_165 = tpu.memref_slice %arg5[%mul3A_2, %dma_wait3A_164] : memref<320000x128xf32, #tpu.memory_space<hbm>> -> memref<80x128xf32, #tpu.memory_space<hbm>>
    %dma_wait3A_166 = arith.constant 0 : i32
    %dma_wait3A_167 = arith.constant 0 : i32
    %dma_wait3A_168 = tpu.memref_slice %arg9[%dma_wait3A_157, %dma_wait3A_166, %dma_wait3A_167] : memref<5x80x128xf32, #tpu.memory_space<vmem>> -> memref<1x80x128xf32, #tpu.memory_space<vmem>>
    %dma_wait3A_169 = tpu.memref_squeeze %dma_wait3A_168 : memref<1x80x128xf32, #tpu.memory_space<vmem>> -> memref<80x128xf32, #tpu.memory_space<vmem>>
    tpu.wait_dma2 semaphore(%arg18 : memref<!tpu.dma_semaphore, #tpu.memory_space<semaphore_mem>>) src(%dma_wait3A_169 : memref<80x128xf32, #tpu.memory_space<vmem>>) dst(%dma_wait3A_165 : memref<80x128xf32, #tpu.memory_space<hbm>>)
    %dma_wait3A_170 = arith.constant 2 : i32
    %dma_wait3A_171 = arith.constant 0 : i32
    %dma_wait3A_172 = arith.constant 0 : i32
    %dma_wait3A_173 = tpu.memref_slice %arg10[%dma_wait3A_170, %dma_wait3A_171, %dma_wait3A_172] : memref<5x80x128xf32, #tpu.memory_space<vmem>> -> memref<1x80x128xf32, #tpu.memory_space<vmem>>
    %dma_wait3A_174 = tpu.memref_squeeze %dma_wait3A_173 : memref<1x80x128xf32, #tpu.memory_space<vmem>> -> memref<80x128xf32, #tpu.memory_space<vmem>>
    %dma_wait3A_175 = arith.constant 0 : i32
    %dma_wait3A_176 = tpu.memref_slice %arg6[%mul3A_2, %dma_wait3A_175] : memref<320000x128xf32, #tpu.memory_space<hbm>> -> memref<80x128xf32, #tpu.memory_space<hbm>>
    %dma_wait3A_177 = arith.constant 0 : i32
    %dma_wait3A_178 = tpu.memref_slice %arg6[%mul3A_2, %dma_wait3A_177] : memref<320000x128xf32, #tpu.memory_space<hbm>> -> memref<80x128xf32, #tpu.memory_space<hbm>>
    %dma_wait3A_179 = arith.constant 0 : i32
    %dma_wait3A_180 = arith.constant 0 : i32
    %dma_wait3A_181 = tpu.memref_slice %arg10[%dma_wait3A_170, %dma_wait3A_179, %dma_wait3A_180] : memref<5x80x128xf32, #tpu.memory_space<vmem>> -> memref<1x80x128xf32, #tpu.memory_space<vmem>>
    %dma_wait3A_182 = tpu.memref_squeeze %dma_wait3A_181 : memref<1x80x128xf32, #tpu.memory_space<vmem>> -> memref<80x128xf32, #tpu.memory_space<vmem>>
    tpu.wait_dma2 semaphore(%arg18 : memref<!tpu.dma_semaphore, #tpu.memory_space<semaphore_mem>>) src(%dma_wait3A_182 : memref<80x128xf32, #tpu.memory_space<vmem>>) dst(%dma_wait3A_178 : memref<80x128xf32, #tpu.memory_space<hbm>>)
    %dma_wait3A_183 = arith.constant 3 : i32
    %dma_wait3A_184 = arith.constant 0 : i32
    %dma_wait3A_185 = arith.constant 0 : i32
    %dma_wait3A_186 = tpu.memref_slice %arg9[%dma_wait3A_183, %dma_wait3A_184, %dma_wait3A_185] : memref<5x80x128xf32, #tpu.memory_space<vmem>> -> memref<1x80x128xf32, #tpu.memory_space<vmem>>
    %dma_wait3A_187 = tpu.memref_squeeze %dma_wait3A_186 : memref<1x80x128xf32, #tpu.memory_space<vmem>> -> memref<80x128xf32, #tpu.memory_space<vmem>>
    %dma_wait3A_188 = arith.constant 0 : i32
    %dma_wait3A_189 = tpu.memref_slice %arg5[%mul3A_2, %dma_wait3A_188] : memref<320000x128xf32, #tpu.memory_space<hbm>> -> memref<80x128xf32, #tpu.memory_space<hbm>>
    %dma_wait3A_190 = arith.constant 0 : i32
    %dma_wait3A_191 = tpu.memref_slice %arg5[%mul3A_2, %dma_wait3A_190] : memref<320000x128xf32, #tpu.memory_space<hbm>> -> memref<80x128xf32, #tpu.memory_space<hbm>>
    %dma_wait3A_192 = arith.constant 0 : i32
    %dma_wait3A_193 = arith.constant 0 : i32
    %dma_wait3A_194 = tpu.memref_slice %arg9[%dma_wait3A_183, %dma_wait3A_192, %dma_wait3A_193] : memref<5x80x128xf32, #tpu.memory_space<vmem>> -> memref<1x80x128xf32, #tpu.memory_space<vmem>>
    %dma_wait3A_195 = tpu.memref_squeeze %dma_wait3A_194 : memref<1x80x128xf32, #tpu.memory_space<vmem>> -> memref<80x128xf32, #tpu.memory_space<vmem>>
    tpu.wait_dma2 semaphore(%arg19 : memref<!tpu.dma_semaphore, #tpu.memory_space<semaphore_mem>>) src(%dma_wait3A_195 : memref<80x128xf32, #tpu.memory_space<vmem>>) dst(%dma_wait3A_191 : memref<80x128xf32, #tpu.memory_space<hbm>>)
    %dma_wait3A_196 = arith.constant 3 : i32
    %dma_wait3A_197 = arith.constant 0 : i32
    %dma_wait3A_198 = arith.constant 0 : i32
    %dma_wait3A_199 = tpu.memref_slice %arg10[%dma_wait3A_196, %dma_wait3A_197, %dma_wait3A_198] : memref<5x80x128xf32, #tpu.memory_space<vmem>> -> memref<1x80x128xf32, #tpu.memory_space<vmem>>
    %dma_wait3A_200 = tpu.memref_squeeze %dma_wait3A_199 : memref<1x80x128xf32, #tpu.memory_space<vmem>> -> memref<80x128xf32, #tpu.memory_space<vmem>>
    %dma_wait3A_201 = arith.constant 0 : i32
    %dma_wait3A_202 = tpu.memref_slice %arg6[%mul3A_2, %dma_wait3A_201] : memref<320000x128xf32, #tpu.memory_space<hbm>> -> memref<80x128xf32, #tpu.memory_space<hbm>>
    %dma_wait3A_203 = arith.constant 0 : i32
    %dma_wait3A_204 = tpu.memref_slice %arg6[%mul3A_2, %dma_wait3A_203] : memref<320000x128xf32, #tpu.memory_space<hbm>> -> memref<80x128xf32, #tpu.memory_space<hbm>>
    %dma_wait3A_205 = arith.constant 0 : i32
    %dma_wait3A_206 = arith.constant 0 : i32
    %dma_wait3A_207 = tpu.memref_slice %arg10[%dma_wait3A_196, %dma_wait3A_205, %dma_wait3A_206] : memref<5x80x128xf32, #tpu.memory_space<vmem>> -> memref<1x80x128xf32, #tpu.memory_space<vmem>>
    %dma_wait3A_208 = tpu.memref_squeeze %dma_wait3A_207 : memref<1x80x128xf32, #tpu.memory_space<vmem>> -> memref<80x128xf32, #tpu.memory_space<vmem>>
    tpu.wait_dma2 semaphore(%arg19 : memref<!tpu.dma_semaphore, #tpu.memory_space<semaphore_mem>>) src(%dma_wait3A_208 : memref<80x128xf32, #tpu.memory_space<vmem>>) dst(%dma_wait3A_204 : memref<80x128xf32, #tpu.memory_space<hbm>>)
    %dma_wait3A_209 = arith.constant 4 : i32
    %dma_wait3A_210 = arith.constant 0 : i32
    %dma_wait3A_211 = arith.constant 0 : i32
    %dma_wait3A_212 = tpu.memref_slice %arg9[%dma_wait3A_209, %dma_wait3A_210, %dma_wait3A_211] : memref<5x80x128xf32, #tpu.memory_space<vmem>> -> memref<1x80x128xf32, #tpu.memory_space<vmem>>
    %dma_wait3A_213 = tpu.memref_squeeze %dma_wait3A_212 : memref<1x80x128xf32, #tpu.memory_space<vmem>> -> memref<80x128xf32, #tpu.memory_space<vmem>>
    %dma_wait3A_214 = arith.constant 0 : i32
    %dma_wait3A_215 = tpu.memref_slice %arg5[%mul3A_2, %dma_wait3A_214] : memref<320000x128xf32, #tpu.memory_space<hbm>> -> memref<80x128xf32, #tpu.memory_space<hbm>>
    %dma_wait3A_216 = arith.constant 0 : i32
    %dma_wait3A_217 = tpu.memref_slice %arg5[%mul3A_2, %dma_wait3A_216] : memref<320000x128xf32, #tpu.memory_space<hbm>> -> memref<80x128xf32, #tpu.memory_space<hbm>>
    %dma_wait3A_218 = arith.constant 0 : i32
    %dma_wait3A_219 = arith.constant 0 : i32
    %dma_wait3A_220 = tpu.memref_slice %arg9[%dma_wait3A_209, %dma_wait3A_218, %dma_wait3A_219] : memref<5x80x128xf32, #tpu.memory_space<vmem>> -> memref<1x80x128xf32, #tpu.memory_space<vmem>>
    %dma_wait3A_221 = tpu.memref_squeeze %dma_wait3A_220 : memref<1x80x128xf32, #tpu.memory_space<vmem>> -> memref<80x128xf32, #tpu.memory_space<vmem>>
    tpu.wait_dma2 semaphore(%arg20 : memref<!tpu.dma_semaphore, #tpu.memory_space<semaphore_mem>>) src(%dma_wait3A_221 : memref<80x128xf32, #tpu.memory_space<vmem>>) dst(%dma_wait3A_217 : memref<80x128xf32, #tpu.memory_space<hbm>>)
    %dma_wait3A_222 = arith.constant 4 : i32
    %dma_wait3A_223 = arith.constant 0 : i32
    %dma_wait3A_224 = arith.constant 0 : i32
    %dma_wait3A_225 = tpu.memref_slice %arg10[%dma_wait3A_222, %dma_wait3A_223, %dma_wait3A_224] : memref<5x80x128xf32, #tpu.memory_space<vmem>> -> memref<1x80x128xf32, #tpu.memory_space<vmem>>
    %dma_wait3A_226 = tpu.memref_squeeze %dma_wait3A_225 : memref<1x80x128xf32, #tpu.memory_space<vmem>> -> memref<80x128xf32, #tpu.memory_space<vmem>>
    %dma_wait3A_227 = arith.constant 0 : i32
    %dma_wait3A_228 = tpu.memref_slice %arg6[%mul3A_2, %dma_wait3A_227] : memref<320000x128xf32, #tpu.memory_space<hbm>> -> memref<80x128xf32, #tpu.memory_space<hbm>>
    %dma_wait3A_229 = arith.constant 0 : i32
    %dma_wait3A_230 = tpu.memref_slice %arg6[%mul3A_2, %dma_wait3A_229] : memref<320000x128xf32, #tpu.memory_space<hbm>> -> memref<80x128xf32, #tpu.memory_space<hbm>>
    %dma_wait3A_231 = arith.constant 0 : i32
    %dma_wait3A_232 = arith.constant 0 : i32
    %dma_wait3A_233 = tpu.memref_slice %arg10[%dma_wait3A_222, %dma_wait3A_231, %dma_wait3A_232] : memref<5x80x128xf32, #tpu.memory_space<vmem>> -> memref<1x80x128xf32, #tpu.memory_space<vmem>>
    %dma_wait3A_234 = tpu.memref_squeeze %dma_wait3A_233 : memref<1x80x128xf32, #tpu.memory_space<vmem>> -> memref<80x128xf32, #tpu.memory_space<vmem>>
    tpu.wait_dma2 semaphore(%arg20 : memref<!tpu.dma_semaphore, #tpu.memory_space<semaphore_mem>>) src(%dma_wait3A_234 : memref<80x128xf32, #tpu.memory_space<vmem>>) dst(%dma_wait3A_230 : memref<80x128xf32, #tpu.memory_space<hbm>>)
    return
  }
}

module attributes {stable_mosaic.version = 14 : i64} {
  func.func @_edge_mlp_body(%arg0: i32, %arg1: memref<256x128xf32, #tpu.memory_space<vmem>>, %arg2: memref<256x128xf32, #tpu.memory_space<vmem>>, %arg3: memref<256x16xf32, #tpu.memory_space<vmem>>, %arg4: memref<128x256xf32, #tpu.memory_space<vmem>>, %arg5: memref<128x256xf32, #tpu.memory_space<vmem>>, %arg6: memref<16x256xf32, #tpu.memory_space<vmem>>, %arg7: memref<1x256xf32, #tpu.memory_space<vmem>>, %arg8: memref<128x1xf32, #tpu.memory_space<vmem>>, %arg9: memref<1x1xf32, #tpu.memory_space<vmem>>, %arg10: memref<128x128xf32, #tpu.memory_space<vmem>>, %arg11: memref<1x128xf32, #tpu.memory_space<vmem>>, %arg12: memref<256x128xf32, #tpu.memory_space<vmem>>, %arg13: memref<256xf32, #tpu.memory_space<vmem>>) attributes {dimension_semantics = [#tpu.dimension_semantics<arbitrary>], iteration_bounds = array<i64: 625>, scalar_prefetch = 0 : i64, scratch_operands = 0 : i64, tpu.core_type = #tpu.core_type<tc>, window_params = [{transform_indices = @transform_0, window_bounds = array<i64: 256, 128>}, {transform_indices = @transform_1, window_bounds = array<i64: 256, 128>}, {transform_indices = @transform_2, window_bounds = array<i64: 256, 16>}, {pipeline_mode = #tpu.pipeline_mode<synchronous>, transform_indices = @transform_3, window_bounds = array<i64: 128, 256>}, {pipeline_mode = #tpu.pipeline_mode<synchronous>, transform_indices = @transform_4, window_bounds = array<i64: 128, 256>}, {pipeline_mode = #tpu.pipeline_mode<synchronous>, transform_indices = @transform_5, window_bounds = array<i64: 16, 256>}, {pipeline_mode = #tpu.pipeline_mode<synchronous>, transform_indices = @transform_6, window_bounds = array<i64: 1, 256>}, {pipeline_mode = #tpu.pipeline_mode<synchronous>, transform_indices = @transform_7, window_bounds = array<i64: 128, 1>}, {pipeline_mode = #tpu.pipeline_mode<synchronous>, transform_indices = @transform_8, window_bounds = array<i64: 1, 1>}, {pipeline_mode = #tpu.pipeline_mode<synchronous>, transform_indices = @transform_9, window_bounds = array<i64: 128, 128>}, {pipeline_mode = #tpu.pipeline_mode<synchronous>, transform_indices = @transform_10, window_bounds = array<i64: 1, 128>}, {transform_indices = @transform_11, window_bounds = array<i64: 256, 128>}, {transform_indices = @transform_12, window_bounds = array<i64: 256>}]} {
    %get3A = arith.constant 0 : index
    %get3A_0 = arith.constant 0 : index
    %get3A_1 = vector.load %arg1[%get3A, %get3A_0] : memref<256x128xf32, #tpu.memory_space<vmem>>, vector<256x128xf32>
    %get3A_2 = arith.constant 0 : index
    %get3A_3 = arith.constant 0 : index
    %get3A_4 = vector.load %arg4[%get3A_2, %get3A_3] : memref<128x256xf32, #tpu.memory_space<vmem>>, vector<128x256xf32>
    %dot_general3A = arith.constant dense<0.000000e+00> : vector<256x256xf32>
    %dot_general3A_5 = tpu.matmul %get3A_1, %get3A_4, %dot_general3A {dimension_numbers = #tpu.dot_dimension_numbers<[1], [0], [0], [1], [0, 0, 1, 1], [], []>, transpose_lhs_hint = false} : vector<256x128xf32>, vector<128x256xf32>, vector<256x256xf32> -> vector<256x256xf32>
    %get3A_6 = arith.constant 0 : index
    %get3A_7 = arith.constant 0 : index
    %get3A_8 = vector.load %arg2[%get3A_6, %get3A_7] : memref<256x128xf32, #tpu.memory_space<vmem>>, vector<256x128xf32>
    %get3A_9 = arith.constant 0 : index
    %get3A_10 = arith.constant 0 : index
    %get3A_11 = vector.load %arg5[%get3A_9, %get3A_10] : memref<128x256xf32, #tpu.memory_space<vmem>>, vector<128x256xf32>
    %dot_general3A_12 = arith.constant dense<0.000000e+00> : vector<256x256xf32>
    %dot_general3A_13 = tpu.matmul %get3A_8, %get3A_11, %dot_general3A_12 {dimension_numbers = #tpu.dot_dimension_numbers<[1], [0], [0], [1], [0, 0, 1, 1], [], []>, transpose_lhs_hint = false} : vector<256x128xf32>, vector<128x256xf32>, vector<256x256xf32> -> vector<256x256xf32>
    %add3A = arith.addf %dot_general3A_5, %dot_general3A_13 : vector<256x256xf32>
    %get3A_14 = arith.constant 0 : index
    %get3A_15 = arith.constant 0 : index
    %get3A_16 = vector.load %arg3[%get3A_14, %get3A_15] : memref<256x16xf32, #tpu.memory_space<vmem>>, vector<256x16xf32>
    %get3A_17 = arith.constant 0 : index
    %get3A_18 = arith.constant 0 : index
    %get3A_19 = vector.load %arg6[%get3A_17, %get3A_18] : memref<16x256xf32, #tpu.memory_space<vmem>>, vector<16x256xf32>
    %dot_general3A_20 = arith.constant dense<0.000000e+00> : vector<256x256xf32>
    %dot_general3A_21 = tpu.matmul %get3A_16, %get3A_19, %dot_general3A_20 {dimension_numbers = #tpu.dot_dimension_numbers<[1], [0], [0], [1], [0, 0, 1, 1], [], []>, transpose_lhs_hint = false} : vector<256x16xf32>, vector<16x256xf32>, vector<256x256xf32> -> vector<256x256xf32>
    %add3A_22 = arith.addf %add3A, %dot_general3A_21 : vector<256x256xf32>
    %get3A_23 = arith.constant 0 : index
    %get3A_24 = arith.constant 0 : index
    %get3A_25 = vector.load %arg7[%get3A_23, %get3A_24] : memref<1x256xf32, #tpu.memory_space<vmem>>, vector<1x256xf32>
    %add3A_26 = vector.broadcast %get3A_25 : vector<1x256xf32> to vector<256x256xf32>
    %add3A_27 = arith.addf %add3A_22, %add3A_26 : vector<256x256xf32>
    %max3A = arith.constant 0.000000e+00 : f32
    %max3A_28 = vector.broadcast %max3A : f32 to vector<256x256xf32>
    %max3A_29 = arith.maximumf %add3A_27, %max3A_28 : vector<256x256xf32>
    %slice3A = vector.extract_strided_slice %max3A_29 {offsets = [0, 0], sizes = [256, 128], strides = [1, 1]} : vector<256x256xf32> to vector<256x128xf32>
    %get3A_30 = arith.constant 0 : index
    %get3A_31 = arith.constant 0 : index
    %get3A_32 = vector.load %arg8[%get3A_30, %get3A_31] : memref<128x1xf32, #tpu.memory_space<vmem>>, vector<128x1xf32>
    %dot_general3A_33 = arith.constant dense<0.000000e+00> : vector<256x1xf32>
    %dot_general3A_34 = tpu.matmul %slice3A, %get3A_32, %dot_general3A_33 {dimension_numbers = #tpu.dot_dimension_numbers<[1], [0], [0], [1], [0, 0, 1, 1], [], []>, transpose_lhs_hint = false} : vector<256x128xf32>, vector<128x1xf32>, vector<256x1xf32> -> vector<256x1xf32>
    %get3A_35 = arith.constant 0 : index
    %get3A_36 = arith.constant 0 : index
    %get3A_37 = vector.load %arg9[%get3A_35, %get3A_36] : memref<1x1xf32, #tpu.memory_space<vmem>>, vector<1x1xf32>
    %add3A_38 = vector.broadcast %get3A_37 : vector<1x1xf32> to vector<256x1xf32>
    %add3A_39 = arith.addf %dot_general3A_34, %add3A_38 : vector<256x1xf32>
    %squeeze3A = vector.shape_cast %add3A_39 : vector<256x1xf32> to vector<256xf32>
    %logistic3A = arith.negf %squeeze3A : vector<256xf32>
    %logistic3A_40 = math.exp %logistic3A : vector<256xf32>
    %logistic3A_41 = arith.constant 1.000000e+00 : f32
    %logistic3A_42 = vector.broadcast %logistic3A_41 : f32 to vector<256xf32>
    %logistic3A_43 = arith.addf %logistic3A_42, %logistic3A_40 : vector<256xf32>
    %logistic3A_44 = arith.divf %logistic3A_42, %logistic3A_43 : vector<256xf32>
    %slice3A_45 = vector.extract_strided_slice %max3A_29 {offsets = [0, 128], sizes = [256, 128], strides = [1, 1]} : vector<256x256xf32> to vector<256x128xf32>
    %get3A_46 = arith.constant 0 : index
    %get3A_47 = arith.constant 0 : index
    %get3A_48 = vector.load %arg10[%get3A_46, %get3A_47] : memref<128x128xf32, #tpu.memory_space<vmem>>, vector<128x128xf32>
    %dot_general3A_49 = arith.constant dense<0.000000e+00> : vector<256x128xf32>
    %dot_general3A_50 = tpu.matmul %slice3A_45, %get3A_48, %dot_general3A_49 {dimension_numbers = #tpu.dot_dimension_numbers<[1], [0], [0], [1], [0, 0, 1, 1], [], []>, transpose_lhs_hint = false} : vector<256x128xf32>, vector<128x128xf32>, vector<256x128xf32> -> vector<256x128xf32>
    %get3A_51 = arith.constant 0 : index
    %get3A_52 = arith.constant 0 : index
    %get3A_53 = vector.load %arg11[%get3A_51, %get3A_52] : memref<1x128xf32, #tpu.memory_space<vmem>>, vector<1x128xf32>
    %add3A_54 = vector.broadcast %get3A_53 : vector<1x128xf32> to vector<256x128xf32>
    %add3A_55 = arith.addf %dot_general3A_50, %add3A_54 : vector<256x128xf32>
    %mul3A = arith.constant 2.500000e-01 : f32
    %mul3A_56 = vector.broadcast %mul3A : f32 to vector<256xf32>
    %mul3A_57 = arith.mulf %mul3A_56, %logistic3A_44 : vector<256xf32>
    %broadcast_in_dim3A = vector.shape_cast %mul3A_57 : vector<256xf32> to vector<256x1xf32>
    %mul3A_58 = vector.broadcast %broadcast_in_dim3A : vector<256x1xf32> to vector<256x128xf32>
    %mul3A_59 = arith.mulf %add3A_55, %mul3A_58 : vector<256x128xf32>
    %swap3A = arith.constant 0 : index
    %swap3A_60 = arith.constant 0 : index
    %swap3A_61 = vector.load %arg12[%swap3A, %swap3A_60] : memref<256x128xf32, #tpu.memory_space<vmem>>, vector<256x128xf32>
    tpu.vector_store %arg12[%swap3A, %swap3A_60], %mul3A_59 {strides = array<i32>} : memref<256x128xf32, #tpu.memory_space<vmem>>, vector<256x128xf32>,
    %swap3A_62 = arith.constant 0 : index
    %swap3A_63 = vector.load %arg13[%swap3A_62] : memref<256xf32, #tpu.memory_space<vmem>>, vector<256xf32>
    tpu.vector_store %arg13[%swap3A_62], %logistic3A_44 {strides = array<i32>} : memref<256xf32, #tpu.memory_space<vmem>>, vector<256xf32>,
    return
  }
  func.func @transform_0(%arg0: i32) -> (i32, i32) {
    %c0_i32 = arith.constant 0 : i32
    %c0_i32_0 = arith.constant 0 : i32
    return %arg0, %c0_i32 : i32, i32
  }
  func.func @transform_1(%arg0: i32) -> (i32, i32) {
    %c0_i32 = arith.constant 0 : i32
    %c0_i32_0 = arith.constant 0 : i32
    return %arg0, %c0_i32 : i32, i32
  }
  func.func @transform_2(%arg0: i32) -> (i32, i32) {
    %c0_i32 = arith.constant 0 : i32
    %c0_i32_0 = arith.constant 0 : i32
    return %arg0, %c0_i32 : i32, i32
  }
  func.func @transform_3(%arg0: i32) -> (i32, i32) {
    %c0_i32 = arith.constant 0 : i32
    %c0_i32_0 = arith.constant 0 : i32
    %c0_i32_1 = arith.constant 0 : i32
    return %c0_i32, %c0_i32_0 : i32, i32
  }
  func.func @transform_4(%arg0: i32) -> (i32, i32) {
    %c0_i32 = arith.constant 0 : i32
    %c0_i32_0 = arith.constant 0 : i32
    %c0_i32_1 = arith.constant 0 : i32
    return %c0_i32, %c0_i32_0 : i32, i32
  }
  func.func @transform_5(%arg0: i32) -> (i32, i32) {
    %c0_i32 = arith.constant 0 : i32
    %c0_i32_0 = arith.constant 0 : i32
    %c0_i32_1 = arith.constant 0 : i32
    return %c0_i32, %c0_i32_0 : i32, i32
  }
  func.func @transform_6(%arg0: i32) -> (i32, i32) {
    %c0_i32 = arith.constant 0 : i32
    %c0_i32_0 = arith.constant 0 : i32
    %c0_i32_1 = arith.constant 0 : i32
    return %c0_i32, %c0_i32_0 : i32, i32
  }
  func.func @transform_7(%arg0: i32) -> (i32, i32) {
    %c0_i32 = arith.constant 0 : i32
    %c0_i32_0 = arith.constant 0 : i32
    %c0_i32_1 = arith.constant 0 : i32
    return %c0_i32, %c0_i32_0 : i32, i32
  }
  func.func @transform_8(%arg0: i32) -> (i32, i32) {
    %c0_i32 = arith.constant 0 : i32
    %c0_i32_0 = arith.constant 0 : i32
    %c0_i32_1 = arith.constant 0 : i32
    return %c0_i32, %c0_i32_0 : i32, i32
  }
  func.func @transform_9(%arg0: i32) -> (i32, i32) {
    %c0_i32 = arith.constant 0 : i32
    %c0_i32_0 = arith.constant 0 : i32
    %c0_i32_1 = arith.constant 0 : i32
    return %c0_i32, %c0_i32_0 : i32, i32
  }
  func.func @transform_10(%arg0: i32) -> (i32, i32) {
    %c0_i32 = arith.constant 0 : i32
    %c0_i32_0 = arith.constant 0 : i32
    %c0_i32_1 = arith.constant 0 : i32
    return %c0_i32, %c0_i32_0 : i32, i32
  }
  func.func @transform_11(%arg0: i32) -> (i32, i32) {
    %c0_i32 = arith.constant 0 : i32
    %c0_i32_0 = arith.constant 0 : i32
    return %arg0, %c0_i32 : i32, i32
  }
  func.func @transform_12(%arg0: i32) -> i32 {
    %c0_i32 = arith.constant 0 : i32
    return %arg0 : i32
  }
}

module attributes {stable_mosaic.version = 14 : i64} {
  func.func @_node_body(%arg0: i32, %arg1: memref<1000x128xf32, #tpu.memory_space<vmem>>, %arg2: memref<1000x128xf32, #tpu.memory_space<vmem>>, %arg3: memref<1000x128xf32, #tpu.memory_space<vmem>>, %arg4: memref<1000x64xf32, #tpu.memory_space<vmem>>, %arg5: memref<128x128xf32, #tpu.memory_space<vmem>>, %arg6: memref<1x128xf32, #tpu.memory_space<vmem>>, %arg7: memref<128x128xf32, #tpu.memory_space<vmem>>, %arg8: memref<1x128xf32, #tpu.memory_space<vmem>>, %arg9: memref<128x128xf32, #tpu.memory_space<vmem>>, %arg10: memref<128x128xf32, #tpu.memory_space<vmem>>, %arg11: memref<1x128xf32, #tpu.memory_space<vmem>>, %arg12: memref<128x128xf32, #tpu.memory_space<vmem>>, %arg13: memref<1x128xf32, #tpu.memory_space<vmem>>, %arg14: memref<1x128xf32, #tpu.memory_space<vmem>>, %arg15: memref<1x128xf32, #tpu.memory_space<vmem>>, %arg16: memref<1000x128xf32, #tpu.memory_space<vmem>>) attributes {dimension_semantics = [#tpu.dimension_semantics<arbitrary>], iteration_bounds = array<i64: 10>, scalar_prefetch = 0 : i64, scratch_operands = 0 : i64, tpu.core_type = #tpu.core_type<tc>, window_params = [{transform_indices = @transform_0, window_bounds = array<i64: 1000, 128>}, {transform_indices = @transform_1, window_bounds = array<i64: 1000, 128>}, {transform_indices = @transform_2, window_bounds = array<i64: 1000, 128>}, {transform_indices = @transform_3, window_bounds = array<i64: 1000, 64>}, {pipeline_mode = #tpu.pipeline_mode<synchronous>, transform_indices = @transform_4, window_bounds = array<i64: 128, 128>}, {pipeline_mode = #tpu.pipeline_mode<synchronous>, transform_indices = @transform_5, window_bounds = array<i64: 1, 128>}, {pipeline_mode = #tpu.pipeline_mode<synchronous>, transform_indices = @transform_6, window_bounds = array<i64: 128, 128>}, {pipeline_mode = #tpu.pipeline_mode<synchronous>, transform_indices = @transform_7, window_bounds = array<i64: 1, 128>}, {pipeline_mode = #tpu.pipeline_mode<synchronous>, transform_indices = @transform_8, window_bounds = array<i64: 128, 128>}, {pipeline_mode = #tpu.pipeline_mode<synchronous>, transform_indices = @transform_9, window_bounds = array<i64: 128, 128>}, {pipeline_mode = #tpu.pipeline_mode<synchronous>, transform_indices = @transform_10, window_bounds = array<i64: 1, 128>}, {pipeline_mode = #tpu.pipeline_mode<synchronous>, transform_indices = @transform_11, window_bounds = array<i64: 128, 128>}, {pipeline_mode = #tpu.pipeline_mode<synchronous>, transform_indices = @transform_12, window_bounds = array<i64: 1, 128>}, {pipeline_mode = #tpu.pipeline_mode<synchronous>, transform_indices = @transform_13, window_bounds = array<i64: 1, 128>}, {pipeline_mode = #tpu.pipeline_mode<synchronous>, transform_indices = @transform_14, window_bounds = array<i64: 1, 128>}, {transform_indices = @transform_15, window_bounds = array<i64: 1000, 128>}]} {
    %get3A = arith.constant 0 : index
    %get3A_0 = arith.constant 0 : index
    %get3A_1 = vector.load %arg1[%get3A, %get3A_0] : memref<1000x128xf32, #tpu.memory_space<vmem>>, vector<1000x128xf32>
    %get3A_2 = arith.constant 0 : index
    %get3A_3 = arith.constant 0 : index
    %get3A_4 = vector.load %arg2[%get3A_2, %get3A_3] : memref<1000x128xf32, #tpu.memory_space<vmem>>, vector<1000x128xf32>
    %get3A_5 = arith.constant 0 : index
    %get3A_6 = arith.constant 0 : index
    %get3A_7 = vector.load %arg3[%get3A_5, %get3A_6] : memref<1000x128xf32, #tpu.memory_space<vmem>>, vector<1000x128xf32>
    %add3A = arith.addf %get3A_4, %get3A_7 : vector<1000x128xf32>
    %get3A_8 = arith.constant 0 : index
    %get3A_9 = arith.constant 0 : index
    %get3A_10 = vector.load %arg4[%get3A_8, %get3A_9] : memref<1000x64xf32, #tpu.memory_space<vmem>>, vector<1000x64xf32>
    %reduce_sum3A = arith.constant dense<0.000000e+00> : vector<1000xf32>
    %reduce_sum3A_11 = vector.multi_reduction <add>, %get3A_10, %reduce_sum3A [1] : vector<1000x64xf32> to vector<1000xf32>
    %get3A_12 = arith.constant 0 : index
    %get3A_13 = arith.constant 0 : index
    %get3A_14 = vector.load %arg5[%get3A_12, %get3A_13] : memref<128x128xf32, #tpu.memory_space<vmem>>, vector<128x128xf32>
    %dot_general3A = arith.constant dense<0.000000e+00> : vector<1000x128xf32>
    %dot_general3A_15 = tpu.matmul %get3A_1, %get3A_14, %dot_general3A {dimension_numbers = #tpu.dot_dimension_numbers<[1], [0], [0], [1], [0, 0, 1, 1], [], []>, transpose_lhs_hint = false} : vector<1000x128xf32>, vector<128x128xf32>, vector<1000x128xf32> -> vector<1000x128xf32>
    %get3A_16 = arith.constant 0 : index
    %get3A_17 = arith.constant 0 : index
    %get3A_18 = vector.load %arg6[%get3A_16, %get3A_17] : memref<1x128xf32, #tpu.memory_space<vmem>>, vector<1x128xf32>
    %add3A_19 = vector.broadcast %get3A_18 : vector<1x128xf32> to vector<1000x128xf32>
    %add3A_20 = arith.addf %dot_general3A_15, %add3A_19 : vector<1000x128xf32>
    %max3A = arith.constant 0.000000e+00 : f32
    %max3A_21 = vector.broadcast %max3A : f32 to vector<1000x128xf32>
    %max3A_22 = arith.maximumf %add3A_20, %max3A_21 : vector<1000x128xf32>
    %get3A_23 = arith.constant 0 : index
    %get3A_24 = arith.constant 0 : index
    %get3A_25 = vector.load %arg7[%get3A_23, %get3A_24] : memref<128x128xf32, #tpu.memory_space<vmem>>, vector<128x128xf32>
    %dot_general3A_26 = arith.constant dense<0.000000e+00> : vector<1000x128xf32>
    %dot_general3A_27 = tpu.matmul %max3A_22, %get3A_25, %dot_general3A_26 {dimension_numbers = #tpu.dot_dimension_numbers<[1], [0], [0], [1], [0, 0, 1, 1], [], []>, transpose_lhs_hint = false} : vector<1000x128xf32>, vector<128x128xf32>, vector<1000x128xf32> -> vector<1000x128xf32>
    %get3A_28 = arith.constant 0 : index
    %get3A_29 = arith.constant 0 : index
    %get3A_30 = vector.load %arg8[%get3A_28, %get3A_29] : memref<1x128xf32, #tpu.memory_space<vmem>>, vector<1x128xf32>
    %add3A_31 = vector.broadcast %get3A_30 : vector<1x128xf32> to vector<1000x128xf32>
    %add3A_32 = arith.addf %dot_general3A_27, %add3A_31 : vector<1000x128xf32>
    %get3A_33 = arith.constant 0 : index
    %get3A_34 = arith.constant 0 : index
    %get3A_35 = vector.load %arg9[%get3A_33, %get3A_34] : memref<128x128xf32, #tpu.memory_space<vmem>>, vector<128x128xf32>
    %dot_general3A_36 = arith.constant dense<0.000000e+00> : vector<1000x128xf32>
    %dot_general3A_37 = tpu.matmul %get3A_1, %get3A_35, %dot_general3A_36 {dimension_numbers = #tpu.dot_dimension_numbers<[1], [0], [0], [1], [0, 0, 1, 1], [], []>, transpose_lhs_hint = false} : vector<1000x128xf32>, vector<128x128xf32>, vector<1000x128xf32> -> vector<1000x128xf32>
    %get3A_38 = arith.constant 0 : index
    %get3A_39 = arith.constant 0 : index
    %get3A_40 = vector.load %arg10[%get3A_38, %get3A_39] : memref<128x128xf32, #tpu.memory_space<vmem>>, vector<128x128xf32>
    %dot_general3A_41 = arith.constant dense<0.000000e+00> : vector<1000x128xf32>
    %dot_general3A_42 = tpu.matmul %add3A, %get3A_40, %dot_general3A_41 {dimension_numbers = #tpu.dot_dimension_numbers<[1], [0], [0], [1], [0, 0, 1, 1], [], []>, transpose_lhs_hint = false} : vector<1000x128xf32>, vector<128x128xf32>, vector<1000x128xf32> -> vector<1000x128xf32>
    %add3A_43 = arith.addf %dot_general3A_37, %dot_general3A_42 : vector<1000x128xf32>
    %get3A_44 = arith.constant 0 : index
    %get3A_45 = arith.constant 0 : index
    %get3A_46 = vector.load %arg11[%get3A_44, %get3A_45] : memref<1x128xf32, #tpu.memory_space<vmem>>, vector<1x128xf32>
    %add3A_47 = vector.broadcast %get3A_46 : vector<1x128xf32> to vector<1000x128xf32>
    %add3A_48 = arith.addf %add3A_43, %add3A_47 : vector<1000x128xf32>
    %max3A_49 = arith.constant 0.000000e+00 : f32
    %max3A_50 = vector.broadcast %max3A_49 : f32 to vector<1000x128xf32>
    %max3A_51 = arith.maximumf %add3A_48, %max3A_50 : vector<1000x128xf32>
    %get3A_52 = arith.constant 0 : index
    %get3A_53 = arith.constant 0 : index
    %get3A_54 = vector.load %arg12[%get3A_52, %get3A_53] : memref<128x128xf32, #tpu.memory_space<vmem>>, vector<128x128xf32>
    %dot_general3A_55 = arith.constant dense<0.000000e+00> : vector<1000x128xf32>
    %dot_general3A_56 = tpu.matmul %max3A_51, %get3A_54, %dot_general3A_55 {dimension_numbers = #tpu.dot_dimension_numbers<[1], [0], [0], [1], [0, 0, 1, 1], [], []>, transpose_lhs_hint = false} : vector<1000x128xf32>, vector<128x128xf32>, vector<1000x128xf32> -> vector<1000x128xf32>
    %get3A_57 = arith.constant 0 : index
    %get3A_58 = arith.constant 0 : index
    %get3A_59 = vector.load %arg13[%get3A_57, %get3A_58] : memref<1x128xf32, #tpu.memory_space<vmem>>, vector<1x128xf32>
    %add3A_60 = vector.broadcast %get3A_59 : vector<1x128xf32> to vector<1000x128xf32>
    %add3A_61 = arith.addf %dot_general3A_56, %add3A_60 : vector<1000x128xf32>
    %neg3A = arith.constant 0.000000e+00 : f32
    %neg3A_62 = vector.broadcast %neg3A : f32 to vector<1000xf32>
    %neg3A_63 = arith.subf %neg3A_62, %reduce_sum3A_11 : vector<1000xf32>
    %exp3A = math.exp %neg3A_63 : vector<1000xf32>
    %broadcast_in_dim3A = vector.shape_cast %exp3A : vector<1000xf32> to vector<1000x1xf32>
    %sub3A = arith.constant 1.000000e+00 : f32
    %sub3A_64 = vector.broadcast %sub3A : f32 to vector<1000x1xf32>
    %sub3A_65 = arith.subf %sub3A_64, %broadcast_in_dim3A : vector<1000x1xf32>
    %mul3A = vector.broadcast %sub3A_65 : vector<1000x1xf32> to vector<1000x128xf32>
    %mul3A_66 = arith.mulf %mul3A, %add3A_61 : vector<1000x128xf32>
    %add3A_67 = arith.addf %get3A_1, %mul3A_66 : vector<1000x128xf32>
    %mul3A_68 = vector.broadcast %broadcast_in_dim3A : vector<1000x1xf32> to vector<1000x128xf32>
    %mul3A_69 = arith.mulf %mul3A_68, %add3A_32 : vector<1000x128xf32>
    %add3A_70 = arith.addf %add3A_67, %mul3A_69 : vector<1000x128xf32>
    %reduce_sum3A_71 = arith.constant dense<0.000000e+00> : vector<1000xf32>
    %reduce_sum3A_72 = vector.multi_reduction <add>, %add3A_70, %reduce_sum3A_71 [1] : vector<1000x128xf32> to vector<1000xf32>
    %broadcast_in_dim3A_73 = vector.shape_cast %reduce_sum3A_72 : vector<1000xf32> to vector<1000x1xf32>
    %div3A = arith.constant 1.280000e+02 : f32
    %div3A_74 = vector.broadcast %div3A : f32 to vector<1000x1xf32>
    %div3A_75 = arith.divf %broadcast_in_dim3A_73, %div3A_74 : vector<1000x1xf32>
    %sub3A_76 = vector.broadcast %div3A_75 : vector<1000x1xf32> to vector<1000x128xf32>
    %sub3A_77 = arith.subf %add3A_70, %sub3A_76 : vector<1000x128xf32>
    %sub3A_78 = vector.broadcast %div3A_75 : vector<1000x1xf32> to vector<1000x128xf32>
    %sub3A_79 = arith.subf %add3A_70, %sub3A_78 : vector<1000x128xf32>
    %mul3A_80 = arith.mulf %sub3A_77, %sub3A_79 : vector<1000x128xf32>
    %reduce_sum3A_81 = arith.constant dense<0.000000e+00> : vector<1000xf32>
    %reduce_sum3A_82 = vector.multi_reduction <add>, %mul3A_80, %reduce_sum3A_81 [1] : vector<1000x128xf32> to vector<1000xf32>
    %broadcast_in_dim3A_83 = vector.shape_cast %reduce_sum3A_82 : vector<1000xf32> to vector<1000x1xf32>
    %div3A_84 = arith.constant 1.280000e+02 : f32
    %div3A_85 = vector.broadcast %div3A_84 : f32 to vector<1000x1xf32>
    %div3A_86 = arith.divf %broadcast_in_dim3A_83, %div3A_85 : vector<1000x1xf32>
    %sub3A_87 = vector.broadcast %div3A_75 : vector<1000x1xf32> to vector<1000x128xf32>
    %sub3A_88 = arith.subf %add3A_70, %sub3A_87 : vector<1000x128xf32>
    %add3A_89 = arith.constant 9.99999974E-6 : f32
    %add3A_90 = vector.broadcast %add3A_89 : f32 to vector<1000x1xf32>
    %add3A_91 = arith.addf %div3A_86, %add3A_90 : vector<1000x1xf32>
    %sqrt3A = math.sqrt %add3A_91 : vector<1000x1xf32>
    %div3A_92 = vector.broadcast %sqrt3A : vector<1000x1xf32> to vector<1000x128xf32>
    %div3A_93 = arith.divf %sub3A_88, %div3A_92 : vector<1000x128xf32>
    %get3A_94 = arith.constant 0 : index
    %get3A_95 = arith.constant 0 : index
    %get3A_96 = vector.load %arg14[%get3A_94, %get3A_95] : memref<1x128xf32, #tpu.memory_space<vmem>>, vector<1x128xf32>
    %mul3A_97 = vector.broadcast %get3A_96 : vector<1x128xf32> to vector<1000x128xf32>
    %mul3A_98 = arith.mulf %div3A_93, %mul3A_97 : vector<1000x128xf32>
    %get3A_99 = arith.constant 0 : index
    %get3A_100 = arith.constant 0 : index
    %get3A_101 = vector.load %arg15[%get3A_99, %get3A_100] : memref<1x128xf32, #tpu.memory_space<vmem>>, vector<1x128xf32>
    %add3A_102 = vector.broadcast %get3A_101 : vector<1x128xf32> to vector<1000x128xf32>
    %add3A_103 = arith.addf %mul3A_98, %add3A_102 : vector<1000x128xf32>
    %swap3A = arith.constant 0 : index
    %swap3A_104 = arith.constant 0 : index
    %swap3A_105 = vector.load %arg16[%swap3A, %swap3A_104] : memref<1000x128xf32, #tpu.memory_space<vmem>>, vector<1000x128xf32>
    tpu.vector_store %arg16[%swap3A, %swap3A_104], %add3A_103 {strides = array<i32>} : memref<1000x128xf32, #tpu.memory_space<vmem>>, vector<1000x128xf32>,
    return
  }
  func.func @transform_0(%arg0: i32) -> (i32, i32) {
    %c0_i32 = arith.constant 0 : i32
    %c0_i32_0 = arith.constant 0 : i32
    return %arg0, %c0_i32 : i32, i32
  }
  func.func @transform_1(%arg0: i32) -> (i32, i32) {
    %c0_i32 = arith.constant 0 : i32
    %c0_i32_0 = arith.constant 0 : i32
    return %arg0, %c0_i32 : i32, i32
  }
  func.func @transform_2(%arg0: i32) -> (i32, i32) {
    %c0_i32 = arith.constant 0 : i32
    %c0_i32_0 = arith.constant 0 : i32
    return %arg0, %c0_i32 : i32, i32
  }
  func.func @transform_3(%arg0: i32) -> (i32, i32) {
    %c0_i32 = arith.constant 0 : i32
    %c0_i32_0 = arith.constant 0 : i32
    return %arg0, %c0_i32 : i32, i32
  }
  func.func @transform_4(%arg0: i32) -> (i32, i32) {
    %c0_i32 = arith.constant 0 : i32
    %c0_i32_0 = arith.constant 0 : i32
    %c0_i32_1 = arith.constant 0 : i32
    return %c0_i32, %c0_i32_0 : i32, i32
  }
  func.func @transform_5(%arg0: i32) -> (i32, i32) {
    %c0_i32 = arith.constant 0 : i32
    %c0_i32_0 = arith.constant 0 : i32
    %c0_i32_1 = arith.constant 0 : i32
    return %c0_i32, %c0_i32_0 : i32, i32
  }
  func.func @transform_6(%arg0: i32) -> (i32, i32) {
    %c0_i32 = arith.constant 0 : i32
    %c0_i32_0 = arith.constant 0 : i32
    %c0_i32_1 = arith.constant 0 : i32
    return %c0_i32, %c0_i32_0 : i32, i32
  }
  func.func @transform_7(%arg0: i32) -> (i32, i32) {
    %c0_i32 = arith.constant 0 : i32
    %c0_i32_0 = arith.constant 0 : i32
    %c0_i32_1 = arith.constant 0 : i32
    return %c0_i32, %c0_i32_0 : i32, i32
  }
  func.func @transform_8(%arg0: i32) -> (i32, i32) {
    %c0_i32 = arith.constant 0 : i32
    %c0_i32_0 = arith.constant 0 : i32
    %c0_i32_1 = arith.constant 0 : i32
    return %c0_i32, %c0_i32_0 : i32, i32
  }
  func.func @transform_9(%arg0: i32) -> (i32, i32) {
    %c0_i32 = arith.constant 0 : i32
    %c0_i32_0 = arith.constant 0 : i32
    %c0_i32_1 = arith.constant 0 : i32
    return %c0_i32, %c0_i32_0 : i32, i32
  }
  func.func @transform_10(%arg0: i32) -> (i32, i32) {
    %c0_i32 = arith.constant 0 : i32
    %c0_i32_0 = arith.constant 0 : i32
    %c0_i32_1 = arith.constant 0 : i32
    return %c0_i32, %c0_i32_0 : i32, i32
  }
  func.func @transform_11(%arg0: i32) -> (i32, i32) {
    %c0_i32 = arith.constant 0 : i32
    %c0_i32_0 = arith.constant 0 : i32
    %c0_i32_1 = arith.constant 0 : i32
    return %c0_i32, %c0_i32_0 : i32, i32
  }
  func.func @transform_12(%arg0: i32) -> (i32, i32) {
    %c0_i32 = arith.constant 0 : i32
    %c0_i32_0 = arith.constant 0 : i32
    %c0_i32_1 = arith.constant 0 : i32
    return %c0_i32, %c0_i32_0 : i32, i32
  }
  func.func @transform_13(%arg0: i32) -> (i32, i32) {
    %c0_i32 = arith.constant 0 : i32
    %c0_i32_0 = arith.constant 0 : i32
    %c0_i32_1 = arith.constant 0 : i32
    return %c0_i32, %c0_i32_0 : i32, i32
  }
  func.func @transform_14(%arg0: i32) -> (i32, i32) {
    %c0_i32 = arith.constant 0 : i32
    %c0_i32_0 = arith.constant 0 : i32
    %c0_i32_1 = arith.constant 0 : i32
    return %c0_i32, %c0_i32_0 : i32, i32
  }
  func.func @transform_15(%arg0: i32) -> (i32, i32) {
    %c0_i32 = arith.constant 0 : i32
    %c0_i32_0 = arith.constant 0 : i32
    return %arg0, %c0_i32 : i32, i32
  }
}

</mosaic_0001>

<sc_bundles>
// kernel: kernel.11.cloned.1.call-start
scs
__scs_entry_jumppad:
0x0: {  	(pc) =	sbr.rel $0x88, $3  }
0x1: {  	(tag) =	ssettag $0x0;
	lr =	simm.s32 $0x1  }
0x2: {  	[smem:$0x3F8C] =	sst lr;
	_ =	strace $0xD0000000  }
0x3: {  	_ = 	snop  }
0x4: {  	_ = 	snop  }
0x5: {  	_ = 	snop  }
0x6: {  	_ = 	snop  }
0x7: {  	_ = 	snop  }
__scs_overlays_trampoline_lowered:
0x8: {  	[smem:$0x3F9B] =	sst s0  }
0x9: {  	[smem:$0x3F9C] =	sst s1  }
0xa: {  	[smem:$0x3F9D] =	sst s2  }
0xb: {  	[smem:$0x3F9E] =	sst s3  }
0xc: {  	[smem:$0x3F9F] =	sst s4  }
0xd: {  	[smem:$0x3FA0] =	sst s5  }
0xe: {  	[smem:$0x3FA1] =	sst s6  }
0xf: {  	[smem:$0x3FA2] =	sst s7  }
0x10: {  	[smem:$0x3FA3] =	sst s8  }
0x11: {  	[smem:$0x3FA4] =	sst s9;
	s0 =	simm.s32 @!p0 $0x0  }
0x12: {  	s1 =	sld [smem:$0x3F8A];
	s0 =	simm.s32 @p0 $0x1  }
0x13: {  	[smem:$0x3FA5] =	sst s0;
	s0 =	simm.s32 @!p1 $0x0  }
0x14: {  	s2 =	sld [smem:$0x3F89];
	s0 =	simm.s32 @p1 $0x1  }
0x15: {  	[smem:$0x3FA6] =	sst s0;
	s0 =	simm.s32 @!p2 $0x0  }
0x16: {  	s3 =	sld [smem:$0x3FDB];
	s0 =	simm.s32 @p2 $0x1  }
0x17: {  	s4 =	simm.s32 $0x1BF5;
	[smem:$0x3FA8] =	sst s0  }
0x18: {  	s0 =	sld [smem:$0x3F8B];
	_ =	swait.ge [sflag:s4], $0x0  }
0x19: {  	s7 =	sld [smem:$0x3F8C]  }
0x1a: {  	s8 =	sadd.s32 $0xFFFFE003, lr  }
0x1b: {  	s9 =	sadd.s32 $0xFFFFFEF7, lr;
	s5 =	simm.s32 $0xFFFFFFFF;
	p2 =	slt.u32 s8, $0xFFFFF086  }
0x1c: {  	p1 =	slt.u32 s9, $0xF7A;
	s5 =	simm.s32 @!p2 $0x0  }
0x1d: {  	s5 =	simm.s32 @p1 $0x1;
	p0 =	seq.s32 s7, s2  }
0x1e: {  	s7 =	smul.u32 @!p0 $0xF7A, s2;
	p2 =	seq.s32 @!p0 s5, $0x0  }
0x1f: {  	s9 =	smul.u32 $0xF7A, s1;
	s8 =	simm.s32 @!p0 $0x1BF5;
	p2 =	por !p2, p0  }
0x20: {  	[sflag:s8] =	ssyncset.s32 @!p0 $0xFFFFF086;
	s6 =	sadd.s32 @!p0 s3, s7;
	s7 =	simm.s32 @!p0 $0x108  }
0x21: {  	s3 =	sadd.s32 s3, s9;
	s6 =	sadd.s32 @!p0 $0x88, s6;
	s7 =	simm.s32 @p2 $0x1082  }
0x22: {  	[simem:s7], [sflag:s8] =	dma.local @!p0 [hbm:s6], $0xF7A  }
0x23: {  	s9 =	sor.u32 $0xD0000000, s2;
	s6 =	simm.s32 $0x108;
	_ =	swait.ge @!p0 [sflag:s8], $0x0  }
0x24: {  	s3 =	sadd.s32 $0x88, s3;
	s6 =	simm.s32 @!p1 $0x1082;
	[sflag:s4] =	ssyncset.s32 $0xFFFFF086  }
0x25: {  	[simem:s6], [sflag:s4] =	dma.local [hbm:s3], $0xF7A  }
0x26: {  	[smem:$0x3F8C] =	sst s1;
	(tag) =	ssettag s2;
	_ =	strace s9  }
0x27: {  	s1 =	sld [smem:$0x3F9C]  }
0x28: {  	s2 =	sld [smem:$0x3F9D]  }
0x29: {  	s4 =	sld [smem:$0x3F9F]  }
0x2a: {  	p0 =	seq.s32 s5, $0x0;
	s5 =	sld [smem:$0x3FA0]  }
0x2b: {  	s6 =	sld [smem:$0x3FA1]  }
0x2c: {  	s7 =	sld [smem:$0x3FA2]  }
0x2d: {  	s3 =	simm.s32 $0x108;
	s8 =	sld [smem:$0x3FA3]  }
0x2e: {  	s3 =	simm.s32 @!p0 $0x1082;
	s9 =	sld [smem:$0x3FA4]  }
0x2f: {  	lr =	sadd.s32 s0, s3;
	s0 =	sld [smem:$0x3F9B]  }
0x30: {  	s3 =	sld [smem:$0x3F9E]  }
0x31: {  	[smem:$0x3FA7] =	sst s10  }
0x32: {  	s10 =	sld [smem:$0x3FA5];
	_ =	sdelay $0x3  }
0x33: {  	p0 =	seq.s32 s10, $0x1;
	s10 =	sld [smem:$0x3FA7];
	_ =	sdelay $0x3  }
0x34: {  	[smem:$0x3FA7] =	sst s10  }
0x35: {  	s10 =	sld [smem:$0x3FA6];
	_ =	sdelay $0x3  }
0x36: {  	p1 =	seq.s32 s10, $0x1;
	s10 =	sld [smem:$0x3FA7];
	_ =	sdelay $0x3  }
0x37: {  	[smem:$0x3FA7] =	sst s10  }
0x38: {  	s10 =	sld [smem:$0x3FA8]  }
0x39: {  	_ = 	snop;
	(pc) =	sbr.ind lr, $3  }
0x3a: {  	_ = 	snop  }
0x3b: {  	_ = 	snop  }
0x3c: {  	p2 =	seq.s32 s10, $0x1;
	s10 =	sld [smem:$0x3FA7]  }
0x3d: {  	_ =	shalt  }
0x3e: {  	_ =	shalt  }
0x3f: {  	_ =	shalt  }
0x40: {  	_ =	shalt  }
0x41: {  	_ =	shalt  }
0x42: {  	_ =	shalt  }
0x43: {  	_ =	shalt  }
0x44: {  	_ =	shalt  }
0x45: {  	_ =	shalt  }
0x46: {  	_ =	shalt  }
0x47: {  	_ =	shalt  }
0x48: {  	_ =	shalt  }
0x49: {  	_ =	shalt  }
0x4a: {  	_ =	shalt  }
0x4b: {  	_ =	shalt  }
0x4c: {  	_ =	shalt  }
0x4d: {  	_ =	shalt  }
0x4e: {  	_ =	shalt  }
0x4f: {  	_ =	shalt  }
0x50: {  	_ =	shalt  }
0x51: {  	_ =	shalt  }
0x52: {  	_ =	shalt  }
0x53: {  	_ =	shalt  }
0x54: {  	_ =	shalt  }
0x55: {  	_ =	shalt  }
0x56: {  	_ =	shalt  }
0x57: {  	_ =	shalt  }
0x58: {  	_ =	shalt  }
0x59: {  	_ =	shalt  }
0x5a: {  	_ =	shalt  }
0x5b: {  	_ =	shalt  }
0x5c: {  	_ =	shalt  }
0x5d: {  	_ =	shalt  }
0x5e: {  	_ =	shalt  }
0x5f: {  	_ =	shalt  }
0x60: {  	_ =	shalt  }
0x61: {  	_ =	shalt  }
0x62: {  	_ =	shalt  }
0x63: {  	_ =	shalt  }
0x64: {  	_ =	shalt  }
0x65: {  	_ =	shalt  }
0x66: {  	_ =	shalt  }
0x67: {  	_ =	shalt  }
0x68: {  	_ =	shalt  }
0x69: {  	_ =	shalt  }
0x6a: {  	_ =	shalt  }
0x6b: {  	_ =	shalt  }
0x6c: {  	_ =	shalt  }
0x6d: {  	_ =	shalt  }
0x6e: {  	_ =	shalt  }
0x6f: {  	_ =	shalt  }
0x70: {  	_ =	shalt  }
0x71: {  	_ =	shalt  }
0x72: {  	_ =	shalt  }
0x73: {  	_ =	shalt  }
0x74: {  	_ =	shalt  }
0x75: {  	_ =	shalt  }
0x76: {  	_ =	shalt  }
0x77: {  	_ =	shalt  }
0x78: {  	_ =	shalt  }
0x79: {  	_ =	shalt  }
0x7a: {  	_ =	shalt  }
0x7b: {  	_ =	shalt  }
0x7c: {  	_ =	shalt  }
0x7d: {  	_ =	shalt  }
0x7e: {  	_ =	shalt  }
0x7f: {  	_ =	shalt  }
0x80: {  	_ =	shalt  }
0x81: {  	_ =	shalt  }
0x82: {  	_ =	shalt  }
0x83: {  	_ =	shalt  }
0x84: {  	_ =	shalt  }
0x85: {  	_ =	shalt  }
0x86: {  	_ =	shalt  }
0x87: {  	_ =	shalt  }
.Lfunc_end0:
.L_simem_size_0:
called_computation.1_lowered:
.L_overlay_start_0:
0x88: {  	s2 =	sld [smem:$0x3FD9]  }
0x89: {  	s3 =	sld [smem:$0x3FFE];
	_ =	sdelay $0x1  }
0x8a: {  	s1 =	srdreg.scid  }
0x8b: {  	s0 =	sand.u32 $0x1, s1  }
0x8c: {  	s15 =	sshll.u32 s0, $0xA;
	s2 =	sadd.s32 s3, s2  }
0x8d: {  	s2 =	sadd.s32 s2, s15  }
0x8e: {  	[smem:$0x3FB3] =	sst s2  }
0x8f: {  	_ = 	snop  }
0x90: {  	s2 =	sld [smem:$0x3FD0];
	_ =	sdelay $0x2  }
0x91: {  	s16 =	simm.s32 $0xB;
	s4 =	simm.s32 $0x10  }
0x92: {  	[smem:s4], [sflag:s16] =	dma.local [hbm:s2], $0x1  }
0x93: {  	_ =	swait.eq [sflag:s16], $0x1  }
0x94: {  	[sflag:s16] =	ssyncset.done $0x0  }
0x95: {  	[sflag:s16] =	ssyncadd.s32 $0xFFFFFFFF  }
0x96: {  	s17 =	sld [smem:$0x10];
	(tm) =	ssettm $0x1  }
0x97: {  	s18 =	sld [smem:$0x3FFB];
	_ =	sdelay $0x3  }
0x98: {  	_ =	strace s18  }
0x99: {  	s2 =	sld [smem:$0x3FFC];
	_ =	sdelay $0x3  }
0x9a: {  	_ =	strace s2  }
0x9b: {  	s2 =	sld [smem:$0x3FFD];
	_ =	sdelay $0x3  }
0x9c: {  	_ =	strace s2  }
0x9d: {  	_ =	strace $0x8FFFFFFF  }
0x9e: {  	s19 =	sld [smem:$0x3FDB];
	_ =	sdelay $0x1  }
0x9f: {  	s20 =	simm.s32 $_scs_section_size  }
0xa0: {  	s5 =	simm.s32 $_size__tile_overlayer_lowered;
	s6 =	simm.s32 $_tile_overlayer_lowered  }
0xa1: {  	s7 =	simm.s32 $0x1BFF;
	s21 =	sshll.u32 s6, $0x1;
	s4 =	sadd.s32 s20, s19  }
0xa2: {  	s22 =	simm.s32 $0x0;
	s5 =	sshll.u32 s5, $0x1;
	s6 =	sadd.s32 s21, s4  }
0xa3: {  	[timem:s22], [sflag:s7] =	dma.local [hbm:s6], s5  }
0xa4: {  	_ =	swait.ge [sflag:s7], s5  }
0xa5: {  	s5 =	ssub.s32 $0x0, s5;
	[sflag:s7] =	ssyncset.done $0x0  }
0xa6: {  	[sflag:s7] =	ssyncadd.s32 s5;
	_ =	sdelay $0x1  }
0xa7: {  	s23 =	simm.s32 $0x1B8B  }
0xa8: {  	_ =	swait.ge [sflag:s23], $0x1  }
0xa9: {  	[sflag:s23] =	ssyncset.done $0x0  }
0xaa: {  	[sflag:s23] =	ssyncadd.s32 $0xFFFFFFFF  }
0xab: {  	s5 =	sld [smem:$0x0]  }
0xac: {  	s6 =	sand.u32 $0xFFFFFFFE, s1  }
0xad: {  	p0 =	sne.s32 s1, s6  }
0xae: {  	s6 =	sshll.u32 @p0 s6, $0xE  }
0xaf: {  	s6 =	sadd.s32 @p0 $0x11B8D, s6;
	s7 =	sshll.u32 @p0 s5, $0x11  }
0xb0: {  	s6 =	sor.u32 @p0 s7, s6  }
0xb1: {  	[sflag:s6] =	ssyncadd.remote.s32 @p0 $0x1;
	_ =	sdelay $0x1  }
0xb2: {  	s6 =	simm.s32 @p0 $0x1B8D  }
0xb3: {  	_ =	swait.eq @p0 [sflag:s6], $0x1  }
0xb4: {  	[sflag:s6] =	ssyncadd.s32 @p0 $0xFFFFFFFF  }
0xb5: {  	s7 =	sshll.u32 @!p0 s1, $0xE  }
0xb6: {  	s7 =	sor.u32 @!p0 $0x4000, s7;
	s6 =	simm.s32 @!p0 $0x1B8D  }
0xb7: {  	s5 =	sshll.u32 @!p0 s5, $0x11;
	s7 =	sadd.s32 @!p0 $0x11B8D, s7;
	_ =	swait.eq @!p0 [sflag:s6], $0x1  }
0xb8: {  	s5 =	sor.u32 @!p0 s5, s7;
	[sflag:s6] =	ssyncadd.s32 @!p0 $0xFFFFFFFF  }
0xb9: {  	s25 =	simm.s32 $0x1B8E;
	s24 =	sld [smem:$0x3FFE];
	[sflag:s5] =	ssyncadd.remote.s32 @!p0 $0x1  }
0xba: {  	s26 =	simm.s32 $execute0_lowered;
	[smem:$0x3FD2] =	sst s25  }
0xbb: {  	s6 =	sshll.u32 s26, $0x1;
	_ =	strace $0x8000004C;
	[dreg:$0x1] =	wrdreg $0xFFFFFFFF  }
0xbc: {  	s28 =	simm.s32 $_size_execute0_lowered;
	s4 =	sadd.s32 s4, s6;
	[dreg:$0x0] =	wrdreg $0x0  }
0xbd: {  	s6 =	sshll.u32 s28, $0x1;
	[dreg:$0x2] =	wrdreg s4  }
0xbe: {  	[dreg:$0x3] =	wrdreg s6  }
0xbf: {  	[dreg:$0x4] =	wrdreg $0xC0  }
0xc0: {  	_ =	task [dreg:s22], $0x5FFFF  }
0xc1: {  	[dreg:$0x1] =	wrdreg $0xFFFFFFFF  }
0xc2: {  	[dreg:$0x0] =	wrdreg $0x60  }
0xc3: {  	[dreg:$0x2] =	wrdreg s24  }
0xc4: {  	[dreg:$0x3] =	wrdreg s17  }
0xc5: {  	[dreg:$0x4] =	wrdreg $0x11C000  }
0xc6: {  	[dreg:$0x5] =	wrdreg $0x9  }
0xc7: {  	_ =	task.clear_ibuf [dreg:s22], $0x6FFFF;
	_ =	strace $0x9000004C  }
0xc8: {  	s29 =	simm.s32 $0x9;
	_ =	strace $0x8000004E  }
0xc9: {  	_ =	swait.ge [sflag:s29], $0x1  }
0xca: {  	[sflag:s29] =	ssyncadd.s32 $0xFFFFFFFF  }
0xcb: {  	_ =	strace $0x9000004E  }
0xcc: {  	_ =	sfence  }
0xcd: {  	s30 =	sld [smem:$0x0];
	_ =	sdelay $0x2  }
0xce: {  	s31 =	sshll.u32 s1, $0xD;
	s1 =	sshrl.u32 s1, $0x2  }
0xcf: {  	s4 =	sand.u32 $0x4000, s31;
	s1 =	sadd.s32 s1, s30  }
0xd0: {  	s0 =	sor.u32 s4, s0;
	s1 =	sshll.u32 s1, $0x11  }
0xd1: {  	s0 =	sor.u32 s1, s0  }
0xd2: {  	s0 =	sadd.s32 $0x8F2B, s0  }
0xd3: {  	[sflag:s0] =	ssyncadd.remote.s32 $0x1  }
0xd4: {  	_ =	sfence.sel $0xFFFF  }
0xd5: {  	[dreg:$0x0] =	wrdreg $0xFFFFFFFF;
	(pc) =	sbr.abs _section_cstart, $3  }
0xd6: {  	[dreg:$0x1] =	wrdreg $0xFFFFFFFF  }
0xd7: {  	_ =	task.clear_ibuf [dreg:s22], $0x2FFFF;
	_ =	strace $0x9FFFFFFF  }
0xd8: {  	(tm) =	ssettm $0x7FFFFFFF  }
0xd9: {  	_ =	shalt  }
tec
execute0_lowered:
.L_overlay_start_1:
0x0: {  	(tag) =	ssettag $0x1  }
0x1: {  	s15 =	stileid.u32  }
0x2: {  	s0 =	rddreg [dreg:$0x0];
	s4 =	smul.u32 $0x2710, s15  }
0x3: {  	s3 =	rddreg [dreg:$0x1];
	s6 =	smul.u32 $0x4E2, s15  }
0x4: {  	s2 =	rddreg [dreg:$0x2];
	s16 =	simm.s32 $0x0;
	s7 =	smul.u32 $0x1400, s15  }
0x5: {  	s1 =	srdreg.scid;
	s30 =	simm.s32 $0x2A00;
	s13 =	smul.u32 $0x28000, s15  }
0x6: {  	[smem:$0x7FF] =	sst s16;
	s8 =	sand.u32 $0x1, s1;
	s25 =	smul.u32 $0x9C00, s15  }
0x7: {  	s20 =	sshll.u32 s15, $0x1;
	s26 =	smul.u32 $0x27000, s15;
	p0 =	seq.s32 s15, $0xF  }
0x8: {  	_ =	strace $0x8000004D;
	s1 =	sor.u32 s8, s20;
	s17 =	smul.u32 $0x1388, s8  }
0x9: {  	s11 =	ssub.s32 $0x2, s8;
	s5 =	sshrl.u32 s4, $0x3;
	s1 =	smul.u32 $0x4E2, s1  }
0xa: {  	s10 =	sadd.s32 s6, s0;
	s6 =	smul.u32 $0x3E, s8;
	s12 =	sadd.s32 s7, s0  }
0xb: {  	s21 =	sshrl.u32 s11, $0x1;
	s13 =	sshrl.u32 s13, $0x2;
	s19 =	sadd.s32 $0x20, s4  }
0xc: {  	s20 =	sadd.s32 $0x30, s4;
	s28 =	sadd.s32 $0x100, s4;
	s29 =	sadd.s32 $0x110, s4  }
0xd: {  	s31 =	sadd.s32 $0x130, s4;
	s9 =	sadd.s32 s5, s0;
	s5 =	sadd.s32 $0xF01A00, s0  }
0xe: {  	v0 =	vlaneseq.u32;
	s11 =	ssub.s32 s11, s21;
	s24 =	sadd.s32 $0xA24000, s12;
	s12 =	sadd.s32 $0x96000, s2  }
0xf: {  	s21 =	sadd.s32 $0x40, s4;
	s10 =	sadd.s32 $0x9D5E00, s10;
	v2 =	vor.u32 s19, v0;
	s19 =	simm.s32 $0x6  }
0x10: {  	v3 =	vor.u32 s20, v0;
	s20 =	simm.s32 $0x50;
	v17 =	vor.u32 s29, v0;
	s29 =	simm.s32 $0xA400;
	v19 =	vor.u32 s31, v0;
	s31 =	simm.s32 $0xCC00  }
0x11: {  	v16 =	vor.u32 s28, v0;
	s28 =	simm.s32 $0x4;
	s14 =	sadd.s32 s1, s0;
	s22 =	sor.u32 s8, s6  }
0x12: {  	s23 =	sadd.s32 $0x9D0E00, s9;
	s9 =	sadd.s32 s13, s2;
	s8 =	smul.u32 $0x9C400, s8  }
0x13: {  	[dreg:$0x5] =	wrdreg s24;
	s0 =	sadd.s32 $0xA36C00, s0;
	s24 =	sshrl.u32 s26, $0x2  }
0x14: {  	s26 =	smax.u32 s11, $0x1;
	s1 =	sshrl.u32 @p0 s12, $0x3;
	s11 =	sadd.s32 $0x90, s4  }
0x15: {  	s12 =	sadd.s32 $0xA0, s4;
	s13 =	sadd.s32 $0xB0, s4;
	[dreg:$0x4] =	wrdreg s23  }
0x16: {  	v4 =	vor.u32 s21, v0;
	s21 =	sadd.s32 $0x150, s4;
	s7 =	sadd.s32 $0x3E, s22;
	[dreg:$0x6] =	wrdreg s0  }
0x17: {  	s0 =	sadd.s32 $0x10, s4;
	s22 =	sadd.s32 $0x50, s4;
	[dreg:$0x9] =	wrdreg s26  }
0x18: {  	s23 =	sadd.s32 $0x60, s4;
	[dreg:$0xa] =	wrdreg s1;
	s26 =	sadd.s32 $0xD0, s4  }
0x19: {  	v21 =	vor.u32 s21, v0;
	s21 =	simm.s32 $0x2780;
	s8 =	sadd.s32 s25, s8;
	s25 =	sadd.s32 $0x9DAE00, s14  }
0x1a: {  	s14 =	sadd.s32 $0xC0, s4;
	v1 =	vor.u32 s0, v0;
	s0 =	sadd.s32 $0x120, s4;
	v6 =	vor.u32 s23, v0;
	s23 =	sadd.s32 $0x160, s4  }
0x1b: {  	v5 =	vor.u32 s22, v0;
	s22 =	simm.s32 $0x2C00;
	v13 =	vor.u32 s26, v0;
	s26 =	simm.s32 $0x7C00;
	s8 =	sshrl.u32 s8, $0x3  }
0x1c: {  	[dreg:$0x8] =	wrdreg s25;
	s25 =	sadd.s32 $0xF0, s4;
	v18 =	vor.u32 s0, v0;
	s0 =	simm.s32 $0x1  }
0x1d: {  	v22 =	vor.u32 s23, v0;
	s23 =	simm.s32 $0x2;
	s18 =	sadd.s32 s3, s8;
	s3 =	sadd.s32 s24, s2  }
0x1e: {  	s8 =	sshll.u32 @!p0 s15, $0x6;
	s24 =	sadd.s32 $0xE0, s4;
	s15 =	sadd.s32 $0x170, s4  }
.Ltmp0:
0x1f: {  	v27 =	vimm.f32 $0.0e+00;
	v15 =	vor.u32 s25, v0;
	s25 =	simm.s32 $0x3;
	[dreg:$0x7] =	wrdreg s18;
	(pc) =	sbr.rel .LBB2_1-.Ltmp0, $4  }
0x20: {  	v26 =	vor.u32 s4, v0;
	v25 =	vmov s17;
	v9 =	vor.u32 s11, v0;
	s1 =	sor.u32 @!p0 $0x1C06, s8;
	s18 =	sshrl.u32 s3, $0x3;
	s8 =	sadd.s32 $0x70, s4  }
0x21: {  	v10 =	vor.u32 s12, v0;
	v11 =	vor.u32 s13, v0;
	v12 =	vor.u32 s14, v0;
	[dreg:$0xb] =	wrdreg s1;
	s1 =	sshrl.u32 @!p0 s9, $0x3;
	s9 =	sadd.s32 $0x80, s4  }
0x22: {  	v14 =	vor.u32 s24, v0;
	v23 =	vor.u32 s15, v0;
	[dreg:$0xc] =	wrdreg s1;
	s1 =	sadd.s32 $0x140, s4;
	v8 =	vor.u32 s9, v0;
	s9 =	sadd.s32 $0x180, s4  }
0x23: {  	s24 =	simm.s32 $0x5400;
	s3 =	simm.s32 $0x0;
	v7 =	vor.u32 s8, v0;
	v20 =	vor.u32 s1, v0;
	v24 =	vor.u32 s9, v0;
	s1 =	simm.s32 $0x5  }
.LBB2_6:
0x24: {  	s8 =	stileid.u32  }
0x25: {  	[bflag:$0x0] =	sbarrier.arrive $0xFFFF;
	s8 =	sshll.u32 s8, $0x6  }
0x26: {  	s9 =	rddreg [dreg:$0x7];
	s8 =	sor.u32 $0x1C06, s8  }
0x27: {  	[hbm:s9], [sflag:s8] =	dma.local [spmem:s18], $0x1400  }
0x28: {  	_ =	swait.ge [sflag:s19], $0x1400  }
0x29: {  	s16 =	simm.s32 $0x0;
	[sflag:s19] =	ssyncset.done $0x0  }
0x2a: {  	s15 =	simm.s32 $0xF480;
	s14 =	rddreg [dreg:$0x8];
	[sflag:s19] =	ssyncadd.s32 $0xFFFFEC00  }
0x2b: {  	[hbm4b:s14+s16] =	stream.linear.scatter [tilespmem:s15], [sflag:$0x6], $0x2710, $0x38;
	[tilespmem:$0x1B880] =	vst v63  }
0x2c: {  	_ =	swait.ge [sflag:s19], $0x2710  }
0x2d: {  	s3 =	sadd.s32 $0x1, s3;
	s17 =	rddreg [dreg:$0x9]  }
0x2e: {  	p1 =	sne.s32 s3, s17  }
.Ltmp1:
0x2f: {  	_ = 	snop;
	(pc) =	sbr.rel @!p1 .LBB2_7-.Ltmp1, $3  }
0x30: {  	_ =	sdelay $0x1  }
0x31: {  	[sflag:s19] =	ssyncset.done $0x0  }
0x32: {  	[sflag:s19] =	ssyncadd.s32 $0xFFFFD8F0  }
.LBB2_1:
0x33: {  	s8 =	rddreg [dreg:$0x4]  }
0x34: {  	[tilespmem:s16], [sflag:$0x6] =	stream.linear.gather [hbm4b:s8+s16], $0x2710, $0x38;
	[tilespmem:$0x1B880] =	vst v63  }
0x35: {  	_ =	swait.ge [sflag:s19], $0x2710  }
0x36: {  	[sflag:s19] =	ssyncset.done $0x0  }
0x37: {  	s9 =	simm.s32 $0x0;
	s8 =	simm.s32 $0x40;
	[sflag:s19] =	ssyncadd.s32 $0xFFFFD8F0  }
.LBB2_2:
0x38: {  	p1 =	sne.s32 s8, $0x9C00;
	[tilespmem:s9+$0xF480] =	vst v27;
	s9 =	smov.u32 s8;
	s8 =	sadd.s32 $0x40, s8  }
.Ltmp2:
0x39: {  	(pc) =	sbr.rel @p1 .LBB2_2-.Ltmp2, $2  }
0x3a: {  	_ =	sdelay $0x2  }
0x3b: {  	s9 =	sshra.s32 s9, $0x2  }
0x3c: {  	[tilespmem:s9+$0xF480] =	vst v27;
	s9 =	rddreg [dreg:$0x6]  }
0x3d: {  	s8 =	simm.s32 @p0 $0x1FC6;
	s11 =	rddreg [dreg:$0xa]  }
0x3e: {  	[spmem:s11], [sflag:s8] =	dma.local @p0 [hbm:s9], $0xD00  }
0x3f: {  	s8 =	simm.s32 @p0 $0x6  }
0x40: {  	_ =	swait.ge @p0 [sflag:s8], $0xD00  }
0x41: {  	s9 =	rddreg [dreg:$0xb]  }
0x42: {  	[sflag:s8] =	ssyncset.done @p0 $0x0;
	s11 =	rddreg [dreg:$0xc]  }
0x43: {  	[sflag:s8] =	ssyncadd.s32 @p0 $0xFFFFF300;
	s8 =	rddreg [dreg:$0x5]  }
0x44: {  	[spmem:s11], [sflag:s9] =	dma.local @!p0 [hbm:s8], $0x1400  }
0x45: {  	s8 =	simm.s32 @!p0 $0x6  }
0x46: {  	_ =	swait.ge @!p0 [sflag:s8], $0x1400  }
0x47: {  	[sflag:s8] =	ssyncset.done @!p0 $0x0  }
0x48: {  	[sflag:s8] =	ssyncadd.s32 @!p0 $0xFFFFEC00  }
0x49: {  	[bflag:$0x0] =	sbarrier.arrive $0xFFFF  }
0x4a: {  	[tilespmem:$0x2800] =	vst v26  }
0x4b: {  	[tilespmem:$0x2810] =	vst v1  }
0x4c: {  	[tilespmem:$0x2820] =	vst v2  }
0x4d: {  	[tilespmem:$0x2830] =	vst v3  }
0x4e: {  	s14 =	simm.s32 $0x2800;
	[tilespmem:$0x2840] =	vst v4  }
0x4f: {  	[tilespmem:s22], [sflag:$0x1] =	stream.indirect.gather [hbm4b:s5+s20], $0x80, s14, s20, $0xb8;
	[tilespmem:$0x1B880] =	vst v63  }
0x50: {  	[tilespmem:$0x2880] =	vst v5  }
0x51: {  	[tilespmem:$0x2890] =	vst v6  }
0x52: {  	[tilespmem:$0x28A0] =	vst v7  }
0x53: {  	[tilespmem:$0x28B0] =	vst v8  }
0x54: {  	s15 =	simm.s32 $0x2880;
	[tilespmem:$0x28C0] =	vst v9  }
0x55: {  	[tilespmem:s24], [sflag:$0x2] =	stream.indirect.gather [hbm4b:s5+s20], $0x80, s15, s20, $0xb8;
	[tilespmem:$0x1B880] =	vst v63  }
0x56: {  	[tilespmem:$0x2900] =	vst v10  }
0x57: {  	[tilespmem:$0x2910] =	vst v11  }
0x58: {  	[tilespmem:$0x2920] =	vst v12  }
0x59: {  	[tilespmem:$0x2930] =	vst v13  }
0x5a: {  	s16 =	simm.s32 $0x2900;
	[tilespmem:$0x2940] =	vst v14  }
0x5b: {  	[tilespmem:s26], [sflag:$0x3] =	stream.indirect.gather [hbm4b:s5+s20], $0x80, s16, s20, $0xb8;
	[tilespmem:$0x1B880] =	vst v63  }
0x5c: {  	[tilespmem:$0x2980] =	vst v15  }
0x5d: {  	[tilespmem:$0x2990] =	vst v16  }
0x5e: {  	[tilespmem:$0x29A0] =	vst v17  }
0x5f: {  	[tilespmem:$0x29B0] =	vst v18  }
0x60: {  	s17 =	simm.s32 $0x2980;
	[tilespmem:$0x29C0] =	vst v19  }
0x61: {  	[tilespmem:s29], [sflag:$0x4] =	stream.indirect.gather [hbm4b:s5+s20], $0x80, s17, s20, $0xb8;
	[tilespmem:$0x1B880] =	vst v63  }
0x62: {  	[tilespmem:$0x2A00] =	vst v20  }
0x63: {  	[tilespmem:$0x2A10] =	vst v21  }
0x64: {  	[tilespmem:$0x2A20] =	vst v22  }
0x65: {  	s9 =	simm.s32 $0xC0;
	[tilespmem:$0x2A30] =	vst v23  }
0x66: {  	s11 =	simm.s32 $0x0;
	s8 =	simm.s32 $0x0;
	s14 =	smov.u32 s10;
	[tilespmem:$0x2A40] =	vst v24  }
0x67: {  	[tilespmem:s31], [sflag:$0x5] =	stream.indirect.gather [hbm4b:s5+s20], $0x80, s30, s20, $0xb8;
	[tilespmem:$0x1B880] =	vst v63  }
.LBB2_4:
0x68: {  	p1 =	slt.u32 s8, s6  }
0x69: {  	_ =	swait.ge [sflag:s0], $0x2800;
	p2 =	sge.u32 @!p1 s8, s7  }
0x6a: {  	[sflag:s0] =	ssyncset.done $0x0;
	p1 =	por p2, p1  }
0x6b: {  	[sflag:s0] =	ssyncadd.s32 $0xFFFFD800;
	s12 =	simm.s32 @!p1 $0x0;
	s13 =	simm.s32 @!p1 $0xF400  }
0x6c: {  	[tilespmem:s13], [sflag:$0x6] =	stream.linear.gather @!p1 [hbm4b:s14+s12], $0x50, $0x38;
	[tilespmem:$0x1B880] =	vst v63  }
0x6d: {  	s12 =	simm.s32 @!p1 $0x6  }
0x6e: {  	_ =	swait.ge @!p1 [sflag:s12], $0x50  }
0x6f: {  	[sflag:s12] =	ssyncset.done @!p1 $0x0  }
0x70: {  	[sflag:s12] =	ssyncadd.s32 @!p1 $0xFFFFFFB0  }
0x71: {  	v28 =	vld @!p1 [tilespmem:s9+$0xFFFFFF40];
	_ =	sdelay $0x2  }
0x72: {  	v29 =	vld @!p1 [tilespmem:$0xF400];
	_ =	sdelay $0x3  }
0x73: {  	s12 =	simm.s32 @!p1 $0xF480  }
0x74: {  	[tilespmem:v28+s12+$0x0] =	vst.idx.add.f32.msk @!p1 $0xffff, v29  }
0x75: {  	v28 =	vld @!p1 [tilespmem:s9+$0xFFFFFF50];
	_ =	sdelay $0x2  }
0x76: {  	v29 =	vld @!p1 [tilespmem:$0xF410];
	_ =	sdelay $0x4  }
0x77: {  	[tilespmem:v28+s12+$0x0] =	vst.idx.add.f32.msk @!p1 $0xffff, v29  }
0x78: {  	v28 =	vld @!p1 [tilespmem:s9+$0xFFFFFF60];
	_ =	sdelay $0x2  }
0x79: {  	v29 =	vld @!p1 [tilespmem:$0xF420];
	_ =	sdelay $0x4  }
0x7a: {  	[tilespmem:v28+s12+$0x0] =	vst.idx.add.f32.msk @!p1 $0xffff, v29  }
0x7b: {  	v28 =	vld @!p1 [tilespmem:s9+$0xFFFFFF70];
	_ =	sdelay $0x2  }
0x7c: {  	v29 =	vld @!p1 [tilespmem:$0xF430];
	_ =	sdelay $0x4  }
0x7d: {  	[tilespmem:v28+s12+$0x0] =	vst.idx.add.f32.msk @!p1 $0xffff, v29  }
0x7e: {  	v28 =	vld @!p1 [tilespmem:s9+$0xFFFFFF80];
	_ =	sdelay $0x2  }
0x7f: {  	v29 =	vld @!p1 [tilespmem:$0xF440];
	_ =	sdelay $0x4  }
0x80: {  	[tilespmem:v28+s12+$0x0] =	vst.idx.add.f32.msk @!p1 $0xffff, v29  }
0x81: {  	v28 =	vld [tilespmem:s9+$0xFFFFFF40];
	_ =	sdelay $0x4  }
0x82: {  	v28 =	vsub.s32 v28, v25  }
0x83: {  	v28 =	vmin.u32 v28, $0x1388  }
0x84: {  	[tilespmem:$0x2780] =	vst v28  }
0x85: {  	v28 =	vld [tilespmem:s9+$0xFFFFFF50];
	_ =	sdelay $0x4  }
0x86: {  	v28 =	vsub.s32 v28, v25  }
0x87: {  	v28 =	vmin.u32 v28, $0x1388  }
0x88: {  	[tilespmem:$0x2790] =	vst v28  }
0x89: {  	v28 =	vld [tilespmem:s9+$0xFFFFFF60];
	_ =	sdelay $0x4  }
0x8a: {  	v28 =	vsub.s32 v28, v25  }
0x8b: {  	v28 =	vmin.u32 v28, $0x1388  }
0x8c: {  	[tilespmem:$0x27A0] =	vst v28  }
0x8d: {  	v28 =	vld [tilespmem:s9+$0xFFFFFF70];
	_ =	sdelay $0x4  }
0x8e: {  	v28 =	vsub.s32 v28, v25  }
0x8f: {  	v28 =	vmin.u32 v28, $0x1388  }
0x90: {  	[tilespmem:$0x27B0] =	vst v28  }
0x91: {  	v28 =	vld [tilespmem:s9+$0xFFFFFF80];
	_ =	sdelay $0x4  }
0x92: {  	v28 =	vsub.s32 v28, v25  }
0x93: {  	v28 =	vmin.u32 v28, $0x1388  }
0x94: {  	p1 =	seq.s32 s11, $0x2580;
	[tilespmem:$0x27C0] =	vst v28  }
0x95: {  	[spmem:s2] =	stream.indirect.scatter.add.f32 [tilespmem:s22], [sflag:$0x6], $0x80, s21, s20, $0xb8;
	[tilespmem:$0x1B880] =	vst v63  }
0x96: {  	s12 =	sadd.s32 @!p1 s11, s4;
	_ =	swait.ge [sflag:s19], $0x2800  }
0x97: {  	s13 =	sadd.s32 @!p1 $0x190, s12;
	v28 =	vlaneseq.u32 @!p1;
	[sflag:s19] =	ssyncset.done $0x0  }
0x98: {  	v29 =	vor.u32 @!p1 s13, v28;
	s13 =	sadd.s32 @!p1 $0x1A0, s12;
	[sflag:s19] =	ssyncadd.s32 $0xFFFFD800  }
0x99: {  	[tilespmem:$0x2800] =	vst @!p1 v29;
	v29 =	vor.u32 @!p1 s13, v28;
	s13 =	sadd.s32 @!p1 $0x1B0, s12  }
0x9a: {  	[tilespmem:$0x2810] =	vst @!p1 v29;
	v29 =	vor.u32 @!p1 s13, v28;
	s13 =	sadd.s32 @!p1 $0x1C0, s12  }
0x9b: {  	[tilespmem:$0x2820] =	vst @!p1 v29;
	v29 =	vor.u32 @!p1 s13, v28;
	s13 =	sadd.s32 @!p1 $0x1D0, s12  }
0x9c: {  	[tilespmem:$0x2830] =	vst @!p1 v29;
	v29 =	vor.u32 @!p1 s13, v28  }
0x9d: {  	s15 =	simm.s32 @!p1 $0x2800;
	s16 =	simm.s32 @!p1 $0x2C00;
	s13 =	simm.s32 @!p1 $0x50;
	[tilespmem:$0x2840] =	vst @!p1 v29  }
0x9e: {  	[tilespmem:s16], [sflag:$0x1] =	stream.indirect.gather @!p1 [hbm4b:s5+s13], $0x80, s15, s13, $0xb8;
	[tilespmem:$0x1B880] =	vst v63  }
0x9f: {  	s15 =	sadd.s32 $0x1, s8  }
0xa0: {  	_ =	swait.ge [sflag:s23], $0x2800;
	p2 =	slt.u32 s15, s6  }
0xa1: {  	[sflag:s23] =	ssyncset.done $0x0;
	p3 =	sge.u32 @!p2 s15, s7  }
0xa2: {  	[sflag:s23] =	ssyncadd.s32 $0xFFFFD800;
	p2 =	por p3, p2  }
0xa3: {  	s15 =	sadd.s32 @!p2 $0xA, s14;
	s16 =	simm.s32 @!p2 $0x0;
	s17 =	simm.s32 @!p2 $0xF400  }
0xa4: {  	[tilespmem:s17], [sflag:$0x6] =	stream.linear.gather @!p2 [hbm4b:s15+s16], $0x50, $0x38;
	[tilespmem:$0x1B880] =	vst v63  }
0xa5: {  	s15 =	simm.s32 @!p2 $0x6  }
0xa6: {  	_ =	swait.ge @!p2 [sflag:s15], $0x50  }
0xa7: {  	[sflag:s15] =	ssyncset.done @!p2 $0x0  }
0xa8: {  	[sflag:s15] =	ssyncadd.s32 @!p2 $0xFFFFFFB0  }
0xa9: {  	v29 =	vld @!p2 [tilespmem:s9+$0xFFFFFF90];
	_ =	sdelay $0x2  }
0xaa: {  	v30 =	vld @!p2 [tilespmem:$0xF400];
	_ =	sdelay $0x3  }
0xab: {  	s15 =	simm.s32 @!p2 $0xF480  }
0xac: {  	[tilespmem:v29+s15+$0x0] =	vst.idx.add.f32.msk @!p2 $0xffff, v30  }
0xad: {  	v29 =	vld @!p2 [tilespmem:s9+$0xFFFFFFA0];
	_ =	sdelay $0x2  }
0xae: {  	v30 =	vld @!p2 [tilespmem:$0xF410];
	_ =	sdelay $0x4  }
0xaf: {  	[tilespmem:v29+s15+$0x0] =	vst.idx.add.f32.msk @!p2 $0xffff, v30  }
0xb0: {  	v29 =	vld @!p2 [tilespmem:s9+$0xFFFFFFB0];
	_ =	sdelay $0x2  }
0xb1: {  	v30 =	vld @!p2 [tilespmem:$0xF420];
	_ =	sdelay $0x4  }
0xb2: {  	[tilespmem:v29+s15+$0x0] =	vst.idx.add.f32.msk @!p2 $0xffff, v30  }
0xb3: {  	v29 =	vld @!p2 [tilespmem:s9+$0xFFFFFFC0];
	_ =	sdelay $0x2  }
0xb4: {  	v30 =	vld @!p2 [tilespmem:$0xF430];
	_ =	sdelay $0x4  }
0xb5: {  	[tilespmem:v29+s15+$0x0] =	vst.idx.add.f32.msk @!p2 $0xffff, v30  }
0xb6: {  	v29 =	vld @!p2 [tilespmem:s9+$0xFFFFFFD0];
	_ =	sdelay $0x2  }
0xb7: {  	v30 =	vld @!p2 [tilespmem:$0xF440];
	_ =	sdelay $0x4  }
0xb8: {  	[tilespmem:v29+s15+$0x0] =	vst.idx.add.f32.msk @!p2 $0xffff, v30  }
0xb9: {  	v29 =	vld [tilespmem:s9+$0xFFFFFF90];
	_ =	sdelay $0x4  }
0xba: {  	v29 =	vsub.s32 v29, v25  }
0xbb: {  	v29 =	vmin.u32 v29, $0x1388  }
0xbc: {  	[tilespmem:$0x2780] =	vst v29  }
0xbd: {  	v29 =	vld [tilespmem:s9+$0xFFFFFFA0];
	_ =	sdelay $0x4  }
0xbe: {  	v29 =	vsub.s32 v29, v25  }
0xbf: {  	v29 =	vmin.u32 v29, $0x1388  }
0xc0: {  	[tilespmem:$0x2790] =	vst v29  }
0xc1: {  	v29 =	vld [tilespmem:s9+$0xFFFFFFB0];
	_ =	sdelay $0x4  }
0xc2: {  	v29 =	vsub.s32 v29, v25  }
0xc3: {  	v29 =	vmin.u32 v29, $0x1388  }
0xc4: {  	[tilespmem:$0x27A0] =	vst v29  }
0xc5: {  	v29 =	vld [tilespmem:s9+$0xFFFFFFC0];
	_ =	sdelay $0x4  }
0xc6: {  	v29 =	vsub.s32 v29, v25  }
0xc7: {  	v29 =	vmin.u32 v29, $0x1388  }
0xc8: {  	[tilespmem:$0x27B0] =	vst v29  }
0xc9: {  	v29 =	vld [tilespmem:s9+$0xFFFFFFD0];
	_ =	sdelay $0x4  }
0xca: {  	v29 =	vsub.s32 v29, v25  }
0xcb: {  	v29 =	vmin.u32 v29, $0x1388  }
0xcc: {  	[tilespmem:$0x27C0] =	vst v29  }
0xcd: {  	[spmem:s2] =	stream.indirect.scatter.add.f32 [tilespmem:s24], [sflag:$0x6], $0x80, s21, s20, $0xb8;
	[tilespmem:$0x1B880] =	vst v63  }
0xce: {  	_ =	swait.ge [sflag:s19], $0x2800  }
0xcf: {  	s15 =	sadd.s32 @!p1 $0x1E0, s12;
	[sflag:s19] =	ssyncset.done $0x0  }
0xd0: {  	v29 =	vor.u32 @!p1 s15, v28;
	s15 =	sadd.s32 @!p1 $0x1F0, s12;
	[sflag:s19] =	ssyncadd.s32 $0xFFFFD800  }
0xd1: {  	[tilespmem:$0x2880] =	vst @!p1 v29;
	v29 =	vor.u32 @!p1 s15, v28;
	s15 =	sadd.s32 @!p1 $0x200, s12  }
0xd2: {  	[tilespmem:$0x2890] =	vst @!p1 v29;
	v29 =	vor.u32 @!p1 s15, v28;
	s15 =	sadd.s32 @!p1 $0x210, s12  }
0xd3: {  	[tilespmem:$0x28A0] =	vst @!p1 v29;
	v29 =	vor.u32 @!p1 s15, v28;
	s15 =	sadd.s32 @!p1 $0x220, s12  }
0xd4: {  	[tilespmem:$0x28B0] =	vst @!p1 v29;
	v29 =	vor.u32 @!p1 s15, v28  }
0xd5: {  	s16 =	simm.s32 @!p1 $0x5400;
	s15 =	simm.s32 @!p1 $0x2880;
	[tilespmem:$0x28C0] =	vst @!p1 v29  }
0xd6: {  	[tilespmem:s16], [sflag:$0x2] =	stream.indirect.gather @!p1 [hbm4b:s5+s13], $0x80, s15, s13, $0xb8;
	[tilespmem:$0x1B880] =	vst v63  }
0xd7: {  	s15 =	sadd.s32 $0x2, s8  }
0xd8: {  	_ =	swait.ge [sflag:s25], $0x2800;
	p2 =	slt.u32 s15, s6  }
0xd9: {  	[sflag:s25] =	ssyncset.done $0x0;
	p3 =	sge.u32 @!p2 s15, s7  }
0xda: {  	[sflag:s25] =	ssyncadd.s32 $0xFFFFD800;
	p2 =	por p3, p2  }
0xdb: {  	s15 =	sadd.s32 @!p2 $0x14, s14;
	s16 =	simm.s32 @!p2 $0x0;
	s17 =	simm.s32 @!p2 $0xF400  }
0xdc: {  	[tilespmem:s17], [sflag:$0x6] =	stream.linear.gather @!p2 [hbm4b:s15+s16], $0x50, $0x38;
	[tilespmem:$0x1B880] =	vst v63  }
0xdd: {  	s15 =	simm.s32 @!p2 $0x6  }
0xde: {  	_ =	swait.ge @!p2 [sflag:s15], $0x50  }
0xdf: {  	[sflag:s15] =	ssyncset.done @!p2 $0x0  }
0xe0: {  	[sflag:s15] =	ssyncadd.s32 @!p2 $0xFFFFFFB0  }
0xe1: {  	v29 =	vld @!p2 [tilespmem:s9+$0xFFFFFFE0];
	_ =	sdelay $0x2  }
0xe2: {  	v30 =	vld @!p2 [tilespmem:$0xF400];
	_ =	sdelay $0x3  }
0xe3: {  	s15 =	simm.s32 @!p2 $0xF480  }
0xe4: {  	[tilespmem:v29+s15+$0x0] =	vst.idx.add.f32.msk @!p2 $0xffff, v30  }
0xe5: {  	v29 =	vld @!p2 [tilespmem:s9+$0xFFFFFFF0];
	_ =	sdelay $0x2  }
0xe6: {  	v30 =	vld @!p2 [tilespmem:$0xF410];
	_ =	sdelay $0x4  }
0xe7: {  	[tilespmem:v29+s15+$0x0] =	vst.idx.add.f32.msk @!p2 $0xffff, v30  }
0xe8: {  	v29 =	vld @!p2 [tilespmem:s9+$0x0];
	_ =	sdelay $0x2  }
0xe9: {  	v30 =	vld @!p2 [tilespmem:$0xF420];
	_ =	sdelay $0x4  }
0xea: {  	[tilespmem:v29+s15+$0x0] =	vst.idx.add.f32.msk @!p2 $0xffff, v30  }
0xeb: {  	v29 =	vld @!p2 [tilespmem:s9+$0x10];
	_ =	sdelay $0x2  }
0xec: {  	v30 =	vld @!p2 [tilespmem:$0xF430];
	_ =	sdelay $0x4  }
0xed: {  	[tilespmem:v29+s15+$0x0] =	vst.idx.add.f32.msk @!p2 $0xffff, v30  }
0xee: {  	v29 =	vld @!p2 [tilespmem:s9+$0x20];
	_ =	sdelay $0x2  }
0xef: {  	v30 =	vld @!p2 [tilespmem:$0xF440];
	_ =	sdelay $0x4  }
0xf0: {  	[tilespmem:v29+s15+$0x0] =	vst.idx.add.f32.msk @!p2 $0xffff, v30  }
0xf1: {  	v29 =	vld [tilespmem:s9+$0xFFFFFFE0];
	_ =	sdelay $0x4  }
0xf2: {  	v29 =	vsub.s32 v29, v25  }
0xf3: {  	v29 =	vmin.u32 v29, $0x1388  }
0xf4: {  	[tilespmem:$0x2780] =	vst v29  }
0xf5: {  	v29 =	vld [tilespmem:s9+$0xFFFFFFF0];
	_ =	sdelay $0x4  }
0xf6: {  	v29 =	vsub.s32 v29, v25  }
0xf7: {  	v29 =	vmin.u32 v29, $0x1388  }
0xf8: {  	[tilespmem:$0x2790] =	vst v29  }
0xf9: {  	v29 =	vld [tilespmem:s9+$0x0];
	_ =	sdelay $0x4  }
0xfa: {  	v29 =	vsub.s32 v29, v25  }
0xfb: {  	v29 =	vmin.u32 v29, $0x1388  }
0xfc: {  	[tilespmem:$0x27A0] =	vst v29  }
0xfd: {  	v29 =	vld [tilespmem:s9+$0x10];
	_ =	sdelay $0x4  }
0xfe: {  	v29 =	vsub.s32 v29, v25  }
0xff: {  	v29 =	vmin.u32 v29, $0x1388  }
0x100: {  	[tilespmem:$0x27B0] =	vst v29  }
0x101: {  	v29 =	vld [tilespmem:s9+$0x20];
	_ =	sdelay $0x4  }
0x102: {  	v29 =	vsub.s32 v29, v25  }
0x103: {  	v29 =	vmin.u32 v29, $0x1388  }
0x104: {  	[tilespmem:$0x27C0] =	vst v29  }
0x105: {  	[spmem:s2] =	stream.indirect.scatter.add.f32 [tilespmem:s26], [sflag:$0x6], $0x80, s21, s20, $0xb8;
	[tilespmem:$0x1B880] =	vst v63  }
0x106: {  	_ =	swait.ge [sflag:s19], $0x2800  }
0x107: {  	s15 =	sadd.s32 @!p1 $0x230, s12;
	[sflag:s19] =	ssyncset.done $0x0  }
0x108: {  	v29 =	vor.u32 @!p1 s15, v28;
	s15 =	sadd.s32 @!p1 $0x240, s12;
	[sflag:s19] =	ssyncadd.s32 $0xFFFFD800  }
0x109: {  	[tilespmem:$0x2900] =	vst @!p1 v29;
	v29 =	vor.u32 @!p1 s15, v28;
	s15 =	sadd.s32 @!p1 $0x250, s12  }
0x10a: {  	[tilespmem:$0x2910] =	vst @!p1 v29;
	v29 =	vor.u32 @!p1 s15, v28;
	s15 =	sadd.s32 @!p1 $0x260, s12  }
0x10b: {  	[tilespmem:$0x2920] =	vst @!p1 v29;
	v29 =	vor.u32 @!p1 s15, v28;
	s15 =	sadd.s32 @!p1 $0x270, s12  }
0x10c: {  	[tilespmem:$0x2930] =	vst @!p1 v29;
	v29 =	vor.u32 @!p1 s15, v28  }
0x10d: {  	s16 =	simm.s32 @!p1 $0x7C00;
	s15 =	simm.s32 @!p1 $0x2900;
	[tilespmem:$0x2940] =	vst @!p1 v29  }
0x10e: {  	[tilespmem:s16], [sflag:$0x3] =	stream.indirect.gather @!p1 [hbm4b:s5+s13], $0x80, s15, s13, $0xb8;
	[tilespmem:$0x1B880] =	vst v63  }
0x10f: {  	s15 =	sadd.s32 $0x3, s8  }
0x110: {  	_ =	swait.ge [sflag:s28], $0x2800;
	p2 =	slt.u32 s15, s6  }
0x111: {  	[sflag:s28] =	ssyncset.done $0x0;
	p3 =	sge.u32 @!p2 s15, s7  }
0x112: {  	[sflag:s28] =	ssyncadd.s32 $0xFFFFD800;
	p2 =	por p3, p2  }
0x113: {  	s15 =	sadd.s32 @!p2 $0x1E, s14;
	s16 =	simm.s32 @!p2 $0x0;
	s17 =	simm.s32 @!p2 $0xF400  }
0x114: {  	[tilespmem:s17], [sflag:$0x6] =	stream.linear.gather @!p2 [hbm4b:s15+s16], $0x50, $0x38;
	[tilespmem:$0x1B880] =	vst v63  }
0x115: {  	s15 =	simm.s32 @!p2 $0x6  }
0x116: {  	_ =	swait.ge @!p2 [sflag:s15], $0x50  }
0x117: {  	[sflag:s15] =	ssyncset.done @!p2 $0x0  }
0x118: {  	[sflag:s15] =	ssyncadd.s32 @!p2 $0xFFFFFFB0  }
0x119: {  	v29 =	vld @!p2 [tilespmem:s9+$0x30];
	_ =	sdelay $0x2  }
0x11a: {  	v30 =	vld @!p2 [tilespmem:$0xF400];
	_ =	sdelay $0x3  }
0x11b: {  	s15 =	simm.s32 @!p2 $0xF480  }
0x11c: {  	[tilespmem:v29+s15+$0x0] =	vst.idx.add.f32.msk @!p2 $0xffff, v30  }
0x11d: {  	v29 =	vld @!p2 [tilespmem:s9+$0x40];
	_ =	sdelay $0x2  }
0x11e: {  	v30 =	vld @!p2 [tilespmem:$0xF410];
	_ =	sdelay $0x4  }
0x11f: {  	[tilespmem:v29+s15+$0x0] =	vst.idx.add.f32.msk @!p2 $0xffff, v30  }
0x120: {  	v29 =	vld @!p2 [tilespmem:s9+$0x50];
	_ =	sdelay $0x2  }
0x121: {  	v30 =	vld @!p2 [tilespmem:$0xF420];
	_ =	sdelay $0x4  }
0x122: {  	[tilespmem:v29+s15+$0x0] =	vst.idx.add.f32.msk @!p2 $0xffff, v30  }
0x123: {  	v29 =	vld @!p2 [tilespmem:s9+$0x60];
	_ =	sdelay $0x2  }
0x124: {  	v30 =	vld @!p2 [tilespmem:$0xF430];
	_ =	sdelay $0x4  }
0x125: {  	[tilespmem:v29+s15+$0x0] =	vst.idx.add.f32.msk @!p2 $0xffff, v30  }
0x126: {  	v29 =	vld @!p2 [tilespmem:s9+$0x70];
	_ =	sdelay $0x2  }
0x127: {  	v30 =	vld @!p2 [tilespmem:$0xF440];
	_ =	sdelay $0x4  }
0x128: {  	[tilespmem:v29+s15+$0x0] =	vst.idx.add.f32.msk @!p2 $0xffff, v30  }
0x129: {  	v29 =	vld [tilespmem:s9+$0x30];
	_ =	sdelay $0x4  }
0x12a: {  	v29 =	vsub.s32 v29, v25  }
0x12b: {  	v29 =	vmin.u32 v29, $0x1388  }
0x12c: {  	[tilespmem:$0x2780] =	vst v29  }
0x12d: {  	v29 =	vld [tilespmem:s9+$0x40];
	_ =	sdelay $0x4  }
0x12e: {  	v29 =	vsub.s32 v29, v25  }
0x12f: {  	v29 =	vmin.u32 v29, $0x1388  }
0x130: {  	[tilespmem:$0x2790] =	vst v29  }
0x131: {  	v29 =	vld [tilespmem:s9+$0x50];
	_ =	sdelay $0x4  }
0x132: {  	v29 =	vsub.s32 v29, v25  }
0x133: {  	v29 =	vmin.u32 v29, $0x1388  }
0x134: {  	[tilespmem:$0x27A0] =	vst v29  }
0x135: {  	v29 =	vld [tilespmem:s9+$0x60];
	_ =	sdelay $0x4  }
0x136: {  	v29 =	vsub.s32 v29, v25  }
0x137: {  	v29 =	vmin.u32 v29, $0x1388  }
0x138: {  	[tilespmem:$0x27B0] =	vst v29  }
0x139: {  	v29 =	vld [tilespmem:s9+$0x70];
	_ =	sdelay $0x4  }
0x13a: {  	v29 =	vsub.s32 v29, v25  }
0x13b: {  	v29 =	vmin.u32 v29, $0x1388  }
0x13c: {  	[tilespmem:$0x27C0] =	vst v29  }
0x13d: {  	[spmem:s2] =	stream.indirect.scatter.add.f32 [tilespmem:s29], [sflag:$0x6], $0x80, s21, s20, $0xb8;
	[tilespmem:$0x1B880] =	vst v63  }
0x13e: {  	_ =	swait.ge [sflag:s19], $0x2800  }
0x13f: {  	s15 =	sadd.s32 @!p1 $0x280, s12;
	[sflag:s19] =	ssyncset.done $0x0  }
0x140: {  	v29 =	vor.u32 @!p1 s15, v28;
	s15 =	sadd.s32 @!p1 $0x290, s12;
	[sflag:s19] =	ssyncadd.s32 $0xFFFFD800  }
0x141: {  	[tilespmem:$0x2980] =	vst @!p1 v29;
	v29 =	vor.u32 @!p1 s15, v28;
	s15 =	sadd.s32 @!p1 $0x2A0, s12  }
0x142: {  	[tilespmem:$0x2990] =	vst @!p1 v29;
	v29 =	vor.u32 @!p1 s15, v28;
	s15 =	sadd.s32 @!p1 $0x2B0, s12  }
0x143: {  	s12 =	sadd.s32 @!p1 $0x2C0, s12;
	[tilespmem:$0x29A0] =	vst @!p1 v29;
	v29 =	vor.u32 @!p1 s15, v28  }
0x144: {  	v28 =	vor.u32 @!p1 s12, v28;
	[tilespmem:$0x29B0] =	vst @!p1 v29  }
0x145: {  	s12 =	simm.s32 @!p1 $0x2980;
	s15 =	simm.s32 @!p1 $0xA400;
	[tilespmem:$0x29C0] =	vst @!p1 v28  }
0x146: {  	[tilespmem:s15], [sflag:$0x4] =	stream.indirect.gather @!p1 [hbm4b:s5+s13], $0x80, s12, s13, $0xb8;
	[tilespmem:$0x1B880] =	vst v63  }
0x147: {  	s12 =	sadd.s32 $0x4, s8  }
0x148: {  	_ =	swait.ge [sflag:s1], $0x2800;
	p2 =	slt.u32 s12, s6  }
0x149: {  	[sflag:s1] =	ssyncset.done $0x0;
	p3 =	sge.u32 @!p2 s12, s7  }
0x14a: {  	[sflag:s1] =	ssyncadd.s32 $0xFFFFD800;
	p2 =	por p3, p2  }
0x14b: {  	s12 =	sadd.s32 @!p2 $0x28, s14;
	s13 =	simm.s32 @!p2 $0x0;
	s15 =	simm.s32 @!p2 $0xF400  }
0x14c: {  	[tilespmem:s15], [sflag:$0x6] =	stream.linear.gather @!p2 [hbm4b:s12+s13], $0x50, $0x38;
	[tilespmem:$0x1B880] =	vst v63  }
0x14d: {  	s12 =	simm.s32 @!p2 $0x6  }
0x14e: {  	_ =	swait.ge @!p2 [sflag:s12], $0x50  }
0x14f: {  	[sflag:s12] =	ssyncset.done @!p2 $0x0  }
0x150: {  	[sflag:s12] =	ssyncadd.s32 @!p2 $0xFFFFFFB0  }
0x151: {  	v28 =	vld @!p2 [tilespmem:s9+$0x80];
	_ =	sdelay $0x2  }
0x152: {  	v29 =	vld @!p2 [tilespmem:$0xF400];
	_ =	sdelay $0x3  }
0x153: {  	s12 =	simm.s32 @!p2 $0xF480  }
0x154: {  	[tilespmem:v28+s12+$0x0] =	vst.idx.add.f32.msk @!p2 $0xffff, v29  }
0x155: {  	v28 =	vld @!p2 [tilespmem:s9+$0x90];
	_ =	sdelay $0x2  }
0x156: {  	v29 =	vld @!p2 [tilespmem:$0xF410];
	_ =	sdelay $0x4  }
0x157: {  	[tilespmem:v28+s12+$0x0] =	vst.idx.add.f32.msk @!p2 $0xffff, v29  }
0x158: {  	v28 =	vld @!p2 [tilespmem:s9+$0xA0];
	_ =	sdelay $0x2  }
0x159: {  	v29 =	vld @!p2 [tilespmem:$0xF420];
	_ =	sdelay $0x4  }
0x15a: {  	[tilespmem:v28+s12+$0x0] =	vst.idx.add.f32.msk @!p2 $0xffff, v29  }
0x15b: {  	v28 =	vld @!p2 [tilespmem:s9+$0xB0];
	_ =	sdelay $0x2  }
0x15c: {  	v29 =	vld @!p2 [tilespmem:$0xF430];
	_ =	sdelay $0x4  }
0x15d: {  	[tilespmem:v28+s12+$0x0] =	vst.idx.add.f32.msk @!p2 $0xffff, v29  }
0x15e: {  	v28 =	vld @!p2 [tilespmem:s9+$0xC0];
	_ =	sdelay $0x2  }
0x15f: {  	v29 =	vld @!p2 [tilespmem:$0xF440];
	_ =	sdelay $0x4  }
0x160: {  	[tilespmem:v28+s12+$0x0] =	vst.idx.add.f32.msk @!p2 $0xffff, v29  }
0x161: {  	v28 =	vld [tilespmem:s9+$0x80];
	_ =	sdelay $0x4  }
0x162: {  	v28 =	vsub.s32 v28, v25  }
0x163: {  	v28 =	vmin.u32 v28, $0x1388  }
0x164: {  	[tilespmem:$0x2780] =	vst v28  }
0x165: {  	v28 =	vld [tilespmem:s9+$0x90];
	_ =	sdelay $0x4  }
0x166: {  	v28 =	vsub.s32 v28, v25  }
0x167: {  	v28 =	vmin.u32 v28, $0x1388  }
0x168: {  	[tilespmem:$0x2790] =	vst v28  }
0x169: {  	v28 =	vld [tilespmem:s9+$0xA0];
	_ =	sdelay $0x4  }
0x16a: {  	v28 =	vsub.s32 v28, v25  }
0x16b: {  	v28 =	vmin.u32 v28, $0x1388  }
0x16c: {  	[tilespmem:$0x27A0] =	vst v28  }
0x16d: {  	v28 =	vld [tilespmem:s9+$0xB0];
	_ =	sdelay $0x4  }
0x16e: {  	v28 =	vsub.s32 v28, v25  }
0x16f: {  	v28 =	vmin.u32 v28, $0x1388  }
0x170: {  	[tilespmem:$0x27B0] =	vst v28  }
0x171: {  	v28 =	vld [tilespmem:s9+$0xC0];
	_ =	sdelay $0x4  }
0x172: {  	v28 =	vsub.s32 v28, v25  }
0x173: {  	v28 =	vmin.u32 v28, $0x1388  }
.Ltmp3:
0x174: {  	[tilespmem:$0x27C0] =	vst v28;
	(pc) =	sbr.rel @p1 .LBB2_6-.Ltmp3, $4  }
0x175: {  	[spmem:s2] =	stream.indirect.scatter.add.f32 [tilespmem:s31], [sflag:$0x6], $0x80, s21, s20, $0xb8;
	[tilespmem:$0x1B880] =	vst v63  }
0x176: {  	_ =	swait.ge [sflag:s19], $0x2800  }
0x177: {  	[sflag:s19] =	ssyncset.done $0x0  }
0x178: {  	[sflag:s19] =	ssyncadd.s32 $0xFFFFD800  }
0x179: {  	s12 =	sadd.s32 s11, s4  }
0x17a: {  	s13 =	sadd.s32 $0x2D0, s12  }
0x17b: {  	s15 =	sadd.s32 $0x2E0, s12;
	v28 =	vor.u32 s13, v0  }
0x17c: {  	s16 =	sadd.s32 $0x2F0, s12;
	[tilespmem:$0x2A00] =	vst v28;
	v28 =	vor.u32 s15, v0  }
.Ltmp4:
0x17d: {  	s17 =	sadd.s32 $0x300, s12;
	[tilespmem:$0x2A10] =	vst v28;
	v28 =	vor.u32 s16, v0;
	(pc) =	sbr.rel .LBB2_4-.Ltmp4, $4  }
0x17e: {  	s12 =	sadd.s32 $0x310, s12;
	[tilespmem:$0x2A20] =	vst v28;
	v28 =	vor.u32 s17, v0  }
0x17f: {  	s11 =	sadd.s32 $0x190, s11;
	[tilespmem:$0x2A30] =	vst v28;
	v28 =	vor.u32 s12, v0  }
0x180: {  	s8 =	sadd.s32 $0x5, s8;
	s14 =	sadd.s32 $0x32, s14;
	s9 =	sadd.s32 $0x190, s9;
	[tilespmem:$0x2A40] =	vst v28  }
0x181: {  	[tilespmem:s31], [sflag:$0x5] =	stream.indirect.gather [hbm4b:s5+s20], $0x80, s30, s20, $0xb8;
	[tilespmem:$0x1B880] =	vst v63  }
.LBB2_7:
0x182: {  	_ =	sfence.sel $0x180000  }
0x183: {  	[bflag:$0x0] =	sbarrier.arrive $0xFFFF  }
0x184: {  	_ =	strace $0x9000004D  }
0x185: {  	s0 =	stileid.u32;
	[bflag:$0x2] =	sbarrier.arrive $0xFFFF  }
0x186: {  	p0 =	sne.s32 s0, $0x0;
	s0 =	rddreg [dreg:$0x3]  }
0x187: {  	s0 =	sadd.s32 @!p0 $0x100000, s0  }
0x188: {  	[sflag:s0] =	ssyncadd.tile.s32 @!p0 $0x1;
	_ =	shalt  }
.Lfunc_end2:
_tile_overlayer_lowered:
.L_overlay_start_2:
0x189: {  	(tag) =	ssettag $0x2  }
0x18a: {  	s0 =	rddreg [dreg:$0x0];
	s2 =	stileid.u32  }
0x18b: {  	s1 =	rddreg [dreg:$0x1];
	p0 =	sne.s32 s2, $0x0  }
0x18c: {  	s3 =	rddreg [dreg:$0x2];
	[bflag:$0x3] =	sbarrier.arrive $0xFFFF;
	s2 =	simm.s32 @!p0 $0x1C06  }
0x18d: {  	[timem:s3], [sflag:s2] =	dma.local @!p0 [hbm:s0], s1  }
0x18e: {  	s0 =	simm.s32 @!p0 $0x6  }
0x18f: {  	_ =	swait.ge @!p0 [sflag:s0], s1  }
0x190: {  	s1 =	ssub.s32 @!p0 $0x0, s1;
	[sflag:s0] =	ssyncset.done @!p0 $0x0  }
0x191: {  	[sflag:s0] =	ssyncadd.s32 @!p0 s1  }
0x192: {  	[bflag:$0x3] =	sbarrier.arrive $0xFFFF  }
0x193: {  	_ =	shalt  }

// kernel: kernel.14.cloned.1.call-start
scs
__scs_entry_jumppad:
0x0: {  	(pc) =	sbr.rel $0x88, $3  }
0x1: {  	(tag) =	ssettag $0x0;
	lr =	simm.s32 $0x1  }
0x2: {  	[smem:$0x3F8C] =	sst lr;
	_ =	strace $0xD0000000  }
0x3: {  	_ = 	snop  }
0x4: {  	_ = 	snop  }
0x5: {  	_ = 	snop  }
0x6: {  	_ = 	snop  }
0x7: {  	_ = 	snop  }
__scs_overlays_trampoline_lowered:
0x8: {  	[smem:$0x3F9B] =	sst s0  }
0x9: {  	[smem:$0x3F9C] =	sst s1  }
0xa: {  	[smem:$0x3F9D] =	sst s2  }
0xb: {  	[smem:$0x3F9E] =	sst s3  }
0xc: {  	[smem:$0x3F9F] =	sst s4  }
0xd: {  	[smem:$0x3FA0] =	sst s5  }
0xe: {  	[smem:$0x3FA1] =	sst s6  }
0xf: {  	[smem:$0x3FA2] =	sst s7  }
0x10: {  	[smem:$0x3FA3] =	sst s8  }
0x11: {  	[smem:$0x3FA4] =	sst s9;
	s0 =	simm.s32 @!p0 $0x0  }
0x12: {  	s1 =	sld [smem:$0x3F8A];
	s0 =	simm.s32 @p0 $0x1  }
0x13: {  	[smem:$0x3FA5] =	sst s0;
	s0 =	simm.s32 @!p1 $0x0  }
0x14: {  	s2 =	sld [smem:$0x3F89];
	s0 =	simm.s32 @p1 $0x1  }
0x15: {  	[smem:$0x3FA6] =	sst s0;
	s0 =	simm.s32 @!p2 $0x0  }
0x16: {  	s3 =	sld [smem:$0x3FDB];
	s0 =	simm.s32 @p2 $0x1  }
0x17: {  	s4 =	simm.s32 $0x1BF5;
	[smem:$0x3FA8] =	sst s0  }
0x18: {  	s0 =	sld [smem:$0x3F8B];
	_ =	swait.ge [sflag:s4], $0x0  }
0x19: {  	s7 =	sld [smem:$0x3F8C]  }
0x1a: {  	s8 =	sadd.s32 $0xFFFFE003, lr  }
0x1b: {  	s9 =	sadd.s32 $0xFFFFFEF7, lr;
	s5 =	simm.s32 $0xFFFFFFFF;
	p2 =	slt.u32 s8, $0xFFFFF086  }
0x1c: {  	p1 =	slt.u32 s9, $0xF7A;
	s5 =	simm.s32 @!p2 $0x0  }
0x1d: {  	s5 =	simm.s32 @p1 $0x1;
	p0 =	seq.s32 s7, s2  }
0x1e: {  	s7 =	smul.u32 @!p0 $0xF7A, s2;
	p2 =	seq.s32 @!p0 s5, $0x0  }
0x1f: {  	s9 =	smul.u32 $0xF7A, s1;
	s8 =	simm.s32 @!p0 $0x1BF5;
	p2 =	por !p2, p0  }
0x20: {  	[sflag:s8] =	ssyncset.s32 @!p0 $0xFFFFF086;
	s6 =	sadd.s32 @!p0 s3, s7;
	s7 =	simm.s32 @!p0 $0x108  }
0x21: {  	s3 =	sadd.s32 s3, s9;
	s6 =	sadd.s32 @!p0 $0x88, s6;
	s7 =	simm.s32 @p2 $0x1082  }
0x22: {  	[simem:s7], [sflag:s8] =	dma.local @!p0 [hbm:s6], $0xF7A  }
0x23: {  	s9 =	sor.u32 $0xD0000000, s2;
	s6 =	simm.s32 $0x108;
	_ =	swait.ge @!p0 [sflag:s8], $0x0  }
0x24: {  	s3 =	sadd.s32 $0x88, s3;
	s6 =	simm.s32 @!p1 $0x1082;
	[sflag:s4] =	ssyncset.s32 $0xFFFFF086  }
0x25: {  	[simem:s6], [sflag:s4] =	dma.local [hbm:s3], $0xF7A  }
0x26: {  	[smem:$0x3F8C] =	sst s1;
	(tag) =	ssettag s2;
	_ =	strace s9  }
0x27: {  	s1 =	sld [smem:$0x3F9C]  }
0x28: {  	s2 =	sld [smem:$0x3F9D]  }
0x29: {  	s4 =	sld [smem:$0x3F9F]  }
0x2a: {  	p0 =	seq.s32 s5, $0x0;
	s5 =	sld [smem:$0x3FA0]  }
0x2b: {  	s6 =	sld [smem:$0x3FA1]  }
0x2c: {  	s7 =	sld [smem:$0x3FA2]  }
0x2d: {  	s3 =	simm.s32 $0x108;
	s8 =	sld [smem:$0x3FA3]  }
0x2e: {  	s3 =	simm.s32 @!p0 $0x1082;
	s9 =	sld [smem:$0x3FA4]  }
0x2f: {  	lr =	sadd.s32 s0, s3;
	s0 =	sld [smem:$0x3F9B]  }
0x30: {  	s3 =	sld [smem:$0x3F9E]  }
0x31: {  	[smem:$0x3FA7] =	sst s10  }
0x32: {  	s10 =	sld [smem:$0x3FA5];
	_ =	sdelay $0x3  }
0x33: {  	p0 =	seq.s32 s10, $0x1;
	s10 =	sld [smem:$0x3FA7];
	_ =	sdelay $0x3  }
0x34: {  	[smem:$0x3FA7] =	sst s10  }
0x35: {  	s10 =	sld [smem:$0x3FA6];
	_ =	sdelay $0x3  }
0x36: {  	p1 =	seq.s32 s10, $0x1;
	s10 =	sld [smem:$0x3FA7];
	_ =	sdelay $0x3  }
0x37: {  	[smem:$0x3FA7] =	sst s10  }
0x38: {  	s10 =	sld [smem:$0x3FA8]  }
0x39: {  	_ = 	snop;
	(pc) =	sbr.ind lr, $3  }
0x3a: {  	_ = 	snop  }
0x3b: {  	_ = 	snop  }
0x3c: {  	p2 =	seq.s32 s10, $0x1;
	s10 =	sld [smem:$0x3FA7]  }
0x3d: {  	_ =	shalt  }
0x3e: {  	_ =	shalt  }
0x3f: {  	_ =	shalt  }
0x40: {  	_ =	shalt  }
0x41: {  	_ =	shalt  }
0x42: {  	_ =	shalt  }
0x43: {  	_ =	shalt  }
0x44: {  	_ =	shalt  }
0x45: {  	_ =	shalt  }
0x46: {  	_ =	shalt  }
0x47: {  	_ =	shalt  }
0x48: {  	_ =	shalt  }
0x49: {  	_ =	shalt  }
0x4a: {  	_ =	shalt  }
0x4b: {  	_ =	shalt  }
0x4c: {  	_ =	shalt  }
0x4d: {  	_ =	shalt  }
0x4e: {  	_ =	shalt  }
0x4f: {  	_ =	shalt  }
0x50: {  	_ =	shalt  }
0x51: {  	_ =	shalt  }
0x52: {  	_ =	shalt  }
0x53: {  	_ =	shalt  }
0x54: {  	_ =	shalt  }
0x55: {  	_ =	shalt  }
0x56: {  	_ =	shalt  }
0x57: {  	_ =	shalt  }
0x58: {  	_ =	shalt  }
0x59: {  	_ =	shalt  }
0x5a: {  	_ =	shalt  }
0x5b: {  	_ =	shalt  }
0x5c: {  	_ =	shalt  }
0x5d: {  	_ =	shalt  }
0x5e: {  	_ =	shalt  }
0x5f: {  	_ =	shalt  }
0x60: {  	_ =	shalt  }
0x61: {  	_ =	shalt  }
0x62: {  	_ =	shalt  }
0x63: {  	_ =	shalt  }
0x64: {  	_ =	shalt  }
0x65: {  	_ =	shalt  }
0x66: {  	_ =	shalt  }
0x67: {  	_ =	shalt  }
0x68: {  	_ =	shalt  }
0x69: {  	_ =	shalt  }
0x6a: {  	_ =	shalt  }
0x6b: {  	_ =	shalt  }
0x6c: {  	_ =	shalt  }
0x6d: {  	_ =	shalt  }
0x6e: {  	_ =	shalt  }
0x6f: {  	_ =	shalt  }
0x70: {  	_ =	shalt  }
0x71: {  	_ =	shalt  }
0x72: {  	_ =	shalt  }
0x73: {  	_ =	shalt  }
0x74: {  	_ =	shalt  }
0x75: {  	_ =	shalt  }
0x76: {  	_ =	shalt  }
0x77: {  	_ =	shalt  }
0x78: {  	_ =	shalt  }
0x79: {  	_ =	shalt  }
0x7a: {  	_ =	shalt  }
0x7b: {  	_ =	shalt  }
0x7c: {  	_ =	shalt  }
0x7d: {  	_ =	shalt  }
0x7e: {  	_ =	shalt  }
0x7f: {  	_ =	shalt  }
0x80: {  	_ =	shalt  }
0x81: {  	_ =	shalt  }
0x82: {  	_ =	shalt  }
0x83: {  	_ =	shalt  }
0x84: {  	_ =	shalt  }
0x85: {  	_ =	shalt  }
0x86: {  	_ =	shalt  }
0x87: {  	_ =	shalt  }
.Lfunc_end0:
.L_simem_size_0:
called_computation.2_lowered:
.L_overlay_start_0:
0x88: {  	s2 =	sld [smem:$0x3FD9]  }
0x89: {  	s3 =	sld [smem:$0x3FFE];
	_ =	sdelay $0x1  }
0x8a: {  	s1 =	srdreg.scid  }
0x8b: {  	s0 =	sand.u32 $0x1, s1  }
0x8c: {  	s16 =	sshll.u32 s0, $0xA;
	s2 =	sadd.s32 s3, s2  }
0x8d: {  	s2 =	sadd.s32 s2, s16  }
0x8e: {  	[smem:$0x3FB3] =	sst s2  }
0x8f: {  	_ = 	snop  }
0x90: {  	(tm) =	ssettm $0x1  }
0x91: {  	s17 =	sld [smem:$0x3FFB];
	_ =	sdelay $0x3  }
0x92: {  	_ =	strace s17  }
0x93: {  	s2 =	sld [smem:$0x3FFC];
	_ =	sdelay $0x3  }
0x94: {  	_ =	strace s2  }
0x95: {  	s2 =	sld [smem:$0x3FFD];
	_ =	sdelay $0x3  }
0x96: {  	_ =	strace s2  }
0x97: {  	_ =	strace $0x8FFFFFFF  }
0x98: {  	s18 =	sld [smem:$0x3FDB];
	_ =	sdelay $0x1  }
0x99: {  	s19 =	simm.s32 $_scs_section_size  }
0x9a: {  	s4 =	simm.s32 $_size__tile_overlayer_lowered;
	s5 =	simm.s32 $_tile_overlayer_lowered  }
0x9b: {  	s22 =	simm.s32 $0x1BFF;
	s21 =	sshll.u32 s5, $0x1;
	s2 =	sadd.s32 s19, s18  }
0x9c: {  	s6 =	simm.s32 $0x0;
	s20 =	sshll.u32 s4, $0x1;
	s4 =	sadd.s32 s21, s2  }
0x9d: {  	[timem:s6], [sflag:s22] =	dma.local [hbm:s4], s20  }
0x9e: {  	_ =	swait.ge [sflag:s22], s20  }
0x9f: {  	s3 =	ssub.s32 $0x0, s20;
	[sflag:s22] =	ssyncset.done $0x0  }
0xa0: {  	[sflag:s22] =	ssyncadd.s32 s3;
	_ =	sdelay $0x1  }
0xa1: {  	s23 =	simm.s32 $0x1B8B  }
0xa2: {  	_ =	swait.ge [sflag:s23], $0x1  }
0xa3: {  	[sflag:s23] =	ssyncset.done $0x0  }
0xa4: {  	s25 =	simm.s32 $0x1B8E;
	s24 =	sld [smem:$0x3FFE];
	[sflag:s23] =	ssyncadd.s32 $0xFFFFFFFF  }
0xa5: {  	s26 =	simm.s32 $execute0_lowered;
	[smem:$0x3FD2] =	sst s25  }
0xa6: {  	s4 =	sshll.u32 s26, $0x1;
	_ =	strace $0x80000049;
	[dreg:$0x1] =	wrdreg $0xFFFFFFFF  }
0xa7: {  	s28 =	simm.s32 $_size_execute0_lowered;
	s2 =	sadd.s32 s2, s4;
	[dreg:$0x0] =	wrdreg $0x0  }
0xa8: {  	s4 =	sshll.u32 s28, $0x1;
	[dreg:$0x2] =	wrdreg s2  }
0xa9: {  	[dreg:$0x3] =	wrdreg s4  }
0xaa: {  	[dreg:$0x4] =	wrdreg $0xC0  }
0xab: {  	_ =	task [dreg:s6], $0x5FFFF  }
0xac: {  	[dreg:$0x1] =	wrdreg $0xFFFFFFFF  }
0xad: {  	[dreg:$0x0] =	wrdreg $0x60  }
0xae: {  	[dreg:$0x2] =	wrdreg s24  }
0xaf: {  	[dreg:$0x3] =	wrdreg $0x11C000  }
0xb0: {  	[dreg:$0x4] =	wrdreg $0xA  }
0xb1: {  	_ =	task.clear_ibuf [dreg:s6], $0x5FFFF;
	_ =	strace $0x90000049  }
0xb2: {  	s29 =	simm.s32 $0xA;
	_ =	strace $0x8000004B  }
0xb3: {  	_ =	swait.ge [sflag:s29], $0x1  }
0xb4: {  	[sflag:s29] =	ssyncadd.s32 $0xFFFFFFFF  }
0xb5: {  	_ =	strace $0x9000004B  }
0xb6: {  	_ =	sfence  }
0xb7: {  	s30 =	sld [smem:$0x0];
	_ =	sdelay $0x2  }
0xb8: {  	s31 =	sshll.u32 s1, $0xD;
	s1 =	sshrl.u32 s1, $0x2  }
0xb9: {  	s3 =	sand.u32 $0x4000, s31;
	s1 =	sadd.s32 s1, s30  }
0xba: {  	s0 =	sor.u32 s3, s0;
	s1 =	sshll.u32 s1, $0x11  }
0xbb: {  	s0 =	sor.u32 s1, s0  }
0xbc: {  	s0 =	sadd.s32 $0x8F2B, s0  }
0xbd: {  	[sflag:s0] =	ssyncadd.remote.s32 $0x1  }
0xbe: {  	_ =	sfence.sel $0xFFFF  }
0xbf: {  	[dreg:$0x0] =	wrdreg $0xFFFFFFFF;
	(pc) =	sbr.abs _section_cstart, $3  }
0xc0: {  	[dreg:$0x1] =	wrdreg $0xFFFFFFFF  }
0xc1: {  	_ =	task.clear_ibuf [dreg:s6], $0x2FFFF;
	_ =	strace $0x9FFFFFFF  }
0xc2: {  	(tm) =	ssettm $0x7FFFFFFF  }
0xc3: {  	_ =	shalt  }
tec
execute0_lowered:
.L_overlay_start_1:
0x0: {  	(tag) =	ssettag $0x1  }
0x1: {  	s16 =	stileid.u32  }
0x2: {  	s4 =	smul.u32 $0x2710, s16  }
0x3: {  	s0 =	rddreg [dreg:$0x0];
	s1 =	smul.u32 $0x4E2, s16  }
0x4: {  	s2 =	rddreg [dreg:$0x1];
	s17 =	simm.s32 $0x0;
	s6 =	smul.u32 $0x1400, s16  }
0x5: {  	s3 =	srdreg.scid;
	s30 =	simm.s32 $0x2A00;
	s10 =	smul.u32 $0x9C00, s16  }
0x6: {  	s31 =	simm.s32 $0xCC00;
	[smem:$0x7FF] =	sst s17;
	s13 =	smul.u32 $0x28000, s16  }
0x7: {  	s3 =	sand.u32 $0x1, s3;
	s9 =	sshll.u32 s16, $0x1;
	s22 =	smul.u32 $0x27000, s16  }
0x8: {  	p0 =	seq.s32 s16, $0xF;
	_ =	strace $0x8000004A;
	s7 =	smul.u32 $0x9C400, s3  }
0x9: {  	s9 =	sor.u32 s3, s9;
	s25 =	ssub.s32 $0x2, s3;
	s18 =	smul.u32 $0x1388, s3  }
0xa: {  	s5 =	sshrl.u32 s4, $0x3;
	s11 =	sadd.s32 s1, s0;
	s24 =	smul.u32 $0x4E2, s9  }
0xb: {  	s12 =	sadd.s32 s6, s0;
	s6 =	smul.u32 $0x3E, s3;
	s26 =	sshrl.u32 s25, $0x1  }
0xc: {  	s19 =	sshrl.u32 s13, $0x2;
	s13 =	sadd.s32 $0x30, s4;
	s28 =	sadd.s32 $0x100, s4  }
0xd: {  	s29 =	sadd.s32 $0x110, s4;
	s8 =	sadd.s32 s5, s0;
	s5 =	sadd.s32 $0x7E00, s0  }
0xe: {  	s7 =	sadd.s32 s10, s7;
	s9 =	ssub.s32 s25, s26;
	[dreg:$0xc] =	wrdreg s18  }
0xf: {  	v0 =	vlaneseq.u32;
	s21 =	sadd.s32 $0xA24000, s12;
	s12 =	sadd.s32 $0x20, s4;
	s10 =	sshrl.u32 s22, $0x2  }
0x10: {  	s22 =	sadd.s32 $0xC0, s4;
	v3 =	vor.u32 s13, v0;
	s13 =	sadd.s32 $0x140, s4;
	v17 =	vor.u32 s29, v0;
	s29 =	simm.s32 $0xA400  }
0x11: {  	v16 =	vor.u32 s28, v0;
	s28 =	simm.s32 $0x4;
	s7 =	sshrl.u32 s7, $0x3;
	s15 =	sadd.s32 s24, s0  }
0x12: {  	s3 =	sor.u32 s3, s6;
	s20 =	sadd.s32 $0x9CBE00, s8;
	[dreg:$0x4] =	wrdreg s21  }
0x13: {  	s8 =	sadd.s32 $0x96000, s2;
	s21 =	sadd.s32 $0x60, s4;
	s24 =	sadd.s32 s10, s2  }
0x14: {  	s26 =	smax.u32 s9, $0x1;
	s10 =	sadd.s32 $0xA1F000, s11;
	s9 =	sshll.u32 @!p0 s16, $0x6  }
0x15: {  	s11 =	sadd.s32 $0x90, s4;
	v2 =	vor.u32 s12, v0;
	s12 =	sadd.s32 $0x130, s4;
	s16 =	sadd.s32 $0x170, s4  }
0x16: {  	v12 =	vor.u32 s22, v0;
	s22 =	simm.s32 $0x2C00;
	s14 =	sadd.s32 s7, s0;
	s7 =	sadd.s32 $0x3E, s3  }
0x17: {  	[dreg:$0x3] =	wrdreg s20;
	s3 =	sadd.s32 s19, s2;
	s0 =	sadd.s32 $0xA36C00, s0  }
0x18: {  	s19 =	sadd.s32 $0x40, s4;
	s20 =	sadd.s32 $0x50, s4;
	s25 =	sadd.s32 $0xA37A00, s15  }
0x19: {  	[dreg:$0x8] =	wrdreg s26;
	s1 =	sshrl.u32 @p0 s8, $0x3;
	s18 =	sshrl.u32 s24, $0x3  }
0x1a: {  	s8 =	sadd.s32 $0x70, s4;
	s26 =	sadd.s32 $0xB0, s4;
	v23 =	vor.u32 s16, v0;
	s16 =	rddreg [dreg:$0xc]  }
0x1b: {  	s24 =	sadd.s32 $0xE0, s4;
	s15 =	sadd.s32 $0x160, s4;
	[dreg:$0x5] =	wrdreg s0  }
0x1c: {  	v6 =	vor.u32 s21, v0;
	s21 =	simm.s32 $0x2780;
	s0 =	sadd.s32 $0x10, s4;
	[dreg:$0x7] =	wrdreg s25  }
0x1d: {  	s23 =	sadd.s32 $0xA41800, s14;
	[dreg:$0x9] =	wrdreg s1;
	s1 =	sor.u32 @!p0 $0x1C06, s9  }
0x1e: {  	v27 =	vimm.f32 $0.0e+00;
	v26 =	vor.u32 s4, v0;
	s9 =	sadd.s32 $0x80, s4;
	s14 =	sadd.s32 $0xA0, s4;
	s25 =	sadd.s32 $0xF0, s4  }
0x1f: {  	v4 =	vor.u32 s19, v0;
	v5 =	vor.u32 s20, v0;
	s19 =	simm.s32 $0x6;
	s20 =	simm.s32 $0x50;
	v14 =	vor.u32 s24, v0;
	s24 =	simm.s32 $0x5400  }
.Ltmp0:
0x20: {  	v20 =	vor.u32 s13, v0;
	v9 =	vor.u32 s11, v0;
	v11 =	vor.u32 s26, v0;
	s26 =	simm.s32 $0x7C00;
	[dreg:$0x6] =	wrdreg s23;
	(pc) =	sbr.rel .LBB2_1-.Ltmp0, $4  }
0x21: {  	v19 =	vor.u32 s12, v0;
	v7 =	vor.u32 s8, v0;
	v22 =	vor.u32 s15, v0;
	[dreg:$0xa] =	wrdreg s1;
	s1 =	sshrl.u32 @!p0 s3, $0x3;
	s23 =	sadd.s32 $0xD0, s4  }
0x22: {  	v1 =	vor.u32 s0, v0;
	s0 =	sadd.s32 $0x120, s4;
	v8 =	vor.u32 s9, v0;
	s9 =	sadd.s32 $0x180, s4;
	v15 =	vor.u32 s25, v0;
	s25 =	simm.s32 $0x3  }
0x23: {  	v25 =	vmov s16;
	v10 =	vor.u32 s14, v0;
	s3 =	simm.s32 $0x0;
	[dreg:$0xb] =	wrdreg s1;
	s1 =	sadd.s32 $0x150, s4;
	v13 =	vor.u32 s23, v0  }
0x24: {  	v18 =	vor.u32 s0, v0;
	s0 =	simm.s32 $0x1;
	v24 =	vor.u32 s9, v0;
	s23 =	simm.s32 $0x2;
	v21 =	vor.u32 s1, v0;
	s1 =	simm.s32 $0x5  }
.LBB2_6:
0x25: {  	s8 =	stileid.u32  }
0x26: {  	[bflag:$0x0] =	sbarrier.arrive $0xFFFF;
	s8 =	sshll.u32 s8, $0x6  }
0x27: {  	s9 =	rddreg [dreg:$0x6];
	s8 =	sor.u32 $0x1C06, s8  }
0x28: {  	[hbm:s9], [sflag:s8] =	dma.local [spmem:s18], $0x1400  }
0x29: {  	_ =	swait.ge [sflag:s19], $0x1400  }
0x2a: {  	s17 =	simm.s32 $0x0;
	[sflag:s19] =	ssyncset.done $0x0  }
0x2b: {  	s15 =	simm.s32 $0xF480;
	s14 =	rddreg [dreg:$0x7];
	[sflag:s19] =	ssyncadd.s32 $0xFFFFEC00  }
0x2c: {  	[hbm4b:s14+s17] =	stream.linear.scatter [tilespmem:s15], [sflag:$0x6], $0x2710, $0x38;
	[tilespmem:$0x1B880] =	vst v63  }
0x2d: {  	_ =	swait.ge [sflag:s19], $0x2710  }
0x2e: {  	s3 =	sadd.s32 $0x1, s3;
	s16 =	rddreg [dreg:$0x8]  }
0x2f: {  	p1 =	sne.s32 s3, s16  }
.Ltmp1:
0x30: {  	_ = 	snop;
	(pc) =	sbr.rel @!p1 .LBB2_7-.Ltmp1, $3  }
0x31: {  	_ =	sdelay $0x1  }
0x32: {  	[sflag:s19] =	ssyncset.done $0x0  }
0x33: {  	[sflag:s19] =	ssyncadd.s32 $0xFFFFD8F0  }
.LBB2_1:
0x34: {  	s8 =	rddreg [dreg:$0x3]  }
0x35: {  	[tilespmem:s17], [sflag:$0x6] =	stream.linear.gather [hbm4b:s8+s17], $0x2710, $0x38;
	[tilespmem:$0x1B880] =	vst v63  }
0x36: {  	_ =	swait.ge [sflag:s19], $0x2710  }
0x37: {  	[sflag:s19] =	ssyncset.done $0x0  }
0x38: {  	s9 =	simm.s32 $0x0;
	s8 =	simm.s32 $0x40;
	[sflag:s19] =	ssyncadd.s32 $0xFFFFD8F0  }
.LBB2_2:
0x39: {  	p1 =	sne.s32 s8, $0x9C00;
	[tilespmem:s9+$0xF480] =	vst v27;
	s9 =	smov.u32 s8;
	s8 =	sadd.s32 $0x40, s8  }
.Ltmp2:
0x3a: {  	(pc) =	sbr.rel @p1 .LBB2_2-.Ltmp2, $2  }
0x3b: {  	_ =	sdelay $0x2  }
0x3c: {  	s9 =	sshra.s32 s9, $0x2  }
0x3d: {  	[tilespmem:s9+$0xF480] =	vst v27;
	s9 =	rddreg [dreg:$0x5]  }
0x3e: {  	s8 =	simm.s32 @p0 $0x1FC6;
	s11 =	rddreg [dreg:$0x9]  }
0x3f: {  	[spmem:s11], [sflag:s8] =	dma.local @p0 [hbm:s9], $0xD00  }
0x40: {  	s8 =	simm.s32 @p0 $0x6  }
0x41: {  	_ =	swait.ge @p0 [sflag:s8], $0xD00  }
0x42: {  	s9 =	rddreg [dreg:$0xa]  }
0x43: {  	[sflag:s8] =	ssyncset.done @p0 $0x0;
	s11 =	rddreg [dreg:$0xb]  }
0x44: {  	[sflag:s8] =	ssyncadd.s32 @p0 $0xFFFFF300;
	s8 =	rddreg [dreg:$0x4]  }
0x45: {  	[spmem:s11], [sflag:s9] =	dma.local @!p0 [hbm:s8], $0x1400  }
0x46: {  	s8 =	simm.s32 @!p0 $0x6  }
0x47: {  	_ =	swait.ge @!p0 [sflag:s8], $0x1400  }
0x48: {  	[sflag:s8] =	ssyncset.done @!p0 $0x0  }
0x49: {  	[sflag:s8] =	ssyncadd.s32 @!p0 $0xFFFFEC00  }
0x4a: {  	[bflag:$0x0] =	sbarrier.arrive $0xFFFF  }
0x4b: {  	[tilespmem:$0x2800] =	vst v26  }
0x4c: {  	[tilespmem:$0x2810] =	vst v1  }
0x4d: {  	[tilespmem:$0x2820] =	vst v2  }
0x4e: {  	[tilespmem:$0x2830] =	vst v3  }
0x4f: {  	s14 =	simm.s32 $0x2800;
	[tilespmem:$0x2840] =	vst v4  }
0x50: {  	[tilespmem:s22], [sflag:$0x1] =	stream.indirect.gather [hbm4b:s5+s20], $0x80, s14, s20, $0xb8;
	[tilespmem:$0x1B880] =	vst v63  }
0x51: {  	[tilespmem:$0x2880] =	vst v5  }
0x52: {  	[tilespmem:$0x2890] =	vst v6  }
0x53: {  	[tilespmem:$0x28A0] =	vst v7  }
0x54: {  	[tilespmem:$0x28B0] =	vst v8  }
0x55: {  	s15 =	simm.s32 $0x2880;
	[tilespmem:$0x28C0] =	vst v9  }
0x56: {  	[tilespmem:s24], [sflag:$0x2] =	stream.indirect.gather [hbm4b:s5+s20], $0x80, s15, s20, $0xb8;
	[tilespmem:$0x1B880] =	vst v63  }
0x57: {  	[tilespmem:$0x2900] =	vst v10  }
0x58: {  	[tilespmem:$0x2910] =	vst v11  }
0x59: {  	[tilespmem:$0x2920] =	vst v12  }
0x5a: {  	[tilespmem:$0x2930] =	vst v13  }
0x5b: {  	s16 =	simm.s32 $0x2900;
	[tilespmem:$0x2940] =	vst v14  }
0x5c: {  	[tilespmem:s26], [sflag:$0x3] =	stream.indirect.gather [hbm4b:s5+s20], $0x80, s16, s20, $0xb8;
	[tilespmem:$0x1B880] =	vst v63  }
0x5d: {  	[tilespmem:$0x2980] =	vst v15  }
0x5e: {  	[tilespmem:$0x2990] =	vst v16  }
0x5f: {  	[tilespmem:$0x29A0] =	vst v17  }
0x60: {  	[tilespmem:$0x29B0] =	vst v18  }
0x61: {  	s17 =	simm.s32 $0x2980;
	[tilespmem:$0x29C0] =	vst v19  }
0x62: {  	[tilespmem:s29], [sflag:$0x4] =	stream.indirect.gather [hbm4b:s5+s20], $0x80, s17, s20, $0xb8;
	[tilespmem:$0x1B880] =	vst v63  }
0x63: {  	[tilespmem:$0x2A00] =	vst v20  }
0x64: {  	[tilespmem:$0x2A10] =	vst v21  }
0x65: {  	[tilespmem:$0x2A20] =	vst v22  }
0x66: {  	s9 =	simm.s32 $0xC0;
	[tilespmem:$0x2A30] =	vst v23  }
0x67: {  	s11 =	simm.s32 $0x0;
	s8 =	simm.s32 $0x0;
	s14 =	smov.u32 s10;
	[tilespmem:$0x2A40] =	vst v24  }
0x68: {  	[tilespmem:s31], [sflag:$0x5] =	stream.indirect.gather [hbm4b:s5+s20], $0x80, s30, s20, $0xb8;
	[tilespmem:$0x1B880] =	vst v63  }
.LBB2_4:
0x69: {  	p1 =	slt.u32 s8, s6  }
0x6a: {  	_ =	swait.ge [sflag:s0], $0x2800;
	p2 =	sge.u32 @!p1 s8, s7  }
0x6b: {  	[sflag:s0] =	ssyncset.done $0x0;
	p1 =	por p2, p1  }
0x6c: {  	[sflag:s0] =	ssyncadd.s32 $0xFFFFD800;
	s12 =	simm.s32 @!p1 $0x0;
	s13 =	simm.s32 @!p1 $0xF400  }
0x6d: {  	[tilespmem:s13], [sflag:$0x6] =	stream.linear.gather @!p1 [hbm4b:s14+s12], $0x50, $0x38;
	[tilespmem:$0x1B880] =	vst v63  }
0x6e: {  	s12 =	simm.s32 @!p1 $0x6  }
0x6f: {  	_ =	swait.ge @!p1 [sflag:s12], $0x50  }
0x70: {  	[sflag:s12] =	ssyncset.done @!p1 $0x0  }
0x71: {  	[sflag:s12] =	ssyncadd.s32 @!p1 $0xFFFFFFB0  }
0x72: {  	v28 =	vld @!p1 [tilespmem:s9+$0xFFFFFF40];
	_ =	sdelay $0x2  }
0x73: {  	v29 =	vld @!p1 [tilespmem:$0xF400];
	_ =	sdelay $0x3  }
0x74: {  	s12 =	simm.s32 @!p1 $0xF480  }
0x75: {  	[tilespmem:v28+s12+$0x0] =	vst.idx.add.f32.msk @!p1 $0xffff, v29  }
0x76: {  	v28 =	vld @!p1 [tilespmem:s9+$0xFFFFFF50];
	_ =	sdelay $0x2  }
0x77: {  	v29 =	vld @!p1 [tilespmem:$0xF410];
	_ =	sdelay $0x4  }
0x78: {  	[tilespmem:v28+s12+$0x0] =	vst.idx.add.f32.msk @!p1 $0xffff, v29  }
0x79: {  	v28 =	vld @!p1 [tilespmem:s9+$0xFFFFFF60];
	_ =	sdelay $0x2  }
0x7a: {  	v29 =	vld @!p1 [tilespmem:$0xF420];
	_ =	sdelay $0x4  }
0x7b: {  	[tilespmem:v28+s12+$0x0] =	vst.idx.add.f32.msk @!p1 $0xffff, v29  }
0x7c: {  	v28 =	vld @!p1 [tilespmem:s9+$0xFFFFFF70];
	_ =	sdelay $0x2  }
0x7d: {  	v29 =	vld @!p1 [tilespmem:$0xF430];
	_ =	sdelay $0x4  }
0x7e: {  	[tilespmem:v28+s12+$0x0] =	vst.idx.add.f32.msk @!p1 $0xffff, v29  }
0x7f: {  	v28 =	vld @!p1 [tilespmem:s9+$0xFFFFFF80];
	_ =	sdelay $0x2  }
0x80: {  	v29 =	vld @!p1 [tilespmem:$0xF440];
	_ =	sdelay $0x4  }
0x81: {  	[tilespmem:v28+s12+$0x0] =	vst.idx.add.f32.msk @!p1 $0xffff, v29  }
0x82: {  	v28 =	vld [tilespmem:s9+$0xFFFFFF40];
	_ =	sdelay $0x4  }
0x83: {  	v28 =	vsub.s32 v28, v25  }
0x84: {  	v28 =	vmin.u32 v28, $0x1388  }
0x85: {  	[tilespmem:$0x2780] =	vst v28  }
0x86: {  	v28 =	vld [tilespmem:s9+$0xFFFFFF50];
	_ =	sdelay $0x4  }
0x87: {  	v28 =	vsub.s32 v28, v25  }
0x88: {  	v28 =	vmin.u32 v28, $0x1388  }
0x89: {  	[tilespmem:$0x2790] =	vst v28  }
0x8a: {  	v28 =	vld [tilespmem:s9+$0xFFFFFF60];
	_ =	sdelay $0x4  }
0x8b: {  	v28 =	vsub.s32 v28, v25  }
0x8c: {  	v28 =	vmin.u32 v28, $0x1388  }
0x8d: {  	[tilespmem:$0x27A0] =	vst v28  }
0x8e: {  	v28 =	vld [tilespmem:s9+$0xFFFFFF70];
	_ =	sdelay $0x4  }
0x8f: {  	v28 =	vsub.s32 v28, v25  }
0x90: {  	v28 =	vmin.u32 v28, $0x1388  }
0x91: {  	[tilespmem:$0x27B0] =	vst v28  }
0x92: {  	v28 =	vld [tilespmem:s9+$0xFFFFFF80];
	_ =	sdelay $0x4  }
0x93: {  	v28 =	vsub.s32 v28, v25  }
0x94: {  	v28 =	vmin.u32 v28, $0x1388  }
0x95: {  	p1 =	seq.s32 s11, $0x2580;
	[tilespmem:$0x27C0] =	vst v28  }
0x96: {  	[spmem:s2] =	stream.indirect.scatter.add.f32 [tilespmem:s22], [sflag:$0x6], $0x80, s21, s20, $0xb8;
	[tilespmem:$0x1B880] =	vst v63  }
0x97: {  	s12 =	sadd.s32 @!p1 s11, s4;
	_ =	swait.ge [sflag:s19], $0x2800  }
0x98: {  	s13 =	sadd.s32 @!p1 $0x190, s12;
	v28 =	vlaneseq.u32 @!p1;
	[sflag:s19] =	ssyncset.done $0x0  }
0x99: {  	v29 =	vor.u32 @!p1 s13, v28;
	s13 =	sadd.s32 @!p1 $0x1A0, s12;
	[sflag:s19] =	ssyncadd.s32 $0xFFFFD800  }
0x9a: {  	[tilespmem:$0x2800] =	vst @!p1 v29;
	v29 =	vor.u32 @!p1 s13, v28;
	s13 =	sadd.s32 @!p1 $0x1B0, s12  }
0x9b: {  	[tilespmem:$0x2810] =	vst @!p1 v29;
	v29 =	vor.u32 @!p1 s13, v28;
	s13 =	sadd.s32 @!p1 $0x1C0, s12  }
0x9c: {  	[tilespmem:$0x2820] =	vst @!p1 v29;
	v29 =	vor.u32 @!p1 s13, v28;
	s13 =	sadd.s32 @!p1 $0x1D0, s12  }
0x9d: {  	[tilespmem:$0x2830] =	vst @!p1 v29;
	v29 =	vor.u32 @!p1 s13, v28  }
0x9e: {  	s15 =	simm.s32 @!p1 $0x2800;
	s16 =	simm.s32 @!p1 $0x2C00;
	s13 =	simm.s32 @!p1 $0x50;
	[tilespmem:$0x2840] =	vst @!p1 v29  }
0x9f: {  	[tilespmem:s16], [sflag:$0x1] =	stream.indirect.gather @!p1 [hbm4b:s5+s13], $0x80, s15, s13, $0xb8;
	[tilespmem:$0x1B880] =	vst v63  }
0xa0: {  	s15 =	sadd.s32 $0x1, s8  }
0xa1: {  	_ =	swait.ge [sflag:s23], $0x2800;
	p2 =	slt.u32 s15, s6  }
0xa2: {  	[sflag:s23] =	ssyncset.done $0x0;
	p3 =	sge.u32 @!p2 s15, s7  }
0xa3: {  	[sflag:s23] =	ssyncadd.s32 $0xFFFFD800;
	p2 =	por p3, p2  }
0xa4: {  	s15 =	sadd.s32 @!p2 $0xA, s14;
	s16 =	simm.s32 @!p2 $0x0;
	s17 =	simm.s32 @!p2 $0xF400  }
0xa5: {  	[tilespmem:s17], [sflag:$0x6] =	stream.linear.gather @!p2 [hbm4b:s15+s16], $0x50, $0x38;
	[tilespmem:$0x1B880] =	vst v63  }
0xa6: {  	s15 =	simm.s32 @!p2 $0x6  }
0xa7: {  	_ =	swait.ge @!p2 [sflag:s15], $0x50  }
0xa8: {  	[sflag:s15] =	ssyncset.done @!p2 $0x0  }
0xa9: {  	[sflag:s15] =	ssyncadd.s32 @!p2 $0xFFFFFFB0  }
0xaa: {  	v29 =	vld @!p2 [tilespmem:s9+$0xFFFFFF90];
	_ =	sdelay $0x2  }
0xab: {  	v30 =	vld @!p2 [tilespmem:$0xF400];
	_ =	sdelay $0x3  }
0xac: {  	s15 =	simm.s32 @!p2 $0xF480  }
0xad: {  	[tilespmem:v29+s15+$0x0] =	vst.idx.add.f32.msk @!p2 $0xffff, v30  }
0xae: {  	v29 =	vld @!p2 [tilespmem:s9+$0xFFFFFFA0];
	_ =	sdelay $0x2  }
0xaf: {  	v30 =	vld @!p2 [tilespmem:$0xF410];
	_ =	sdelay $0x4  }
0xb0: {  	[tilespmem:v29+s15+$0x0] =	vst.idx.add.f32.msk @!p2 $0xffff, v30  }
0xb1: {  	v29 =	vld @!p2 [tilespmem:s9+$0xFFFFFFB0];
	_ =	sdelay $0x2  }
0xb2: {  	v30 =	vld @!p2 [tilespmem:$0xF420];
	_ =	sdelay $0x4  }
0xb3: {  	[tilespmem:v29+s15+$0x0] =	vst.idx.add.f32.msk @!p2 $0xffff, v30  }
0xb4: {  	v29 =	vld @!p2 [tilespmem:s9+$0xFFFFFFC0];
	_ =	sdelay $0x2  }
0xb5: {  	v30 =	vld @!p2 [tilespmem:$0xF430];
	_ =	sdelay $0x4  }
0xb6: {  	[tilespmem:v29+s15+$0x0] =	vst.idx.add.f32.msk @!p2 $0xffff, v30  }
0xb7: {  	v29 =	vld @!p2 [tilespmem:s9+$0xFFFFFFD0];
	_ =	sdelay $0x2  }
0xb8: {  	v30 =	vld @!p2 [tilespmem:$0xF440];
	_ =	sdelay $0x4  }
0xb9: {  	[tilespmem:v29+s15+$0x0] =	vst.idx.add.f32.msk @!p2 $0xffff, v30  }
0xba: {  	v29 =	vld [tilespmem:s9+$0xFFFFFF90];
	_ =	sdelay $0x4  }
0xbb: {  	v29 =	vsub.s32 v29, v25  }
0xbc: {  	v29 =	vmin.u32 v29, $0x1388  }
0xbd: {  	[tilespmem:$0x2780] =	vst v29  }
0xbe: {  	v29 =	vld [tilespmem:s9+$0xFFFFFFA0];
	_ =	sdelay $0x4  }
0xbf: {  	v29 =	vsub.s32 v29, v25  }
0xc0: {  	v29 =	vmin.u32 v29, $0x1388  }
0xc1: {  	[tilespmem:$0x2790] =	vst v29  }
0xc2: {  	v29 =	vld [tilespmem:s9+$0xFFFFFFB0];
	_ =	sdelay $0x4  }
0xc3: {  	v29 =	vsub.s32 v29, v25  }
0xc4: {  	v29 =	vmin.u32 v29, $0x1388  }
0xc5: {  	[tilespmem:$0x27A0] =	vst v29  }
0xc6: {  	v29 =	vld [tilespmem:s9+$0xFFFFFFC0];
	_ =	sdelay $0x4  }
0xc7: {  	v29 =	vsub.s32 v29, v25  }
0xc8: {  	v29 =	vmin.u32 v29, $0x1388  }
0xc9: {  	[tilespmem:$0x27B0] =	vst v29  }
0xca: {  	v29 =	vld [tilespmem:s9+$0xFFFFFFD0];
	_ =	sdelay $0x4  }
0xcb: {  	v29 =	vsub.s32 v29, v25  }
0xcc: {  	v29 =	vmin.u32 v29, $0x1388  }
0xcd: {  	[tilespmem:$0x27C0] =	vst v29  }
0xce: {  	[spmem:s2] =	stream.indirect.scatter.add.f32 [tilespmem:s24], [sflag:$0x6], $0x80, s21, s20, $0xb8;
	[tilespmem:$0x1B880] =	vst v63  }
0xcf: {  	_ =	swait.ge [sflag:s19], $0x2800  }
0xd0: {  	s15 =	sadd.s32 @!p1 $0x1E0, s12;
	[sflag:s19] =	ssyncset.done $0x0  }
0xd1: {  	v29 =	vor.u32 @!p1 s15, v28;
	s15 =	sadd.s32 @!p1 $0x1F0, s12;
	[sflag:s19] =	ssyncadd.s32 $0xFFFFD800  }
0xd2: {  	[tilespmem:$0x2880] =	vst @!p1 v29;
	v29 =	vor.u32 @!p1 s15, v28;
	s15 =	sadd.s32 @!p1 $0x200, s12  }
0xd3: {  	[tilespmem:$0x2890] =	vst @!p1 v29;
	v29 =	vor.u32 @!p1 s15, v28;
	s15 =	sadd.s32 @!p1 $0x210, s12  }
0xd4: {  	[tilespmem:$0x28A0] =	vst @!p1 v29;
	v29 =	vor.u32 @!p1 s15, v28;
	s15 =	sadd.s32 @!p1 $0x220, s12  }
0xd5: {  	[tilespmem:$0x28B0] =	vst @!p1 v29;
	v29 =	vor.u32 @!p1 s15, v28  }
0xd6: {  	s16 =	simm.s32 @!p1 $0x5400;
	s15 =	simm.s32 @!p1 $0x2880;
	[tilespmem:$0x28C0] =	vst @!p1 v29  }
0xd7: {  	[tilespmem:s16], [sflag:$0x2] =	stream.indirect.gather @!p1 [hbm4b:s5+s13], $0x80, s15, s13, $0xb8;
	[tilespmem:$0x1B880] =	vst v63  }
0xd8: {  	s15 =	sadd.s32 $0x2, s8  }
0xd9: {  	_ =	swait.ge [sflag:s25], $0x2800;
	p2 =	slt.u32 s15, s6  }
0xda: {  	[sflag:s25] =	ssyncset.done $0x0;
	p3 =	sge.u32 @!p2 s15, s7  }
0xdb: {  	[sflag:s25] =	ssyncadd.s32 $0xFFFFD800;
	p2 =	por p3, p2  }
0xdc: {  	s15 =	sadd.s32 @!p2 $0x14, s14;
	s16 =	simm.s32 @!p2 $0x0;
	s17 =	simm.s32 @!p2 $0xF400  }
0xdd: {  	[tilespmem:s17], [sflag:$0x6] =	stream.linear.gather @!p2 [hbm4b:s15+s16], $0x50, $0x38;
	[tilespmem:$0x1B880] =	vst v63  }
0xde: {  	s15 =	simm.s32 @!p2 $0x6  }
0xdf: {  	_ =	swait.ge @!p2 [sflag:s15], $0x50  }
0xe0: {  	[sflag:s15] =	ssyncset.done @!p2 $0x0  }
0xe1: {  	[sflag:s15] =	ssyncadd.s32 @!p2 $0xFFFFFFB0  }
0xe2: {  	v29 =	vld @!p2 [tilespmem:s9+$0xFFFFFFE0];
	_ =	sdelay $0x2  }
0xe3: {  	v30 =	vld @!p2 [tilespmem:$0xF400];
	_ =	sdelay $0x3  }
0xe4: {  	s15 =	simm.s32 @!p2 $0xF480  }
0xe5: {  	[tilespmem:v29+s15+$0x0] =	vst.idx.add.f32.msk @!p2 $0xffff, v30  }
0xe6: {  	v29 =	vld @!p2 [tilespmem:s9+$0xFFFFFFF0];
	_ =	sdelay $0x2  }
0xe7: {  	v30 =	vld @!p2 [tilespmem:$0xF410];
	_ =	sdelay $0x4  }
0xe8: {  	[tilespmem:v29+s15+$0x0] =	vst.idx.add.f32.msk @!p2 $0xffff, v30  }
0xe9: {  	v29 =	vld @!p2 [tilespmem:s9+$0x0];
	_ =	sdelay $0x2  }
0xea: {  	v30 =	vld @!p2 [tilespmem:$0xF420];
	_ =	sdelay $0x4  }
0xeb: {  	[tilespmem:v29+s15+$0x0] =	vst.idx.add.f32.msk @!p2 $0xffff, v30  }
0xec: {  	v29 =	vld @!p2 [tilespmem:s9+$0x10];
	_ =	sdelay $0x2  }
0xed: {  	v30 =	vld @!p2 [tilespmem:$0xF430];
	_ =	sdelay $0x4  }
0xee: {  	[tilespmem:v29+s15+$0x0] =	vst.idx.add.f32.msk @!p2 $0xffff, v30  }
0xef: {  	v29 =	vld @!p2 [tilespmem:s9+$0x20];
	_ =	sdelay $0x2  }
0xf0: {  	v30 =	vld @!p2 [tilespmem:$0xF440];
	_ =	sdelay $0x4  }
0xf1: {  	[tilespmem:v29+s15+$0x0] =	vst.idx.add.f32.msk @!p2 $0xffff, v30  }
0xf2: {  	v29 =	vld [tilespmem:s9+$0xFFFFFFE0];
	_ =	sdelay $0x4  }
0xf3: {  	v29 =	vsub.s32 v29, v25  }
0xf4: {  	v29 =	vmin.u32 v29, $0x1388  }
0xf5: {  	[tilespmem:$0x2780] =	vst v29  }
0xf6: {  	v29 =	vld [tilespmem:s9+$0xFFFFFFF0];
	_ =	sdelay $0x4  }
0xf7: {  	v29 =	vsub.s32 v29, v25  }
0xf8: {  	v29 =	vmin.u32 v29, $0x1388  }
0xf9: {  	[tilespmem:$0x2790] =	vst v29  }
0xfa: {  	v29 =	vld [tilespmem:s9+$0x0];
	_ =	sdelay $0x4  }
0xfb: {  	v29 =	vsub.s32 v29, v25  }
0xfc: {  	v29 =	vmin.u32 v29, $0x1388  }
0xfd: {  	[tilespmem:$0x27A0] =	vst v29  }
0xfe: {  	v29 =	vld [tilespmem:s9+$0x10];
	_ =	sdelay $0x4  }
0xff: {  	v29 =	vsub.s32 v29, v25  }
0x100: {  	v29 =	vmin.u32 v29, $0x1388  }
0x101: {  	[tilespmem:$0x27B0] =	vst v29  }
0x102: {  	v29 =	vld [tilespmem:s9+$0x20];
	_ =	sdelay $0x4  }
0x103: {  	v29 =	vsub.s32 v29, v25  }
0x104: {  	v29 =	vmin.u32 v29, $0x1388  }
0x105: {  	[tilespmem:$0x27C0] =	vst v29  }
0x106: {  	[spmem:s2] =	stream.indirect.scatter.add.f32 [tilespmem:s26], [sflag:$0x6], $0x80, s21, s20, $0xb8;
	[tilespmem:$0x1B880] =	vst v63  }
0x107: {  	_ =	swait.ge [sflag:s19], $0x2800  }
0x108: {  	s15 =	sadd.s32 @!p1 $0x230, s12;
	[sflag:s19] =	ssyncset.done $0x0  }
0x109: {  	v29 =	vor.u32 @!p1 s15, v28;
	s15 =	sadd.s32 @!p1 $0x240, s12;
	[sflag:s19] =	ssyncadd.s32 $0xFFFFD800  }
0x10a: {  	[tilespmem:$0x2900] =	vst @!p1 v29;
	v29 =	vor.u32 @!p1 s15, v28;
	s15 =	sadd.s32 @!p1 $0x250, s12  }
0x10b: {  	[tilespmem:$0x2910] =	vst @!p1 v29;
	v29 =	vor.u32 @!p1 s15, v28;
	s15 =	sadd.s32 @!p1 $0x260, s12  }
0x10c: {  	[tilespmem:$0x2920] =	vst @!p1 v29;
	v29 =	vor.u32 @!p1 s15, v28;
	s15 =	sadd.s32 @!p1 $0x270, s12  }
0x10d: {  	[tilespmem:$0x2930] =	vst @!p1 v29;
	v29 =	vor.u32 @!p1 s15, v28  }
0x10e: {  	s16 =	simm.s32 @!p1 $0x7C00;
	s15 =	simm.s32 @!p1 $0x2900;
	[tilespmem:$0x2940] =	vst @!p1 v29  }
0x10f: {  	[tilespmem:s16], [sflag:$0x3] =	stream.indirect.gather @!p1 [hbm4b:s5+s13], $0x80, s15, s13, $0xb8;
	[tilespmem:$0x1B880] =	vst v63  }
0x110: {  	s15 =	sadd.s32 $0x3, s8  }
0x111: {  	_ =	swait.ge [sflag:s28], $0x2800;
	p2 =	slt.u32 s15, s6  }
0x112: {  	[sflag:s28] =	ssyncset.done $0x0;
	p3 =	sge.u32 @!p2 s15, s7  }
0x113: {  	[sflag:s28] =	ssyncadd.s32 $0xFFFFD800;
	p2 =	por p3, p2  }
0x114: {  	s15 =	sadd.s32 @!p2 $0x1E, s14;
	s16 =	simm.s32 @!p2 $0x0;
	s17 =	simm.s32 @!p2 $0xF400  }
0x115: {  	[tilespmem:s17], [sflag:$0x6] =	stream.linear.gather @!p2 [hbm4b:s15+s16], $0x50, $0x38;
	[tilespmem:$0x1B880] =	vst v63  }
0x116: {  	s15 =	simm.s32 @!p2 $0x6  }
0x117: {  	_ =	swait.ge @!p2 [sflag:s15], $0x50  }
0x118: {  	[sflag:s15] =	ssyncset.done @!p2 $0x0  }
0x119: {  	[sflag:s15] =	ssyncadd.s32 @!p2 $0xFFFFFFB0  }
0x11a: {  	v29 =	vld @!p2 [tilespmem:s9+$0x30];
	_ =	sdelay $0x2  }
0x11b: {  	v30 =	vld @!p2 [tilespmem:$0xF400];
	_ =	sdelay $0x3  }
0x11c: {  	s15 =	simm.s32 @!p2 $0xF480  }
0x11d: {  	[tilespmem:v29+s15+$0x0] =	vst.idx.add.f32.msk @!p2 $0xffff, v30  }
0x11e: {  	v29 =	vld @!p2 [tilespmem:s9+$0x40];
	_ =	sdelay $0x2  }
0x11f: {  	v30 =	vld @!p2 [tilespmem:$0xF410];
	_ =	sdelay $0x4  }
0x120: {  	[tilespmem:v29+s15+$0x0] =	vst.idx.add.f32.msk @!p2 $0xffff, v30  }
0x121: {  	v29 =	vld @!p2 [tilespmem:s9+$0x50];
	_ =	sdelay $0x2  }
0x122: {  	v30 =	vld @!p2 [tilespmem:$0xF420];
	_ =	sdelay $0x4  }
0x123: {  	[tilespmem:v29+s15+$0x0] =	vst.idx.add.f32.msk @!p2 $0xffff, v30  }
0x124: {  	v29 =	vld @!p2 [tilespmem:s9+$0x60];
	_ =	sdelay $0x2  }
0x125: {  	v30 =	vld @!p2 [tilespmem:$0xF430];
	_ =	sdelay $0x4  }
0x126: {  	[tilespmem:v29+s15+$0x0] =	vst.idx.add.f32.msk @!p2 $0xffff, v30  }
0x127: {  	v29 =	vld @!p2 [tilespmem:s9+$0x70];
	_ =	sdelay $0x2  }
0x128: {  	v30 =	vld @!p2 [tilespmem:$0xF440];
	_ =	sdelay $0x4  }
0x129: {  	[tilespmem:v29+s15+$0x0] =	vst.idx.add.f32.msk @!p2 $0xffff, v30  }
0x12a: {  	v29 =	vld [tilespmem:s9+$0x30];
	_ =	sdelay $0x4  }
0x12b: {  	v29 =	vsub.s32 v29, v25  }
0x12c: {  	v29 =	vmin.u32 v29, $0x1388  }
0x12d: {  	[tilespmem:$0x2780] =	vst v29  }
0x12e: {  	v29 =	vld [tilespmem:s9+$0x40];
	_ =	sdelay $0x4  }
0x12f: {  	v29 =	vsub.s32 v29, v25  }
0x130: {  	v29 =	vmin.u32 v29, $0x1388  }
0x131: {  	[tilespmem:$0x2790] =	vst v29  }
0x132: {  	v29 =	vld [tilespmem:s9+$0x50];
	_ =	sdelay $0x4  }
0x133: {  	v29 =	vsub.s32 v29, v25  }
0x134: {  	v29 =	vmin.u32 v29, $0x1388  }
0x135: {  	[tilespmem:$0x27A0] =	vst v29  }
0x136: {  	v29 =	vld [tilespmem:s9+$0x60];
	_ =	sdelay $0x4  }
0x137: {  	v29 =	vsub.s32 v29, v25  }
0x138: {  	v29 =	vmin.u32 v29, $0x1388  }
0x139: {  	[tilespmem:$0x27B0] =	vst v29  }
0x13a: {  	v29 =	vld [tilespmem:s9+$0x70];
	_ =	sdelay $0x4  }
0x13b: {  	v29 =	vsub.s32 v29, v25  }
0x13c: {  	v29 =	vmin.u32 v29, $0x1388  }
0x13d: {  	[tilespmem:$0x27C0] =	vst v29  }
0x13e: {  	[spmem:s2] =	stream.indirect.scatter.add.f32 [tilespmem:s29], [sflag:$0x6], $0x80, s21, s20, $0xb8;
	[tilespmem:$0x1B880] =	vst v63  }
0x13f: {  	_ =	swait.ge [sflag:s19], $0x2800  }
0x140: {  	s15 =	sadd.s32 @!p1 $0x280, s12;
	[sflag:s19] =	ssyncset.done $0x0  }
0x141: {  	v29 =	vor.u32 @!p1 s15, v28;
	s15 =	sadd.s32 @!p1 $0x290, s12;
	[sflag:s19] =	ssyncadd.s32 $0xFFFFD800  }
0x142: {  	[tilespmem:$0x2980] =	vst @!p1 v29;
	v29 =	vor.u32 @!p1 s15, v28;
	s15 =	sadd.s32 @!p1 $0x2A0, s12  }
0x143: {  	[tilespmem:$0x2990] =	vst @!p1 v29;
	v29 =	vor.u32 @!p1 s15, v28;
	s15 =	sadd.s32 @!p1 $0x2B0, s12  }
0x144: {  	s12 =	sadd.s32 @!p1 $0x2C0, s12;
	[tilespmem:$0x29A0] =	vst @!p1 v29;
	v29 =	vor.u32 @!p1 s15, v28  }
0x145: {  	v28 =	vor.u32 @!p1 s12, v28;
	[tilespmem:$0x29B0] =	vst @!p1 v29  }
0x146: {  	s12 =	simm.s32 @!p1 $0x2980;
	s15 =	simm.s32 @!p1 $0xA400;
	[tilespmem:$0x29C0] =	vst @!p1 v28  }
0x147: {  	[tilespmem:s15], [sflag:$0x4] =	stream.indirect.gather @!p1 [hbm4b:s5+s13], $0x80, s12, s13, $0xb8;
	[tilespmem:$0x1B880] =	vst v63  }
0x148: {  	s12 =	sadd.s32 $0x4, s8  }
0x149: {  	_ =	swait.ge [sflag:s1], $0x2800;
	p2 =	slt.u32 s12, s6  }
0x14a: {  	[sflag:s1] =	ssyncset.done $0x0;
	p3 =	sge.u32 @!p2 s12, s7  }
0x14b: {  	[sflag:s1] =	ssyncadd.s32 $0xFFFFD800;
	p2 =	por p3, p2  }
0x14c: {  	s12 =	sadd.s32 @!p2 $0x28, s14;
	s13 =	simm.s32 @!p2 $0x0;
	s15 =	simm.s32 @!p2 $0xF400  }
0x14d: {  	[tilespmem:s15], [sflag:$0x6] =	stream.linear.gather @!p2 [hbm4b:s12+s13], $0x50, $0x38;
	[tilespmem:$0x1B880] =	vst v63  }
0x14e: {  	s12 =	simm.s32 @!p2 $0x6  }
0x14f: {  	_ =	swait.ge @!p2 [sflag:s12], $0x50  }
0x150: {  	[sflag:s12] =	ssyncset.done @!p2 $0x0  }
0x151: {  	[sflag:s12] =	ssyncadd.s32 @!p2 $0xFFFFFFB0  }
0x152: {  	v28 =	vld @!p2 [tilespmem:s9+$0x80];
	_ =	sdelay $0x2  }
0x153: {  	v29 =	vld @!p2 [tilespmem:$0xF400];
	_ =	sdelay $0x3  }
0x154: {  	s12 =	simm.s32 @!p2 $0xF480  }
0x155: {  	[tilespmem:v28+s12+$0x0] =	vst.idx.add.f32.msk @!p2 $0xffff, v29  }
0x156: {  	v28 =	vld @!p2 [tilespmem:s9+$0x90];
	_ =	sdelay $0x2  }
0x157: {  	v29 =	vld @!p2 [tilespmem:$0xF410];
	_ =	sdelay $0x4  }
0x158: {  	[tilespmem:v28+s12+$0x0] =	vst.idx.add.f32.msk @!p2 $0xffff, v29  }
0x159: {  	v28 =	vld @!p2 [tilespmem:s9+$0xA0];
	_ =	sdelay $0x2  }
0x15a: {  	v29 =	vld @!p2 [tilespmem:$0xF420];
	_ =	sdelay $0x4  }
0x15b: {  	[tilespmem:v28+s12+$0x0] =	vst.idx.add.f32.msk @!p2 $0xffff, v29  }
0x15c: {  	v28 =	vld @!p2 [tilespmem:s9+$0xB0];
	_ =	sdelay $0x2  }
0x15d: {  	v29 =	vld @!p2 [tilespmem:$0xF430];
	_ =	sdelay $0x4  }
0x15e: {  	[tilespmem:v28+s12+$0x0] =	vst.idx.add.f32.msk @!p2 $0xffff, v29  }
0x15f: {  	v28 =	vld @!p2 [tilespmem:s9+$0xC0];
	_ =	sdelay $0x2  }
0x160: {  	v29 =	vld @!p2 [tilespmem:$0xF440];
	_ =	sdelay $0x4  }
0x161: {  	[tilespmem:v28+s12+$0x0] =	vst.idx.add.f32.msk @!p2 $0xffff, v29  }
0x162: {  	v28 =	vld [tilespmem:s9+$0x80];
	_ =	sdelay $0x4  }
0x163: {  	v28 =	vsub.s32 v28, v25  }
0x164: {  	v28 =	vmin.u32 v28, $0x1388  }
0x165: {  	[tilespmem:$0x2780] =	vst v28  }
0x166: {  	v28 =	vld [tilespmem:s9+$0x90];
	_ =	sdelay $0x4  }
0x167: {  	v28 =	vsub.s32 v28, v25  }
0x168: {  	v28 =	vmin.u32 v28, $0x1388  }
0x169: {  	[tilespmem:$0x2790] =	vst v28  }
0x16a: {  	v28 =	vld [tilespmem:s9+$0xA0];
	_ =	sdelay $0x4  }
0x16b: {  	v28 =	vsub.s32 v28, v25  }
0x16c: {  	v28 =	vmin.u32 v28, $0x1388  }
0x16d: {  	[tilespmem:$0x27A0] =	vst v28  }
0x16e: {  	v28 =	vld [tilespmem:s9+$0xB0];
	_ =	sdelay $0x4  }
0x16f: {  	v28 =	vsub.s32 v28, v25  }
0x170: {  	v28 =	vmin.u32 v28, $0x1388  }
0x171: {  	[tilespmem:$0x27B0] =	vst v28  }
0x172: {  	v28 =	vld [tilespmem:s9+$0xC0];
	_ =	sdelay $0x4  }
0x173: {  	v28 =	vsub.s32 v28, v25  }
0x174: {  	v28 =	vmin.u32 v28, $0x1388  }
.Ltmp3:
0x175: {  	[tilespmem:$0x27C0] =	vst v28;
	(pc) =	sbr.rel @p1 .LBB2_6-.Ltmp3, $4  }
0x176: {  	[spmem:s2] =	stream.indirect.scatter.add.f32 [tilespmem:s31], [sflag:$0x6], $0x80, s21, s20, $0xb8;
	[tilespmem:$0x1B880] =	vst v63  }
0x177: {  	_ =	swait.ge [sflag:s19], $0x2800  }
0x178: {  	[sflag:s19] =	ssyncset.done $0x0  }
0x179: {  	[sflag:s19] =	ssyncadd.s32 $0xFFFFD800  }
0x17a: {  	s12 =	sadd.s32 s11, s4  }
0x17b: {  	s13 =	sadd.s32 $0x2D0, s12  }
0x17c: {  	s15 =	sadd.s32 $0x2E0, s12;
	v28 =	vor.u32 s13, v0  }
0x17d: {  	s16 =	sadd.s32 $0x2F0, s12;
	[tilespmem:$0x2A00] =	vst v28;
	v28 =	vor.u32 s15, v0  }
.Ltmp4:
0x17e: {  	s17 =	sadd.s32 $0x300, s12;
	[tilespmem:$0x2A10] =	vst v28;
	v28 =	vor.u32 s16, v0;
	(pc) =	sbr.rel .LBB2_4-.Ltmp4, $4  }
0x17f: {  	s12 =	sadd.s32 $0x310, s12;
	[tilespmem:$0x2A20] =	vst v28;
	v28 =	vor.u32 s17, v0  }
0x180: {  	s11 =	sadd.s32 $0x190, s11;
	[tilespmem:$0x2A30] =	vst v28;
	v28 =	vor.u32 s12, v0  }
0x181: {  	s8 =	sadd.s32 $0x5, s8;
	s14 =	sadd.s32 $0x32, s14;
	s9 =	sadd.s32 $0x190, s9;
	[tilespmem:$0x2A40] =	vst v28  }
0x182: {  	[tilespmem:s31], [sflag:$0x5] =	stream.indirect.gather [hbm4b:s5+s20], $0x80, s30, s20, $0xb8;
	[tilespmem:$0x1B880] =	vst v63  }
.LBB2_7:
0x183: {  	_ =	sfence.sel $0x180000  }
0x184: {  	[bflag:$0x0] =	sbarrier.arrive $0xFFFF  }
0x185: {  	_ =	strace $0x9000004A  }
0x186: {  	s0 =	stileid.u32;
	[bflag:$0x2] =	sbarrier.arrive $0xFFFF  }
0x187: {  	p0 =	sne.s32 s0, $0x0;
	s0 =	rddreg [dreg:$0x2]  }
0x188: {  	s0 =	sadd.s32 @!p0 $0x100000, s0  }
0x189: {  	[sflag:s0] =	ssyncadd.tile.s32 @!p0 $0x1;
	_ =	shalt  }
.Lfunc_end2:
_tile_overlayer_lowered:
.L_overlay_start_2:
0x18a: {  	(tag) =	ssettag $0x2  }
0x18b: {  	s0 =	rddreg [dreg:$0x0];
	s2 =	stileid.u32  }
0x18c: {  	s1 =	rddreg [dreg:$0x1];
	p0 =	sne.s32 s2, $0x0  }
0x18d: {  	s3 =	rddreg [dreg:$0x2];
	[bflag:$0x3] =	sbarrier.arrive $0xFFFF;
	s2 =	simm.s32 @!p0 $0x1C06  }
0x18e: {  	[timem:s3], [sflag:s2] =	dma.local @!p0 [hbm:s0], s1  }
0x18f: {  	s0 =	simm.s32 @!p0 $0x6  }
0x190: {  	_ =	swait.ge @!p0 [sflag:s0], s1  }
0x191: {  	s1 =	ssub.s32 @!p0 $0x0, s1;
	[sflag:s0] =	ssyncset.done @!p0 $0x0  }
0x192: {  	[sflag:s0] =	ssyncadd.s32 @!p0 s1  }
0x193: {  	[bflag:$0x3] =	sbarrier.arrive $0xFFFF  }
0x194: {  	_ =	shalt  }

// kernel: kernel.8.cloned.1.call-start
scs
__scs_entry_jumppad:
0x0: {  	(pc) =	sbr.rel $0x88, $3  }
0x1: {  	(tag) =	ssettag $0x0;
	lr =	simm.s32 $0x1  }
0x2: {  	[smem:$0x3F8C] =	sst lr;
	_ =	strace $0xD0000000  }
0x3: {  	_ = 	snop  }
0x4: {  	_ = 	snop  }
0x5: {  	_ = 	snop  }
0x6: {  	_ = 	snop  }
0x7: {  	_ = 	snop  }
__scs_overlays_trampoline_lowered:
0x8: {  	[smem:$0x3F9B] =	sst s0  }
0x9: {  	[smem:$0x3F9C] =	sst s1  }
0xa: {  	[smem:$0x3F9D] =	sst s2  }
0xb: {  	[smem:$0x3F9E] =	sst s3  }
0xc: {  	[smem:$0x3F9F] =	sst s4  }
0xd: {  	[smem:$0x3FA0] =	sst s5  }
0xe: {  	[smem:$0x3FA1] =	sst s6  }
0xf: {  	[smem:$0x3FA2] =	sst s7  }
0x10: {  	[smem:$0x3FA3] =	sst s8  }
0x11: {  	[smem:$0x3FA4] =	sst s9;
	s0 =	simm.s32 @!p0 $0x0  }
0x12: {  	s1 =	sld [smem:$0x3F8A];
	s0 =	simm.s32 @p0 $0x1  }
0x13: {  	[smem:$0x3FA5] =	sst s0;
	s0 =	simm.s32 @!p1 $0x0  }
0x14: {  	s2 =	sld [smem:$0x3F89];
	s0 =	simm.s32 @p1 $0x1  }
0x15: {  	[smem:$0x3FA6] =	sst s0;
	s0 =	simm.s32 @!p2 $0x0  }
0x16: {  	s3 =	sld [smem:$0x3FDB];
	s0 =	simm.s32 @p2 $0x1  }
0x17: {  	s4 =	simm.s32 $0x1BF5;
	[smem:$0x3FA8] =	sst s0  }
0x18: {  	s0 =	sld [smem:$0x3F8B];
	_ =	swait.ge [sflag:s4], $0x0  }
0x19: {  	s7 =	sld [smem:$0x3F8C]  }
0x1a: {  	s8 =	sadd.s32 $0xFFFFE003, lr  }
0x1b: {  	s9 =	sadd.s32 $0xFFFFFEF7, lr;
	s5 =	simm.s32 $0xFFFFFFFF;
	p2 =	slt.u32 s8, $0xFFFFF086  }
0x1c: {  	p1 =	slt.u32 s9, $0xF7A;
	s5 =	simm.s32 @!p2 $0x0  }
0x1d: {  	s5 =	simm.s32 @p1 $0x1;
	p0 =	seq.s32 s7, s2  }
0x1e: {  	s7 =	smul.u32 @!p0 $0xF7A, s2;
	p2 =	seq.s32 @!p0 s5, $0x0  }
0x1f: {  	s9 =	smul.u32 $0xF7A, s1;
	s8 =	simm.s32 @!p0 $0x1BF5;
	p2 =	por !p2, p0  }
0x20: {  	[sflag:s8] =	ssyncset.s32 @!p0 $0xFFFFF086;
	s6 =	sadd.s32 @!p0 s3, s7;
	s7 =	simm.s32 @!p0 $0x108  }
0x21: {  	s3 =	sadd.s32 s3, s9;
	s6 =	sadd.s32 @!p0 $0x88, s6;
	s7 =	simm.s32 @p2 $0x1082  }
0x22: {  	[simem:s7], [sflag:s8] =	dma.local @!p0 [hbm:s6], $0xF7A  }
0x23: {  	s9 =	sor.u32 $0xD0000000, s2;
	s6 =	simm.s32 $0x108;
	_ =	swait.ge @!p0 [sflag:s8], $0x0  }
0x24: {  	s3 =	sadd.s32 $0x88, s3;
	s6 =	simm.s32 @!p1 $0x1082;
	[sflag:s4] =	ssyncset.s32 $0xFFFFF086  }
0x25: {  	[simem:s6], [sflag:s4] =	dma.local [hbm:s3], $0xF7A  }
0x26: {  	[smem:$0x3F8C] =	sst s1;
	(tag) =	ssettag s2;
	_ =	strace s9  }
0x27: {  	s1 =	sld [smem:$0x3F9C]  }
0x28: {  	s2 =	sld [smem:$0x3F9D]  }
0x29: {  	s4 =	sld [smem:$0x3F9F]  }
0x2a: {  	p0 =	seq.s32 s5, $0x0;
	s5 =	sld [smem:$0x3FA0]  }
0x2b: {  	s6 =	sld [smem:$0x3FA1]  }
0x2c: {  	s7 =	sld [smem:$0x3FA2]  }
0x2d: {  	s3 =	simm.s32 $0x108;
	s8 =	sld [smem:$0x3FA3]  }
0x2e: {  	s3 =	simm.s32 @!p0 $0x1082;
	s9 =	sld [smem:$0x3FA4]  }
0x2f: {  	lr =	sadd.s32 s0, s3;
	s0 =	sld [smem:$0x3F9B]  }
0x30: {  	s3 =	sld [smem:$0x3F9E]  }
0x31: {  	[smem:$0x3FA7] =	sst s10  }
0x32: {  	s10 =	sld [smem:$0x3FA5];
	_ =	sdelay $0x3  }
0x33: {  	p0 =	seq.s32 s10, $0x1;
	s10 =	sld [smem:$0x3FA7];
	_ =	sdelay $0x3  }
0x34: {  	[smem:$0x3FA7] =	sst s10  }
0x35: {  	s10 =	sld [smem:$0x3FA6];
	_ =	sdelay $0x3  }
0x36: {  	p1 =	seq.s32 s10, $0x1;
	s10 =	sld [smem:$0x3FA7];
	_ =	sdelay $0x3  }
0x37: {  	[smem:$0x3FA7] =	sst s10  }
0x38: {  	s10 =	sld [smem:$0x3FA8]  }
0x39: {  	_ = 	snop;
	(pc) =	sbr.ind lr, $3  }
0x3a: {  	_ = 	snop  }
0x3b: {  	_ = 	snop  }
0x3c: {  	p2 =	seq.s32 s10, $0x1;
	s10 =	sld [smem:$0x3FA7]  }
0x3d: {  	_ =	shalt  }
0x3e: {  	_ =	shalt  }
0x3f: {  	_ =	shalt  }
0x40: {  	_ =	shalt  }
0x41: {  	_ =	shalt  }
0x42: {  	_ =	shalt  }
0x43: {  	_ =	shalt  }
0x44: {  	_ =	shalt  }
0x45: {  	_ =	shalt  }
0x46: {  	_ =	shalt  }
0x47: {  	_ =	shalt  }
0x48: {  	_ =	shalt  }
0x49: {  	_ =	shalt  }
0x4a: {  	_ =	shalt  }
0x4b: {  	_ =	shalt  }
0x4c: {  	_ =	shalt  }
0x4d: {  	_ =	shalt  }
0x4e: {  	_ =	shalt  }
0x4f: {  	_ =	shalt  }
0x50: {  	_ =	shalt  }
0x51: {  	_ =	shalt  }
0x52: {  	_ =	shalt  }
0x53: {  	_ =	shalt  }
0x54: {  	_ =	shalt  }
0x55: {  	_ =	shalt  }
0x56: {  	_ =	shalt  }
0x57: {  	_ =	shalt  }
0x58: {  	_ =	shalt  }
0x59: {  	_ =	shalt  }
0x5a: {  	_ =	shalt  }
0x5b: {  	_ =	shalt  }
0x5c: {  	_ =	shalt  }
0x5d: {  	_ =	shalt  }
0x5e: {  	_ =	shalt  }
0x5f: {  	_ =	shalt  }
0x60: {  	_ =	shalt  }
0x61: {  	_ =	shalt  }
0x62: {  	_ =	shalt  }
0x63: {  	_ =	shalt  }
0x64: {  	_ =	shalt  }
0x65: {  	_ =	shalt  }
0x66: {  	_ =	shalt  }
0x67: {  	_ =	shalt  }
0x68: {  	_ =	shalt  }
0x69: {  	_ =	shalt  }
0x6a: {  	_ =	shalt  }
0x6b: {  	_ =	shalt  }
0x6c: {  	_ =	shalt  }
0x6d: {  	_ =	shalt  }
0x6e: {  	_ =	shalt  }
0x6f: {  	_ =	shalt  }
0x70: {  	_ =	shalt  }
0x71: {  	_ =	shalt  }
0x72: {  	_ =	shalt  }
0x73: {  	_ =	shalt  }
0x74: {  	_ =	shalt  }
0x75: {  	_ =	shalt  }
0x76: {  	_ =	shalt  }
0x77: {  	_ =	shalt  }
0x78: {  	_ =	shalt  }
0x79: {  	_ =	shalt  }
0x7a: {  	_ =	shalt  }
0x7b: {  	_ =	shalt  }
0x7c: {  	_ =	shalt  }
0x7d: {  	_ =	shalt  }
0x7e: {  	_ =	shalt  }
0x7f: {  	_ =	shalt  }
0x80: {  	_ =	shalt  }
0x81: {  	_ =	shalt  }
0x82: {  	_ =	shalt  }
0x83: {  	_ =	shalt  }
0x84: {  	_ =	shalt  }
0x85: {  	_ =	shalt  }
0x86: {  	_ =	shalt  }
0x87: {  	_ =	shalt  }
.Lfunc_end0:
.L_simem_size_0:
called_computation_lowered:
.L_overlay_start_0:
0x88: {  	s2 =	sld [smem:$0x3FD9]  }
0x89: {  	s3 =	sld [smem:$0x3FFE];
	_ =	sdelay $0x1  }
0x8a: {  	s1 =	srdreg.scid  }
0x8b: {  	s0 =	sand.u32 $0x1, s1  }
0x8c: {  	s14 =	sshll.u32 s0, $0xA;
	s2 =	sadd.s32 s3, s2  }
0x8d: {  	s2 =	sadd.s32 s2, s14  }
0x8e: {  	[smem:$0x3FB3] =	sst s2  }
0x8f: {  	_ = 	snop  }
0x90: {  	s2 =	sld [smem:$0x3FD0];
	_ =	sdelay $0x2  }
0x91: {  	s4 =	simm.s32 $0xB;
	s5 =	simm.s32 $0x10;
	s15 =	sld [smem:$0x3FC9]  }
0x92: {  	[smem:s5], [sflag:s4] =	dma.local [hbm:s2], $0x1  }
0x93: {  	_ =	swait.eq [sflag:s4], $0x1  }
0x94: {  	[sflag:s4] =	ssyncset.done $0x0  }
0x95: {  	s16 =	sld [smem:$0x10];
	[sflag:s4] =	ssyncadd.s32 $0xFFFFFFFF  }
0x96: {  	s17 =	sld [smem:$0x11];
	(tm) =	ssettm $0x1  }
0x97: {  	s18 =	sld [smem:$0x3FFB];
	_ =	sdelay $0x3  }
0x98: {  	_ =	strace s18  }
0x99: {  	s5 =	sld [smem:$0x3FFC];
	_ =	sdelay $0x3  }
0x9a: {  	_ =	strace s5  }
0x9b: {  	s5 =	sld [smem:$0x3FFD];
	_ =	sdelay $0x3  }
0x9c: {  	_ =	strace s5  }
0x9d: {  	_ =	strace $0x8FFFFFFF  }
0x9e: {  	s19 =	sld [smem:$0x3FDB];
	_ =	sdelay $0x1  }
0x9f: {  	s6 =	simm.s32 $_scs_section_size  }
0xa0: {  	s7 =	simm.s32 $_size__tile_overlayer_lowered;
	s8 =	simm.s32 $_tile_overlayer_lowered  }
0xa1: {  	s22 =	simm.s32 $0x1BFF;
	s21 =	sshll.u32 s8, $0x1;
	s5 =	sadd.s32 s6, s19  }
0xa2: {  	s9 =	simm.s32 $0x0;
	s20 =	sshll.u32 s7, $0x1;
	s7 =	sadd.s32 s21, s5  }
0xa3: {  	[timem:s9], [sflag:s22] =	dma.local [hbm:s7], s20  }
0xa4: {  	_ =	swait.ge [sflag:s22], s20  }
0xa5: {  	s6 =	ssub.s32 $0x0, s20;
	[sflag:s22] =	ssyncset.done $0x0  }
0xa6: {  	[sflag:s22] =	ssyncadd.s32 s6;
	_ =	sdelay $0x1  }
0xa7: {  	s23 =	simm.s32 $0x1B8B  }
0xa8: {  	_ =	swait.ge [sflag:s23], $0x1  }
0xa9: {  	[sflag:s23] =	ssyncset.done $0x0  }
0xaa: {  	s25 =	simm.s32 $0x1B8E;
	s24 =	sld [smem:$0x3FFE];
	[sflag:s23] =	ssyncadd.s32 $0xFFFFFFFF  }
0xab: {  	s26 =	simm.s32 $execute0_lowered;
	[smem:$0x3FD2] =	sst s25  }
0xac: {  	s7 =	sshll.u32 s26, $0x1;
	_ =	strace $0x80000046;
	[dreg:$0x1] =	wrdreg $0xFFFFFFFF  }
0xad: {  	s28 =	simm.s32 $_size_execute0_lowered;
	s5 =	sadd.s32 s5, s7;
	[dreg:$0x0] =	wrdreg $0x0  }
0xae: {  	s7 =	sshll.u32 s28, $0x1;
	[dreg:$0x2] =	wrdreg s5  }
0xaf: {  	[dreg:$0x3] =	wrdreg s7  }
0xb0: {  	[dreg:$0x4] =	wrdreg $0xC0  }
0xb1: {  	_ =	task [dreg:s9], $0x5FFFF  }
0xb2: {  	[dreg:$0x1] =	wrdreg $0xFFFFFFFF  }
0xb3: {  	[dreg:$0x0] =	wrdreg $0x60  }
0xb4: {  	[dreg:$0x2] =	wrdreg s16  }
0xb5: {  	[dreg:$0x3] =	wrdreg s17  }
0xb6: {  	[dreg:$0x4] =	wrdreg s15  }
0xb7: {  	[dreg:$0x5] =	wrdreg s24  }
0xb8: {  	[dreg:$0x6] =	wrdreg $0x9  }
0xb9: {  	_ =	task.clear_ibuf [dreg:s9], $0x7FFFF;
	_ =	strace $0x90000046  }
0xba: {  	s29 =	simm.s32 $0x9;
	_ =	strace $0x80000048  }
0xbb: {  	_ =	swait.ge [sflag:s29], $0x1  }
0xbc: {  	[sflag:s29] =	ssyncadd.s32 $0xFFFFFFFF  }
0xbd: {  	_ =	strace $0x90000048  }
0xbe: {  	_ =	sfence  }
0xbf: {  	s30 =	sld [smem:$0x0];
	_ =	sdelay $0x2  }
0xc0: {  	s31 =	sshll.u32 s1, $0xD;
	s1 =	sshrl.u32 s1, $0x2  }
0xc1: {  	s3 =	sand.u32 $0x4000, s31;
	s1 =	sadd.s32 s1, s30  }
0xc2: {  	s0 =	sor.u32 s3, s0;
	s1 =	sshll.u32 s1, $0x11  }
0xc3: {  	s0 =	sor.u32 s1, s0  }
0xc4: {  	s0 =	sadd.s32 $0x8F2B, s0  }
0xc5: {  	[sflag:s0] =	ssyncadd.remote.s32 $0x1  }
0xc6: {  	_ =	sfence.sel $0xFFFF  }
0xc7: {  	[dreg:$0x0] =	wrdreg $0xFFFFFFFF;
	(pc) =	sbr.abs _section_cstart, $3  }
0xc8: {  	[dreg:$0x1] =	wrdreg $0xFFFFFFFF  }
0xc9: {  	_ =	task.clear_ibuf [dreg:s9], $0x2FFFF;
	_ =	strace $0x9FFFFFFF  }
0xca: {  	(tm) =	ssettm $0x7FFFFFFF  }
0xcb: {  	_ =	shalt  }
tec
execute0_lowered:
.L_overlay_start_1:
0x0: {  	(tag) =	ssettag $0x1  }
0x1: {  	s0 =	rddreg [dreg:$0x0]  }
0x2: {  	s1 =	rddreg [dreg:$0x1]  }
0x3: {  	s2 =	rddreg [dreg:$0x2];
	s7 =	stileid.u32  }
0x4: {  	s3 =	srdreg.scid;
	s4 =	rddreg [dreg:$0x3];
	s11 =	simm.s32 $0x50  }
0x5: {  	s12 =	simm.s32 $0x4F00;
	s13 =	simm.s32 $0x11700;
	s14 =	simm.s32 $0x7700  }
0x6: {  	s16 =	simm.s32 $0x13F00;
	s18 =	simm.s32 $0x9F00;
	s20 =	simm.s32 $0x16700  }
0x7: {  	s22 =	simm.s32 $0xC700;
	s29 =	simm.s32 $0x1B700;
	s30 =	simm.s32 $0x1  }
0x8: {  	s31 =	simm.s32 $0x2;
	s15 =	simm.s32 $0x5;
	s5 =	sand.u32 $0x1, s3  }
0x9: {  	s6 =	sshll.u32 s7, $0x1;
	s3 =	simm.s32 $0x0;
	s7 =	smul.u32 $0x4E200, s7  }
0xa: {  	s6 =	sor.u32 s5, s6;
	s8 =	ssub.s32 $0x2, s5;
	s5 =	smul.u32 $0x27100, s5  }
0xb: {  	s28 =	simm.s32 $0x0;
	[smem:$0x7FF] =	sst s3;
	s6 =	smul.u32 $0x2710, s6  }
0xc: {  	_ =	strace $0x80000047;
	s9 =	sshrl.u32 s8, $0x1;
	s4 =	sadd.s32 s7, s4  }
0xd: {  	s23 =	ssub.s32 s8, s9;
	s26 =	sadd.s32 s5, s4;
	s6 =	sshrl.u32 s6, $0x3  }
.Ltmp0:
0xe: {  	s25 =	smax.u32 s23, $0x1;
	s7 =	sadd.s32 $0x7E00, s26;
	(pc) =	sbr.rel .LBB2_1-.Ltmp0, $4  }
0xf: {  	s8 =	sadd.s32 $0x4E9E00, s26;
	s26 =	simm.s32 $0xEF00;
	s23 =	simm.s32 $0x9  }
0x10: {  	s0 =	sadd.s32 s0, s6;
	s24 =	sadd.s32 s1, s6;
	[dreg:$0x7] =	wrdreg s25  }
0x11: {  	s1 =	simm.s32 $0x3;
	s25 =	simm.s32 $0xA;
	[dreg:$0x5] =	wrdreg s0  }
0x12: {  	[dreg:$0x6] =	wrdreg s24;
	s24 =	simm.s32 $0x18F00;
	s0 =	simm.s32 $0x4  }
.LBB2_4:
0x13: {  	s4 =	simm.s32 $0x6  }
0x14: {  	_ =	swait.ge [sflag:s4], $0x2800  }
0x15: {  	[sflag:s4] =	ssyncset.done $0x0  }
0x16: {  	[sflag:s4] =	ssyncadd.s32 $0xFFFFD800  }
0x17: {  	_ =	swait.ge [sflag:s4], $0x2800  }
0x18: {  	[sflag:s4] =	ssyncset.done $0x0  }
0x19: {  	s17 =	simm.s32 $0x7;
	[sflag:s4] =	ssyncadd.s32 $0xFFFFD800  }
0x1a: {  	_ =	swait.ge [sflag:s17], $0x2800  }
0x1b: {  	[sflag:s17] =	ssyncset.done $0x0  }
0x1c: {  	[sflag:s17] =	ssyncadd.s32 $0xFFFFD800  }
0x1d: {  	_ =	swait.ge [sflag:s17], $0x2800  }
0x1e: {  	[sflag:s17] =	ssyncset.done $0x0  }
0x1f: {  	s19 =	simm.s32 $0x8;
	[sflag:s17] =	ssyncadd.s32 $0xFFFFD800  }
0x20: {  	_ =	swait.ge [sflag:s19], $0x2800  }
0x21: {  	[sflag:s19] =	ssyncset.done $0x0  }
0x22: {  	[sflag:s19] =	ssyncadd.s32 $0xFFFFD800  }
0x23: {  	_ =	swait.ge [sflag:s19], $0x2800  }
0x24: {  	[sflag:s19] =	ssyncset.done $0x0  }
0x25: {  	[sflag:s19] =	ssyncadd.s32 $0xFFFFD800  }
0x26: {  	_ =	swait.ge [sflag:s23], $0x2800  }
0x27: {  	[sflag:s23] =	ssyncset.done $0x0  }
0x28: {  	[sflag:s23] =	ssyncadd.s32 $0xFFFFD800  }
0x29: {  	_ =	swait.ge [sflag:s23], $0x2800  }
0x2a: {  	[sflag:s23] =	ssyncset.done $0x0  }
0x2b: {  	[sflag:s23] =	ssyncadd.s32 $0xFFFFD800  }
0x2c: {  	_ =	swait.ge [sflag:s25], $0x2800  }
0x2d: {  	[sflag:s25] =	ssyncset.done $0x0  }
0x2e: {  	[sflag:s25] =	ssyncadd.s32 $0xFFFFD800  }
0x2f: {  	_ =	swait.ge [sflag:s25], $0x2800  }
0x30: {  	s28 =	sadd.s32 $0x1, s28;
	s21 =	rddreg [dreg:$0x7]  }
0x31: {  	p0 =	sne.s32 s28, s21  }
.Ltmp1:
0x32: {  	_ = 	snop;
	(pc) =	sbr.rel @!p0 .LBB2_5-.Ltmp1, $3  }
0x33: {  	_ =	sdelay $0x1  }
0x34: {  	[sflag:s25] =	ssyncset.done $0x0  }
0x35: {  	[sflag:s25] =	ssyncadd.s32 $0xFFFFD800  }
.LBB2_1:
0x36: {  	s4 =	rddreg [dreg:$0x5];
	s5 =	simm.s32 $0xB  }
0x37: {  	[tilespmem:s3], [sflag:$0xB] =	stream.linear.gather [hbm4b:s4+s3], $0x2710, $0x38;
	[tilespmem:$0x1DF00] =	vst v63  }
0x38: {  	_ =	swait.ge [sflag:s5], $0x2710  }
0x39: {  	[sflag:s5] =	ssyncset.done $0x0  }
0x3a: {  	s6 =	simm.s32 $0x2780;
	s21 =	rddreg [dreg:$0x6];
	[sflag:s5] =	ssyncadd.s32 $0xFFFFD8F0  }
0x3b: {  	[tilespmem:s6], [sflag:$0xB] =	stream.linear.gather [hbm4b:s21+s3], $0x2710, $0x38;
	[tilespmem:$0x1DF00] =	vst v63  }
0x3c: {  	_ =	swait.ge [sflag:s5], $0x2710  }
0x3d: {  	[sflag:s5] =	ssyncset.done $0x0  }
0x3e: {  	[sflag:s5] =	ssyncadd.s32 $0xFFFFD8F0  }
0x3f: {  	[tilespmem:s12], [sflag:$0x1] =	stream.indirect.gather [hbm4b:s2+s11], $0x80, s3, s11, $0xb8;
	[tilespmem:$0x1DF00] =	vst v63  }
0x40: {  	_ = 	snop  }
0x41: {  	[tilespmem:s13], [sflag:$0x1] =	stream.indirect.gather [hbm4b:s2+s11], $0x80, s6, s11, $0xb8;
	[tilespmem:$0x1DF00] =	vst v63  }
0x42: {  	_ = 	snop  }
0x43: {  	[tilespmem:s14], [sflag:$0x2] =	stream.indirect.gather [hbm4b:s2+s11], $0x80, s11, s11, $0xb8;
	[tilespmem:$0x1DF00] =	vst v63  }
0x44: {  	s5 =	simm.s32 $0x27D0  }
0x45: {  	[tilespmem:s16], [sflag:$0x2] =	stream.indirect.gather [hbm4b:s2+s11], $0x80, s5, s11, $0xb8;
	[tilespmem:$0x1DF00] =	vst v63  }
0x46: {  	s6 =	simm.s32 $0xA0  }
0x47: {  	[tilespmem:s18], [sflag:$0x3] =	stream.indirect.gather [hbm4b:s2+s11], $0x80, s6, s11, $0xb8;
	[tilespmem:$0x1DF00] =	vst v63  }
0x48: {  	s9 =	simm.s32 $0x2820  }
0x49: {  	[tilespmem:s20], [sflag:$0x3] =	stream.indirect.gather [hbm4b:s2+s11], $0x80, s9, s11, $0xb8;
	[tilespmem:$0x1DF00] =	vst v63  }
0x4a: {  	s10 =	simm.s32 $0xF0  }
0x4b: {  	[tilespmem:s22], [sflag:$0x4] =	stream.indirect.gather [hbm4b:s2+s11], $0x80, s10, s11, $0xb8;
	[tilespmem:$0x1DF00] =	vst v63  }
0x4c: {  	s17 =	simm.s32 $0x2870  }
0x4d: {  	[tilespmem:s24], [sflag:$0x4] =	stream.indirect.gather [hbm4b:s2+s11], $0x80, s17, s11, $0xb8;
	[tilespmem:$0x1DF00] =	vst v63  }
0x4e: {  	s19 =	simm.s32 $0x140  }
0x4f: {  	[tilespmem:s26], [sflag:$0x5] =	stream.indirect.gather [hbm4b:s2+s11], $0x80, s19, s11, $0xb8;
	[tilespmem:$0x1DF00] =	vst v63  }
0x50: {  	s4 =	simm.s32 $0x0;
	s21 =	simm.s32 $0x28C0;
	s5 =	simm.s32 $0x0  }
0x51: {  	[tilespmem:s29], [sflag:$0x5] =	stream.indirect.gather [hbm4b:s2+s11], $0x80, s21, s11, $0xb8;
	[tilespmem:$0x1DF00] =	vst v63  }
.LBB2_2:
0x52: {  	_ =	swait.ge [sflag:s30], $0x2800  }
0x53: {  	[sflag:s30] =	ssyncset.done $0x0  }
0x54: {  	[sflag:s30] =	ssyncadd.s32 $0xFFFFD800  }
0x55: {  	_ =	swait.ge [sflag:s30], $0x2800  }
0x56: {  	[sflag:s30] =	ssyncset.done $0x0  }
0x57: {  	s6 =	sadd.s32 s5, s7;
	p0 =	seq.s32 s5, $0x25800;
	[sflag:s30] =	ssyncadd.s32 $0xFFFFD800  }
0x58: {  	[hbm4b:s6+s3] =	stream.linear.scatter [tilespmem:s12], [sflag:$0x6], $0x2800, $0x38;
	[tilespmem:$0x1DF00] =	vst v63  }
0x59: {  	s10 =	sadd.s32 s5, s8;
	s9 =	simm.s32 @!p0 $0x6  }
0x5a: {  	[hbm4b:s10+s3] =	stream.linear.scatter [tilespmem:s13], [sflag:$0x6], $0x2800, $0x38;
	[tilespmem:$0x1DF00] =	vst v63  }
0x5b: {  	_ =	swait.ge @!p0 [sflag:s9], $0x2800  }
0x5c: {  	[sflag:s9] =	ssyncset.done @!p0 $0x0  }
0x5d: {  	[sflag:s9] =	ssyncadd.s32 @!p0 $0xFFFFD800  }
0x5e: {  	_ =	swait.ge @!p0 [sflag:s9], $0x2800  }
0x5f: {  	[sflag:s9] =	ssyncset.done @!p0 $0x0  }
0x60: {  	[sflag:s9] =	ssyncadd.s32 @!p0 $0xFFFFD800;
	s9 =	sshra.s32 @!p0 s4, $0x2  }
0x61: {  	s17 =	simm.s32 @!p0 $0x50;
	s21 =	simm.s32 @!p0 $0x4F00;
	s19 =	sadd.s32 @!p0 $0x190, s9  }
0x62: {  	[tilespmem:s21], [sflag:$0x1] =	stream.indirect.gather @!p0 [hbm4b:s2+s17], $0x80, s19, s17, $0xb8;
	[tilespmem:$0x1DF00] =	vst v63  }
0x63: {  	s19 =	sadd.s32 @!p0 $0x2910, s9;
	s21 =	simm.s32 @!p0 $0x11700  }
0x64: {  	[tilespmem:s21], [sflag:$0x1] =	stream.indirect.gather @!p0 [hbm4b:s2+s17], $0x80, s19, s17, $0xb8;
	[tilespmem:$0x1DF00] =	vst v63  }
0x65: {  	_ =	swait.ge [sflag:s31], $0x2800  }
0x66: {  	[sflag:s31] =	ssyncset.done $0x0  }
0x67: {  	[sflag:s31] =	ssyncadd.s32 $0xFFFFD800  }
0x68: {  	_ =	swait.ge [sflag:s31], $0x2800  }
0x69: {  	[sflag:s31] =	ssyncset.done $0x0  }
0x6a: {  	s21 =	sadd.s32 $0x500, s6;
	[sflag:s31] =	ssyncadd.s32 $0xFFFFD800  }
0x6b: {  	[hbm4b:s21+s3] =	stream.linear.scatter [tilespmem:s14], [sflag:$0x7], $0x2800, $0x38;
	[tilespmem:$0x1DF00] =	vst v63  }
0x6c: {  	s19 =	simm.s32 @!p0 $0x7;
	s21 =	sadd.s32 $0x500, s10  }
0x6d: {  	[hbm4b:s21+s3] =	stream.linear.scatter [tilespmem:s16], [sflag:$0x7], $0x2800, $0x38;
	[tilespmem:$0x1DF00] =	vst v63  }
0x6e: {  	_ =	swait.ge @!p0 [sflag:s19], $0x2800  }
0x6f: {  	[sflag:s19] =	ssyncset.done @!p0 $0x0  }
0x70: {  	[sflag:s19] =	ssyncadd.s32 @!p0 $0xFFFFD800  }
0x71: {  	_ =	swait.ge @!p0 [sflag:s19], $0x2800  }
0x72: {  	[sflag:s19] =	ssyncset.done @!p0 $0x0  }
0x73: {  	s21 =	simm.s32 @!p0 $0x7700;
	[sflag:s19] =	ssyncadd.s32 @!p0 $0xFFFFD800;
	s19 =	sadd.s32 @!p0 $0x1E0, s9  }
0x74: {  	[tilespmem:s21], [sflag:$0x2] =	stream.indirect.gather @!p0 [hbm4b:s2+s17], $0x80, s19, s17, $0xb8;
	[tilespmem:$0x1DF00] =	vst v63  }
0x75: {  	s19 =	sadd.s32 @!p0 $0x2960, s9;
	s21 =	simm.s32 @!p0 $0x13F00  }
0x76: {  	[tilespmem:s21], [sflag:$0x2] =	stream.indirect.gather @!p0 [hbm4b:s2+s17], $0x80, s19, s17, $0xb8;
	[tilespmem:$0x1DF00] =	vst v63  }
0x77: {  	_ =	swait.ge [sflag:s1], $0x2800  }
0x78: {  	[sflag:s1] =	ssyncset.done $0x0  }
0x79: {  	[sflag:s1] =	ssyncadd.s32 $0xFFFFD800  }
0x7a: {  	_ =	swait.ge [sflag:s1], $0x2800  }
0x7b: {  	[sflag:s1] =	ssyncset.done $0x0  }
0x7c: {  	s21 =	sadd.s32 $0xA00, s6;
	[sflag:s1] =	ssyncadd.s32 $0xFFFFD800  }
0x7d: {  	[hbm4b:s21+s3] =	stream.linear.scatter [tilespmem:s18], [sflag:$0x8], $0x2800, $0x38;
	[tilespmem:$0x1DF00] =	vst v63  }
0x7e: {  	s19 =	simm.s32 @!p0 $0x8;
	s21 =	sadd.s32 $0xA00, s10  }
0x7f: {  	[hbm4b:s21+s3] =	stream.linear.scatter [tilespmem:s20], [sflag:$0x8], $0x2800, $0x38;
	[tilespmem:$0x1DF00] =	vst v63  }
0x80: {  	_ =	swait.ge @!p0 [sflag:s19], $0x2800  }
0x81: {  	[sflag:s19] =	ssyncset.done @!p0 $0x0  }
0x82: {  	[sflag:s19] =	ssyncadd.s32 @!p0 $0xFFFFD800  }
0x83: {  	_ =	swait.ge @!p0 [sflag:s19], $0x2800  }
0x84: {  	[sflag:s19] =	ssyncset.done @!p0 $0x0  }
0x85: {  	s21 =	simm.s32 @!p0 $0x9F00;
	[sflag:s19] =	ssyncadd.s32 @!p0 $0xFFFFD800;
	s19 =	sadd.s32 @!p0 $0x230, s9  }
0x86: {  	[tilespmem:s21], [sflag:$0x3] =	stream.indirect.gather @!p0 [hbm4b:s2+s17], $0x80, s19, s17, $0xb8;
	[tilespmem:$0x1DF00] =	vst v63  }
0x87: {  	s19 =	sadd.s32 @!p0 $0x29B0, s9;
	s21 =	simm.s32 @!p0 $0x16700  }
0x88: {  	[tilespmem:s21], [sflag:$0x3] =	stream.indirect.gather @!p0 [hbm4b:s2+s17], $0x80, s19, s17, $0xb8;
	[tilespmem:$0x1DF00] =	vst v63  }
0x89: {  	_ =	swait.ge [sflag:s0], $0x2800  }
0x8a: {  	[sflag:s0] =	ssyncset.done $0x0  }
0x8b: {  	[sflag:s0] =	ssyncadd.s32 $0xFFFFD800  }
0x8c: {  	_ =	swait.ge [sflag:s0], $0x2800  }
0x8d: {  	[sflag:s0] =	ssyncset.done $0x0  }
0x8e: {  	s21 =	sadd.s32 $0xF00, s6;
	[sflag:s0] =	ssyncadd.s32 $0xFFFFD800  }
0x8f: {  	[hbm4b:s21+s3] =	stream.linear.scatter [tilespmem:s22], [sflag:$0x9], $0x2800, $0x38;
	[tilespmem:$0x1DF00] =	vst v63  }
0x90: {  	s19 =	simm.s32 @!p0 $0x9;
	s21 =	sadd.s32 $0xF00, s10  }
0x91: {  	[hbm4b:s21+s3] =	stream.linear.scatter [tilespmem:s24], [sflag:$0x9], $0x2800, $0x38;
	[tilespmem:$0x1DF00] =	vst v63  }
0x92: {  	_ =	swait.ge @!p0 [sflag:s19], $0x2800  }
0x93: {  	[sflag:s19] =	ssyncset.done @!p0 $0x0  }
0x94: {  	[sflag:s19] =	ssyncadd.s32 @!p0 $0xFFFFD800  }
0x95: {  	_ =	swait.ge @!p0 [sflag:s19], $0x2800  }
0x96: {  	[sflag:s19] =	ssyncset.done @!p0 $0x0  }
0x97: {  	s21 =	simm.s32 @!p0 $0xC700;
	[sflag:s19] =	ssyncadd.s32 @!p0 $0xFFFFD800;
	s19 =	sadd.s32 @!p0 $0x280, s9  }
0x98: {  	[tilespmem:s21], [sflag:$0x4] =	stream.indirect.gather @!p0 [hbm4b:s2+s17], $0x80, s19, s17, $0xb8;
	[tilespmem:$0x1DF00] =	vst v63  }
0x99: {  	s9 =	sadd.s32 @!p0 $0x2A00, s9;
	s19 =	simm.s32 @!p0 $0x18F00  }
0x9a: {  	[tilespmem:s19], [sflag:$0x4] =	stream.indirect.gather @!p0 [hbm4b:s2+s17], $0x80, s9, s17, $0xb8;
	[tilespmem:$0x1DF00] =	vst v63  }
0x9b: {  	_ =	swait.ge [sflag:s15], $0x2800  }
0x9c: {  	[sflag:s15] =	ssyncset.done $0x0  }
0x9d: {  	[sflag:s15] =	ssyncadd.s32 $0xFFFFD800  }
0x9e: {  	_ =	swait.ge [sflag:s15], $0x2800  }
.Ltmp2:
0x9f: {  	[sflag:s15] =	ssyncset.done $0x0;
	(pc) =	sbr.rel @p0 .LBB2_4-.Ltmp2, $4  }
0xa0: {  	s6 =	sadd.s32 $0x1400, s6;
	[sflag:s15] =	ssyncadd.s32 $0xFFFFD800  }
0xa1: {  	[hbm4b:s6+s3] =	stream.linear.scatter [tilespmem:s26], [sflag:$0xA], $0x2800, $0x38;
	[tilespmem:$0x1DF00] =	vst v63  }
0xa2: {  	s21 =	sadd.s32 $0x1400, s10  }
0xa3: {  	[hbm4b:s21+s3] =	stream.linear.scatter [tilespmem:s29], [sflag:$0xA], $0x2800, $0x38;
	[tilespmem:$0x1DF00] =	vst v63  }
0xa4: {  	_ =	swait.ge [sflag:s25], $0x2800  }
0xa5: {  	[sflag:s25] =	ssyncset.done $0x0  }
0xa6: {  	[sflag:s25] =	ssyncadd.s32 $0xFFFFD800  }
0xa7: {  	_ =	swait.ge [sflag:s25], $0x2800  }
.Ltmp3:
0xa8: {  	s6 =	sshra.s32 s4, $0x2;
	[sflag:s25] =	ssyncset.done $0x0;
	(pc) =	sbr.rel .LBB2_2-.Ltmp3, $4  }
0xa9: {  	s9 =	sadd.s32 $0x2D0, s6;
	[sflag:s25] =	ssyncadd.s32 $0xFFFFD800  }
0xaa: {  	[tilespmem:s26], [sflag:$0x5] =	stream.indirect.gather [hbm4b:s2+s11], $0x80, s9, s11, $0xb8;
	[tilespmem:$0x1DF00] =	vst v63  }
0xab: {  	s5 =	sadd.s32 $0x1900, s5;
	s4 =	sadd.s32 $0x640, s4;
	s6 =	sadd.s32 $0x2A50, s6  }
0xac: {  	[tilespmem:s29], [sflag:$0x5] =	stream.indirect.gather [hbm4b:s2+s11], $0x80, s6, s11, $0xb8;
	[tilespmem:$0x1DF00] =	vst v63  }
.LBB2_5:
0xad: {  	_ =	sfence.sel $0x180000  }
0xae: {  	[bflag:$0x0] =	sbarrier.arrive $0xFFFF  }
0xaf: {  	_ =	strace $0x90000047  }
0xb0: {  	s0 =	stileid.u32;
	[bflag:$0x2] =	sbarrier.arrive $0xFFFF  }
0xb1: {  	p0 =	sne.s32 s0, $0x0;
	s0 =	rddreg [dreg:$0x4]  }
0xb2: {  	s0 =	sadd.s32 @!p0 $0x100000, s0  }
0xb3: {  	[sflag:s0] =	ssyncadd.tile.s32 @!p0 $0x1;
	_ =	shalt  }
.Lfunc_end2:
_tile_overlayer_lowered:
.L_overlay_start_2:
0xb4: {  	(tag) =	ssettag $0x2  }
0xb5: {  	s0 =	rddreg [dreg:$0x0];
	s2 =	stileid.u32  }
0xb6: {  	s1 =	rddreg [dreg:$0x1];
	p0 =	sne.s32 s2, $0x0  }
0xb7: {  	s3 =	rddreg [dreg:$0x2];
	[bflag:$0x3] =	sbarrier.arrive $0xFFFF;
	s2 =	simm.s32 @!p0 $0x1C0B  }
0xb8: {  	[timem:s3], [sflag:s2] =	dma.local @!p0 [hbm:s0], s1  }
0xb9: {  	s0 =	simm.s32 @!p0 $0xB  }
0xba: {  	_ =	swait.ge @!p0 [sflag:s0], s1  }
0xbb: {  	s1 =	ssub.s32 @!p0 $0x0, s1;
	[sflag:s0] =	ssyncset.done @!p0 $0x0  }
0xbc: {  	[sflag:s0] =	ssyncadd.s32 @!p0 s1  }
0xbd: {  	[bflag:$0x3] =	sbarrier.arrive $0xFFFF  }
0xbe: {  	_ =	shalt  }

</sc_bundles>
